<compile_context>
chip_gen: v7x
topology: tpu7x:2x2x1
jax: 0.10.2.dev20260603
libtpu: 0.0.44.dev20260713+nightly
codegen_flags: <defaults>
</compile_context>

<pallas_src>
import functools

import jax
import jax.numpy as jnp
from jax import lax
from jax.experimental import pallas as pl
from jax.experimental.pallas import tpu as pltpu
from jax.experimental.pallas import tpu_sc as plsc

N = 10000
E = 160000
NP = 10240
EP = 163840
CH = 128
NCHUNK = EP // CH
RB = 1000
GRID = N // RB

f32 = jnp.float32
i32 = jnp.int32

_mesh = plsc.VectorSubcoreMesh(core_axis_name="c", subcore_axis_name="s")


def _fill(ref, rows, width, value):
    val = jnp.full((16,), value, dtype=f32)

    @pl.loop(0, rows)
    def _(r):
        for j in range(width // 16):
            ref[r, pl.ds(16 * j, 16)] = val



@functools.partial(
    pl.kernel,
    out_type=jax.ShapeDtypeStruct((2, NP, 128), f32),
    mesh=_mesh,
    scratch_types=[
        pltpu.VMEM((CH, 128), f32),
        pltpu.VMEM((CH, 128), f32),
        pltpu.VMEM((NCHUNK // 32, CH), i32),
        pltpu.VMEM_SHARED((NP, 128), f32),
        pltpu.SemaphoreType.DMA,
    ],
)
def _sc_degree(dst_hbm, out_hbm, zero_v, ones_v, didx, slab, sem):
    c = lax.axis_index("c")
    s = lax.axis_index("s")
    rows_per_tile = NP // 16
    row0 = s * rows_per_tile

    _fill(zero_v, CH, 128, 0.0)
    _fill(ones_v, CH, 128, 1.0)
    for k in range(rows_per_tile // CH):
        pltpu.async_copy(zero_v, slab.at[pl.ds(row0 + k * CH, CH)], sem)
    chunks_per_tile = NCHUNK // 32
    base = (c * 16 + s) * chunks_per_tile
    pltpu.sync_copy(dst_hbm.at[pl.ds(base, chunks_per_tile)], didx)
    for k in range(rows_per_tile // CH):
        pltpu.make_async_copy(zero_v,
                              slab.at[pl.ds(row0 + k * CH, CH)], sem).wait()
    plsc.subcore_barrier()

    @pl.loop(0, chunks_per_tile)
    def _(i):
        pltpu.async_copy(ones_v, slab.at[didx.at[i]], sem, add=True)

    @pl.loop(0, chunks_per_tile)
    def _(i):
        pltpu.make_async_copy(ones_v, slab.at[didx.at[i]], sem).wait()

    plsc.subcore_barrier()

    pltpu.sync_copy(slab.at[pl.ds(row0, rows_per_tile)],
                    out_hbm.at[c].at[pl.ds(row0, rows_per_tile)])



def _make_prop(col_split):
    F = 128
    chunks_per_tile = NCHUNK // 16 if col_split else NCHUNK // 32
    nhalves = 2 if col_split else 1
    half = chunks_per_tile // nhalves
    rows_per_tile = NP // 16

    @functools.partial(
        pl.kernel,
        out_type=jax.ShapeDtypeStruct((2, NP, F), f32),
        mesh=_mesh,
        scratch_types=[
            pltpu.VMEM((CH, F), f32),
            pltpu.VMEM((CH, F), f32),
            pltpu.VMEM((half, CH), i32),
            pltpu.VMEM((half, CH), i32),
            pltpu.VMEM_SHARED((NP, F), f32),
            pltpu.SemaphoreType.DMA,
            pltpu.SemaphoreType.DMA,
        ],
    )
    def prop(g_hbm, src_hbm, dst_hbm, out_hbm, rows0, rows1, sidx, didx,
             slab, sem0, sem1):
        c = lax.axis_index("c")
        s = lax.axis_index("s")
        row0 = s * rows_per_tile
        rows = (rows0, rows1)
        sems = (sem0, sem1)

        _fill(rows0, CH, F, 0.0)
        for k in range(rows_per_tile // CH):
            pltpu.async_copy(rows0, slab.at[pl.ds(row0 + k * CH, CH)], sem0)
        for k in range(rows_per_tile // CH):
            pltpu.make_async_copy(rows0,
                                  slab.at[pl.ds(row0 + k * CH, CH)],
                                  sem0).wait()
        plsc.subcore_barrier()

        if col_split:
            base = s * chunks_per_tile
            gsrc = g_hbm.at[c]
        else:
            base = (c * 16 + s) * chunks_per_tile
            gsrc = g_hbm

        def gather(k, b):
            pltpu.async_copy(gsrc.at[sidx.at[k]], rows[b], sems[b])

        def wait_scat(k, b):
            pltpu.make_async_copy(gsrc.at[sidx.at[k]], rows[b], sems[b]).wait()
            pltpu.sync_copy(rows[b], slab.at[didx.at[k]], add=True)

        for h in range(nhalves):
            hb = base + h * half
            pltpu.sync_copy(src_hbm.at[pl.ds(hb, half)], sidx)
            pltpu.sync_copy(dst_hbm.at[pl.ds(hb, half)], didx)
            gather(0, 0)
            gather(1, 1)

            @pl.loop(0, half // 2 - 1)
            def _(i):
                k = 2 * i
                wait_scat(k, 0)
                gather(k + 2, 0)
                wait_scat(k + 1, 1)
                gather(k + 3, 1)

            wait_scat(half - 2, 0)
            wait_scat(half - 1, 1)

        plsc.subcore_barrier()

        pltpu.sync_copy(slab.at[pl.ds(row0, rows_per_tile)],
                        out_hbm.at[c].at[pl.ds(row0, rows_per_tile)])

    return prop


_prop_cols = _make_prop(True)
_prop_edges = _make_prop(False)



def _dot(a, b):
    return jnp.dot(a, b, precision=lax.Precision.HIGHEST,
                   preferred_element_type=f32)


def _tc_first_body(p_ref, x_ref, w_ref, g_ref, dis_ref):
    deg = 1.0 + p_ref[0, :, 0:1] + p_ref[1, :, 0:1]
    dis = lax.rsqrt(deg)
    gt = _dot(x_ref[...], w_ref[...]) * dis
    g_ref[0] = gt[:, :128]
    g_ref[1] = gt[:, 128:]
    dis_ref[...] = dis


def _tc_first(p, x, w):
    return pl.pallas_call(
        _tc_first_body,
        grid=(GRID,),
        in_specs=[
            pl.BlockSpec((2, RB, 128), lambda i: (0, i, 0)),
            pl.BlockSpec((RB, 256), lambda i: (i, 0)),
            pl.BlockSpec((256, 256), lambda i: (0, 0)),
        ],
        out_specs=[
            pl.BlockSpec((2, RB, 128), lambda i: (0, i, 0)),
            pl.BlockSpec((RB, 1), lambda i: (i, 0)),
        ],
        out_shape=[
            jax.ShapeDtypeStruct((2, N, 128), f32),
            jax.ShapeDtypeStruct((N, 1), f32),
        ],
    )(p, x, w)


def _tc_mid_body(pad_out, s_ref, g_ref, dis_ref, b_ref, w_ref, o_ref):
    h = jnp.concatenate(
        [s_ref[0] + g_ref[0], s_ref[1] + g_ref[1]], axis=1)
    dis = dis_ref[...]
    h = jnp.maximum(h * dis + b_ref[...], 0.0)
    gt = _dot(h, w_ref[...]) * dis
    if pad_out:
        o_ref[...] = jnp.concatenate(
            [gt, jnp.zeros((gt.shape[0], 128 - gt.shape[1]), f32)], axis=1)
    else:
        half = w_ref.shape[1] // 2
        o_ref[0] = gt[:, :half]
        o_ref[1] = gt[:, half:]


def _tc_mid(s, g, dis, b, w):
    dout = w.shape[1]
    pad_out = dout < 256
    if pad_out:
        out_spec = pl.BlockSpec((RB, 128), lambda i: (i, 0))
        out_shape = jax.ShapeDtypeStruct((N, 128), f32)
    else:
        out_spec = pl.BlockSpec((2, RB, 128), lambda i: (0, i, 0))
        out_shape = jax.ShapeDtypeStruct((2, N, 128), f32)
    return pl.pallas_call(
        functools.partial(_tc_mid_body, pad_out),
        grid=(GRID,),
        in_specs=[
            pl.BlockSpec((2, RB, 128), lambda i: (0, i, 0)),
            pl.BlockSpec((2, RB, 128), lambda i: (0, i, 0)),
            pl.BlockSpec((RB, 1), lambda i: (i, 0)),
            pl.BlockSpec((1, 256), lambda i: (0, 0)),
            pl.BlockSpec((256, dout), lambda i: (0, 0)),
        ],
        out_specs=out_spec,
        out_shape=out_shape,
    )(s, g, dis, b, w)


def _tc_last_body(s_ref, g_ref, dis_ref, b_ref, o_ref):
    h = s_ref[0, :, :64] + s_ref[1, :, :64] + g_ref[:, :64]
    o_ref[...] = h * dis_ref[...] + b_ref[...]


def _tc_last(s, g, dis, b):
    return pl.pallas_call(
        _tc_last_body,
        grid=(GRID,),
        in_specs=[
            pl.BlockSpec((2, RB, 128), lambda i: (0, i, 0)),
            pl.BlockSpec((RB, 128), lambda i: (i, 0)),
            pl.BlockSpec((RB, 1), lambda i: (i, 0)),
            pl.BlockSpec((1, 64), lambda i: (0, 0)),
        ],
        out_specs=pl.BlockSpec((RB, 64), lambda i: (i, 0)),
        out_shape=jax.ShapeDtypeStruct((N, 64), f32),
    )(s, g, dis, b)



@jax.jit
def kernel(x, edge_index, W1, b1, W2, b2, W3, b3, W_out, b_out):
    src = edge_index[0].astype(i32)
    dst = edge_index[1].astype(i32)
    npad = NCHUNK * (CH - E // NCHUNK)
    pad_src = (jnp.arange(npad, dtype=i32) * 7919) % N
    pad_dst = N + (jnp.arange(npad, dtype=i32) % (NP - N))
    src2d = jnp.concatenate(
        [src.reshape(NCHUNK, E // NCHUNK), pad_src.reshape(NCHUNK, -1)], axis=1)
    dst2d = jnp.concatenate(
        [dst.reshape(NCHUNK, E // NCHUNK), pad_dst.reshape(NCHUNK, -1)], axis=1)

    p = _sc_degree(dst2d)

    g1, dis = _tc_first(p, x, W1)
    s1 = _prop_cols(g1, src2d, dst2d)

    g2 = _tc_mid(s1, g1, dis, b1.reshape(1, -1), W2)
    s2 = _prop_cols(g2, src2d, dst2d)

    g3 = _tc_mid(s2, g2, dis, b2.reshape(1, -1), W3)
    s3 = _prop_cols(g3, src2d, dst2d)

    g4 = _tc_mid(s3, g3, dis, b3.reshape(1, -1), W_out)
    s4 = _prop_edges(g4, src2d, dst2d)

    return _tc_last(s4, g4, dis, b_out.reshape(1, -1))

# --- scband reference (transcript-rebuilt; emitter-appended) ---
"""Pipeline reference for scband-gcn-56238301774239 (READ-ONLY COPY).

The authoritative reference and input builder live on the scoring server;
editing this copy changes nothing except your own understanding.
"""

import jax, jax.numpy as jnp
import numpy as np

N_NODES = 10000
N_EDGES = 160000
D_IN = 256
D_HID = 256
D_OUT = 64
NUM_LAYERS = 3


def gcn_conv(x, src, dst, W, b, num_nodes):
    # PyG GCNConv: x' = D^{-1/2} (A + I) D^{-1/2} X W + b
    loop = jnp.arange(num_nodes, dtype=src.dtype)
    s = jnp.concatenate([src, loop])
    d = jnp.concatenate([dst, loop])
    h = x @ W
    deg = jax.ops.segment_sum(jnp.ones_like(d, dtype=h.dtype), d, num_segments=num_nodes)
    deg_inv_sqrt = jnp.where(deg > 0, deg ** -0.5, 0.0)
    norm = deg_inv_sqrt[s] * deg_inv_sqrt[d]
    msg = h[s] * norm[:, None]
    out = jax.ops.segment_sum(msg, d, num_segments=num_nodes)
    return out + b


def setup_inputs(seed: int = 0) -> dict:
    key = jax.random.key(seed)
    ks = jax.random.split(key, 12)
    x = jax.random.normal(ks[0], (N_NODES, D_IN), dtype=jnp.float32)
    edge_index = jax.random.randint(ks[1], (2, N_EDGES), 0, N_NODES, dtype=jnp.int64)
    def glorot(k, fan_in, fan_out):
        lim = (6.0 / (fan_in + fan_out)) ** 0.5
        return jax.random.uniform(k, (fan_in, fan_out), minval=-lim, maxval=lim, dtype=jnp.float32)
    W1 = glorot(ks[2], D_IN, D_HID)
    b1 = jnp.zeros((D_HID,), dtype=jnp.float32)
    W2 = glorot(ks[3], D_HID, D_HID)
    b2 = jnp.zeros((D_HID,), dtype=jnp.float32)
    W3 = glorot(ks[4], D_HID, D_HID)
    b3 = jnp.zeros((D_HID,), dtype=jnp.float32)
    W_out = glorot(ks[5], D_HID, D_OUT)
    b_out = jnp.zeros((D_OUT,), dtype=jnp.float32)
    return {"x": x, "edge_index": edge_index, "W1": W1, "b1": b1, "W2": W2, "b2": b2, "W3": W3, "b3": b3, "W_out": W_out, "b_out": b_out}


def reference(x, edge_index, W1, b1, W2, b2, W3, b3, W_out, b_out):
    num_nodes = x.shape[0]
    src, dst = edge_index[0], edge_index[1]
    Ws = [(W1, b1), (W2, b2), (W3, b3)]
    h = x
    for (W, b) in Ws:
        h = gcn_conv(h, src, dst, W, b, num_nodes)
        h = jax.nn.relu(h)
        # dropout is identity in eval mode (training=False)
    out = gcn_conv(h, src, dst, W_out, b_out, num_nodes)
    return out

if __name__ == "__main__":
    import jax
    _d = setup_inputs()
    print(jax.jit(kernel)(*tuple(_d.values())))

</pallas_src>

<mosaic_0001>
#map = affine_map<(d0, d1) -> (0, 0, 0)>
#map1 = affine_map<(d0, d1) -> (0, 0)>
module attributes {stable_mosaic.version = 14 : i64} {
  func.func @prop(%arg0: i32, %arg1: i32, %arg2: memref<2x10000x128xf32, #tpu.memory_space<hbm>>, %arg3: memref<1280x128xi32, #tpu.memory_space<hbm>>, %arg4: memref<1280x128xi32, #tpu.memory_space<hbm>>, %arg5: memref<2x10240x128xf32, #tpu.memory_space<hbm>>, %arg6: memref<128x128xf32, #tpu.memory_space<vmem>>, %arg7: memref<128x128xf32, #tpu.memory_space<vmem>>, %arg8: memref<40x128xi32, #tpu.memory_space<vmem>>, %arg9: memref<40x128xi32, #tpu.memory_space<vmem>>, %arg10: memref<10240x128xf32, #tpu.memory_space<vmem_shared>>, %arg11: memref<!tpu.dma_semaphore, #tpu.memory_space<semaphore_mem>>, %arg12: memref<!tpu.dma_semaphore, #tpu.memory_space<semaphore_mem>>) attributes {dimension_semantics = [#tpu.dimension_semantics<core_parallel>, #tpu.dimension_semantics<subcore_parallel>], iteration_bounds = array<i64: 2, 16>, scalar_prefetch = 0 : i64, scratch_operands = 7 : i64, tpu.core_type = #tpu.core_type<sc_vector_subcore>, window_params = [{transform_indices = #map}, {transform_indices = #map1}, {transform_indices = #map1}, {transform_indices = #map}]} {
    %mul3A = arith.constant 640 : i32
    %mul3A_0 = arith.muli %arg1, %mul3A : i32
    %broadcast_in_dim3A = arith.constant 0.000000e+00 : f32
    %broadcast_in_dim3A_1 = vector.broadcast %broadcast_in_dim3A : f32 to vector<16xf32>
    %scan3A = arith.constant 0 : i32
    %scan3A_2 = arith.constant 128 : i32
    %scan3A_3 = arith.addi %scan3A, %scan3A_2 : i32
    %scan3A_4 = arith.constant 1 : i32
    scf.for %scan3A_171 = %scan3A to %scan3A_3 step %scan3A_4  : i32 {
      %mul3A_172 = arith.constant 1 : i32
      %mul3A_173 = arith.muli %scan3A_171, %mul3A_172 : i32
      %add3A_174 = arith.constant 0 : i32
      %add3A_175 = arith.addi %add3A_174, %mul3A_173 : i32
      %swap3A = arith.index_cast %add3A_175 : i32 to index
      %swap3A_176 = arith.constant 0 : index
      %swap3A_177 = tpu.vector_load %arg6[%swap3A, %swap3A_176] {strides = array<i32>} : memref<128x128xf32, #tpu.memory_space<vmem>>, vector<1x16xf32>,
      %swap3A_178 = vector.shape_cast %swap3A_177 : vector<1x16xf32> to vector<16xf32>
      %swap3A_179 = vector.shape_cast %broadcast_in_dim3A_1 : vector<16xf32> to vector<1x16xf32>
      tpu.vector_store %arg6[%swap3A, %swap3A_176], %swap3A_179 {strides = array<i32>} : memref<128x128xf32, #tpu.memory_space<vmem>>, vector<1x16xf32>,
      %swap3A_180 = arith.index_cast %add3A_175 : i32 to index
      %swap3A_181 = arith.constant 16 : index
      %swap3A_182 = tpu.vector_load %arg6[%swap3A_180, %swap3A_181] {strides = array<i32>} : memref<128x128xf32, #tpu.memory_space<vmem>>, vector<1x16xf32>,
      %swap3A_183 = vector.shape_cast %swap3A_182 : vector<1x16xf32> to vector<16xf32>
      %swap3A_184 = vector.shape_cast %broadcast_in_dim3A_1 : vector<16xf32> to vector<1x16xf32>
      tpu.vector_store %arg6[%swap3A_180, %swap3A_181], %swap3A_184 {strides = array<i32>} : memref<128x128xf32, #tpu.memory_space<vmem>>, vector<1x16xf32>,
      %swap3A_185 = arith.index_cast %add3A_175 : i32 to index
      %swap3A_186 = arith.constant 32 : index
      %swap3A_187 = tpu.vector_load %arg6[%swap3A_185, %swap3A_186] {strides = array<i32>} : memref<128x128xf32, #tpu.memory_space<vmem>>, vector<1x16xf32>,
      %swap3A_188 = vector.shape_cast %swap3A_187 : vector<1x16xf32> to vector<16xf32>
      %swap3A_189 = vector.shape_cast %broadcast_in_dim3A_1 : vector<16xf32> to vector<1x16xf32>
      tpu.vector_store %arg6[%swap3A_185, %swap3A_186], %swap3A_189 {strides = array<i32>} : memref<128x128xf32, #tpu.memory_space<vmem>>, vector<1x16xf32>,
      %swap3A_190 = arith.index_cast %add3A_175 : i32 to index
      %swap3A_191 = arith.constant 48 : index
      %swap3A_192 = tpu.vector_load %arg6[%swap3A_190, %swap3A_191] {strides = array<i32>} : memref<128x128xf32, #tpu.memory_space<vmem>>, vector<1x16xf32>,
      %swap3A_193 = vector.shape_cast %swap3A_192 : vector<1x16xf32> to vector<16xf32>
      %swap3A_194 = vector.shape_cast %broadcast_in_dim3A_1 : vector<16xf32> to vector<1x16xf32>
      tpu.vector_store %arg6[%swap3A_190, %swap3A_191], %swap3A_194 {strides = array<i32>} : memref<128x128xf32, #tpu.memory_space<vmem>>, vector<1x16xf32>,
      %swap3A_195 = arith.index_cast %add3A_175 : i32 to index
      %swap3A_196 = arith.constant 64 : index
      %swap3A_197 = tpu.vector_load %arg6[%swap3A_195, %swap3A_196] {strides = array<i32>} : memref<128x128xf32, #tpu.memory_space<vmem>>, vector<1x16xf32>,
      %swap3A_198 = vector.shape_cast %swap3A_197 : vector<1x16xf32> to vector<16xf32>
      %swap3A_199 = vector.shape_cast %broadcast_in_dim3A_1 : vector<16xf32> to vector<1x16xf32>
      tpu.vector_store %arg6[%swap3A_195, %swap3A_196], %swap3A_199 {strides = array<i32>} : memref<128x128xf32, #tpu.memory_space<vmem>>, vector<1x16xf32>,
      %swap3A_200 = arith.index_cast %add3A_175 : i32 to index
      %swap3A_201 = arith.constant 80 : index
      %swap3A_202 = tpu.vector_load %arg6[%swap3A_200, %swap3A_201] {strides = array<i32>} : memref<128x128xf32, #tpu.memory_space<vmem>>, vector<1x16xf32>,
      %swap3A_203 = vector.shape_cast %swap3A_202 : vector<1x16xf32> to vector<16xf32>
      %swap3A_204 = vector.shape_cast %broadcast_in_dim3A_1 : vector<16xf32> to vector<1x16xf32>
      tpu.vector_store %arg6[%swap3A_200, %swap3A_201], %swap3A_204 {strides = array<i32>} : memref<128x128xf32, #tpu.memory_space<vmem>>, vector<1x16xf32>,
      %swap3A_205 = arith.index_cast %add3A_175 : i32 to index
      %swap3A_206 = arith.constant 96 : index
      %swap3A_207 = tpu.vector_load %arg6[%swap3A_205, %swap3A_206] {strides = array<i32>} : memref<128x128xf32, #tpu.memory_space<vmem>>, vector<1x16xf32>,
      %swap3A_208 = vector.shape_cast %swap3A_207 : vector<1x16xf32> to vector<16xf32>
      %swap3A_209 = vector.shape_cast %broadcast_in_dim3A_1 : vector<16xf32> to vector<1x16xf32>
      tpu.vector_store %arg6[%swap3A_205, %swap3A_206], %swap3A_209 {strides = array<i32>} : memref<128x128xf32, #tpu.memory_space<vmem>>, vector<1x16xf32>,
      %swap3A_210 = arith.index_cast %add3A_175 : i32 to index
      %swap3A_211 = arith.constant 112 : index
      %swap3A_212 = tpu.vector_load %arg6[%swap3A_210, %swap3A_211] {strides = array<i32>} : memref<128x128xf32, #tpu.memory_space<vmem>>, vector<1x16xf32>,
      %swap3A_213 = vector.shape_cast %swap3A_212 : vector<1x16xf32> to vector<16xf32>
      %swap3A_214 = vector.shape_cast %broadcast_in_dim3A_1 : vector<16xf32> to vector<1x16xf32>
      tpu.vector_store %arg6[%swap3A_210, %swap3A_211], %swap3A_214 {strides = array<i32>} : memref<128x128xf32, #tpu.memory_space<vmem>>, vector<1x16xf32>,
    }
    %scan3A_5 = arith.constant 128 : i32
    %add3A = arith.constant 0 : i32
    %add3A_6 = arith.addi %mul3A_0, %add3A : i32
    %dma_start3A = arith.constant 0 : i32
    %dma_start3A_7 = tpu.memref_slice %arg10[%add3A_6, %dma_start3A] : memref<10240x128xf32, #tpu.memory_space<vmem_shared>> -> memref<128x128xf32, #tpu.memory_space<vmem_shared>>
    %dma_start3A_8 = arith.constant 0 : i32
    %dma_start3A_9 = tpu.memref_slice %arg10[%add3A_6, %dma_start3A_8] : memref<10240x128xf32, #tpu.memory_space<vmem_shared>> -> memref<128x128xf32, #tpu.memory_space<vmem_shared>>
    tpu.enqueue_dma source(%arg6 : memref<128x128xf32, #tpu.memory_space<vmem>>) target(%dma_start3A_9 : memref<128x128xf32, #tpu.memory_space<vmem_shared>>) target_semaphore(%arg11 : memref<!tpu.dma_semaphore, #tpu.memory_space<semaphore_mem>>)
    %add3A_10 = arith.constant 128 : i32
    %add3A_11 = arith.addi %mul3A_0, %add3A_10 : i32
    %dma_start3A_12 = arith.constant 0 : i32
    %dma_start3A_13 = tpu.memref_slice %arg10[%add3A_11, %dma_start3A_12] : memref<10240x128xf32, #tpu.memory_space<vmem_shared>> -> memref<128x128xf32, #tpu.memory_space<vmem_shared>>
    %dma_start3A_14 = arith.constant 0 : i32
    %dma_start3A_15 = tpu.memref_slice %arg10[%add3A_11, %dma_start3A_14] : memref<10240x128xf32, #tpu.memory_space<vmem_shared>> -> memref<128x128xf32, #tpu.memory_space<vmem_shared>>
    tpu.enqueue_dma source(%arg6 : memref<128x128xf32, #tpu.memory_space<vmem>>) target(%dma_start3A_15 : memref<128x128xf32, #tpu.memory_space<vmem_shared>>) target_semaphore(%arg11 : memref<!tpu.dma_semaphore, #tpu.memory_space<semaphore_mem>>)
    %add3A_16 = arith.constant 256 : i32
    %add3A_17 = arith.addi %mul3A_0, %add3A_16 : i32
    %dma_start3A_18 = arith.constant 0 : i32
    %dma_start3A_19 = tpu.memref_slice %arg10[%add3A_17, %dma_start3A_18] : memref<10240x128xf32, #tpu.memory_space<vmem_shared>> -> memref<128x128xf32, #tpu.memory_space<vmem_shared>>
    %dma_start3A_20 = arith.constant 0 : i32
    %dma_start3A_21 = tpu.memref_slice %arg10[%add3A_17, %dma_start3A_20] : memref<10240x128xf32, #tpu.memory_space<vmem_shared>> -> memref<128x128xf32, #tpu.memory_space<vmem_shared>>
    tpu.enqueue_dma source(%arg6 : memref<128x128xf32, #tpu.memory_space<vmem>>) target(%dma_start3A_21 : memref<128x128xf32, #tpu.memory_space<vmem_shared>>) target_semaphore(%arg11 : memref<!tpu.dma_semaphore, #tpu.memory_space<semaphore_mem>>)
    %add3A_22 = arith.constant 384 : i32
    %add3A_23 = arith.addi %mul3A_0, %add3A_22 : i32
    %dma_start3A_24 = arith.constant 0 : i32
    %dma_start3A_25 = tpu.memref_slice %arg10[%add3A_23, %dma_start3A_24] : memref<10240x128xf32, #tpu.memory_space<vmem_shared>> -> memref<128x128xf32, #tpu.memory_space<vmem_shared>>
    %dma_start3A_26 = arith.constant 0 : i32
    %dma_start3A_27 = tpu.memref_slice %arg10[%add3A_23, %dma_start3A_26] : memref<10240x128xf32, #tpu.memory_space<vmem_shared>> -> memref<128x128xf32, #tpu.memory_space<vmem_shared>>
    tpu.enqueue_dma source(%arg6 : memref<128x128xf32, #tpu.memory_space<vmem>>) target(%dma_start3A_27 : memref<128x128xf32, #tpu.memory_space<vmem_shared>>) target_semaphore(%arg11 : memref<!tpu.dma_semaphore, #tpu.memory_space<semaphore_mem>>)
    %add3A_28 = arith.constant 512 : i32
    %add3A_29 = arith.addi %mul3A_0, %add3A_28 : i32
    %dma_start3A_30 = arith.constant 0 : i32
    %dma_start3A_31 = tpu.memref_slice %arg10[%add3A_29, %dma_start3A_30] : memref<10240x128xf32, #tpu.memory_space<vmem_shared>> -> memref<128x128xf32, #tpu.memory_space<vmem_shared>>
    %dma_start3A_32 = arith.constant 0 : i32
    %dma_start3A_33 = tpu.memref_slice %arg10[%add3A_29, %dma_start3A_32] : memref<10240x128xf32, #tpu.memory_space<vmem_shared>> -> memref<128x128xf32, #tpu.memory_space<vmem_shared>>
    tpu.enqueue_dma source(%arg6 : memref<128x128xf32, #tpu.memory_space<vmem>>) target(%dma_start3A_33 : memref<128x128xf32, #tpu.memory_space<vmem_shared>>) target_semaphore(%arg11 : memref<!tpu.dma_semaphore, #tpu.memory_space<semaphore_mem>>)
    %add3A_34 = arith.constant 0 : i32
    %add3A_35 = arith.addi %mul3A_0, %add3A_34 : i32
    %dma_wait3A = arith.constant 0 : i32
    %dma_wait3A_36 = tpu.memref_slice %arg10[%add3A_35, %dma_wait3A] : memref<10240x128xf32, #tpu.memory_space<vmem_shared>> -> memref<128x128xf32, #tpu.memory_space<vmem_shared>>
    %dma_wait3A_37 = arith.constant 0 : i32
    %dma_wait3A_38 = tpu.memref_slice %arg10[%add3A_35, %dma_wait3A_37] : memref<10240x128xf32, #tpu.memory_space<vmem_shared>> -> memref<128x128xf32, #tpu.memory_space<vmem_shared>>
    tpu.wait_dma2 semaphore(%arg11 : memref<!tpu.dma_semaphore, #tpu.memory_space<semaphore_mem>>) src(%arg6 : memref<128x128xf32, #tpu.memory_space<vmem>>) dst(%dma_wait3A_38 : memref<128x128xf32, #tpu.memory_space<vmem_shared>>)
    %add3A_39 = arith.constant 128 : i32
    %add3A_40 = arith.addi %mul3A_0, %add3A_39 : i32
    %dma_wait3A_41 = arith.constant 0 : i32
    %dma_wait3A_42 = tpu.memref_slice %arg10[%add3A_40, %dma_wait3A_41] : memref<10240x128xf32, #tpu.memory_space<vmem_shared>> -> memref<128x128xf32, #tpu.memory_space<vmem_shared>>
    %dma_wait3A_43 = arith.constant 0 : i32
    %dma_wait3A_44 = tpu.memref_slice %arg10[%add3A_40, %dma_wait3A_43] : memref<10240x128xf32, #tpu.memory_space<vmem_shared>> -> memref<128x128xf32, #tpu.memory_space<vmem_shared>>
    tpu.wait_dma2 semaphore(%arg11 : memref<!tpu.dma_semaphore, #tpu.memory_space<semaphore_mem>>) src(%arg6 : memref<128x128xf32, #tpu.memory_space<vmem>>) dst(%dma_wait3A_44 : memref<128x128xf32, #tpu.memory_space<vmem_shared>>)
    %add3A_45 = arith.constant 256 : i32
    %add3A_46 = arith.addi %mul3A_0, %add3A_45 : i32
    %dma_wait3A_47 = arith.constant 0 : i32
    %dma_wait3A_48 = tpu.memref_slice %arg10[%add3A_46, %dma_wait3A_47] : memref<10240x128xf32, #tpu.memory_space<vmem_shared>> -> memref<128x128xf32, #tpu.memory_space<vmem_shared>>
    %dma_wait3A_49 = arith.constant 0 : i32
    %dma_wait3A_50 = tpu.memref_slice %arg10[%add3A_46, %dma_wait3A_49] : memref<10240x128xf32, #tpu.memory_space<vmem_shared>> -> memref<128x128xf32, #tpu.memory_space<vmem_shared>>
    tpu.wait_dma2 semaphore(%arg11 : memref<!tpu.dma_semaphore, #tpu.memory_space<semaphore_mem>>) src(%arg6 : memref<128x128xf32, #tpu.memory_space<vmem>>) dst(%dma_wait3A_50 : memref<128x128xf32, #tpu.memory_space<vmem_shared>>)
    %add3A_51 = arith.constant 384 : i32
    %add3A_52 = arith.addi %mul3A_0, %add3A_51 : i32
    %dma_wait3A_53 = arith.constant 0 : i32
    %dma_wait3A_54 = tpu.memref_slice %arg10[%add3A_52, %dma_wait3A_53] : memref<10240x128xf32, #tpu.memory_space<vmem_shared>> -> memref<128x128xf32, #tpu.memory_space<vmem_shared>>
    %dma_wait3A_55 = arith.constant 0 : i32
    %dma_wait3A_56 = tpu.memref_slice %arg10[%add3A_52, %dma_wait3A_55] : memref<10240x128xf32, #tpu.memory_space<vmem_shared>> -> memref<128x128xf32, #tpu.memory_space<vmem_shared>>
    tpu.wait_dma2 semaphore(%arg11 : memref<!tpu.dma_semaphore, #tpu.memory_space<semaphore_mem>>) src(%arg6 : memref<128x128xf32, #tpu.memory_space<vmem>>) dst(%dma_wait3A_56 : memref<128x128xf32, #tpu.memory_space<vmem_shared>>)
    %add3A_57 = arith.constant 512 : i32
    %add3A_58 = arith.addi %mul3A_0, %add3A_57 : i32
    %dma_wait3A_59 = arith.constant 0 : i32
    %dma_wait3A_60 = tpu.memref_slice %arg10[%add3A_58, %dma_wait3A_59] : memref<10240x128xf32, #tpu.memory_space<vmem_shared>> -> memref<128x128xf32, #tpu.memory_space<vmem_shared>>
    %dma_wait3A_61 = arith.constant 0 : i32
    %dma_wait3A_62 = tpu.memref_slice %arg10[%add3A_58, %dma_wait3A_61] : memref<10240x128xf32, #tpu.memory_space<vmem_shared>> -> memref<128x128xf32, #tpu.memory_space<vmem_shared>>
    tpu.wait_dma2 semaphore(%arg11 : memref<!tpu.dma_semaphore, #tpu.memory_space<semaphore_mem>>) src(%arg6 : memref<128x128xf32, #tpu.memory_space<vmem>>) dst(%dma_wait3A_62 : memref<128x128xf32, #tpu.memory_space<vmem_shared>>)
    %barrier3A = arith.constant 0 : index
    tpu.barrier barrier_id(%barrier3A)
    %mul3A_63 = arith.constant 80 : i32
    %mul3A_64 = arith.muli %arg1, %mul3A_63 : i32
    %add3A_65 = arith.constant 0 : i32
    %add3A_66 = arith.addi %mul3A_64, %add3A_65 : i32
    "tpu.region"() ({
      %run_scoped3A_171 = tpu.sem_alloc : memref<!tpu.dma_semaphore, #tpu.memory_space<semaphore_mem>>
      %dma_start3A_172 = arith.constant 0 : i32
      %dma_start3A_173 = tpu.memref_slice %arg3[%add3A_66, %dma_start3A_172] : memref<1280x128xi32, #tpu.memory_space<hbm>> -> memref<40x128xi32, #tpu.memory_space<hbm>>
      %dma_start3A_174 = arith.constant 0 : i32
      %dma_start3A_175 = tpu.memref_slice %arg3[%add3A_66, %dma_start3A_174] : memref<1280x128xi32, #tpu.memory_space<hbm>> -> memref<40x128xi32, #tpu.memory_space<hbm>>
      tpu.enqueue_dma source(%dma_start3A_175 : memref<40x128xi32, #tpu.memory_space<hbm>>) target(%arg8 : memref<40x128xi32, #tpu.memory_space<vmem>>) target_semaphore(%run_scoped3A_171 : memref<!tpu.dma_semaphore, #tpu.memory_space<semaphore_mem>>)
      %dma_wait3A_176 = arith.constant 0 : i32
      %dma_wait3A_177 = tpu.memref_slice %arg3[%add3A_66, %dma_wait3A_176] : memref<1280x128xi32, #tpu.memory_space<hbm>> -> memref<40x128xi32, #tpu.memory_space<hbm>>
      %dma_wait3A_178 = arith.constant 0 : i32
      %dma_wait3A_179 = tpu.memref_slice %arg3[%add3A_66, %dma_wait3A_178] : memref<1280x128xi32, #tpu.memory_space<hbm>> -> memref<40x128xi32, #tpu.memory_space<hbm>>
      tpu.wait_dma2 semaphore(%run_scoped3A_171 : memref<!tpu.dma_semaphore, #tpu.memory_space<semaphore_mem>>) src(%dma_wait3A_179 : memref<40x128xi32, #tpu.memory_space<hbm>>) dst(%arg8 : memref<40x128xi32, #tpu.memory_space<vmem>>)
      tpu.yield
    }) : () -> ()
    "tpu.region"() ({
      %run_scoped3A_171 = tpu.sem_alloc : memref<!tpu.dma_semaphore, #tpu.memory_space<semaphore_mem>>
      %dma_start3A_172 = arith.constant 0 : i32
      %dma_start3A_173 = tpu.memref_slice %arg4[%add3A_66, %dma_start3A_172] : memref<1280x128xi32, #tpu.memory_space<hbm>> -> memref<40x128xi32, #tpu.memory_space<hbm>>
      %dma_start3A_174 = arith.constant 0 : i32
      %dma_start3A_175 = tpu.memref_slice %arg4[%add3A_66, %dma_start3A_174] : memref<1280x128xi32, #tpu.memory_space<hbm>> -> memref<40x128xi32, #tpu.memory_space<hbm>>
      tpu.enqueue_dma source(%dma_start3A_175 : memref<40x128xi32, #tpu.memory_space<hbm>>) target(%arg9 : memref<40x128xi32, #tpu.memory_space<vmem>>) target_semaphore(%run_scoped3A_171 : memref<!tpu.dma_semaphore, #tpu.memory_space<semaphore_mem>>)
      %dma_wait3A_176 = arith.constant 0 : i32
      %dma_wait3A_177 = tpu.memref_slice %arg4[%add3A_66, %dma_wait3A_176] : memref<1280x128xi32, #tpu.memory_space<hbm>> -> memref<40x128xi32, #tpu.memory_space<hbm>>
      %dma_wait3A_178 = arith.constant 0 : i32
      %dma_wait3A_179 = tpu.memref_slice %arg4[%add3A_66, %dma_wait3A_178] : memref<1280x128xi32, #tpu.memory_space<hbm>> -> memref<40x128xi32, #tpu.memory_space<hbm>>
      tpu.wait_dma2 semaphore(%run_scoped3A_171 : memref<!tpu.dma_semaphore, #tpu.memory_space<semaphore_mem>>) src(%dma_wait3A_179 : memref<40x128xi32, #tpu.memory_space<hbm>>) dst(%arg9 : memref<40x128xi32, #tpu.memory_space<vmem>>)
      tpu.yield
    }) : () -> ()
    %dma_start3A_67 = arith.constant 0 : i32
    %dma_start3A_68 = arith.constant 0 : i32
    %dma_start3A_69 = tpu.memref_slice %arg8[%dma_start3A_67, %dma_start3A_68] : memref<40x128xi32, #tpu.memory_space<vmem>> -> memref<1x128xi32, #tpu.memory_space<vmem>>
    %dma_start3A_70 = tpu.memref_squeeze %dma_start3A_69 : memref<1x128xi32, #tpu.memory_space<vmem>> -> memref<128xi32, #tpu.memory_space<vmem>>
    %dma_start3A_71 = arith.constant 0 : i32
    %dma_start3A_72 = arith.constant 0 : i32
    %dma_start3A_73 = tpu.memref_slice %arg2[%arg0, %dma_start3A_71, %dma_start3A_72] : memref<2x10000x128xf32, #tpu.memory_space<hbm>> -> memref<1x10000x128xf32, #tpu.memory_space<hbm>>
    %dma_start3A_74 = tpu.memref_squeeze %dma_start3A_73 : memref<1x10000x128xf32, #tpu.memory_space<hbm>> -> memref<10000x128xf32, #tpu.memory_space<hbm>>
    %dma_start3A_75 = arith.constant 0 : i32
    %dma_start3A_76 = arith.constant 0 : i32
    %dma_start3A_77 = tpu.memref_slice %dma_start3A_74[%dma_start3A_75, %dma_start3A_76] : memref<10000x128xf32, #tpu.memory_space<hbm>> -> memref<10000x128xf32, #tpu.memory_space<hbm>>
    tpu.enqueue_indirect_dma source(%dma_start3A_77 : memref<10000x128xf32, #tpu.memory_space<hbm>>) target(%arg6 : memref<128x128xf32, #tpu.memory_space<vmem>>) offsets(%dma_start3A_70 : memref<128xi32, #tpu.memory_space<vmem>>) semaphore(%arg11 : memref<!tpu.dma_semaphore, #tpu.memory_space<semaphore_mem>>)
    %dma_start3A_78 = arith.constant 1 : i32
    %dma_start3A_79 = arith.constant 0 : i32
    %dma_start3A_80 = tpu.memref_slice %arg8[%dma_start3A_78, %dma_start3A_79] : memref<40x128xi32, #tpu.memory_space<vmem>> -> memref<1x128xi32, #tpu.memory_space<vmem>>
    %dma_start3A_81 = tpu.memref_squeeze %dma_start3A_80 : memref<1x128xi32, #tpu.memory_space<vmem>> -> memref<128xi32, #tpu.memory_space<vmem>>
    %dma_start3A_82 = arith.constant 0 : i32
    %dma_start3A_83 = arith.constant 0 : i32
    %dma_start3A_84 = tpu.memref_slice %arg2[%arg0, %dma_start3A_82, %dma_start3A_83] : memref<2x10000x128xf32, #tpu.memory_space<hbm>> -> memref<1x10000x128xf32, #tpu.memory_space<hbm>>
    %dma_start3A_85 = tpu.memref_squeeze %dma_start3A_84 : memref<1x10000x128xf32, #tpu.memory_space<hbm>> -> memref<10000x128xf32, #tpu.memory_space<hbm>>
    %dma_start3A_86 = arith.constant 0 : i32
    %dma_start3A_87 = arith.constant 0 : i32
    %dma_start3A_88 = tpu.memref_slice %dma_start3A_85[%dma_start3A_86, %dma_start3A_87] : memref<10000x128xf32, #tpu.memory_space<hbm>> -> memref<10000x128xf32, #tpu.memory_space<hbm>>
    tpu.enqueue_indirect_dma source(%dma_start3A_88 : memref<10000x128xf32, #tpu.memory_space<hbm>>) target(%arg7 : memref<128x128xf32, #tpu.memory_space<vmem>>) offsets(%dma_start3A_81 : memref<128xi32, #tpu.memory_space<vmem>>) semaphore(%arg12 : memref<!tpu.dma_semaphore, #tpu.memory_space<semaphore_mem>>)
    %scan3A_89 = arith.constant 0 : i32
    %scan3A_90 = arith.constant 19 : i32
    %scan3A_91 = arith.addi %scan3A_89, %scan3A_90 : i32
    %scan3A_92 = arith.constant 1 : i32
    scf.for %scan3A_171 = %scan3A_89 to %scan3A_91 step %scan3A_92  : i32 {
      %mul3A_172 = arith.constant 1 : i32
      %mul3A_173 = arith.muli %scan3A_171, %mul3A_172 : i32
      %add3A_174 = arith.constant 0 : i32
      %add3A_175 = arith.addi %add3A_174, %mul3A_173 : i32
      %mul3A_176 = arith.constant 2 : i32
      %mul3A_177 = arith.muli %mul3A_176, %add3A_175 : i32
      %dma_wait3A_178 = arith.constant 0 : i32
      %dma_wait3A_179 = tpu.memref_slice %arg8[%mul3A_177, %dma_wait3A_178] : memref<40x128xi32, #tpu.memory_space<vmem>> -> memref<1x128xi32, #tpu.memory_space<vmem>>
      %dma_wait3A_180 = tpu.memref_squeeze %dma_wait3A_179 : memref<1x128xi32, #tpu.memory_space<vmem>> -> memref<128xi32, #tpu.memory_space<vmem>>
      %dma_wait3A_181 = arith.constant 0 : i32
      %dma_wait3A_182 = arith.constant 0 : i32
      %dma_wait3A_183 = tpu.memref_slice %arg2[%arg0, %dma_wait3A_181, %dma_wait3A_182] : memref<2x10000x128xf32, #tpu.memory_space<hbm>> -> memref<1x10000x128xf32, #tpu.memory_space<hbm>>
      %dma_wait3A_184 = tpu.memref_squeeze %dma_wait3A_183 : memref<1x10000x128xf32, #tpu.memory_space<hbm>> -> memref<10000x128xf32, #tpu.memory_space<hbm>>
      %dma_wait3A_185 = arith.constant 0 : i32
      %dma_wait3A_186 = arith.constant 0 : i32
      %dma_wait3A_187 = tpu.memref_slice %dma_wait3A_184[%dma_wait3A_185, %dma_wait3A_186] : memref<10000x128xf32, #tpu.memory_space<hbm>> -> memref<10000x128xf32, #tpu.memory_space<hbm>>
      tpu.wait_indirect_dma semaphore(%arg11 : memref<!tpu.dma_semaphore, #tpu.memory_space<semaphore_mem>>) src(%dma_wait3A_187 : memref<10000x128xf32, #tpu.memory_space<hbm>>) dst(%arg6 : memref<128x128xf32, #tpu.memory_space<vmem>>)
      "tpu.region"() ({
        %run_scoped3A_224 = tpu.sem_alloc : memref<!tpu.dma_semaphore, #tpu.memory_space<semaphore_mem>>
        %dma_start3A_225 = arith.constant 0 : i32
        %dma_start3A_226 = tpu.memref_slice %arg9[%mul3A_177, %dma_start3A_225] : memref<40x128xi32, #tpu.memory_space<vmem>> -> memref<1x128xi32, #tpu.memory_space<vmem>>
        %dma_start3A_227 = tpu.memref_squeeze %dma_start3A_226 : memref<1x128xi32, #tpu.memory_space<vmem>> -> memref<128xi32, #tpu.memory_space<vmem>>
        %dma_start3A_228 = arith.constant 0 : i32
        %dma_start3A_229 = arith.constant 0 : i32
        %dma_start3A_230 = tpu.memref_slice %arg10[%dma_start3A_228, %dma_start3A_229] : memref<10240x128xf32, #tpu.memory_space<vmem_shared>> -> memref<10240x128xf32, #tpu.memory_space<vmem_shared>>
        tpu.enqueue_indirect_dma source(%arg6 : memref<128x128xf32, #tpu.memory_space<vmem>>) target(%dma_start3A_230 : memref<10240x128xf32, #tpu.memory_space<vmem_shared>>) offsets(%dma_start3A_227 : memref<128xi32, #tpu.memory_space<vmem>>) semaphore(%run_scoped3A_224 : memref<!tpu.dma_semaphore, #tpu.memory_space<semaphore_mem>>) {add = true}
        %dma_wait3A_231 = arith.constant 0 : i32
        %dma_wait3A_232 = tpu.memref_slice %arg9[%mul3A_177, %dma_wait3A_231] : memref<40x128xi32, #tpu.memory_space<vmem>> -> memref<1x128xi32, #tpu.memory_space<vmem>>
        %dma_wait3A_233 = tpu.memref_squeeze %dma_wait3A_232 : memref<1x128xi32, #tpu.memory_space<vmem>> -> memref<128xi32, #tpu.memory_space<vmem>>
        %dma_wait3A_234 = arith.constant 0 : i32
        %dma_wait3A_235 = arith.constant 0 : i32
        %dma_wait3A_236 = tpu.memref_slice %arg10[%dma_wait3A_234, %dma_wait3A_235] : memref<10240x128xf32, #tpu.memory_space<vmem_shared>> -> memref<10240x128xf32, #tpu.memory_space<vmem_shared>>
        tpu.wait_indirect_dma semaphore(%run_scoped3A_224 : memref<!tpu.dma_semaphore, #tpu.memory_space<semaphore_mem>>) src(%arg6 : memref<128x128xf32, #tpu.memory_space<vmem>>) dst(%dma_wait3A_236 : memref<10240x128xf32, #tpu.memory_space<vmem_shared>>)
        tpu.yield
      }) : () -> ()
      %add3A_188 = arith.constant 2 : i32
      %add3A_189 = arith.addi %mul3A_177, %add3A_188 : i32
      %dma_start3A_190 = arith.constant 0 : i32
      %dma_start3A_191 = tpu.memref_slice %arg8[%add3A_189, %dma_start3A_190] : memref<40x128xi32, #tpu.memory_space<vmem>> -> memref<1x128xi32, #tpu.memory_space<vmem>>
      %dma_start3A_192 = tpu.memref_squeeze %dma_start3A_191 : memref<1x128xi32, #tpu.memory_space<vmem>> -> memref<128xi32, #tpu.memory_space<vmem>>
      %dma_start3A_193 = arith.constant 0 : i32
      %dma_start3A_194 = arith.constant 0 : i32
      %dma_start3A_195 = tpu.memref_slice %arg2[%arg0, %dma_start3A_193, %dma_start3A_194] : memref<2x10000x128xf32, #tpu.memory_space<hbm>> -> memref<1x10000x128xf32, #tpu.memory_space<hbm>>
      %dma_start3A_196 = tpu.memref_squeeze %dma_start3A_195 : memref<1x10000x128xf32, #tpu.memory_space<hbm>> -> memref<10000x128xf32, #tpu.memory_space<hbm>>
      %dma_start3A_197 = arith.constant 0 : i32
      %dma_start3A_198 = arith.constant 0 : i32
      %dma_start3A_199 = tpu.memref_slice %dma_start3A_196[%dma_start3A_197, %dma_start3A_198] : memref<10000x128xf32, #tpu.memory_space<hbm>> -> memref<10000x128xf32, #tpu.memory_space<hbm>>
      tpu.enqueue_indirect_dma source(%dma_start3A_199 : memref<10000x128xf32, #tpu.memory_space<hbm>>) target(%arg6 : memref<128x128xf32, #tpu.memory_space<vmem>>) offsets(%dma_start3A_192 : memref<128xi32, #tpu.memory_space<vmem>>) semaphore(%arg11 : memref<!tpu.dma_semaphore, #tpu.memory_space<semaphore_mem>>)
      %add3A_200 = arith.constant 1 : i32
      %add3A_201 = arith.addi %mul3A_177, %add3A_200 : i32
      %dma_wait3A_202 = arith.constant 0 : i32
      %dma_wait3A_203 = tpu.memref_slice %arg8[%add3A_201, %dma_wait3A_202] : memref<40x128xi32, #tpu.memory_space<vmem>> -> memref<1x128xi32, #tpu.memory_space<vmem>>
      %dma_wait3A_204 = tpu.memref_squeeze %dma_wait3A_203 : memref<1x128xi32, #tpu.memory_space<vmem>> -> memref<128xi32, #tpu.memory_space<vmem>>
      %dma_wait3A_205 = arith.constant 0 : i32
      %dma_wait3A_206 = arith.constant 0 : i32
      %dma_wait3A_207 = tpu.memref_slice %arg2[%arg0, %dma_wait3A_205, %dma_wait3A_206] : memref<2x10000x128xf32, #tpu.memory_space<hbm>> -> memref<1x10000x128xf32, #tpu.memory_space<hbm>>
      %dma_wait3A_208 = tpu.memref_squeeze %dma_wait3A_207 : memref<1x10000x128xf32, #tpu.memory_space<hbm>> -> memref<10000x128xf32, #tpu.memory_space<hbm>>
      %dma_wait3A_209 = arith.constant 0 : i32
      %dma_wait3A_210 = arith.constant 0 : i32
      %dma_wait3A_211 = tpu.memref_slice %dma_wait3A_208[%dma_wait3A_209, %dma_wait3A_210] : memref<10000x128xf32, #tpu.memory_space<hbm>> -> memref<10000x128xf32, #tpu.memory_space<hbm>>
      tpu.wait_indirect_dma semaphore(%arg12 : memref<!tpu.dma_semaphore, #tpu.memory_space<semaphore_mem>>) src(%dma_wait3A_211 : memref<10000x128xf32, #tpu.memory_space<hbm>>) dst(%arg7 : memref<128x128xf32, #tpu.memory_space<vmem>>)
      "tpu.region"() ({
        %run_scoped3A_224 = tpu.sem_alloc : memref<!tpu.dma_semaphore, #tpu.memory_space<semaphore_mem>>
        %dma_start3A_225 = arith.constant 0 : i32
        %dma_start3A_226 = tpu.memref_slice %arg9[%add3A_201, %dma_start3A_225] : memref<40x128xi32, #tpu.memory_space<vmem>> -> memref<1x128xi32, #tpu.memory_space<vmem>>
        %dma_start3A_227 = tpu.memref_squeeze %dma_start3A_226 : memref<1x128xi32, #tpu.memory_space<vmem>> -> memref<128xi32, #tpu.memory_space<vmem>>
        %dma_start3A_228 = arith.constant 0 : i32
        %dma_start3A_229 = arith.constant 0 : i32
        %dma_start3A_230 = tpu.memref_slice %arg10[%dma_start3A_228, %dma_start3A_229] : memref<10240x128xf32, #tpu.memory_space<vmem_shared>> -> memref<10240x128xf32, #tpu.memory_space<vmem_shared>>
        tpu.enqueue_indirect_dma source(%arg7 : memref<128x128xf32, #tpu.memory_space<vmem>>) target(%dma_start3A_230 : memref<10240x128xf32, #tpu.memory_space<vmem_shared>>) offsets(%dma_start3A_227 : memref<128xi32, #tpu.memory_space<vmem>>) semaphore(%run_scoped3A_224 : memref<!tpu.dma_semaphore, #tpu.memory_space<semaphore_mem>>) {add = true}
        %dma_wait3A_231 = arith.constant 0 : i32
        %dma_wait3A_232 = tpu.memref_slice %arg9[%add3A_201, %dma_wait3A_231] : memref<40x128xi32, #tpu.memory_space<vmem>> -> memref<1x128xi32, #tpu.memory_space<vmem>>
        %dma_wait3A_233 = tpu.memref_squeeze %dma_wait3A_232 : memref<1x128xi32, #tpu.memory_space<vmem>> -> memref<128xi32, #tpu.memory_space<vmem>>
        %dma_wait3A_234 = arith.constant 0 : i32
        %dma_wait3A_235 = arith.constant 0 : i32
        %dma_wait3A_236 = tpu.memref_slice %arg10[%dma_wait3A_234, %dma_wait3A_235] : memref<10240x128xf32, #tpu.memory_space<vmem_shared>> -> memref<10240x128xf32, #tpu.memory_space<vmem_shared>>
        tpu.wait_indirect_dma semaphore(%run_scoped3A_224 : memref<!tpu.dma_semaphore, #tpu.memory_space<semaphore_mem>>) src(%arg7 : memref<128x128xf32, #tpu.memory_space<vmem>>) dst(%dma_wait3A_236 : memref<10240x128xf32, #tpu.memory_space<vmem_shared>>)
        tpu.yield
      }) : () -> ()
      %add3A_212 = arith.constant 3 : i32
      %add3A_213 = arith.addi %mul3A_177, %add3A_212 : i32
      %dma_start3A_214 = arith.constant 0 : i32
      %dma_start3A_215 = tpu.memref_slice %arg8[%add3A_213, %dma_start3A_214] : memref<40x128xi32, #tpu.memory_space<vmem>> -> memref<1x128xi32, #tpu.memory_space<vmem>>
      %dma_start3A_216 = tpu.memref_squeeze %dma_start3A_215 : memref<1x128xi32, #tpu.memory_space<vmem>> -> memref<128xi32, #tpu.memory_space<vmem>>
      %dma_start3A_217 = arith.constant 0 : i32
      %dma_start3A_218 = arith.constant 0 : i32
      %dma_start3A_219 = tpu.memref_slice %arg2[%arg0, %dma_start3A_217, %dma_start3A_218] : memref<2x10000x128xf32, #tpu.memory_space<hbm>> -> memref<1x10000x128xf32, #tpu.memory_space<hbm>>
      %dma_start3A_220 = tpu.memref_squeeze %dma_start3A_219 : memref<1x10000x128xf32, #tpu.memory_space<hbm>> -> memref<10000x128xf32, #tpu.memory_space<hbm>>
      %dma_start3A_221 = arith.constant 0 : i32
      %dma_start3A_222 = arith.constant 0 : i32
      %dma_start3A_223 = tpu.memref_slice %dma_start3A_220[%dma_start3A_221, %dma_start3A_222] : memref<10000x128xf32, #tpu.memory_space<hbm>> -> memref<10000x128xf32, #tpu.memory_space<hbm>>
      tpu.enqueue_indirect_dma source(%dma_start3A_223 : memref<10000x128xf32, #tpu.memory_space<hbm>>) target(%arg7 : memref<128x128xf32, #tpu.memory_space<vmem>>) offsets(%dma_start3A_216 : memref<128xi32, #tpu.memory_space<vmem>>) semaphore(%arg12 : memref<!tpu.dma_semaphore, #tpu.memory_space<semaphore_mem>>)
    }
    %scan3A_93 = arith.constant 19 : i32
    %dma_wait3A_94 = arith.constant 38 : i32
    %dma_wait3A_95 = arith.constant 0 : i32
    %dma_wait3A_96 = tpu.memref_slice %arg8[%dma_wait3A_94, %dma_wait3A_95] : memref<40x128xi32, #tpu.memory_space<vmem>> -> memref<1x128xi32, #tpu.memory_space<vmem>>
    %dma_wait3A_97 = tpu.memref_squeeze %dma_wait3A_96 : memref<1x128xi32, #tpu.memory_space<vmem>> -> memref<128xi32, #tpu.memory_space<vmem>>
    %dma_wait3A_98 = arith.constant 0 : i32
    %dma_wait3A_99 = arith.constant 0 : i32
    %dma_wait3A_100 = tpu.memref_slice %arg2[%arg0, %dma_wait3A_98, %dma_wait3A_99] : memref<2x10000x128xf32, #tpu.memory_space<hbm>> -> memref<1x10000x128xf32, #tpu.memory_space<hbm>>
    %dma_wait3A_101 = tpu.memref_squeeze %dma_wait3A_100 : memref<1x10000x128xf32, #tpu.memory_space<hbm>> -> memref<10000x128xf32, #tpu.memory_space<hbm>>
    %dma_wait3A_102 = arith.constant 0 : i32
    %dma_wait3A_103 = arith.constant 0 : i32
    %dma_wait3A_104 = tpu.memref_slice %dma_wait3A_101[%dma_wait3A_102, %dma_wait3A_103] : memref<10000x128xf32, #tpu.memory_space<hbm>> -> memref<10000x128xf32, #tpu.memory_space<hbm>>
    tpu.wait_indirect_dma semaphore(%arg11 : memref<!tpu.dma_semaphore, #tpu.memory_space<semaphore_mem>>) src(%dma_wait3A_104 : memref<10000x128xf32, #tpu.memory_space<hbm>>) dst(%arg6 : memref<128x128xf32, #tpu.memory_space<vmem>>)
    %run_scoped3A = arith.constant 38 : i32
    "tpu.region"() ({
      %run_scoped3A_171 = tpu.sem_alloc : memref<!tpu.dma_semaphore, #tpu.memory_space<semaphore_mem>>
      %dma_start3A_172 = arith.constant 0 : i32
      %dma_start3A_173 = tpu.memref_slice %arg9[%run_scoped3A, %dma_start3A_172] : memref<40x128xi32, #tpu.memory_space<vmem>> -> memref<1x128xi32, #tpu.memory_space<vmem>>
      %dma_start3A_174 = tpu.memref_squeeze %dma_start3A_173 : memref<1x128xi32, #tpu.memory_space<vmem>> -> memref<128xi32, #tpu.memory_space<vmem>>
      %dma_start3A_175 = arith.constant 0 : i32
      %dma_start3A_176 = arith.constant 0 : i32
      %dma_start3A_177 = tpu.memref_slice %arg10[%dma_start3A_175, %dma_start3A_176] : memref<10240x128xf32, #tpu.memory_space<vmem_shared>> -> memref<10240x128xf32, #tpu.memory_space<vmem_shared>>
      tpu.enqueue_indirect_dma source(%arg6 : memref<128x128xf32, #tpu.memory_space<vmem>>) target(%dma_start3A_177 : memref<10240x128xf32, #tpu.memory_space<vmem_shared>>) offsets(%dma_start3A_174 : memref<128xi32, #tpu.memory_space<vmem>>) semaphore(%run_scoped3A_171 : memref<!tpu.dma_semaphore, #tpu.memory_space<semaphore_mem>>) {add = true}
      %dma_wait3A_178 = arith.constant 0 : i32
      %dma_wait3A_179 = tpu.memref_slice %arg9[%run_scoped3A, %dma_wait3A_178] : memref<40x128xi32, #tpu.memory_space<vmem>> -> memref<1x128xi32, #tpu.memory_space<vmem>>
      %dma_wait3A_180 = tpu.memref_squeeze %dma_wait3A_179 : memref<1x128xi32, #tpu.memory_space<vmem>> -> memref<128xi32, #tpu.memory_space<vmem>>
      %dma_wait3A_181 = arith.constant 0 : i32
      %dma_wait3A_182 = arith.constant 0 : i32
      %dma_wait3A_183 = tpu.memref_slice %arg10[%dma_wait3A_181, %dma_wait3A_182] : memref<10240x128xf32, #tpu.memory_space<vmem_shared>> -> memref<10240x128xf32, #tpu.memory_space<vmem_shared>>
      tpu.wait_indirect_dma semaphore(%run_scoped3A_171 : memref<!tpu.dma_semaphore, #tpu.memory_space<semaphore_mem>>) src(%arg6 : memref<128x128xf32, #tpu.memory_space<vmem>>) dst(%dma_wait3A_183 : memref<10240x128xf32, #tpu.memory_space<vmem_shared>>)
      tpu.yield
    }) : () -> ()
    %dma_wait3A_105 = arith.constant 39 : i32
    %dma_wait3A_106 = arith.constant 0 : i32
    %dma_wait3A_107 = tpu.memref_slice %arg8[%dma_wait3A_105, %dma_wait3A_106] : memref<40x128xi32, #tpu.memory_space<vmem>> -> memref<1x128xi32, #tpu.memory_space<vmem>>
    %dma_wait3A_108 = tpu.memref_squeeze %dma_wait3A_107 : memref<1x128xi32, #tpu.memory_space<vmem>> -> memref<128xi32, #tpu.memory_space<vmem>>
    %dma_wait3A_109 = arith.constant 0 : i32
    %dma_wait3A_110 = arith.constant 0 : i32
    %dma_wait3A_111 = tpu.memref_slice %arg2[%arg0, %dma_wait3A_109, %dma_wait3A_110] : memref<2x10000x128xf32, #tpu.memory_space<hbm>> -> memref<1x10000x128xf32, #tpu.memory_space<hbm>>
    %dma_wait3A_112 = tpu.memref_squeeze %dma_wait3A_111 : memref<1x10000x128xf32, #tpu.memory_space<hbm>> -> memref<10000x128xf32, #tpu.memory_space<hbm>>
    %dma_wait3A_113 = arith.constant 0 : i32
    %dma_wait3A_114 = arith.constant 0 : i32
    %dma_wait3A_115 = tpu.memref_slice %dma_wait3A_112[%dma_wait3A_113, %dma_wait3A_114] : memref<10000x128xf32, #tpu.memory_space<hbm>> -> memref<10000x128xf32, #tpu.memory_space<hbm>>
    tpu.wait_indirect_dma semaphore(%arg12 : memref<!tpu.dma_semaphore, #tpu.memory_space<semaphore_mem>>) src(%dma_wait3A_115 : memref<10000x128xf32, #tpu.memory_space<hbm>>) dst(%arg7 : memref<128x128xf32, #tpu.memory_space<vmem>>)
    %run_scoped3A_116 = arith.constant 39 : i32
    "tpu.region"() ({
      %run_scoped3A_171 = tpu.sem_alloc : memref<!tpu.dma_semaphore, #tpu.memory_space<semaphore_mem>>
      %dma_start3A_172 = arith.constant 0 : i32
      %dma_start3A_173 = tpu.memref_slice %arg9[%run_scoped3A_116, %dma_start3A_172] : memref<40x128xi32, #tpu.memory_space<vmem>> -> memref<1x128xi32, #tpu.memory_space<vmem>>
      %dma_start3A_174 = tpu.memref_squeeze %dma_start3A_173 : memref<1x128xi32, #tpu.memory_space<vmem>> -> memref<128xi32, #tpu.memory_space<vmem>>
      %dma_start3A_175 = arith.constant 0 : i32
      %dma_start3A_176 = arith.constant 0 : i32
      %dma_start3A_177 = tpu.memref_slice %arg10[%dma_start3A_175, %dma_start3A_176] : memref<10240x128xf32, #tpu.memory_space<vmem_shared>> -> memref<10240x128xf32, #tpu.memory_space<vmem_shared>>
      tpu.enqueue_indirect_dma source(%arg7 : memref<128x128xf32, #tpu.memory_space<vmem>>) target(%dma_start3A_177 : memref<10240x128xf32, #tpu.memory_space<vmem_shared>>) offsets(%dma_start3A_174 : memref<128xi32, #tpu.memory_space<vmem>>) semaphore(%run_scoped3A_171 : memref<!tpu.dma_semaphore, #tpu.memory_space<semaphore_mem>>) {add = true}
      %dma_wait3A_178 = arith.constant 0 : i32
      %dma_wait3A_179 = tpu.memref_slice %arg9[%run_scoped3A_116, %dma_wait3A_178] : memref<40x128xi32, #tpu.memory_space<vmem>> -> memref<1x128xi32, #tpu.memory_space<vmem>>
      %dma_wait3A_180 = tpu.memref_squeeze %dma_wait3A_179 : memref<1x128xi32, #tpu.memory_space<vmem>> -> memref<128xi32, #tpu.memory_space<vmem>>
      %dma_wait3A_181 = arith.constant 0 : i32
      %dma_wait3A_182 = arith.constant 0 : i32
      %dma_wait3A_183 = tpu.memref_slice %arg10[%dma_wait3A_181, %dma_wait3A_182] : memref<10240x128xf32, #tpu.memory_space<vmem_shared>> -> memref<10240x128xf32, #tpu.memory_space<vmem_shared>>
      tpu.wait_indirect_dma semaphore(%run_scoped3A_171 : memref<!tpu.dma_semaphore, #tpu.memory_space<semaphore_mem>>) src(%arg7 : memref<128x128xf32, #tpu.memory_space<vmem>>) dst(%dma_wait3A_183 : memref<10240x128xf32, #tpu.memory_space<vmem_shared>>)
      tpu.yield
    }) : () -> ()
    %add3A_117 = arith.constant 40 : i32
    %add3A_118 = arith.addi %mul3A_64, %add3A_117 : i32
    "tpu.region"() ({
      %run_scoped3A_171 = tpu.sem_alloc : memref<!tpu.dma_semaphore, #tpu.memory_space<semaphore_mem>>
      %dma_start3A_172 = arith.constant 0 : i32
      %dma_start3A_173 = tpu.memref_slice %arg3[%add3A_118, %dma_start3A_172] : memref<1280x128xi32, #tpu.memory_space<hbm>> -> memref<40x128xi32, #tpu.memory_space<hbm>>
      %dma_start3A_174 = arith.constant 0 : i32
      %dma_start3A_175 = tpu.memref_slice %arg3[%add3A_118, %dma_start3A_174] : memref<1280x128xi32, #tpu.memory_space<hbm>> -> memref<40x128xi32, #tpu.memory_space<hbm>>
      tpu.enqueue_dma source(%dma_start3A_175 : memref<40x128xi32, #tpu.memory_space<hbm>>) target(%arg8 : memref<40x128xi32, #tpu.memory_space<vmem>>) target_semaphore(%run_scoped3A_171 : memref<!tpu.dma_semaphore, #tpu.memory_space<semaphore_mem>>)
      %dma_wait3A_176 = arith.constant 0 : i32
      %dma_wait3A_177 = tpu.memref_slice %arg3[%add3A_118, %dma_wait3A_176] : memref<1280x128xi32, #tpu.memory_space<hbm>> -> memref<40x128xi32, #tpu.memory_space<hbm>>
      %dma_wait3A_178 = arith.constant 0 : i32
      %dma_wait3A_179 = tpu.memref_slice %arg3[%add3A_118, %dma_wait3A_178] : memref<1280x128xi32, #tpu.memory_space<hbm>> -> memref<40x128xi32, #tpu.memory_space<hbm>>
      tpu.wait_dma2 semaphore(%run_scoped3A_171 : memref<!tpu.dma_semaphore, #tpu.memory_space<semaphore_mem>>) src(%dma_wait3A_179 : memref<40x128xi32, #tpu.memory_space<hbm>>) dst(%arg8 : memref<40x128xi32, #tpu.memory_space<vmem>>)
      tpu.yield
    }) : () -> ()
    "tpu.region"() ({
      %run_scoped3A_171 = tpu.sem_alloc : memref<!tpu.dma_semaphore, #tpu.memory_space<semaphore_mem>>
      %dma_start3A_172 = arith.constant 0 : i32
      %dma_start3A_173 = tpu.memref_slice %arg4[%add3A_118, %dma_start3A_172] : memref<1280x128xi32, #tpu.memory_space<hbm>> -> memref<40x128xi32, #tpu.memory_space<hbm>>
      %dma_start3A_174 = arith.constant 0 : i32
      %dma_start3A_175 = tpu.memref_slice %arg4[%add3A_118, %dma_start3A_174] : memref<1280x128xi32, #tpu.memory_space<hbm>> -> memref<40x128xi32, #tpu.memory_space<hbm>>
      tpu.enqueue_dma source(%dma_start3A_175 : memref<40x128xi32, #tpu.memory_space<hbm>>) target(%arg9 : memref<40x128xi32, #tpu.memory_space<vmem>>) target_semaphore(%run_scoped3A_171 : memref<!tpu.dma_semaphore, #tpu.memory_space<semaphore_mem>>)
      %dma_wait3A_176 = arith.constant 0 : i32
      %dma_wait3A_177 = tpu.memref_slice %arg4[%add3A_118, %dma_wait3A_176] : memref<1280x128xi32, #tpu.memory_space<hbm>> -> memref<40x128xi32, #tpu.memory_space<hbm>>
      %dma_wait3A_178 = arith.constant 0 : i32
      %dma_wait3A_179 = tpu.memref_slice %arg4[%add3A_118, %dma_wait3A_178] : memref<1280x128xi32, #tpu.memory_space<hbm>> -> memref<40x128xi32, #tpu.memory_space<hbm>>
      tpu.wait_dma2 semaphore(%run_scoped3A_171 : memref<!tpu.dma_semaphore, #tpu.memory_space<semaphore_mem>>) src(%dma_wait3A_179 : memref<40x128xi32, #tpu.memory_space<hbm>>) dst(%arg9 : memref<40x128xi32, #tpu.memory_space<vmem>>)
      tpu.yield
    }) : () -> ()
    %dma_start3A_119 = arith.constant 0 : i32
    %dma_start3A_120 = arith.constant 0 : i32
    %dma_start3A_121 = tpu.memref_slice %arg8[%dma_start3A_119, %dma_start3A_120] : memref<40x128xi32, #tpu.memory_space<vmem>> -> memref<1x128xi32, #tpu.memory_space<vmem>>
    %dma_start3A_122 = tpu.memref_squeeze %dma_start3A_121 : memref<1x128xi32, #tpu.memory_space<vmem>> -> memref<128xi32, #tpu.memory_space<vmem>>
    %dma_start3A_123 = arith.constant 0 : i32
    %dma_start3A_124 = arith.constant 0 : i32
    %dma_start3A_125 = tpu.memref_slice %arg2[%arg0, %dma_start3A_123, %dma_start3A_124] : memref<2x10000x128xf32, #tpu.memory_space<hbm>> -> memref<1x10000x128xf32, #tpu.memory_space<hbm>>
    %dma_start3A_126 = tpu.memref_squeeze %dma_start3A_125 : memref<1x10000x128xf32, #tpu.memory_space<hbm>> -> memref<10000x128xf32, #tpu.memory_space<hbm>>
    %dma_start3A_127 = arith.constant 0 : i32
    %dma_start3A_128 = arith.constant 0 : i32
    %dma_start3A_129 = tpu.memref_slice %dma_start3A_126[%dma_start3A_127, %dma_start3A_128] : memref<10000x128xf32, #tpu.memory_space<hbm>> -> memref<10000x128xf32, #tpu.memory_space<hbm>>
    tpu.enqueue_indirect_dma source(%dma_start3A_129 : memref<10000x128xf32, #tpu.memory_space<hbm>>) target(%arg6 : memref<128x128xf32, #tpu.memory_space<vmem>>) offsets(%dma_start3A_122 : memref<128xi32, #tpu.memory_space<vmem>>) semaphore(%arg11 : memref<!tpu.dma_semaphore, #tpu.memory_space<semaphore_mem>>)
    %dma_start3A_130 = arith.constant 1 : i32
    %dma_start3A_131 = arith.constant 0 : i32
    %dma_start3A_132 = tpu.memref_slice %arg8[%dma_start3A_130, %dma_start3A_131] : memref<40x128xi32, #tpu.memory_space<vmem>> -> memref<1x128xi32, #tpu.memory_space<vmem>>
    %dma_start3A_133 = tpu.memref_squeeze %dma_start3A_132 : memref<1x128xi32, #tpu.memory_space<vmem>> -> memref<128xi32, #tpu.memory_space<vmem>>
    %dma_start3A_134 = arith.constant 0 : i32
    %dma_start3A_135 = arith.constant 0 : i32
    %dma_start3A_136 = tpu.memref_slice %arg2[%arg0, %dma_start3A_134, %dma_start3A_135] : memref<2x10000x128xf32, #tpu.memory_space<hbm>> -> memref<1x10000x128xf32, #tpu.memory_space<hbm>>
    %dma_start3A_137 = tpu.memref_squeeze %dma_start3A_136 : memref<1x10000x128xf32, #tpu.memory_space<hbm>> -> memref<10000x128xf32, #tpu.memory_space<hbm>>
    %dma_start3A_138 = arith.constant 0 : i32
    %dma_start3A_139 = arith.constant 0 : i32
    %dma_start3A_140 = tpu.memref_slice %dma_start3A_137[%dma_start3A_138, %dma_start3A_139] : memref<10000x128xf32, #tpu.memory_space<hbm>> -> memref<10000x128xf32, #tpu.memory_space<hbm>>
    tpu.enqueue_indirect_dma source(%dma_start3A_140 : memref<10000x128xf32, #tpu.memory_space<hbm>>) target(%arg7 : memref<128x128xf32, #tpu.memory_space<vmem>>) offsets(%dma_start3A_133 : memref<128xi32, #tpu.memory_space<vmem>>) semaphore(%arg12 : memref<!tpu.dma_semaphore, #tpu.memory_space<semaphore_mem>>)
    %scan3A_141 = arith.constant 0 : i32
    %scan3A_142 = arith.constant 19 : i32
    %scan3A_143 = arith.addi %scan3A_141, %scan3A_142 : i32
    %scan3A_144 = arith.constant 1 : i32
    scf.for %scan3A_171 = %scan3A_141 to %scan3A_143 step %scan3A_144  : i32 {
      %mul3A_172 = arith.constant 1 : i32
      %mul3A_173 = arith.muli %scan3A_171, %mul3A_172 : i32
      %add3A_174 = arith.constant 0 : i32
      %add3A_175 = arith.addi %add3A_174, %mul3A_173 : i32
      %mul3A_176 = arith.constant 2 : i32
      %mul3A_177 = arith.muli %mul3A_176, %add3A_175 : i32
      %dma_wait3A_178 = arith.constant 0 : i32
      %dma_wait3A_179 = tpu.memref_slice %arg8[%mul3A_177, %dma_wait3A_178] : memref<40x128xi32, #tpu.memory_space<vmem>> -> memref<1x128xi32, #tpu.memory_space<vmem>>
      %dma_wait3A_180 = tpu.memref_squeeze %dma_wait3A_179 : memref<1x128xi32, #tpu.memory_space<vmem>> -> memref<128xi32, #tpu.memory_space<vmem>>
      %dma_wait3A_181 = arith.constant 0 : i32
      %dma_wait3A_182 = arith.constant 0 : i32
      %dma_wait3A_183 = tpu.memref_slice %arg2[%arg0, %dma_wait3A_181, %dma_wait3A_182] : memref<2x10000x128xf32, #tpu.memory_space<hbm>> -> memref<1x10000x128xf32, #tpu.memory_space<hbm>>
      %dma_wait3A_184 = tpu.memref_squeeze %dma_wait3A_183 : memref<1x10000x128xf32, #tpu.memory_space<hbm>> -> memref<10000x128xf32, #tpu.memory_space<hbm>>
      %dma_wait3A_185 = arith.constant 0 : i32
      %dma_wait3A_186 = arith.constant 0 : i32
      %dma_wait3A_187 = tpu.memref_slice %dma_wait3A_184[%dma_wait3A_185, %dma_wait3A_186] : memref<10000x128xf32, #tpu.memory_space<hbm>> -> memref<10000x128xf32, #tpu.memory_space<hbm>>
      tpu.wait_indirect_dma semaphore(%arg11 : memref<!tpu.dma_semaphore, #tpu.memory_space<semaphore_mem>>) src(%dma_wait3A_187 : memref<10000x128xf32, #tpu.memory_space<hbm>>) dst(%arg6 : memref<128x128xf32, #tpu.memory_space<vmem>>)
      "tpu.region"() ({
        %run_scoped3A_224 = tpu.sem_alloc : memref<!tpu.dma_semaphore, #tpu.memory_space<semaphore_mem>>
        %dma_start3A_225 = arith.constant 0 : i32
        %dma_start3A_226 = tpu.memref_slice %arg9[%mul3A_177, %dma_start3A_225] : memref<40x128xi32, #tpu.memory_space<vmem>> -> memref<1x128xi32, #tpu.memory_space<vmem>>
        %dma_start3A_227 = tpu.memref_squeeze %dma_start3A_226 : memref<1x128xi32, #tpu.memory_space<vmem>> -> memref<128xi32, #tpu.memory_space<vmem>>
        %dma_start3A_228 = arith.constant 0 : i32
        %dma_start3A_229 = arith.constant 0 : i32
        %dma_start3A_230 = tpu.memref_slice %arg10[%dma_start3A_228, %dma_start3A_229] : memref<10240x128xf32, #tpu.memory_space<vmem_shared>> -> memref<10240x128xf32, #tpu.memory_space<vmem_shared>>
        tpu.enqueue_indirect_dma source(%arg6 : memref<128x128xf32, #tpu.memory_space<vmem>>) target(%dma_start3A_230 : memref<10240x128xf32, #tpu.memory_space<vmem_shared>>) offsets(%dma_start3A_227 : memref<128xi32, #tpu.memory_space<vmem>>) semaphore(%run_scoped3A_224 : memref<!tpu.dma_semaphore, #tpu.memory_space<semaphore_mem>>) {add = true}
        %dma_wait3A_231 = arith.constant 0 : i32
        %dma_wait3A_232 = tpu.memref_slice %arg9[%mul3A_177, %dma_wait3A_231] : memref<40x128xi32, #tpu.memory_space<vmem>> -> memref<1x128xi32, #tpu.memory_space<vmem>>
        %dma_wait3A_233 = tpu.memref_squeeze %dma_wait3A_232 : memref<1x128xi32, #tpu.memory_space<vmem>> -> memref<128xi32, #tpu.memory_space<vmem>>
        %dma_wait3A_234 = arith.constant 0 : i32
        %dma_wait3A_235 = arith.constant 0 : i32
        %dma_wait3A_236 = tpu.memref_slice %arg10[%dma_wait3A_234, %dma_wait3A_235] : memref<10240x128xf32, #tpu.memory_space<vmem_shared>> -> memref<10240x128xf32, #tpu.memory_space<vmem_shared>>
        tpu.wait_indirect_dma semaphore(%run_scoped3A_224 : memref<!tpu.dma_semaphore, #tpu.memory_space<semaphore_mem>>) src(%arg6 : memref<128x128xf32, #tpu.memory_space<vmem>>) dst(%dma_wait3A_236 : memref<10240x128xf32, #tpu.memory_space<vmem_shared>>)
        tpu.yield
      }) : () -> ()
      %add3A_188 = arith.constant 2 : i32
      %add3A_189 = arith.addi %mul3A_177, %add3A_188 : i32
      %dma_start3A_190 = arith.constant 0 : i32
      %dma_start3A_191 = tpu.memref_slice %arg8[%add3A_189, %dma_start3A_190] : memref<40x128xi32, #tpu.memory_space<vmem>> -> memref<1x128xi32, #tpu.memory_space<vmem>>
      %dma_start3A_192 = tpu.memref_squeeze %dma_start3A_191 : memref<1x128xi32, #tpu.memory_space<vmem>> -> memref<128xi32, #tpu.memory_space<vmem>>
      %dma_start3A_193 = arith.constant 0 : i32
      %dma_start3A_194 = arith.constant 0 : i32
      %dma_start3A_195 = tpu.memref_slice %arg2[%arg0, %dma_start3A_193, %dma_start3A_194] : memref<2x10000x128xf32, #tpu.memory_space<hbm>> -> memref<1x10000x128xf32, #tpu.memory_space<hbm>>
      %dma_start3A_196 = tpu.memref_squeeze %dma_start3A_195 : memref<1x10000x128xf32, #tpu.memory_space<hbm>> -> memref<10000x128xf32, #tpu.memory_space<hbm>>
      %dma_start3A_197 = arith.constant 0 : i32
      %dma_start3A_198 = arith.constant 0 : i32
      %dma_start3A_199 = tpu.memref_slice %dma_start3A_196[%dma_start3A_197, %dma_start3A_198] : memref<10000x128xf32, #tpu.memory_space<hbm>> -> memref<10000x128xf32, #tpu.memory_space<hbm>>
      tpu.enqueue_indirect_dma source(%dma_start3A_199 : memref<10000x128xf32, #tpu.memory_space<hbm>>) target(%arg6 : memref<128x128xf32, #tpu.memory_space<vmem>>) offsets(%dma_start3A_192 : memref<128xi32, #tpu.memory_space<vmem>>) semaphore(%arg11 : memref<!tpu.dma_semaphore, #tpu.memory_space<semaphore_mem>>)
      %add3A_200 = arith.constant 1 : i32
      %add3A_201 = arith.addi %mul3A_177, %add3A_200 : i32
      %dma_wait3A_202 = arith.constant 0 : i32
      %dma_wait3A_203 = tpu.memref_slice %arg8[%add3A_201, %dma_wait3A_202] : memref<40x128xi32, #tpu.memory_space<vmem>> -> memref<1x128xi32, #tpu.memory_space<vmem>>
      %dma_wait3A_204 = tpu.memref_squeeze %dma_wait3A_203 : memref<1x128xi32, #tpu.memory_space<vmem>> -> memref<128xi32, #tpu.memory_space<vmem>>
      %dma_wait3A_205 = arith.constant 0 : i32
      %dma_wait3A_206 = arith.constant 0 : i32
      %dma_wait3A_207 = tpu.memref_slice %arg2[%arg0, %dma_wait3A_205, %dma_wait3A_206] : memref<2x10000x128xf32, #tpu.memory_space<hbm>> -> memref<1x10000x128xf32, #tpu.memory_space<hbm>>
      %dma_wait3A_208 = tpu.memref_squeeze %dma_wait3A_207 : memref<1x10000x128xf32, #tpu.memory_space<hbm>> -> memref<10000x128xf32, #tpu.memory_space<hbm>>
      %dma_wait3A_209 = arith.constant 0 : i32
      %dma_wait3A_210 = arith.constant 0 : i32
      %dma_wait3A_211 = tpu.memref_slice %dma_wait3A_208[%dma_wait3A_209, %dma_wait3A_210] : memref<10000x128xf32, #tpu.memory_space<hbm>> -> memref<10000x128xf32, #tpu.memory_space<hbm>>
      tpu.wait_indirect_dma semaphore(%arg12 : memref<!tpu.dma_semaphore, #tpu.memory_space<semaphore_mem>>) src(%dma_wait3A_211 : memref<10000x128xf32, #tpu.memory_space<hbm>>) dst(%arg7 : memref<128x128xf32, #tpu.memory_space<vmem>>)
      "tpu.region"() ({
        %run_scoped3A_224 = tpu.sem_alloc : memref<!tpu.dma_semaphore, #tpu.memory_space<semaphore_mem>>
        %dma_start3A_225 = arith.constant 0 : i32
        %dma_start3A_226 = tpu.memref_slice %arg9[%add3A_201, %dma_start3A_225] : memref<40x128xi32, #tpu.memory_space<vmem>> -> memref<1x128xi32, #tpu.memory_space<vmem>>
        %dma_start3A_227 = tpu.memref_squeeze %dma_start3A_226 : memref<1x128xi32, #tpu.memory_space<vmem>> -> memref<128xi32, #tpu.memory_space<vmem>>
        %dma_start3A_228 = arith.constant 0 : i32
        %dma_start3A_229 = arith.constant 0 : i32
        %dma_start3A_230 = tpu.memref_slice %arg10[%dma_start3A_228, %dma_start3A_229] : memref<10240x128xf32, #tpu.memory_space<vmem_shared>> -> memref<10240x128xf32, #tpu.memory_space<vmem_shared>>
        tpu.enqueue_indirect_dma source(%arg7 : memref<128x128xf32, #tpu.memory_space<vmem>>) target(%dma_start3A_230 : memref<10240x128xf32, #tpu.memory_space<vmem_shared>>) offsets(%dma_start3A_227 : memref<128xi32, #tpu.memory_space<vmem>>) semaphore(%run_scoped3A_224 : memref<!tpu.dma_semaphore, #tpu.memory_space<semaphore_mem>>) {add = true}
        %dma_wait3A_231 = arith.constant 0 : i32
        %dma_wait3A_232 = tpu.memref_slice %arg9[%add3A_201, %dma_wait3A_231] : memref<40x128xi32, #tpu.memory_space<vmem>> -> memref<1x128xi32, #tpu.memory_space<vmem>>
        %dma_wait3A_233 = tpu.memref_squeeze %dma_wait3A_232 : memref<1x128xi32, #tpu.memory_space<vmem>> -> memref<128xi32, #tpu.memory_space<vmem>>
        %dma_wait3A_234 = arith.constant 0 : i32
        %dma_wait3A_235 = arith.constant 0 : i32
        %dma_wait3A_236 = tpu.memref_slice %arg10[%dma_wait3A_234, %dma_wait3A_235] : memref<10240x128xf32, #tpu.memory_space<vmem_shared>> -> memref<10240x128xf32, #tpu.memory_space<vmem_shared>>
        tpu.wait_indirect_dma semaphore(%run_scoped3A_224 : memref<!tpu.dma_semaphore, #tpu.memory_space<semaphore_mem>>) src(%arg7 : memref<128x128xf32, #tpu.memory_space<vmem>>) dst(%dma_wait3A_236 : memref<10240x128xf32, #tpu.memory_space<vmem_shared>>)
        tpu.yield
      }) : () -> ()
      %add3A_212 = arith.constant 3 : i32
      %add3A_213 = arith.addi %mul3A_177, %add3A_212 : i32
      %dma_start3A_214 = arith.constant 0 : i32
      %dma_start3A_215 = tpu.memref_slice %arg8[%add3A_213, %dma_start3A_214] : memref<40x128xi32, #tpu.memory_space<vmem>> -> memref<1x128xi32, #tpu.memory_space<vmem>>
      %dma_start3A_216 = tpu.memref_squeeze %dma_start3A_215 : memref<1x128xi32, #tpu.memory_space<vmem>> -> memref<128xi32, #tpu.memory_space<vmem>>
      %dma_start3A_217 = arith.constant 0 : i32
      %dma_start3A_218 = arith.constant 0 : i32
      %dma_start3A_219 = tpu.memref_slice %arg2[%arg0, %dma_start3A_217, %dma_start3A_218] : memref<2x10000x128xf32, #tpu.memory_space<hbm>> -> memref<1x10000x128xf32, #tpu.memory_space<hbm>>
      %dma_start3A_220 = tpu.memref_squeeze %dma_start3A_219 : memref<1x10000x128xf32, #tpu.memory_space<hbm>> -> memref<10000x128xf32, #tpu.memory_space<hbm>>
      %dma_start3A_221 = arith.constant 0 : i32
      %dma_start3A_222 = arith.constant 0 : i32
      %dma_start3A_223 = tpu.memref_slice %dma_start3A_220[%dma_start3A_221, %dma_start3A_222] : memref<10000x128xf32, #tpu.memory_space<hbm>> -> memref<10000x128xf32, #tpu.memory_space<hbm>>
      tpu.enqueue_indirect_dma source(%dma_start3A_223 : memref<10000x128xf32, #tpu.memory_space<hbm>>) target(%arg7 : memref<128x128xf32, #tpu.memory_space<vmem>>) offsets(%dma_start3A_216 : memref<128xi32, #tpu.memory_space<vmem>>) semaphore(%arg12 : memref<!tpu.dma_semaphore, #tpu.memory_space<semaphore_mem>>)
    }
    %scan3A_145 = arith.constant 19 : i32
    %dma_wait3A_146 = arith.constant 38 : i32
    %dma_wait3A_147 = arith.constant 0 : i32
    %dma_wait3A_148 = tpu.memref_slice %arg8[%dma_wait3A_146, %dma_wait3A_147] : memref<40x128xi32, #tpu.memory_space<vmem>> -> memref<1x128xi32, #tpu.memory_space<vmem>>
    %dma_wait3A_149 = tpu.memref_squeeze %dma_wait3A_148 : memref<1x128xi32, #tpu.memory_space<vmem>> -> memref<128xi32, #tpu.memory_space<vmem>>
    %dma_wait3A_150 = arith.constant 0 : i32
    %dma_wait3A_151 = arith.constant 0 : i32
    %dma_wait3A_152 = tpu.memref_slice %arg2[%arg0, %dma_wait3A_150, %dma_wait3A_151] : memref<2x10000x128xf32, #tpu.memory_space<hbm>> -> memref<1x10000x128xf32, #tpu.memory_space<hbm>>
    %dma_wait3A_153 = tpu.memref_squeeze %dma_wait3A_152 : memref<1x10000x128xf32, #tpu.memory_space<hbm>> -> memref<10000x128xf32, #tpu.memory_space<hbm>>
    %dma_wait3A_154 = arith.constant 0 : i32
    %dma_wait3A_155 = arith.constant 0 : i32
    %dma_wait3A_156 = tpu.memref_slice %dma_wait3A_153[%dma_wait3A_154, %dma_wait3A_155] : memref<10000x128xf32, #tpu.memory_space<hbm>> -> memref<10000x128xf32, #tpu.memory_space<hbm>>
    tpu.wait_indirect_dma semaphore(%arg11 : memref<!tpu.dma_semaphore, #tpu.memory_space<semaphore_mem>>) src(%dma_wait3A_156 : memref<10000x128xf32, #tpu.memory_space<hbm>>) dst(%arg6 : memref<128x128xf32, #tpu.memory_space<vmem>>)
    %run_scoped3A_157 = arith.constant 38 : i32
    "tpu.region"() ({
      %run_scoped3A_171 = tpu.sem_alloc : memref<!tpu.dma_semaphore, #tpu.memory_space<semaphore_mem>>
      %dma_start3A_172 = arith.constant 0 : i32
      %dma_start3A_173 = tpu.memref_slice %arg9[%run_scoped3A_157, %dma_start3A_172] : memref<40x128xi32, #tpu.memory_space<vmem>> -> memref<1x128xi32, #tpu.memory_space<vmem>>
      %dma_start3A_174 = tpu.memref_squeeze %dma_start3A_173 : memref<1x128xi32, #tpu.memory_space<vmem>> -> memref<128xi32, #tpu.memory_space<vmem>>
      %dma_start3A_175 = arith.constant 0 : i32
      %dma_start3A_176 = arith.constant 0 : i32
      %dma_start3A_177 = tpu.memref_slice %arg10[%dma_start3A_175, %dma_start3A_176] : memref<10240x128xf32, #tpu.memory_space<vmem_shared>> -> memref<10240x128xf32, #tpu.memory_space<vmem_shared>>
      tpu.enqueue_indirect_dma source(%arg6 : memref<128x128xf32, #tpu.memory_space<vmem>>) target(%dma_start3A_177 : memref<10240x128xf32, #tpu.memory_space<vmem_shared>>) offsets(%dma_start3A_174 : memref<128xi32, #tpu.memory_space<vmem>>) semaphore(%run_scoped3A_171 : memref<!tpu.dma_semaphore, #tpu.memory_space<semaphore_mem>>) {add = true}
      %dma_wait3A_178 = arith.constant 0 : i32
      %dma_wait3A_179 = tpu.memref_slice %arg9[%run_scoped3A_157, %dma_wait3A_178] : memref<40x128xi32, #tpu.memory_space<vmem>> -> memref<1x128xi32, #tpu.memory_space<vmem>>
      %dma_wait3A_180 = tpu.memref_squeeze %dma_wait3A_179 : memref<1x128xi32, #tpu.memory_space<vmem>> -> memref<128xi32, #tpu.memory_space<vmem>>
      %dma_wait3A_181 = arith.constant 0 : i32
      %dma_wait3A_182 = arith.constant 0 : i32
      %dma_wait3A_183 = tpu.memref_slice %arg10[%dma_wait3A_181, %dma_wait3A_182] : memref<10240x128xf32, #tpu.memory_space<vmem_shared>> -> memref<10240x128xf32, #tpu.memory_space<vmem_shared>>
      tpu.wait_indirect_dma semaphore(%run_scoped3A_171 : memref<!tpu.dma_semaphore, #tpu.memory_space<semaphore_mem>>) src(%arg6 : memref<128x128xf32, #tpu.memory_space<vmem>>) dst(%dma_wait3A_183 : memref<10240x128xf32, #tpu.memory_space<vmem_shared>>)
      tpu.yield
    }) : () -> ()
    %dma_wait3A_158 = arith.constant 39 : i32
    %dma_wait3A_159 = arith.constant 0 : i32
    %dma_wait3A_160 = tpu.memref_slice %arg8[%dma_wait3A_158, %dma_wait3A_159] : memref<40x128xi32, #tpu.memory_space<vmem>> -> memref<1x128xi32, #tpu.memory_space<vmem>>
    %dma_wait3A_161 = tpu.memref_squeeze %dma_wait3A_160 : memref<1x128xi32, #tpu.memory_space<vmem>> -> memref<128xi32, #tpu.memory_space<vmem>>
    %dma_wait3A_162 = arith.constant 0 : i32
    %dma_wait3A_163 = arith.constant 0 : i32
    %dma_wait3A_164 = tpu.memref_slice %arg2[%arg0, %dma_wait3A_162, %dma_wait3A_163] : memref<2x10000x128xf32, #tpu.memory_space<hbm>> -> memref<1x10000x128xf32, #tpu.memory_space<hbm>>
    %dma_wait3A_165 = tpu.memref_squeeze %dma_wait3A_164 : memref<1x10000x128xf32, #tpu.memory_space<hbm>> -> memref<10000x128xf32, #tpu.memory_space<hbm>>
    %dma_wait3A_166 = arith.constant 0 : i32
    %dma_wait3A_167 = arith.constant 0 : i32
    %dma_wait3A_168 = tpu.memref_slice %dma_wait3A_165[%dma_wait3A_166, %dma_wait3A_167] : memref<10000x128xf32, #tpu.memory_space<hbm>> -> memref<10000x128xf32, #tpu.memory_space<hbm>>
    tpu.wait_indirect_dma semaphore(%arg12 : memref<!tpu.dma_semaphore, #tpu.memory_space<semaphore_mem>>) src(%dma_wait3A_168 : memref<10000x128xf32, #tpu.memory_space<hbm>>) dst(%arg7 : memref<128x128xf32, #tpu.memory_space<vmem>>)
    %run_scoped3A_169 = arith.constant 39 : i32
    "tpu.region"() ({
      %run_scoped3A_171 = tpu.sem_alloc : memref<!tpu.dma_semaphore, #tpu.memory_space<semaphore_mem>>
      %dma_start3A_172 = arith.constant 0 : i32
      %dma_start3A_173 = tpu.memref_slice %arg9[%run_scoped3A_169, %dma_start3A_172] : memref<40x128xi32, #tpu.memory_space<vmem>> -> memref<1x128xi32, #tpu.memory_space<vmem>>
      %dma_start3A_174 = tpu.memref_squeeze %dma_start3A_173 : memref<1x128xi32, #tpu.memory_space<vmem>> -> memref<128xi32, #tpu.memory_space<vmem>>
      %dma_start3A_175 = arith.constant 0 : i32
      %dma_start3A_176 = arith.constant 0 : i32
      %dma_start3A_177 = tpu.memref_slice %arg10[%dma_start3A_175, %dma_start3A_176] : memref<10240x128xf32, #tpu.memory_space<vmem_shared>> -> memref<10240x128xf32, #tpu.memory_space<vmem_shared>>
      tpu.enqueue_indirect_dma source(%arg7 : memref<128x128xf32, #tpu.memory_space<vmem>>) target(%dma_start3A_177 : memref<10240x128xf32, #tpu.memory_space<vmem_shared>>) offsets(%dma_start3A_174 : memref<128xi32, #tpu.memory_space<vmem>>) semaphore(%run_scoped3A_171 : memref<!tpu.dma_semaphore, #tpu.memory_space<semaphore_mem>>) {add = true}
      %dma_wait3A_178 = arith.constant 0 : i32
      %dma_wait3A_179 = tpu.memref_slice %arg9[%run_scoped3A_169, %dma_wait3A_178] : memref<40x128xi32, #tpu.memory_space<vmem>> -> memref<1x128xi32, #tpu.memory_space<vmem>>
      %dma_wait3A_180 = tpu.memref_squeeze %dma_wait3A_179 : memref<1x128xi32, #tpu.memory_space<vmem>> -> memref<128xi32, #tpu.memory_space<vmem>>
      %dma_wait3A_181 = arith.constant 0 : i32
      %dma_wait3A_182 = arith.constant 0 : i32
      %dma_wait3A_183 = tpu.memref_slice %arg10[%dma_wait3A_181, %dma_wait3A_182] : memref<10240x128xf32, #tpu.memory_space<vmem_shared>> -> memref<10240x128xf32, #tpu.memory_space<vmem_shared>>
      tpu.wait_indirect_dma semaphore(%run_scoped3A_171 : memref<!tpu.dma_semaphore, #tpu.memory_space<semaphore_mem>>) src(%arg7 : memref<128x128xf32, #tpu.memory_space<vmem>>) dst(%dma_wait3A_183 : memref<10240x128xf32, #tpu.memory_space<vmem_shared>>)
      tpu.yield
    }) : () -> ()
    %barrier3A_170 = arith.constant 0 : index
    tpu.barrier barrier_id(%barrier3A_170)
    "tpu.region"() ({
      %run_scoped3A_171 = tpu.sem_alloc : memref<!tpu.dma_semaphore, #tpu.memory_space<semaphore_mem>>
      %dma_start3A_172 = arith.constant 0 : i32
      %dma_start3A_173 = arith.constant 0 : i32
      %dma_start3A_174 = tpu.memref_slice %arg5[%arg0, %dma_start3A_172, %dma_start3A_173] : memref<2x10240x128xf32, #tpu.memory_space<hbm>> -> memref<1x10240x128xf32, #tpu.memory_space<hbm>>
      %dma_start3A_175 = tpu.memref_squeeze %dma_start3A_174 : memref<1x10240x128xf32, #tpu.memory_space<hbm>> -> memref<10240x128xf32, #tpu.memory_space<hbm>>
      %dma_start3A_176 = arith.constant 0 : i32
      %dma_start3A_177 = tpu.memref_slice %dma_start3A_175[%mul3A_0, %dma_start3A_176] : memref<10240x128xf32, #tpu.memory_space<hbm>> -> memref<640x128xf32, #tpu.memory_space<hbm>>
      %dma_start3A_178 = arith.constant 0 : i32
      %dma_start3A_179 = tpu.memref_slice %arg10[%mul3A_0, %dma_start3A_178] : memref<10240x128xf32, #tpu.memory_space<vmem_shared>> -> memref<640x128xf32, #tpu.memory_space<vmem_shared>>
      tpu.enqueue_dma source(%dma_start3A_179 : memref<640x128xf32, #tpu.memory_space<vmem_shared>>) target(%dma_start3A_177 : memref<640x128xf32, #tpu.memory_space<hbm>>) target_semaphore(%run_scoped3A_171 : memref<!tpu.dma_semaphore, #tpu.memory_space<semaphore_mem>>)
      %dma_wait3A_180 = arith.constant 0 : i32
      %dma_wait3A_181 = arith.constant 0 : i32
      %dma_wait3A_182 = tpu.memref_slice %arg5[%arg0, %dma_wait3A_180, %dma_wait3A_181] : memref<2x10240x128xf32, #tpu.memory_space<hbm>> -> memref<1x10240x128xf32, #tpu.memory_space<hbm>>
      %dma_wait3A_183 = tpu.memref_squeeze %dma_wait3A_182 : memref<1x10240x128xf32, #tpu.memory_space<hbm>> -> memref<10240x128xf32, #tpu.memory_space<hbm>>
      %dma_wait3A_184 = arith.constant 0 : i32
      %dma_wait3A_185 = tpu.memref_slice %dma_wait3A_183[%mul3A_0, %dma_wait3A_184] : memref<10240x128xf32, #tpu.memory_space<hbm>> -> memref<640x128xf32, #tpu.memory_space<hbm>>
      %dma_wait3A_186 = arith.constant 0 : i32
      %dma_wait3A_187 = tpu.memref_slice %arg10[%mul3A_0, %dma_wait3A_186] : memref<10240x128xf32, #tpu.memory_space<vmem_shared>> -> memref<640x128xf32, #tpu.memory_space<vmem_shared>>
      tpu.wait_dma2 semaphore(%run_scoped3A_171 : memref<!tpu.dma_semaphore, #tpu.memory_space<semaphore_mem>>) src(%dma_wait3A_187 : memref<640x128xf32, #tpu.memory_space<vmem_shared>>) dst(%dma_wait3A_185 : memref<640x128xf32, #tpu.memory_space<hbm>>)
      tpu.yield
    }) : () -> ()
    return
  }
}

#map = affine_map<(d0, d1) -> (0, 0)>
#map1 = affine_map<(d0, d1) -> (0, 0, 0)>
module attributes {stable_mosaic.version = 14 : i64} {
  func.func @_sc_degree(%arg0: i32, %arg1: i32, %arg2: memref<1280x128xi32, #tpu.memory_space<hbm>>, %arg3: memref<2x10240x128xf32, #tpu.memory_space<hbm>>, %arg4: memref<128x128xf32, #tpu.memory_space<vmem>>, %arg5: memref<128x128xf32, #tpu.memory_space<vmem>>, %arg6: memref<40x128xi32, #tpu.memory_space<vmem>>, %arg7: memref<10240x128xf32, #tpu.memory_space<vmem_shared>>, %arg8: memref<!tpu.dma_semaphore, #tpu.memory_space<semaphore_mem>>) attributes {dimension_semantics = [#tpu.dimension_semantics<core_parallel>, #tpu.dimension_semantics<subcore_parallel>], iteration_bounds = array<i64: 2, 16>, scalar_prefetch = 0 : i64, scratch_operands = 5 : i64, tpu.core_type = #tpu.core_type<sc_vector_subcore>, window_params = [{transform_indices = #map}, {transform_indices = #map1}]} {
    %mul3A = arith.constant 640 : i32
    %mul3A_0 = arith.muli %arg1, %mul3A : i32
    %broadcast_in_dim3A = arith.constant 0.000000e+00 : f32
    %broadcast_in_dim3A_1 = vector.broadcast %broadcast_in_dim3A : f32 to vector<16xf32>
    %scan3A = arith.constant 0 : i32
    %scan3A_2 = arith.constant 128 : i32
    %scan3A_3 = arith.addi %scan3A, %scan3A_2 : i32
    %scan3A_4 = arith.constant 1 : i32
    scf.for %scan3A_86 = %scan3A to %scan3A_3 step %scan3A_4  : i32 {
      %mul3A_87 = arith.constant 1 : i32
      %mul3A_88 = arith.muli %scan3A_86, %mul3A_87 : i32
      %add3A_89 = arith.constant 0 : i32
      %add3A_90 = arith.addi %add3A_89, %mul3A_88 : i32
      %swap3A = arith.index_cast %add3A_90 : i32 to index
      %swap3A_91 = arith.constant 0 : index
      %swap3A_92 = tpu.vector_load %arg4[%swap3A, %swap3A_91] {strides = array<i32>} : memref<128x128xf32, #tpu.memory_space<vmem>>, vector<1x16xf32>,
      %swap3A_93 = vector.shape_cast %swap3A_92 : vector<1x16xf32> to vector<16xf32>
      %swap3A_94 = vector.shape_cast %broadcast_in_dim3A_1 : vector<16xf32> to vector<1x16xf32>
      tpu.vector_store %arg4[%swap3A, %swap3A_91], %swap3A_94 {strides = array<i32>} : memref<128x128xf32, #tpu.memory_space<vmem>>, vector<1x16xf32>,
      %swap3A_95 = arith.index_cast %add3A_90 : i32 to index
      %swap3A_96 = arith.constant 16 : index
      %swap3A_97 = tpu.vector_load %arg4[%swap3A_95, %swap3A_96] {strides = array<i32>} : memref<128x128xf32, #tpu.memory_space<vmem>>, vector<1x16xf32>,
      %swap3A_98 = vector.shape_cast %swap3A_97 : vector<1x16xf32> to vector<16xf32>
      %swap3A_99 = vector.shape_cast %broadcast_in_dim3A_1 : vector<16xf32> to vector<1x16xf32>
      tpu.vector_store %arg4[%swap3A_95, %swap3A_96], %swap3A_99 {strides = array<i32>} : memref<128x128xf32, #tpu.memory_space<vmem>>, vector<1x16xf32>,
      %swap3A_100 = arith.index_cast %add3A_90 : i32 to index
      %swap3A_101 = arith.constant 32 : index
      %swap3A_102 = tpu.vector_load %arg4[%swap3A_100, %swap3A_101] {strides = array<i32>} : memref<128x128xf32, #tpu.memory_space<vmem>>, vector<1x16xf32>,
      %swap3A_103 = vector.shape_cast %swap3A_102 : vector<1x16xf32> to vector<16xf32>
      %swap3A_104 = vector.shape_cast %broadcast_in_dim3A_1 : vector<16xf32> to vector<1x16xf32>
      tpu.vector_store %arg4[%swap3A_100, %swap3A_101], %swap3A_104 {strides = array<i32>} : memref<128x128xf32, #tpu.memory_space<vmem>>, vector<1x16xf32>,
      %swap3A_105 = arith.index_cast %add3A_90 : i32 to index
      %swap3A_106 = arith.constant 48 : index
      %swap3A_107 = tpu.vector_load %arg4[%swap3A_105, %swap3A_106] {strides = array<i32>} : memref<128x128xf32, #tpu.memory_space<vmem>>, vector<1x16xf32>,
      %swap3A_108 = vector.shape_cast %swap3A_107 : vector<1x16xf32> to vector<16xf32>
      %swap3A_109 = vector.shape_cast %broadcast_in_dim3A_1 : vector<16xf32> to vector<1x16xf32>
      tpu.vector_store %arg4[%swap3A_105, %swap3A_106], %swap3A_109 {strides = array<i32>} : memref<128x128xf32, #tpu.memory_space<vmem>>, vector<1x16xf32>,
      %swap3A_110 = arith.index_cast %add3A_90 : i32 to index
      %swap3A_111 = arith.constant 64 : index
      %swap3A_112 = tpu.vector_load %arg4[%swap3A_110, %swap3A_111] {strides = array<i32>} : memref<128x128xf32, #tpu.memory_space<vmem>>, vector<1x16xf32>,
      %swap3A_113 = vector.shape_cast %swap3A_112 : vector<1x16xf32> to vector<16xf32>
      %swap3A_114 = vector.shape_cast %broadcast_in_dim3A_1 : vector<16xf32> to vector<1x16xf32>
      tpu.vector_store %arg4[%swap3A_110, %swap3A_111], %swap3A_114 {strides = array<i32>} : memref<128x128xf32, #tpu.memory_space<vmem>>, vector<1x16xf32>,
      %swap3A_115 = arith.index_cast %add3A_90 : i32 to index
      %swap3A_116 = arith.constant 80 : index
      %swap3A_117 = tpu.vector_load %arg4[%swap3A_115, %swap3A_116] {strides = array<i32>} : memref<128x128xf32, #tpu.memory_space<vmem>>, vector<1x16xf32>,
      %swap3A_118 = vector.shape_cast %swap3A_117 : vector<1x16xf32> to vector<16xf32>
      %swap3A_119 = vector.shape_cast %broadcast_in_dim3A_1 : vector<16xf32> to vector<1x16xf32>
      tpu.vector_store %arg4[%swap3A_115, %swap3A_116], %swap3A_119 {strides = array<i32>} : memref<128x128xf32, #tpu.memory_space<vmem>>, vector<1x16xf32>,
      %swap3A_120 = arith.index_cast %add3A_90 : i32 to index
      %swap3A_121 = arith.constant 96 : index
      %swap3A_122 = tpu.vector_load %arg4[%swap3A_120, %swap3A_121] {strides = array<i32>} : memref<128x128xf32, #tpu.memory_space<vmem>>, vector<1x16xf32>,
      %swap3A_123 = vector.shape_cast %swap3A_122 : vector<1x16xf32> to vector<16xf32>
      %swap3A_124 = vector.shape_cast %broadcast_in_dim3A_1 : vector<16xf32> to vector<1x16xf32>
      tpu.vector_store %arg4[%swap3A_120, %swap3A_121], %swap3A_124 {strides = array<i32>} : memref<128x128xf32, #tpu.memory_space<vmem>>, vector<1x16xf32>,
      %swap3A_125 = arith.index_cast %add3A_90 : i32 to index
      %swap3A_126 = arith.constant 112 : index
      %swap3A_127 = tpu.vector_load %arg4[%swap3A_125, %swap3A_126] {strides = array<i32>} : memref<128x128xf32, #tpu.memory_space<vmem>>, vector<1x16xf32>,
      %swap3A_128 = vector.shape_cast %swap3A_127 : vector<1x16xf32> to vector<16xf32>
      %swap3A_129 = vector.shape_cast %broadcast_in_dim3A_1 : vector<16xf32> to vector<1x16xf32>
      tpu.vector_store %arg4[%swap3A_125, %swap3A_126], %swap3A_129 {strides = array<i32>} : memref<128x128xf32, #tpu.memory_space<vmem>>, vector<1x16xf32>,
    }
    %scan3A_5 = arith.constant 128 : i32
    %broadcast_in_dim3A_6 = arith.constant 1.000000e+00 : f32
    %broadcast_in_dim3A_7 = vector.broadcast %broadcast_in_dim3A_6 : f32 to vector<16xf32>
    %scan3A_8 = arith.constant 0 : i32
    %scan3A_9 = arith.constant 128 : i32
    %scan3A_10 = arith.addi %scan3A_8, %scan3A_9 : i32
    %scan3A_11 = arith.constant 1 : i32
    scf.for %scan3A_86 = %scan3A_8 to %scan3A_10 step %scan3A_11  : i32 {
      %mul3A_87 = arith.constant 1 : i32
      %mul3A_88 = arith.muli %scan3A_86, %mul3A_87 : i32
      %add3A_89 = arith.constant 0 : i32
      %add3A_90 = arith.addi %add3A_89, %mul3A_88 : i32
      %swap3A = arith.index_cast %add3A_90 : i32 to index
      %swap3A_91 = arith.constant 0 : index
      %swap3A_92 = tpu.vector_load %arg5[%swap3A, %swap3A_91] {strides = array<i32>} : memref<128x128xf32, #tpu.memory_space<vmem>>, vector<1x16xf32>,
      %swap3A_93 = vector.shape_cast %swap3A_92 : vector<1x16xf32> to vector<16xf32>
      %swap3A_94 = vector.shape_cast %broadcast_in_dim3A_7 : vector<16xf32> to vector<1x16xf32>
      tpu.vector_store %arg5[%swap3A, %swap3A_91], %swap3A_94 {strides = array<i32>} : memref<128x128xf32, #tpu.memory_space<vmem>>, vector<1x16xf32>,
      %swap3A_95 = arith.index_cast %add3A_90 : i32 to index
      %swap3A_96 = arith.constant 16 : index
      %swap3A_97 = tpu.vector_load %arg5[%swap3A_95, %swap3A_96] {strides = array<i32>} : memref<128x128xf32, #tpu.memory_space<vmem>>, vector<1x16xf32>,
      %swap3A_98 = vector.shape_cast %swap3A_97 : vector<1x16xf32> to vector<16xf32>
      %swap3A_99 = vector.shape_cast %broadcast_in_dim3A_7 : vector<16xf32> to vector<1x16xf32>
      tpu.vector_store %arg5[%swap3A_95, %swap3A_96], %swap3A_99 {strides = array<i32>} : memref<128x128xf32, #tpu.memory_space<vmem>>, vector<1x16xf32>,
      %swap3A_100 = arith.index_cast %add3A_90 : i32 to index
      %swap3A_101 = arith.constant 32 : index
      %swap3A_102 = tpu.vector_load %arg5[%swap3A_100, %swap3A_101] {strides = array<i32>} : memref<128x128xf32, #tpu.memory_space<vmem>>, vector<1x16xf32>,
      %swap3A_103 = vector.shape_cast %swap3A_102 : vector<1x16xf32> to vector<16xf32>
      %swap3A_104 = vector.shape_cast %broadcast_in_dim3A_7 : vector<16xf32> to vector<1x16xf32>
      tpu.vector_store %arg5[%swap3A_100, %swap3A_101], %swap3A_104 {strides = array<i32>} : memref<128x128xf32, #tpu.memory_space<vmem>>, vector<1x16xf32>,
      %swap3A_105 = arith.index_cast %add3A_90 : i32 to index
      %swap3A_106 = arith.constant 48 : index
      %swap3A_107 = tpu.vector_load %arg5[%swap3A_105, %swap3A_106] {strides = array<i32>} : memref<128x128xf32, #tpu.memory_space<vmem>>, vector<1x16xf32>,
      %swap3A_108 = vector.shape_cast %swap3A_107 : vector<1x16xf32> to vector<16xf32>
      %swap3A_109 = vector.shape_cast %broadcast_in_dim3A_7 : vector<16xf32> to vector<1x16xf32>
      tpu.vector_store %arg5[%swap3A_105, %swap3A_106], %swap3A_109 {strides = array<i32>} : memref<128x128xf32, #tpu.memory_space<vmem>>, vector<1x16xf32>,
      %swap3A_110 = arith.index_cast %add3A_90 : i32 to index
      %swap3A_111 = arith.constant 64 : index
      %swap3A_112 = tpu.vector_load %arg5[%swap3A_110, %swap3A_111] {strides = array<i32>} : memref<128x128xf32, #tpu.memory_space<vmem>>, vector<1x16xf32>,
      %swap3A_113 = vector.shape_cast %swap3A_112 : vector<1x16xf32> to vector<16xf32>
      %swap3A_114 = vector.shape_cast %broadcast_in_dim3A_7 : vector<16xf32> to vector<1x16xf32>
      tpu.vector_store %arg5[%swap3A_110, %swap3A_111], %swap3A_114 {strides = array<i32>} : memref<128x128xf32, #tpu.memory_space<vmem>>, vector<1x16xf32>,
      %swap3A_115 = arith.index_cast %add3A_90 : i32 to index
      %swap3A_116 = arith.constant 80 : index
      %swap3A_117 = tpu.vector_load %arg5[%swap3A_115, %swap3A_116] {strides = array<i32>} : memref<128x128xf32, #tpu.memory_space<vmem>>, vector<1x16xf32>,
      %swap3A_118 = vector.shape_cast %swap3A_117 : vector<1x16xf32> to vector<16xf32>
      %swap3A_119 = vector.shape_cast %broadcast_in_dim3A_7 : vector<16xf32> to vector<1x16xf32>
      tpu.vector_store %arg5[%swap3A_115, %swap3A_116], %swap3A_119 {strides = array<i32>} : memref<128x128xf32, #tpu.memory_space<vmem>>, vector<1x16xf32>,
      %swap3A_120 = arith.index_cast %add3A_90 : i32 to index
      %swap3A_121 = arith.constant 96 : index
      %swap3A_122 = tpu.vector_load %arg5[%swap3A_120, %swap3A_121] {strides = array<i32>} : memref<128x128xf32, #tpu.memory_space<vmem>>, vector<1x16xf32>,
      %swap3A_123 = vector.shape_cast %swap3A_122 : vector<1x16xf32> to vector<16xf32>
      %swap3A_124 = vector.shape_cast %broadcast_in_dim3A_7 : vector<16xf32> to vector<1x16xf32>
      tpu.vector_store %arg5[%swap3A_120, %swap3A_121], %swap3A_124 {strides = array<i32>} : memref<128x128xf32, #tpu.memory_space<vmem>>, vector<1x16xf32>,
      %swap3A_125 = arith.index_cast %add3A_90 : i32 to index
      %swap3A_126 = arith.constant 112 : index
      %swap3A_127 = tpu.vector_load %arg5[%swap3A_125, %swap3A_126] {strides = array<i32>} : memref<128x128xf32, #tpu.memory_space<vmem>>, vector<1x16xf32>,
      %swap3A_128 = vector.shape_cast %swap3A_127 : vector<1x16xf32> to vector<16xf32>
      %swap3A_129 = vector.shape_cast %broadcast_in_dim3A_7 : vector<16xf32> to vector<1x16xf32>
      tpu.vector_store %arg5[%swap3A_125, %swap3A_126], %swap3A_129 {strides = array<i32>} : memref<128x128xf32, #tpu.memory_space<vmem>>, vector<1x16xf32>,
    }
    %scan3A_12 = arith.constant 128 : i32
    %add3A = arith.constant 0 : i32
    %add3A_13 = arith.addi %mul3A_0, %add3A : i32
    %dma_start3A = arith.constant 0 : i32
    %dma_start3A_14 = tpu.memref_slice %arg7[%add3A_13, %dma_start3A] : memref<10240x128xf32, #tpu.memory_space<vmem_shared>> -> memref<128x128xf32, #tpu.memory_space<vmem_shared>>
    %dma_start3A_15 = arith.constant 0 : i32
    %dma_start3A_16 = tpu.memref_slice %arg7[%add3A_13, %dma_start3A_15] : memref<10240x128xf32, #tpu.memory_space<vmem_shared>> -> memref<128x128xf32, #tpu.memory_space<vmem_shared>>
    tpu.enqueue_dma source(%arg4 : memref<128x128xf32, #tpu.memory_space<vmem>>) target(%dma_start3A_16 : memref<128x128xf32, #tpu.memory_space<vmem_shared>>) target_semaphore(%arg8 : memref<!tpu.dma_semaphore, #tpu.memory_space<semaphore_mem>>)
    %add3A_17 = arith.constant 128 : i32
    %add3A_18 = arith.addi %mul3A_0, %add3A_17 : i32
    %dma_start3A_19 = arith.constant 0 : i32
    %dma_start3A_20 = tpu.memref_slice %arg7[%add3A_18, %dma_start3A_19] : memref<10240x128xf32, #tpu.memory_space<vmem_shared>> -> memref<128x128xf32, #tpu.memory_space<vmem_shared>>
    %dma_start3A_21 = arith.constant 0 : i32
    %dma_start3A_22 = tpu.memref_slice %arg7[%add3A_18, %dma_start3A_21] : memref<10240x128xf32, #tpu.memory_space<vmem_shared>> -> memref<128x128xf32, #tpu.memory_space<vmem_shared>>
    tpu.enqueue_dma source(%arg4 : memref<128x128xf32, #tpu.memory_space<vmem>>) target(%dma_start3A_22 : memref<128x128xf32, #tpu.memory_space<vmem_shared>>) target_semaphore(%arg8 : memref<!tpu.dma_semaphore, #tpu.memory_space<semaphore_mem>>)
    %add3A_23 = arith.constant 256 : i32
    %add3A_24 = arith.addi %mul3A_0, %add3A_23 : i32
    %dma_start3A_25 = arith.constant 0 : i32
    %dma_start3A_26 = tpu.memref_slice %arg7[%add3A_24, %dma_start3A_25] : memref<10240x128xf32, #tpu.memory_space<vmem_shared>> -> memref<128x128xf32, #tpu.memory_space<vmem_shared>>
    %dma_start3A_27 = arith.constant 0 : i32
    %dma_start3A_28 = tpu.memref_slice %arg7[%add3A_24, %dma_start3A_27] : memref<10240x128xf32, #tpu.memory_space<vmem_shared>> -> memref<128x128xf32, #tpu.memory_space<vmem_shared>>
    tpu.enqueue_dma source(%arg4 : memref<128x128xf32, #tpu.memory_space<vmem>>) target(%dma_start3A_28 : memref<128x128xf32, #tpu.memory_space<vmem_shared>>) target_semaphore(%arg8 : memref<!tpu.dma_semaphore, #tpu.memory_space<semaphore_mem>>)
    %add3A_29 = arith.constant 384 : i32
    %add3A_30 = arith.addi %mul3A_0, %add3A_29 : i32
    %dma_start3A_31 = arith.constant 0 : i32
    %dma_start3A_32 = tpu.memref_slice %arg7[%add3A_30, %dma_start3A_31] : memref<10240x128xf32, #tpu.memory_space<vmem_shared>> -> memref<128x128xf32, #tpu.memory_space<vmem_shared>>
    %dma_start3A_33 = arith.constant 0 : i32
    %dma_start3A_34 = tpu.memref_slice %arg7[%add3A_30, %dma_start3A_33] : memref<10240x128xf32, #tpu.memory_space<vmem_shared>> -> memref<128x128xf32, #tpu.memory_space<vmem_shared>>
    tpu.enqueue_dma source(%arg4 : memref<128x128xf32, #tpu.memory_space<vmem>>) target(%dma_start3A_34 : memref<128x128xf32, #tpu.memory_space<vmem_shared>>) target_semaphore(%arg8 : memref<!tpu.dma_semaphore, #tpu.memory_space<semaphore_mem>>)
    %add3A_35 = arith.constant 512 : i32
    %add3A_36 = arith.addi %mul3A_0, %add3A_35 : i32
    %dma_start3A_37 = arith.constant 0 : i32
    %dma_start3A_38 = tpu.memref_slice %arg7[%add3A_36, %dma_start3A_37] : memref<10240x128xf32, #tpu.memory_space<vmem_shared>> -> memref<128x128xf32, #tpu.memory_space<vmem_shared>>
    %dma_start3A_39 = arith.constant 0 : i32
    %dma_start3A_40 = tpu.memref_slice %arg7[%add3A_36, %dma_start3A_39] : memref<10240x128xf32, #tpu.memory_space<vmem_shared>> -> memref<128x128xf32, #tpu.memory_space<vmem_shared>>
    tpu.enqueue_dma source(%arg4 : memref<128x128xf32, #tpu.memory_space<vmem>>) target(%dma_start3A_40 : memref<128x128xf32, #tpu.memory_space<vmem_shared>>) target_semaphore(%arg8 : memref<!tpu.dma_semaphore, #tpu.memory_space<semaphore_mem>>)
    %mul3A_41 = arith.constant 16 : i32
    %mul3A_42 = arith.muli %arg0, %mul3A_41 : i32
    %add3A_43 = arith.addi %mul3A_42, %arg1 : i32
    %mul3A_44 = arith.constant 40 : i32
    %mul3A_45 = arith.muli %add3A_43, %mul3A_44 : i32
    "tpu.region"() ({
      %run_scoped3A = tpu.sem_alloc : memref<!tpu.dma_semaphore, #tpu.memory_space<semaphore_mem>>
      %dma_start3A_86 = arith.constant 0 : i32
      %dma_start3A_87 = tpu.memref_slice %arg2[%mul3A_45, %dma_start3A_86] : memref<1280x128xi32, #tpu.memory_space<hbm>> -> memref<40x128xi32, #tpu.memory_space<hbm>>
      %dma_start3A_88 = arith.constant 0 : i32
      %dma_start3A_89 = tpu.memref_slice %arg2[%mul3A_45, %dma_start3A_88] : memref<1280x128xi32, #tpu.memory_space<hbm>> -> memref<40x128xi32, #tpu.memory_space<hbm>>
      tpu.enqueue_dma source(%dma_start3A_89 : memref<40x128xi32, #tpu.memory_space<hbm>>) target(%arg6 : memref<40x128xi32, #tpu.memory_space<vmem>>) target_semaphore(%run_scoped3A : memref<!tpu.dma_semaphore, #tpu.memory_space<semaphore_mem>>)
      %dma_wait3A_90 = arith.constant 0 : i32
      %dma_wait3A_91 = tpu.memref_slice %arg2[%mul3A_45, %dma_wait3A_90] : memref<1280x128xi32, #tpu.memory_space<hbm>> -> memref<40x128xi32, #tpu.memory_space<hbm>>
      %dma_wait3A_92 = arith.constant 0 : i32
      %dma_wait3A_93 = tpu.memref_slice %arg2[%mul3A_45, %dma_wait3A_92] : memref<1280x128xi32, #tpu.memory_space<hbm>> -> memref<40x128xi32, #tpu.memory_space<hbm>>
      tpu.wait_dma2 semaphore(%run_scoped3A : memref<!tpu.dma_semaphore, #tpu.memory_space<semaphore_mem>>) src(%dma_wait3A_93 : memref<40x128xi32, #tpu.memory_space<hbm>>) dst(%arg6 : memref<40x128xi32, #tpu.memory_space<vmem>>)
      tpu.yield
    }) : () -> ()
    %add3A_46 = arith.constant 0 : i32
    %add3A_47 = arith.addi %mul3A_0, %add3A_46 : i32
    %dma_wait3A = arith.constant 0 : i32
    %dma_wait3A_48 = tpu.memref_slice %arg7[%add3A_47, %dma_wait3A] : memref<10240x128xf32, #tpu.memory_space<vmem_shared>> -> memref<128x128xf32, #tpu.memory_space<vmem_shared>>
    %dma_wait3A_49 = arith.constant 0 : i32
    %dma_wait3A_50 = tpu.memref_slice %arg7[%add3A_47, %dma_wait3A_49] : memref<10240x128xf32, #tpu.memory_space<vmem_shared>> -> memref<128x128xf32, #tpu.memory_space<vmem_shared>>
    tpu.wait_dma2 semaphore(%arg8 : memref<!tpu.dma_semaphore, #tpu.memory_space<semaphore_mem>>) src(%arg4 : memref<128x128xf32, #tpu.memory_space<vmem>>) dst(%dma_wait3A_50 : memref<128x128xf32, #tpu.memory_space<vmem_shared>>)
    %add3A_51 = arith.constant 128 : i32
    %add3A_52 = arith.addi %mul3A_0, %add3A_51 : i32
    %dma_wait3A_53 = arith.constant 0 : i32
    %dma_wait3A_54 = tpu.memref_slice %arg7[%add3A_52, %dma_wait3A_53] : memref<10240x128xf32, #tpu.memory_space<vmem_shared>> -> memref<128x128xf32, #tpu.memory_space<vmem_shared>>
    %dma_wait3A_55 = arith.constant 0 : i32
    %dma_wait3A_56 = tpu.memref_slice %arg7[%add3A_52, %dma_wait3A_55] : memref<10240x128xf32, #tpu.memory_space<vmem_shared>> -> memref<128x128xf32, #tpu.memory_space<vmem_shared>>
    tpu.wait_dma2 semaphore(%arg8 : memref<!tpu.dma_semaphore, #tpu.memory_space<semaphore_mem>>) src(%arg4 : memref<128x128xf32, #tpu.memory_space<vmem>>) dst(%dma_wait3A_56 : memref<128x128xf32, #tpu.memory_space<vmem_shared>>)
    %add3A_57 = arith.constant 256 : i32
    %add3A_58 = arith.addi %mul3A_0, %add3A_57 : i32
    %dma_wait3A_59 = arith.constant 0 : i32
    %dma_wait3A_60 = tpu.memref_slice %arg7[%add3A_58, %dma_wait3A_59] : memref<10240x128xf32, #tpu.memory_space<vmem_shared>> -> memref<128x128xf32, #tpu.memory_space<vmem_shared>>
    %dma_wait3A_61 = arith.constant 0 : i32
    %dma_wait3A_62 = tpu.memref_slice %arg7[%add3A_58, %dma_wait3A_61] : memref<10240x128xf32, #tpu.memory_space<vmem_shared>> -> memref<128x128xf32, #tpu.memory_space<vmem_shared>>
    tpu.wait_dma2 semaphore(%arg8 : memref<!tpu.dma_semaphore, #tpu.memory_space<semaphore_mem>>) src(%arg4 : memref<128x128xf32, #tpu.memory_space<vmem>>) dst(%dma_wait3A_62 : memref<128x128xf32, #tpu.memory_space<vmem_shared>>)
    %add3A_63 = arith.constant 384 : i32
    %add3A_64 = arith.addi %mul3A_0, %add3A_63 : i32
    %dma_wait3A_65 = arith.constant 0 : i32
    %dma_wait3A_66 = tpu.memref_slice %arg7[%add3A_64, %dma_wait3A_65] : memref<10240x128xf32, #tpu.memory_space<vmem_shared>> -> memref<128x128xf32, #tpu.memory_space<vmem_shared>>
    %dma_wait3A_67 = arith.constant 0 : i32
    %dma_wait3A_68 = tpu.memref_slice %arg7[%add3A_64, %dma_wait3A_67] : memref<10240x128xf32, #tpu.memory_space<vmem_shared>> -> memref<128x128xf32, #tpu.memory_space<vmem_shared>>
    tpu.wait_dma2 semaphore(%arg8 : memref<!tpu.dma_semaphore, #tpu.memory_space<semaphore_mem>>) src(%arg4 : memref<128x128xf32, #tpu.memory_space<vmem>>) dst(%dma_wait3A_68 : memref<128x128xf32, #tpu.memory_space<vmem_shared>>)
    %add3A_69 = arith.constant 512 : i32
    %add3A_70 = arith.addi %mul3A_0, %add3A_69 : i32
    %dma_wait3A_71 = arith.constant 0 : i32
    %dma_wait3A_72 = tpu.memref_slice %arg7[%add3A_70, %dma_wait3A_71] : memref<10240x128xf32, #tpu.memory_space<vmem_shared>> -> memref<128x128xf32, #tpu.memory_space<vmem_shared>>
    %dma_wait3A_73 = arith.constant 0 : i32
    %dma_wait3A_74 = tpu.memref_slice %arg7[%add3A_70, %dma_wait3A_73] : memref<10240x128xf32, #tpu.memory_space<vmem_shared>> -> memref<128x128xf32, #tpu.memory_space<vmem_shared>>
    tpu.wait_dma2 semaphore(%arg8 : memref<!tpu.dma_semaphore, #tpu.memory_space<semaphore_mem>>) src(%arg4 : memref<128x128xf32, #tpu.memory_space<vmem>>) dst(%dma_wait3A_74 : memref<128x128xf32, #tpu.memory_space<vmem_shared>>)
    %barrier3A = arith.constant 0 : index
    tpu.barrier barrier_id(%barrier3A)
    %scan3A_75 = arith.constant 0 : i32
    %scan3A_76 = arith.constant 40 : i32
    %scan3A_77 = arith.addi %scan3A_75, %scan3A_76 : i32
    %scan3A_78 = arith.constant 1 : i32
    scf.for %scan3A_86 = %scan3A_75 to %scan3A_77 step %scan3A_78  : i32 {
      %mul3A_87 = arith.constant 1 : i32
      %mul3A_88 = arith.muli %scan3A_86, %mul3A_87 : i32
      %add3A_89 = arith.constant 0 : i32
      %add3A_90 = arith.addi %add3A_89, %mul3A_88 : i32
      %dma_start3A_91 = arith.constant 0 : i32
      %dma_start3A_92 = tpu.memref_slice %arg6[%add3A_90, %dma_start3A_91] : memref<40x128xi32, #tpu.memory_space<vmem>> -> memref<1x128xi32, #tpu.memory_space<vmem>>
      %dma_start3A_93 = tpu.memref_squeeze %dma_start3A_92 : memref<1x128xi32, #tpu.memory_space<vmem>> -> memref<128xi32, #tpu.memory_space<vmem>>
      %dma_start3A_94 = arith.constant 0 : i32
      %dma_start3A_95 = arith.constant 0 : i32
      %dma_start3A_96 = tpu.memref_slice %arg7[%dma_start3A_94, %dma_start3A_95] : memref<10240x128xf32, #tpu.memory_space<vmem_shared>> -> memref<10240x128xf32, #tpu.memory_space<vmem_shared>>
      tpu.enqueue_indirect_dma source(%arg5 : memref<128x128xf32, #tpu.memory_space<vmem>>) target(%dma_start3A_96 : memref<10240x128xf32, #tpu.memory_space<vmem_shared>>) offsets(%dma_start3A_93 : memref<128xi32, #tpu.memory_space<vmem>>) semaphore(%arg8 : memref<!tpu.dma_semaphore, #tpu.memory_space<semaphore_mem>>) {add = true}
    }
    %scan3A_79 = arith.constant 40 : i32
    %scan3A_80 = arith.constant 0 : i32
    %scan3A_81 = arith.constant 40 : i32
    %scan3A_82 = arith.addi %scan3A_80, %scan3A_81 : i32
    %scan3A_83 = arith.constant 1 : i32
    scf.for %scan3A_86 = %scan3A_80 to %scan3A_82 step %scan3A_83  : i32 {
      %mul3A_87 = arith.constant 1 : i32
      %mul3A_88 = arith.muli %scan3A_86, %mul3A_87 : i32
      %add3A_89 = arith.constant 0 : i32
      %add3A_90 = arith.addi %add3A_89, %mul3A_88 : i32
      %dma_wait3A_91 = arith.constant 0 : i32
      %dma_wait3A_92 = tpu.memref_slice %arg6[%add3A_90, %dma_wait3A_91] : memref<40x128xi32, #tpu.memory_space<vmem>> -> memref<1x128xi32, #tpu.memory_space<vmem>>
      %dma_wait3A_93 = tpu.memref_squeeze %dma_wait3A_92 : memref<1x128xi32, #tpu.memory_space<vmem>> -> memref<128xi32, #tpu.memory_space<vmem>>
      %dma_wait3A_94 = arith.constant 0 : i32
      %dma_wait3A_95 = arith.constant 0 : i32
      %dma_wait3A_96 = tpu.memref_slice %arg7[%dma_wait3A_94, %dma_wait3A_95] : memref<10240x128xf32, #tpu.memory_space<vmem_shared>> -> memref<10240x128xf32, #tpu.memory_space<vmem_shared>>
      tpu.wait_indirect_dma semaphore(%arg8 : memref<!tpu.dma_semaphore, #tpu.memory_space<semaphore_mem>>) src(%arg5 : memref<128x128xf32, #tpu.memory_space<vmem>>) dst(%dma_wait3A_96 : memref<10240x128xf32, #tpu.memory_space<vmem_shared>>)
    }
    %scan3A_84 = arith.constant 40 : i32
    %barrier3A_85 = arith.constant 0 : index
    tpu.barrier barrier_id(%barrier3A_85)
    "tpu.region"() ({
      %run_scoped3A = tpu.sem_alloc : memref<!tpu.dma_semaphore, #tpu.memory_space<semaphore_mem>>
      %dma_start3A_86 = arith.constant 0 : i32
      %dma_start3A_87 = arith.constant 0 : i32
      %dma_start3A_88 = tpu.memref_slice %arg3[%arg0, %dma_start3A_86, %dma_start3A_87] : memref<2x10240x128xf32, #tpu.memory_space<hbm>> -> memref<1x10240x128xf32, #tpu.memory_space<hbm>>
      %dma_start3A_89 = tpu.memref_squeeze %dma_start3A_88 : memref<1x10240x128xf32, #tpu.memory_space<hbm>> -> memref<10240x128xf32, #tpu.memory_space<hbm>>
      %dma_start3A_90 = arith.constant 0 : i32
      %dma_start3A_91 = tpu.memref_slice %dma_start3A_89[%mul3A_0, %dma_start3A_90] : memref<10240x128xf32, #tpu.memory_space<hbm>> -> memref<640x128xf32, #tpu.memory_space<hbm>>
      %dma_start3A_92 = arith.constant 0 : i32
      %dma_start3A_93 = tpu.memref_slice %arg7[%mul3A_0, %dma_start3A_92] : memref<10240x128xf32, #tpu.memory_space<vmem_shared>> -> memref<640x128xf32, #tpu.memory_space<vmem_shared>>
      tpu.enqueue_dma source(%dma_start3A_93 : memref<640x128xf32, #tpu.memory_space<vmem_shared>>) target(%dma_start3A_91 : memref<640x128xf32, #tpu.memory_space<hbm>>) target_semaphore(%run_scoped3A : memref<!tpu.dma_semaphore, #tpu.memory_space<semaphore_mem>>)
      %dma_wait3A_94 = arith.constant 0 : i32
      %dma_wait3A_95 = arith.constant 0 : i32
      %dma_wait3A_96 = tpu.memref_slice %arg3[%arg0, %dma_wait3A_94, %dma_wait3A_95] : memref<2x10240x128xf32, #tpu.memory_space<hbm>> -> memref<1x10240x128xf32, #tpu.memory_space<hbm>>
      %dma_wait3A_97 = tpu.memref_squeeze %dma_wait3A_96 : memref<1x10240x128xf32, #tpu.memory_space<hbm>> -> memref<10240x128xf32, #tpu.memory_space<hbm>>
      %dma_wait3A_98 = arith.constant 0 : i32
      %dma_wait3A_99 = tpu.memref_slice %dma_wait3A_97[%mul3A_0, %dma_wait3A_98] : memref<10240x128xf32, #tpu.memory_space<hbm>> -> memref<640x128xf32, #tpu.memory_space<hbm>>
      %dma_wait3A_100 = arith.constant 0 : i32
      %dma_wait3A_101 = tpu.memref_slice %arg7[%mul3A_0, %dma_wait3A_100] : memref<10240x128xf32, #tpu.memory_space<vmem_shared>> -> memref<640x128xf32, #tpu.memory_space<vmem_shared>>
      tpu.wait_dma2 semaphore(%run_scoped3A : memref<!tpu.dma_semaphore, #tpu.memory_space<semaphore_mem>>) src(%dma_wait3A_101 : memref<640x128xf32, #tpu.memory_space<vmem_shared>>) dst(%dma_wait3A_99 : memref<640x128xf32, #tpu.memory_space<hbm>>)
      tpu.yield
    }) : () -> ()
    return
  }
}

#map = affine_map<(d0, d1) -> (0, 0, 0)>
#map1 = affine_map<(d0, d1) -> (0, 0)>
module attributes {stable_mosaic.version = 14 : i64} {
  func.func @prop(%arg0: i32, %arg1: i32, %arg2: memref<2x10000x128xf32, #tpu.memory_space<hbm>>, %arg3: memref<1280x128xi32, #tpu.memory_space<hbm>>, %arg4: memref<1280x128xi32, #tpu.memory_space<hbm>>, %arg5: memref<2x10240x128xf32, #tpu.memory_space<hbm>>, %arg6: memref<128x128xf32, #tpu.memory_space<vmem>>, %arg7: memref<128x128xf32, #tpu.memory_space<vmem>>, %arg8: memref<40x128xi32, #tpu.memory_space<vmem>>, %arg9: memref<40x128xi32, #tpu.memory_space<vmem>>, %arg10: memref<10240x128xf32, #tpu.memory_space<vmem_shared>>, %arg11: memref<!tpu.dma_semaphore, #tpu.memory_space<semaphore_mem>>, %arg12: memref<!tpu.dma_semaphore, #tpu.memory_space<semaphore_mem>>) attributes {dimension_semantics = [#tpu.dimension_semantics<core_parallel>, #tpu.dimension_semantics<subcore_parallel>], iteration_bounds = array<i64: 2, 16>, scalar_prefetch = 0 : i64, scratch_operands = 7 : i64, tpu.core_type = #tpu.core_type<sc_vector_subcore>, window_params = [{transform_indices = #map}, {transform_indices = #map1}, {transform_indices = #map1}, {transform_indices = #map}]} {
    %mul3A = arith.constant 640 : i32
    %mul3A_0 = arith.muli %arg1, %mul3A : i32
    %broadcast_in_dim3A = arith.constant 0.000000e+00 : f32
    %broadcast_in_dim3A_1 = vector.broadcast %broadcast_in_dim3A : f32 to vector<16xf32>
    %scan3A = arith.constant 0 : i32
    %scan3A_2 = arith.constant 128 : i32
    %scan3A_3 = arith.addi %scan3A, %scan3A_2 : i32
    %scan3A_4 = arith.constant 1 : i32
    scf.for %scan3A_171 = %scan3A to %scan3A_3 step %scan3A_4  : i32 {
      %mul3A_172 = arith.constant 1 : i32
      %mul3A_173 = arith.muli %scan3A_171, %mul3A_172 : i32
      %add3A_174 = arith.constant 0 : i32
      %add3A_175 = arith.addi %add3A_174, %mul3A_173 : i32
      %swap3A = arith.index_cast %add3A_175 : i32 to index
      %swap3A_176 = arith.constant 0 : index
      %swap3A_177 = tpu.vector_load %arg6[%swap3A, %swap3A_176] {strides = array<i32>} : memref<128x128xf32, #tpu.memory_space<vmem>>, vector<1x16xf32>,
      %swap3A_178 = vector.shape_cast %swap3A_177 : vector<1x16xf32> to vector<16xf32>
      %swap3A_179 = vector.shape_cast %broadcast_in_dim3A_1 : vector<16xf32> to vector<1x16xf32>
      tpu.vector_store %arg6[%swap3A, %swap3A_176], %swap3A_179 {strides = array<i32>} : memref<128x128xf32, #tpu.memory_space<vmem>>, vector<1x16xf32>,
      %swap3A_180 = arith.index_cast %add3A_175 : i32 to index
      %swap3A_181 = arith.constant 16 : index
      %swap3A_182 = tpu.vector_load %arg6[%swap3A_180, %swap3A_181] {strides = array<i32>} : memref<128x128xf32, #tpu.memory_space<vmem>>, vector<1x16xf32>,
      %swap3A_183 = vector.shape_cast %swap3A_182 : vector<1x16xf32> to vector<16xf32>
      %swap3A_184 = vector.shape_cast %broadcast_in_dim3A_1 : vector<16xf32> to vector<1x16xf32>
      tpu.vector_store %arg6[%swap3A_180, %swap3A_181], %swap3A_184 {strides = array<i32>} : memref<128x128xf32, #tpu.memory_space<vmem>>, vector<1x16xf32>,
      %swap3A_185 = arith.index_cast %add3A_175 : i32 to index
      %swap3A_186 = arith.constant 32 : index
      %swap3A_187 = tpu.vector_load %arg6[%swap3A_185, %swap3A_186] {strides = array<i32>} : memref<128x128xf32, #tpu.memory_space<vmem>>, vector<1x16xf32>,
      %swap3A_188 = vector.shape_cast %swap3A_187 : vector<1x16xf32> to vector<16xf32>
      %swap3A_189 = vector.shape_cast %broadcast_in_dim3A_1 : vector<16xf32> to vector<1x16xf32>
      tpu.vector_store %arg6[%swap3A_185, %swap3A_186], %swap3A_189 {strides = array<i32>} : memref<128x128xf32, #tpu.memory_space<vmem>>, vector<1x16xf32>,
      %swap3A_190 = arith.index_cast %add3A_175 : i32 to index
      %swap3A_191 = arith.constant 48 : index
      %swap3A_192 = tpu.vector_load %arg6[%swap3A_190, %swap3A_191] {strides = array<i32>} : memref<128x128xf32, #tpu.memory_space<vmem>>, vector<1x16xf32>,
      %swap3A_193 = vector.shape_cast %swap3A_192 : vector<1x16xf32> to vector<16xf32>
      %swap3A_194 = vector.shape_cast %broadcast_in_dim3A_1 : vector<16xf32> to vector<1x16xf32>
      tpu.vector_store %arg6[%swap3A_190, %swap3A_191], %swap3A_194 {strides = array<i32>} : memref<128x128xf32, #tpu.memory_space<vmem>>, vector<1x16xf32>,
      %swap3A_195 = arith.index_cast %add3A_175 : i32 to index
      %swap3A_196 = arith.constant 64 : index
      %swap3A_197 = tpu.vector_load %arg6[%swap3A_195, %swap3A_196] {strides = array<i32>} : memref<128x128xf32, #tpu.memory_space<vmem>>, vector<1x16xf32>,
      %swap3A_198 = vector.shape_cast %swap3A_197 : vector<1x16xf32> to vector<16xf32>
      %swap3A_199 = vector.shape_cast %broadcast_in_dim3A_1 : vector<16xf32> to vector<1x16xf32>
      tpu.vector_store %arg6[%swap3A_195, %swap3A_196], %swap3A_199 {strides = array<i32>} : memref<128x128xf32, #tpu.memory_space<vmem>>, vector<1x16xf32>,
      %swap3A_200 = arith.index_cast %add3A_175 : i32 to index
      %swap3A_201 = arith.constant 80 : index
      %swap3A_202 = tpu.vector_load %arg6[%swap3A_200, %swap3A_201] {strides = array<i32>} : memref<128x128xf32, #tpu.memory_space<vmem>>, vector<1x16xf32>,
      %swap3A_203 = vector.shape_cast %swap3A_202 : vector<1x16xf32> to vector<16xf32>
      %swap3A_204 = vector.shape_cast %broadcast_in_dim3A_1 : vector<16xf32> to vector<1x16xf32>
      tpu.vector_store %arg6[%swap3A_200, %swap3A_201], %swap3A_204 {strides = array<i32>} : memref<128x128xf32, #tpu.memory_space<vmem>>, vector<1x16xf32>,
      %swap3A_205 = arith.index_cast %add3A_175 : i32 to index
      %swap3A_206 = arith.constant 96 : index
      %swap3A_207 = tpu.vector_load %arg6[%swap3A_205, %swap3A_206] {strides = array<i32>} : memref<128x128xf32, #tpu.memory_space<vmem>>, vector<1x16xf32>,
      %swap3A_208 = vector.shape_cast %swap3A_207 : vector<1x16xf32> to vector<16xf32>
      %swap3A_209 = vector.shape_cast %broadcast_in_dim3A_1 : vector<16xf32> to vector<1x16xf32>
      tpu.vector_store %arg6[%swap3A_205, %swap3A_206], %swap3A_209 {strides = array<i32>} : memref<128x128xf32, #tpu.memory_space<vmem>>, vector<1x16xf32>,
      %swap3A_210 = arith.index_cast %add3A_175 : i32 to index
      %swap3A_211 = arith.constant 112 : index
      %swap3A_212 = tpu.vector_load %arg6[%swap3A_210, %swap3A_211] {strides = array<i32>} : memref<128x128xf32, #tpu.memory_space<vmem>>, vector<1x16xf32>,
      %swap3A_213 = vector.shape_cast %swap3A_212 : vector<1x16xf32> to vector<16xf32>
      %swap3A_214 = vector.shape_cast %broadcast_in_dim3A_1 : vector<16xf32> to vector<1x16xf32>
      tpu.vector_store %arg6[%swap3A_210, %swap3A_211], %swap3A_214 {strides = array<i32>} : memref<128x128xf32, #tpu.memory_space<vmem>>, vector<1x16xf32>,
    }
    %scan3A_5 = arith.constant 128 : i32
    %add3A = arith.constant 0 : i32
    %add3A_6 = arith.addi %mul3A_0, %add3A : i32
    %dma_start3A = arith.constant 0 : i32
    %dma_start3A_7 = tpu.memref_slice %arg10[%add3A_6, %dma_start3A] : memref<10240x128xf32, #tpu.memory_space<vmem_shared>> -> memref<128x128xf32, #tpu.memory_space<vmem_shared>>
    %dma_start3A_8 = arith.constant 0 : i32
    %dma_start3A_9 = tpu.memref_slice %arg10[%add3A_6, %dma_start3A_8] : memref<10240x128xf32, #tpu.memory_space<vmem_shared>> -> memref<128x128xf32, #tpu.memory_space<vmem_shared>>
    tpu.enqueue_dma source(%arg6 : memref<128x128xf32, #tpu.memory_space<vmem>>) target(%dma_start3A_9 : memref<128x128xf32, #tpu.memory_space<vmem_shared>>) target_semaphore(%arg11 : memref<!tpu.dma_semaphore, #tpu.memory_space<semaphore_mem>>)
    %add3A_10 = arith.constant 128 : i32
    %add3A_11 = arith.addi %mul3A_0, %add3A_10 : i32
    %dma_start3A_12 = arith.constant 0 : i32
    %dma_start3A_13 = tpu.memref_slice %arg10[%add3A_11, %dma_start3A_12] : memref<10240x128xf32, #tpu.memory_space<vmem_shared>> -> memref<128x128xf32, #tpu.memory_space<vmem_shared>>
    %dma_start3A_14 = arith.constant 0 : i32
    %dma_start3A_15 = tpu.memref_slice %arg10[%add3A_11, %dma_start3A_14] : memref<10240x128xf32, #tpu.memory_space<vmem_shared>> -> memref<128x128xf32, #tpu.memory_space<vmem_shared>>
    tpu.enqueue_dma source(%arg6 : memref<128x128xf32, #tpu.memory_space<vmem>>) target(%dma_start3A_15 : memref<128x128xf32, #tpu.memory_space<vmem_shared>>) target_semaphore(%arg11 : memref<!tpu.dma_semaphore, #tpu.memory_space<semaphore_mem>>)
    %add3A_16 = arith.constant 256 : i32
    %add3A_17 = arith.addi %mul3A_0, %add3A_16 : i32
    %dma_start3A_18 = arith.constant 0 : i32
    %dma_start3A_19 = tpu.memref_slice %arg10[%add3A_17, %dma_start3A_18] : memref<10240x128xf32, #tpu.memory_space<vmem_shared>> -> memref<128x128xf32, #tpu.memory_space<vmem_shared>>
    %dma_start3A_20 = arith.constant 0 : i32
    %dma_start3A_21 = tpu.memref_slice %arg10[%add3A_17, %dma_start3A_20] : memref<10240x128xf32, #tpu.memory_space<vmem_shared>> -> memref<128x128xf32, #tpu.memory_space<vmem_shared>>
    tpu.enqueue_dma source(%arg6 : memref<128x128xf32, #tpu.memory_space<vmem>>) target(%dma_start3A_21 : memref<128x128xf32, #tpu.memory_space<vmem_shared>>) target_semaphore(%arg11 : memref<!tpu.dma_semaphore, #tpu.memory_space<semaphore_mem>>)
    %add3A_22 = arith.constant 384 : i32
    %add3A_23 = arith.addi %mul3A_0, %add3A_22 : i32
    %dma_start3A_24 = arith.constant 0 : i32
    %dma_start3A_25 = tpu.memref_slice %arg10[%add3A_23, %dma_start3A_24] : memref<10240x128xf32, #tpu.memory_space<vmem_shared>> -> memref<128x128xf32, #tpu.memory_space<vmem_shared>>
    %dma_start3A_26 = arith.constant 0 : i32
    %dma_start3A_27 = tpu.memref_slice %arg10[%add3A_23, %dma_start3A_26] : memref<10240x128xf32, #tpu.memory_space<vmem_shared>> -> memref<128x128xf32, #tpu.memory_space<vmem_shared>>
    tpu.enqueue_dma source(%arg6 : memref<128x128xf32, #tpu.memory_space<vmem>>) target(%dma_start3A_27 : memref<128x128xf32, #tpu.memory_space<vmem_shared>>) target_semaphore(%arg11 : memref<!tpu.dma_semaphore, #tpu.memory_space<semaphore_mem>>)
    %add3A_28 = arith.constant 512 : i32
    %add3A_29 = arith.addi %mul3A_0, %add3A_28 : i32
    %dma_start3A_30 = arith.constant 0 : i32
    %dma_start3A_31 = tpu.memref_slice %arg10[%add3A_29, %dma_start3A_30] : memref<10240x128xf32, #tpu.memory_space<vmem_shared>> -> memref<128x128xf32, #tpu.memory_space<vmem_shared>>
    %dma_start3A_32 = arith.constant 0 : i32
    %dma_start3A_33 = tpu.memref_slice %arg10[%add3A_29, %dma_start3A_32] : memref<10240x128xf32, #tpu.memory_space<vmem_shared>> -> memref<128x128xf32, #tpu.memory_space<vmem_shared>>
    tpu.enqueue_dma source(%arg6 : memref<128x128xf32, #tpu.memory_space<vmem>>) target(%dma_start3A_33 : memref<128x128xf32, #tpu.memory_space<vmem_shared>>) target_semaphore(%arg11 : memref<!tpu.dma_semaphore, #tpu.memory_space<semaphore_mem>>)
    %add3A_34 = arith.constant 0 : i32
    %add3A_35 = arith.addi %mul3A_0, %add3A_34 : i32
    %dma_wait3A = arith.constant 0 : i32
    %dma_wait3A_36 = tpu.memref_slice %arg10[%add3A_35, %dma_wait3A] : memref<10240x128xf32, #tpu.memory_space<vmem_shared>> -> memref<128x128xf32, #tpu.memory_space<vmem_shared>>
    %dma_wait3A_37 = arith.constant 0 : i32
    %dma_wait3A_38 = tpu.memref_slice %arg10[%add3A_35, %dma_wait3A_37] : memref<10240x128xf32, #tpu.memory_space<vmem_shared>> -> memref<128x128xf32, #tpu.memory_space<vmem_shared>>
    tpu.wait_dma2 semaphore(%arg11 : memref<!tpu.dma_semaphore, #tpu.memory_space<semaphore_mem>>) src(%arg6 : memref<128x128xf32, #tpu.memory_space<vmem>>) dst(%dma_wait3A_38 : memref<128x128xf32, #tpu.memory_space<vmem_shared>>)
    %add3A_39 = arith.constant 128 : i32
    %add3A_40 = arith.addi %mul3A_0, %add3A_39 : i32
    %dma_wait3A_41 = arith.constant 0 : i32
    %dma_wait3A_42 = tpu.memref_slice %arg10[%add3A_40, %dma_wait3A_41] : memref<10240x128xf32, #tpu.memory_space<vmem_shared>> -> memref<128x128xf32, #tpu.memory_space<vmem_shared>>
    %dma_wait3A_43 = arith.constant 0 : i32
    %dma_wait3A_44 = tpu.memref_slice %arg10[%add3A_40, %dma_wait3A_43] : memref<10240x128xf32, #tpu.memory_space<vmem_shared>> -> memref<128x128xf32, #tpu.memory_space<vmem_shared>>
    tpu.wait_dma2 semaphore(%arg11 : memref<!tpu.dma_semaphore, #tpu.memory_space<semaphore_mem>>) src(%arg6 : memref<128x128xf32, #tpu.memory_space<vmem>>) dst(%dma_wait3A_44 : memref<128x128xf32, #tpu.memory_space<vmem_shared>>)
    %add3A_45 = arith.constant 256 : i32
    %add3A_46 = arith.addi %mul3A_0, %add3A_45 : i32
    %dma_wait3A_47 = arith.constant 0 : i32
    %dma_wait3A_48 = tpu.memref_slice %arg10[%add3A_46, %dma_wait3A_47] : memref<10240x128xf32, #tpu.memory_space<vmem_shared>> -> memref<128x128xf32, #tpu.memory_space<vmem_shared>>
    %dma_wait3A_49 = arith.constant 0 : i32
    %dma_wait3A_50 = tpu.memref_slice %arg10[%add3A_46, %dma_wait3A_49] : memref<10240x128xf32, #tpu.memory_space<vmem_shared>> -> memref<128x128xf32, #tpu.memory_space<vmem_shared>>
    tpu.wait_dma2 semaphore(%arg11 : memref<!tpu.dma_semaphore, #tpu.memory_space<semaphore_mem>>) src(%arg6 : memref<128x128xf32, #tpu.memory_space<vmem>>) dst(%dma_wait3A_50 : memref<128x128xf32, #tpu.memory_space<vmem_shared>>)
    %add3A_51 = arith.constant 384 : i32
    %add3A_52 = arith.addi %mul3A_0, %add3A_51 : i32
    %dma_wait3A_53 = arith.constant 0 : i32
    %dma_wait3A_54 = tpu.memref_slice %arg10[%add3A_52, %dma_wait3A_53] : memref<10240x128xf32, #tpu.memory_space<vmem_shared>> -> memref<128x128xf32, #tpu.memory_space<vmem_shared>>
    %dma_wait3A_55 = arith.constant 0 : i32
    %dma_wait3A_56 = tpu.memref_slice %arg10[%add3A_52, %dma_wait3A_55] : memref<10240x128xf32, #tpu.memory_space<vmem_shared>> -> memref<128x128xf32, #tpu.memory_space<vmem_shared>>
    tpu.wait_dma2 semaphore(%arg11 : memref<!tpu.dma_semaphore, #tpu.memory_space<semaphore_mem>>) src(%arg6 : memref<128x128xf32, #tpu.memory_space<vmem>>) dst(%dma_wait3A_56 : memref<128x128xf32, #tpu.memory_space<vmem_shared>>)
    %add3A_57 = arith.constant 512 : i32
    %add3A_58 = arith.addi %mul3A_0, %add3A_57 : i32
    %dma_wait3A_59 = arith.constant 0 : i32
    %dma_wait3A_60 = tpu.memref_slice %arg10[%add3A_58, %dma_wait3A_59] : memref<10240x128xf32, #tpu.memory_space<vmem_shared>> -> memref<128x128xf32, #tpu.memory_space<vmem_shared>>
    %dma_wait3A_61 = arith.constant 0 : i32
    %dma_wait3A_62 = tpu.memref_slice %arg10[%add3A_58, %dma_wait3A_61] : memref<10240x128xf32, #tpu.memory_space<vmem_shared>> -> memref<128x128xf32, #tpu.memory_space<vmem_shared>>
    tpu.wait_dma2 semaphore(%arg11 : memref<!tpu.dma_semaphore, #tpu.memory_space<semaphore_mem>>) src(%arg6 : memref<128x128xf32, #tpu.memory_space<vmem>>) dst(%dma_wait3A_62 : memref<128x128xf32, #tpu.memory_space<vmem_shared>>)
    %barrier3A = arith.constant 0 : index
    tpu.barrier barrier_id(%barrier3A)
    %mul3A_63 = arith.constant 80 : i32
    %mul3A_64 = arith.muli %arg1, %mul3A_63 : i32
    %add3A_65 = arith.constant 0 : i32
    %add3A_66 = arith.addi %mul3A_64, %add3A_65 : i32
    "tpu.region"() ({
      %run_scoped3A_171 = tpu.sem_alloc : memref<!tpu.dma_semaphore, #tpu.memory_space<semaphore_mem>>
      %dma_start3A_172 = arith.constant 0 : i32
      %dma_start3A_173 = tpu.memref_slice %arg3[%add3A_66, %dma_start3A_172] : memref<1280x128xi32, #tpu.memory_space<hbm>> -> memref<40x128xi32, #tpu.memory_space<hbm>>
      %dma_start3A_174 = arith.constant 0 : i32
      %dma_start3A_175 = tpu.memref_slice %arg3[%add3A_66, %dma_start3A_174] : memref<1280x128xi32, #tpu.memory_space<hbm>> -> memref<40x128xi32, #tpu.memory_space<hbm>>
      tpu.enqueue_dma source(%dma_start3A_175 : memref<40x128xi32, #tpu.memory_space<hbm>>) target(%arg8 : memref<40x128xi32, #tpu.memory_space<vmem>>) target_semaphore(%run_scoped3A_171 : memref<!tpu.dma_semaphore, #tpu.memory_space<semaphore_mem>>)
      %dma_wait3A_176 = arith.constant 0 : i32
      %dma_wait3A_177 = tpu.memref_slice %arg3[%add3A_66, %dma_wait3A_176] : memref<1280x128xi32, #tpu.memory_space<hbm>> -> memref<40x128xi32, #tpu.memory_space<hbm>>
      %dma_wait3A_178 = arith.constant 0 : i32
      %dma_wait3A_179 = tpu.memref_slice %arg3[%add3A_66, %dma_wait3A_178] : memref<1280x128xi32, #tpu.memory_space<hbm>> -> memref<40x128xi32, #tpu.memory_space<hbm>>
      tpu.wait_dma2 semaphore(%run_scoped3A_171 : memref<!tpu.dma_semaphore, #tpu.memory_space<semaphore_mem>>) src(%dma_wait3A_179 : memref<40x128xi32, #tpu.memory_space<hbm>>) dst(%arg8 : memref<40x128xi32, #tpu.memory_space<vmem>>)
      tpu.yield
    }) : () -> ()
    "tpu.region"() ({
      %run_scoped3A_171 = tpu.sem_alloc : memref<!tpu.dma_semaphore, #tpu.memory_space<semaphore_mem>>
      %dma_start3A_172 = arith.constant 0 : i32
      %dma_start3A_173 = tpu.memref_slice %arg4[%add3A_66, %dma_start3A_172] : memref<1280x128xi32, #tpu.memory_space<hbm>> -> memref<40x128xi32, #tpu.memory_space<hbm>>
      %dma_start3A_174 = arith.constant 0 : i32
      %dma_start3A_175 = tpu.memref_slice %arg4[%add3A_66, %dma_start3A_174] : memref<1280x128xi32, #tpu.memory_space<hbm>> -> memref<40x128xi32, #tpu.memory_space<hbm>>
      tpu.enqueue_dma source(%dma_start3A_175 : memref<40x128xi32, #tpu.memory_space<hbm>>) target(%arg9 : memref<40x128xi32, #tpu.memory_space<vmem>>) target_semaphore(%run_scoped3A_171 : memref<!tpu.dma_semaphore, #tpu.memory_space<semaphore_mem>>)
      %dma_wait3A_176 = arith.constant 0 : i32
      %dma_wait3A_177 = tpu.memref_slice %arg4[%add3A_66, %dma_wait3A_176] : memref<1280x128xi32, #tpu.memory_space<hbm>> -> memref<40x128xi32, #tpu.memory_space<hbm>>
      %dma_wait3A_178 = arith.constant 0 : i32
      %dma_wait3A_179 = tpu.memref_slice %arg4[%add3A_66, %dma_wait3A_178] : memref<1280x128xi32, #tpu.memory_space<hbm>> -> memref<40x128xi32, #tpu.memory_space<hbm>>
      tpu.wait_dma2 semaphore(%run_scoped3A_171 : memref<!tpu.dma_semaphore, #tpu.memory_space<semaphore_mem>>) src(%dma_wait3A_179 : memref<40x128xi32, #tpu.memory_space<hbm>>) dst(%arg9 : memref<40x128xi32, #tpu.memory_space<vmem>>)
      tpu.yield
    }) : () -> ()
    %dma_start3A_67 = arith.constant 0 : i32
    %dma_start3A_68 = arith.constant 0 : i32
    %dma_start3A_69 = tpu.memref_slice %arg8[%dma_start3A_67, %dma_start3A_68] : memref<40x128xi32, #tpu.memory_space<vmem>> -> memref<1x128xi32, #tpu.memory_space<vmem>>
    %dma_start3A_70 = tpu.memref_squeeze %dma_start3A_69 : memref<1x128xi32, #tpu.memory_space<vmem>> -> memref<128xi32, #tpu.memory_space<vmem>>
    %dma_start3A_71 = arith.constant 0 : i32
    %dma_start3A_72 = arith.constant 0 : i32
    %dma_start3A_73 = tpu.memref_slice %arg2[%arg0, %dma_start3A_71, %dma_start3A_72] : memref<2x10000x128xf32, #tpu.memory_space<hbm>> -> memref<1x10000x128xf32, #tpu.memory_space<hbm>>
    %dma_start3A_74 = tpu.memref_squeeze %dma_start3A_73 : memref<1x10000x128xf32, #tpu.memory_space<hbm>> -> memref<10000x128xf32, #tpu.memory_space<hbm>>
    %dma_start3A_75 = arith.constant 0 : i32
    %dma_start3A_76 = arith.constant 0 : i32
    %dma_start3A_77 = tpu.memref_slice %dma_start3A_74[%dma_start3A_75, %dma_start3A_76] : memref<10000x128xf32, #tpu.memory_space<hbm>> -> memref<10000x128xf32, #tpu.memory_space<hbm>>
    tpu.enqueue_indirect_dma source(%dma_start3A_77 : memref<10000x128xf32, #tpu.memory_space<hbm>>) target(%arg6 : memref<128x128xf32, #tpu.memory_space<vmem>>) offsets(%dma_start3A_70 : memref<128xi32, #tpu.memory_space<vmem>>) semaphore(%arg11 : memref<!tpu.dma_semaphore, #tpu.memory_space<semaphore_mem>>)
    %dma_start3A_78 = arith.constant 1 : i32
    %dma_start3A_79 = arith.constant 0 : i32
    %dma_start3A_80 = tpu.memref_slice %arg8[%dma_start3A_78, %dma_start3A_79] : memref<40x128xi32, #tpu.memory_space<vmem>> -> memref<1x128xi32, #tpu.memory_space<vmem>>
    %dma_start3A_81 = tpu.memref_squeeze %dma_start3A_80 : memref<1x128xi32, #tpu.memory_space<vmem>> -> memref<128xi32, #tpu.memory_space<vmem>>
    %dma_start3A_82 = arith.constant 0 : i32
    %dma_start3A_83 = arith.constant 0 : i32
    %dma_start3A_84 = tpu.memref_slice %arg2[%arg0, %dma_start3A_82, %dma_start3A_83] : memref<2x10000x128xf32, #tpu.memory_space<hbm>> -> memref<1x10000x128xf32, #tpu.memory_space<hbm>>
    %dma_start3A_85 = tpu.memref_squeeze %dma_start3A_84 : memref<1x10000x128xf32, #tpu.memory_space<hbm>> -> memref<10000x128xf32, #tpu.memory_space<hbm>>
    %dma_start3A_86 = arith.constant 0 : i32
    %dma_start3A_87 = arith.constant 0 : i32
    %dma_start3A_88 = tpu.memref_slice %dma_start3A_85[%dma_start3A_86, %dma_start3A_87] : memref<10000x128xf32, #tpu.memory_space<hbm>> -> memref<10000x128xf32, #tpu.memory_space<hbm>>
    tpu.enqueue_indirect_dma source(%dma_start3A_88 : memref<10000x128xf32, #tpu.memory_space<hbm>>) target(%arg7 : memref<128x128xf32, #tpu.memory_space<vmem>>) offsets(%dma_start3A_81 : memref<128xi32, #tpu.memory_space<vmem>>) semaphore(%arg12 : memref<!tpu.dma_semaphore, #tpu.memory_space<semaphore_mem>>)
    %scan3A_89 = arith.constant 0 : i32
    %scan3A_90 = arith.constant 19 : i32
    %scan3A_91 = arith.addi %scan3A_89, %scan3A_90 : i32
    %scan3A_92 = arith.constant 1 : i32
    scf.for %scan3A_171 = %scan3A_89 to %scan3A_91 step %scan3A_92  : i32 {
      %mul3A_172 = arith.constant 1 : i32
      %mul3A_173 = arith.muli %scan3A_171, %mul3A_172 : i32
      %add3A_174 = arith.constant 0 : i32
      %add3A_175 = arith.addi %add3A_174, %mul3A_173 : i32
      %mul3A_176 = arith.constant 2 : i32
      %mul3A_177 = arith.muli %mul3A_176, %add3A_175 : i32
      %dma_wait3A_178 = arith.constant 0 : i32
      %dma_wait3A_179 = tpu.memref_slice %arg8[%mul3A_177, %dma_wait3A_178] : memref<40x128xi32, #tpu.memory_space<vmem>> -> memref<1x128xi32, #tpu.memory_space<vmem>>
      %dma_wait3A_180 = tpu.memref_squeeze %dma_wait3A_179 : memref<1x128xi32, #tpu.memory_space<vmem>> -> memref<128xi32, #tpu.memory_space<vmem>>
      %dma_wait3A_181 = arith.constant 0 : i32
      %dma_wait3A_182 = arith.constant 0 : i32
      %dma_wait3A_183 = tpu.memref_slice %arg2[%arg0, %dma_wait3A_181, %dma_wait3A_182] : memref<2x10000x128xf32, #tpu.memory_space<hbm>> -> memref<1x10000x128xf32, #tpu.memory_space<hbm>>
      %dma_wait3A_184 = tpu.memref_squeeze %dma_wait3A_183 : memref<1x10000x128xf32, #tpu.memory_space<hbm>> -> memref<10000x128xf32, #tpu.memory_space<hbm>>
      %dma_wait3A_185 = arith.constant 0 : i32
      %dma_wait3A_186 = arith.constant 0 : i32
      %dma_wait3A_187 = tpu.memref_slice %dma_wait3A_184[%dma_wait3A_185, %dma_wait3A_186] : memref<10000x128xf32, #tpu.memory_space<hbm>> -> memref<10000x128xf32, #tpu.memory_space<hbm>>
      tpu.wait_indirect_dma semaphore(%arg11 : memref<!tpu.dma_semaphore, #tpu.memory_space<semaphore_mem>>) src(%dma_wait3A_187 : memref<10000x128xf32, #tpu.memory_space<hbm>>) dst(%arg6 : memref<128x128xf32, #tpu.memory_space<vmem>>)
      "tpu.region"() ({
        %run_scoped3A_224 = tpu.sem_alloc : memref<!tpu.dma_semaphore, #tpu.memory_space<semaphore_mem>>
        %dma_start3A_225 = arith.constant 0 : i32
        %dma_start3A_226 = tpu.memref_slice %arg9[%mul3A_177, %dma_start3A_225] : memref<40x128xi32, #tpu.memory_space<vmem>> -> memref<1x128xi32, #tpu.memory_space<vmem>>
        %dma_start3A_227 = tpu.memref_squeeze %dma_start3A_226 : memref<1x128xi32, #tpu.memory_space<vmem>> -> memref<128xi32, #tpu.memory_space<vmem>>
        %dma_start3A_228 = arith.constant 0 : i32
        %dma_start3A_229 = arith.constant 0 : i32
        %dma_start3A_230 = tpu.memref_slice %arg10[%dma_start3A_228, %dma_start3A_229] : memref<10240x128xf32, #tpu.memory_space<vmem_shared>> -> memref<10240x128xf32, #tpu.memory_space<vmem_shared>>
        tpu.enqueue_indirect_dma source(%arg6 : memref<128x128xf32, #tpu.memory_space<vmem>>) target(%dma_start3A_230 : memref<10240x128xf32, #tpu.memory_space<vmem_shared>>) offsets(%dma_start3A_227 : memref<128xi32, #tpu.memory_space<vmem>>) semaphore(%run_scoped3A_224 : memref<!tpu.dma_semaphore, #tpu.memory_space<semaphore_mem>>) {add = true}
        %dma_wait3A_231 = arith.constant 0 : i32
        %dma_wait3A_232 = tpu.memref_slice %arg9[%mul3A_177, %dma_wait3A_231] : memref<40x128xi32, #tpu.memory_space<vmem>> -> memref<1x128xi32, #tpu.memory_space<vmem>>
        %dma_wait3A_233 = tpu.memref_squeeze %dma_wait3A_232 : memref<1x128xi32, #tpu.memory_space<vmem>> -> memref<128xi32, #tpu.memory_space<vmem>>
        %dma_wait3A_234 = arith.constant 0 : i32
        %dma_wait3A_235 = arith.constant 0 : i32
        %dma_wait3A_236 = tpu.memref_slice %arg10[%dma_wait3A_234, %dma_wait3A_235] : memref<10240x128xf32, #tpu.memory_space<vmem_shared>> -> memref<10240x128xf32, #tpu.memory_space<vmem_shared>>
        tpu.wait_indirect_dma semaphore(%run_scoped3A_224 : memref<!tpu.dma_semaphore, #tpu.memory_space<semaphore_mem>>) src(%arg6 : memref<128x128xf32, #tpu.memory_space<vmem>>) dst(%dma_wait3A_236 : memref<10240x128xf32, #tpu.memory_space<vmem_shared>>)
        tpu.yield
      }) : () -> ()
      %add3A_188 = arith.constant 2 : i32
      %add3A_189 = arith.addi %mul3A_177, %add3A_188 : i32
      %dma_start3A_190 = arith.constant 0 : i32
      %dma_start3A_191 = tpu.memref_slice %arg8[%add3A_189, %dma_start3A_190] : memref<40x128xi32, #tpu.memory_space<vmem>> -> memref<1x128xi32, #tpu.memory_space<vmem>>
      %dma_start3A_192 = tpu.memref_squeeze %dma_start3A_191 : memref<1x128xi32, #tpu.memory_space<vmem>> -> memref<128xi32, #tpu.memory_space<vmem>>
      %dma_start3A_193 = arith.constant 0 : i32
      %dma_start3A_194 = arith.constant 0 : i32
      %dma_start3A_195 = tpu.memref_slice %arg2[%arg0, %dma_start3A_193, %dma_start3A_194] : memref<2x10000x128xf32, #tpu.memory_space<hbm>> -> memref<1x10000x128xf32, #tpu.memory_space<hbm>>
      %dma_start3A_196 = tpu.memref_squeeze %dma_start3A_195 : memref<1x10000x128xf32, #tpu.memory_space<hbm>> -> memref<10000x128xf32, #tpu.memory_space<hbm>>
      %dma_start3A_197 = arith.constant 0 : i32
      %dma_start3A_198 = arith.constant 0 : i32
      %dma_start3A_199 = tpu.memref_slice %dma_start3A_196[%dma_start3A_197, %dma_start3A_198] : memref<10000x128xf32, #tpu.memory_space<hbm>> -> memref<10000x128xf32, #tpu.memory_space<hbm>>
      tpu.enqueue_indirect_dma source(%dma_start3A_199 : memref<10000x128xf32, #tpu.memory_space<hbm>>) target(%arg6 : memref<128x128xf32, #tpu.memory_space<vmem>>) offsets(%dma_start3A_192 : memref<128xi32, #tpu.memory_space<vmem>>) semaphore(%arg11 : memref<!tpu.dma_semaphore, #tpu.memory_space<semaphore_mem>>)
      %add3A_200 = arith.constant 1 : i32
      %add3A_201 = arith.addi %mul3A_177, %add3A_200 : i32
      %dma_wait3A_202 = arith.constant 0 : i32
      %dma_wait3A_203 = tpu.memref_slice %arg8[%add3A_201, %dma_wait3A_202] : memref<40x128xi32, #tpu.memory_space<vmem>> -> memref<1x128xi32, #tpu.memory_space<vmem>>
      %dma_wait3A_204 = tpu.memref_squeeze %dma_wait3A_203 : memref<1x128xi32, #tpu.memory_space<vmem>> -> memref<128xi32, #tpu.memory_space<vmem>>
      %dma_wait3A_205 = arith.constant 0 : i32
      %dma_wait3A_206 = arith.constant 0 : i32
      %dma_wait3A_207 = tpu.memref_slice %arg2[%arg0, %dma_wait3A_205, %dma_wait3A_206] : memref<2x10000x128xf32, #tpu.memory_space<hbm>> -> memref<1x10000x128xf32, #tpu.memory_space<hbm>>
      %dma_wait3A_208 = tpu.memref_squeeze %dma_wait3A_207 : memref<1x10000x128xf32, #tpu.memory_space<hbm>> -> memref<10000x128xf32, #tpu.memory_space<hbm>>
      %dma_wait3A_209 = arith.constant 0 : i32
      %dma_wait3A_210 = arith.constant 0 : i32
      %dma_wait3A_211 = tpu.memref_slice %dma_wait3A_208[%dma_wait3A_209, %dma_wait3A_210] : memref<10000x128xf32, #tpu.memory_space<hbm>> -> memref<10000x128xf32, #tpu.memory_space<hbm>>
      tpu.wait_indirect_dma semaphore(%arg12 : memref<!tpu.dma_semaphore, #tpu.memory_space<semaphore_mem>>) src(%dma_wait3A_211 : memref<10000x128xf32, #tpu.memory_space<hbm>>) dst(%arg7 : memref<128x128xf32, #tpu.memory_space<vmem>>)
      "tpu.region"() ({
        %run_scoped3A_224 = tpu.sem_alloc : memref<!tpu.dma_semaphore, #tpu.memory_space<semaphore_mem>>
        %dma_start3A_225 = arith.constant 0 : i32
        %dma_start3A_226 = tpu.memref_slice %arg9[%add3A_201, %dma_start3A_225] : memref<40x128xi32, #tpu.memory_space<vmem>> -> memref<1x128xi32, #tpu.memory_space<vmem>>
        %dma_start3A_227 = tpu.memref_squeeze %dma_start3A_226 : memref<1x128xi32, #tpu.memory_space<vmem>> -> memref<128xi32, #tpu.memory_space<vmem>>
        %dma_start3A_228 = arith.constant 0 : i32
        %dma_start3A_229 = arith.constant 0 : i32
        %dma_start3A_230 = tpu.memref_slice %arg10[%dma_start3A_228, %dma_start3A_229] : memref<10240x128xf32, #tpu.memory_space<vmem_shared>> -> memref<10240x128xf32, #tpu.memory_space<vmem_shared>>
        tpu.enqueue_indirect_dma source(%arg7 : memref<128x128xf32, #tpu.memory_space<vmem>>) target(%dma_start3A_230 : memref<10240x128xf32, #tpu.memory_space<vmem_shared>>) offsets(%dma_start3A_227 : memref<128xi32, #tpu.memory_space<vmem>>) semaphore(%run_scoped3A_224 : memref<!tpu.dma_semaphore, #tpu.memory_space<semaphore_mem>>) {add = true}
        %dma_wait3A_231 = arith.constant 0 : i32
        %dma_wait3A_232 = tpu.memref_slice %arg9[%add3A_201, %dma_wait3A_231] : memref<40x128xi32, #tpu.memory_space<vmem>> -> memref<1x128xi32, #tpu.memory_space<vmem>>
        %dma_wait3A_233 = tpu.memref_squeeze %dma_wait3A_232 : memref<1x128xi32, #tpu.memory_space<vmem>> -> memref<128xi32, #tpu.memory_space<vmem>>
        %dma_wait3A_234 = arith.constant 0 : i32
        %dma_wait3A_235 = arith.constant 0 : i32
        %dma_wait3A_236 = tpu.memref_slice %arg10[%dma_wait3A_234, %dma_wait3A_235] : memref<10240x128xf32, #tpu.memory_space<vmem_shared>> -> memref<10240x128xf32, #tpu.memory_space<vmem_shared>>
        tpu.wait_indirect_dma semaphore(%run_scoped3A_224 : memref<!tpu.dma_semaphore, #tpu.memory_space<semaphore_mem>>) src(%arg7 : memref<128x128xf32, #tpu.memory_space<vmem>>) dst(%dma_wait3A_236 : memref<10240x128xf32, #tpu.memory_space<vmem_shared>>)
        tpu.yield
      }) : () -> ()
      %add3A_212 = arith.constant 3 : i32
      %add3A_213 = arith.addi %mul3A_177, %add3A_212 : i32
      %dma_start3A_214 = arith.constant 0 : i32
      %dma_start3A_215 = tpu.memref_slice %arg8[%add3A_213, %dma_start3A_214] : memref<40x128xi32, #tpu.memory_space<vmem>> -> memref<1x128xi32, #tpu.memory_space<vmem>>
      %dma_start3A_216 = tpu.memref_squeeze %dma_start3A_215 : memref<1x128xi32, #tpu.memory_space<vmem>> -> memref<128xi32, #tpu.memory_space<vmem>>
      %dma_start3A_217 = arith.constant 0 : i32
      %dma_start3A_218 = arith.constant 0 : i32
      %dma_start3A_219 = tpu.memref_slice %arg2[%arg0, %dma_start3A_217, %dma_start3A_218] : memref<2x10000x128xf32, #tpu.memory_space<hbm>> -> memref<1x10000x128xf32, #tpu.memory_space<hbm>>
      %dma_start3A_220 = tpu.memref_squeeze %dma_start3A_219 : memref<1x10000x128xf32, #tpu.memory_space<hbm>> -> memref<10000x128xf32, #tpu.memory_space<hbm>>
      %dma_start3A_221 = arith.constant 0 : i32
      %dma_start3A_222 = arith.constant 0 : i32
      %dma_start3A_223 = tpu.memref_slice %dma_start3A_220[%dma_start3A_221, %dma_start3A_222] : memref<10000x128xf32, #tpu.memory_space<hbm>> -> memref<10000x128xf32, #tpu.memory_space<hbm>>
      tpu.enqueue_indirect_dma source(%dma_start3A_223 : memref<10000x128xf32, #tpu.memory_space<hbm>>) target(%arg7 : memref<128x128xf32, #tpu.memory_space<vmem>>) offsets(%dma_start3A_216 : memref<128xi32, #tpu.memory_space<vmem>>) semaphore(%arg12 : memref<!tpu.dma_semaphore, #tpu.memory_space<semaphore_mem>>)
    }
    %scan3A_93 = arith.constant 19 : i32
    %dma_wait3A_94 = arith.constant 38 : i32
    %dma_wait3A_95 = arith.constant 0 : i32
    %dma_wait3A_96 = tpu.memref_slice %arg8[%dma_wait3A_94, %dma_wait3A_95] : memref<40x128xi32, #tpu.memory_space<vmem>> -> memref<1x128xi32, #tpu.memory_space<vmem>>
    %dma_wait3A_97 = tpu.memref_squeeze %dma_wait3A_96 : memref<1x128xi32, #tpu.memory_space<vmem>> -> memref<128xi32, #tpu.memory_space<vmem>>
    %dma_wait3A_98 = arith.constant 0 : i32
    %dma_wait3A_99 = arith.constant 0 : i32
    %dma_wait3A_100 = tpu.memref_slice %arg2[%arg0, %dma_wait3A_98, %dma_wait3A_99] : memref<2x10000x128xf32, #tpu.memory_space<hbm>> -> memref<1x10000x128xf32, #tpu.memory_space<hbm>>
    %dma_wait3A_101 = tpu.memref_squeeze %dma_wait3A_100 : memref<1x10000x128xf32, #tpu.memory_space<hbm>> -> memref<10000x128xf32, #tpu.memory_space<hbm>>
    %dma_wait3A_102 = arith.constant 0 : i32
    %dma_wait3A_103 = arith.constant 0 : i32
    %dma_wait3A_104 = tpu.memref_slice %dma_wait3A_101[%dma_wait3A_102, %dma_wait3A_103] : memref<10000x128xf32, #tpu.memory_space<hbm>> -> memref<10000x128xf32, #tpu.memory_space<hbm>>
    tpu.wait_indirect_dma semaphore(%arg11 : memref<!tpu.dma_semaphore, #tpu.memory_space<semaphore_mem>>) src(%dma_wait3A_104 : memref<10000x128xf32, #tpu.memory_space<hbm>>) dst(%arg6 : memref<128x128xf32, #tpu.memory_space<vmem>>)
    %run_scoped3A = arith.constant 38 : i32
    "tpu.region"() ({
      %run_scoped3A_171 = tpu.sem_alloc : memref<!tpu.dma_semaphore, #tpu.memory_space<semaphore_mem>>
      %dma_start3A_172 = arith.constant 0 : i32
      %dma_start3A_173 = tpu.memref_slice %arg9[%run_scoped3A, %dma_start3A_172] : memref<40x128xi32, #tpu.memory_space<vmem>> -> memref<1x128xi32, #tpu.memory_space<vmem>>
      %dma_start3A_174 = tpu.memref_squeeze %dma_start3A_173 : memref<1x128xi32, #tpu.memory_space<vmem>> -> memref<128xi32, #tpu.memory_space<vmem>>
      %dma_start3A_175 = arith.constant 0 : i32
      %dma_start3A_176 = arith.constant 0 : i32
      %dma_start3A_177 = tpu.memref_slice %arg10[%dma_start3A_175, %dma_start3A_176] : memref<10240x128xf32, #tpu.memory_space<vmem_shared>> -> memref<10240x128xf32, #tpu.memory_space<vmem_shared>>
      tpu.enqueue_indirect_dma source(%arg6 : memref<128x128xf32, #tpu.memory_space<vmem>>) target(%dma_start3A_177 : memref<10240x128xf32, #tpu.memory_space<vmem_shared>>) offsets(%dma_start3A_174 : memref<128xi32, #tpu.memory_space<vmem>>) semaphore(%run_scoped3A_171 : memref<!tpu.dma_semaphore, #tpu.memory_space<semaphore_mem>>) {add = true}
      %dma_wait3A_178 = arith.constant 0 : i32
      %dma_wait3A_179 = tpu.memref_slice %arg9[%run_scoped3A, %dma_wait3A_178] : memref<40x128xi32, #tpu.memory_space<vmem>> -> memref<1x128xi32, #tpu.memory_space<vmem>>
      %dma_wait3A_180 = tpu.memref_squeeze %dma_wait3A_179 : memref<1x128xi32, #tpu.memory_space<vmem>> -> memref<128xi32, #tpu.memory_space<vmem>>
      %dma_wait3A_181 = arith.constant 0 : i32
      %dma_wait3A_182 = arith.constant 0 : i32
      %dma_wait3A_183 = tpu.memref_slice %arg10[%dma_wait3A_181, %dma_wait3A_182] : memref<10240x128xf32, #tpu.memory_space<vmem_shared>> -> memref<10240x128xf32, #tpu.memory_space<vmem_shared>>
      tpu.wait_indirect_dma semaphore(%run_scoped3A_171 : memref<!tpu.dma_semaphore, #tpu.memory_space<semaphore_mem>>) src(%arg6 : memref<128x128xf32, #tpu.memory_space<vmem>>) dst(%dma_wait3A_183 : memref<10240x128xf32, #tpu.memory_space<vmem_shared>>)
      tpu.yield
    }) : () -> ()
    %dma_wait3A_105 = arith.constant 39 : i32
    %dma_wait3A_106 = arith.constant 0 : i32
    %dma_wait3A_107 = tpu.memref_slice %arg8[%dma_wait3A_105, %dma_wait3A_106] : memref<40x128xi32, #tpu.memory_space<vmem>> -> memref<1x128xi32, #tpu.memory_space<vmem>>
    %dma_wait3A_108 = tpu.memref_squeeze %dma_wait3A_107 : memref<1x128xi32, #tpu.memory_space<vmem>> -> memref<128xi32, #tpu.memory_space<vmem>>
    %dma_wait3A_109 = arith.constant 0 : i32
    %dma_wait3A_110 = arith.constant 0 : i32
    %dma_wait3A_111 = tpu.memref_slice %arg2[%arg0, %dma_wait3A_109, %dma_wait3A_110] : memref<2x10000x128xf32, #tpu.memory_space<hbm>> -> memref<1x10000x128xf32, #tpu.memory_space<hbm>>
    %dma_wait3A_112 = tpu.memref_squeeze %dma_wait3A_111 : memref<1x10000x128xf32, #tpu.memory_space<hbm>> -> memref<10000x128xf32, #tpu.memory_space<hbm>>
    %dma_wait3A_113 = arith.constant 0 : i32
    %dma_wait3A_114 = arith.constant 0 : i32
    %dma_wait3A_115 = tpu.memref_slice %dma_wait3A_112[%dma_wait3A_113, %dma_wait3A_114] : memref<10000x128xf32, #tpu.memory_space<hbm>> -> memref<10000x128xf32, #tpu.memory_space<hbm>>
    tpu.wait_indirect_dma semaphore(%arg12 : memref<!tpu.dma_semaphore, #tpu.memory_space<semaphore_mem>>) src(%dma_wait3A_115 : memref<10000x128xf32, #tpu.memory_space<hbm>>) dst(%arg7 : memref<128x128xf32, #tpu.memory_space<vmem>>)
    %run_scoped3A_116 = arith.constant 39 : i32
    "tpu.region"() ({
      %run_scoped3A_171 = tpu.sem_alloc : memref<!tpu.dma_semaphore, #tpu.memory_space<semaphore_mem>>
      %dma_start3A_172 = arith.constant 0 : i32
      %dma_start3A_173 = tpu.memref_slice %arg9[%run_scoped3A_116, %dma_start3A_172] : memref<40x128xi32, #tpu.memory_space<vmem>> -> memref<1x128xi32, #tpu.memory_space<vmem>>
      %dma_start3A_174 = tpu.memref_squeeze %dma_start3A_173 : memref<1x128xi32, #tpu.memory_space<vmem>> -> memref<128xi32, #tpu.memory_space<vmem>>
      %dma_start3A_175 = arith.constant 0 : i32
      %dma_start3A_176 = arith.constant 0 : i32
      %dma_start3A_177 = tpu.memref_slice %arg10[%dma_start3A_175, %dma_start3A_176] : memref<10240x128xf32, #tpu.memory_space<vmem_shared>> -> memref<10240x128xf32, #tpu.memory_space<vmem_shared>>
      tpu.enqueue_indirect_dma source(%arg7 : memref<128x128xf32, #tpu.memory_space<vmem>>) target(%dma_start3A_177 : memref<10240x128xf32, #tpu.memory_space<vmem_shared>>) offsets(%dma_start3A_174 : memref<128xi32, #tpu.memory_space<vmem>>) semaphore(%run_scoped3A_171 : memref<!tpu.dma_semaphore, #tpu.memory_space<semaphore_mem>>) {add = true}
      %dma_wait3A_178 = arith.constant 0 : i32
      %dma_wait3A_179 = tpu.memref_slice %arg9[%run_scoped3A_116, %dma_wait3A_178] : memref<40x128xi32, #tpu.memory_space<vmem>> -> memref<1x128xi32, #tpu.memory_space<vmem>>
      %dma_wait3A_180 = tpu.memref_squeeze %dma_wait3A_179 : memref<1x128xi32, #tpu.memory_space<vmem>> -> memref<128xi32, #tpu.memory_space<vmem>>
      %dma_wait3A_181 = arith.constant 0 : i32
      %dma_wait3A_182 = arith.constant 0 : i32
      %dma_wait3A_183 = tpu.memref_slice %arg10[%dma_wait3A_181, %dma_wait3A_182] : memref<10240x128xf32, #tpu.memory_space<vmem_shared>> -> memref<10240x128xf32, #tpu.memory_space<vmem_shared>>
      tpu.wait_indirect_dma semaphore(%run_scoped3A_171 : memref<!tpu.dma_semaphore, #tpu.memory_space<semaphore_mem>>) src(%arg7 : memref<128x128xf32, #tpu.memory_space<vmem>>) dst(%dma_wait3A_183 : memref<10240x128xf32, #tpu.memory_space<vmem_shared>>)
      tpu.yield
    }) : () -> ()
    %add3A_117 = arith.constant 40 : i32
    %add3A_118 = arith.addi %mul3A_64, %add3A_117 : i32
    "tpu.region"() ({
      %run_scoped3A_171 = tpu.sem_alloc : memref<!tpu.dma_semaphore, #tpu.memory_space<semaphore_mem>>
      %dma_start3A_172 = arith.constant 0 : i32
      %dma_start3A_173 = tpu.memref_slice %arg3[%add3A_118, %dma_start3A_172] : memref<1280x128xi32, #tpu.memory_space<hbm>> -> memref<40x128xi32, #tpu.memory_space<hbm>>
      %dma_start3A_174 = arith.constant 0 : i32
      %dma_start3A_175 = tpu.memref_slice %arg3[%add3A_118, %dma_start3A_174] : memref<1280x128xi32, #tpu.memory_space<hbm>> -> memref<40x128xi32, #tpu.memory_space<hbm>>
      tpu.enqueue_dma source(%dma_start3A_175 : memref<40x128xi32, #tpu.memory_space<hbm>>) target(%arg8 : memref<40x128xi32, #tpu.memory_space<vmem>>) target_semaphore(%run_scoped3A_171 : memref<!tpu.dma_semaphore, #tpu.memory_space<semaphore_mem>>)
      %dma_wait3A_176 = arith.constant 0 : i32
      %dma_wait3A_177 = tpu.memref_slice %arg3[%add3A_118, %dma_wait3A_176] : memref<1280x128xi32, #tpu.memory_space<hbm>> -> memref<40x128xi32, #tpu.memory_space<hbm>>
      %dma_wait3A_178 = arith.constant 0 : i32
      %dma_wait3A_179 = tpu.memref_slice %arg3[%add3A_118, %dma_wait3A_178] : memref<1280x128xi32, #tpu.memory_space<hbm>> -> memref<40x128xi32, #tpu.memory_space<hbm>>
      tpu.wait_dma2 semaphore(%run_scoped3A_171 : memref<!tpu.dma_semaphore, #tpu.memory_space<semaphore_mem>>) src(%dma_wait3A_179 : memref<40x128xi32, #tpu.memory_space<hbm>>) dst(%arg8 : memref<40x128xi32, #tpu.memory_space<vmem>>)
      tpu.yield
    }) : () -> ()
    "tpu.region"() ({
      %run_scoped3A_171 = tpu.sem_alloc : memref<!tpu.dma_semaphore, #tpu.memory_space<semaphore_mem>>
      %dma_start3A_172 = arith.constant 0 : i32
      %dma_start3A_173 = tpu.memref_slice %arg4[%add3A_118, %dma_start3A_172] : memref<1280x128xi32, #tpu.memory_space<hbm>> -> memref<40x128xi32, #tpu.memory_space<hbm>>
      %dma_start3A_174 = arith.constant 0 : i32
      %dma_start3A_175 = tpu.memref_slice %arg4[%add3A_118, %dma_start3A_174] : memref<1280x128xi32, #tpu.memory_space<hbm>> -> memref<40x128xi32, #tpu.memory_space<hbm>>
      tpu.enqueue_dma source(%dma_start3A_175 : memref<40x128xi32, #tpu.memory_space<hbm>>) target(%arg9 : memref<40x128xi32, #tpu.memory_space<vmem>>) target_semaphore(%run_scoped3A_171 : memref<!tpu.dma_semaphore, #tpu.memory_space<semaphore_mem>>)
      %dma_wait3A_176 = arith.constant 0 : i32
      %dma_wait3A_177 = tpu.memref_slice %arg4[%add3A_118, %dma_wait3A_176] : memref<1280x128xi32, #tpu.memory_space<hbm>> -> memref<40x128xi32, #tpu.memory_space<hbm>>
      %dma_wait3A_178 = arith.constant 0 : i32
      %dma_wait3A_179 = tpu.memref_slice %arg4[%add3A_118, %dma_wait3A_178] : memref<1280x128xi32, #tpu.memory_space<hbm>> -> memref<40x128xi32, #tpu.memory_space<hbm>>
      tpu.wait_dma2 semaphore(%run_scoped3A_171 : memref<!tpu.dma_semaphore, #tpu.memory_space<semaphore_mem>>) src(%dma_wait3A_179 : memref<40x128xi32, #tpu.memory_space<hbm>>) dst(%arg9 : memref<40x128xi32, #tpu.memory_space<vmem>>)
      tpu.yield
    }) : () -> ()
    %dma_start3A_119 = arith.constant 0 : i32
    %dma_start3A_120 = arith.constant 0 : i32
    %dma_start3A_121 = tpu.memref_slice %arg8[%dma_start3A_119, %dma_start3A_120] : memref<40x128xi32, #tpu.memory_space<vmem>> -> memref<1x128xi32, #tpu.memory_space<vmem>>
    %dma_start3A_122 = tpu.memref_squeeze %dma_start3A_121 : memref<1x128xi32, #tpu.memory_space<vmem>> -> memref<128xi32, #tpu.memory_space<vmem>>
    %dma_start3A_123 = arith.constant 0 : i32
    %dma_start3A_124 = arith.constant 0 : i32
    %dma_start3A_125 = tpu.memref_slice %arg2[%arg0, %dma_start3A_123, %dma_start3A_124] : memref<2x10000x128xf32, #tpu.memory_space<hbm>> -> memref<1x10000x128xf32, #tpu.memory_space<hbm>>
    %dma_start3A_126 = tpu.memref_squeeze %dma_start3A_125 : memref<1x10000x128xf32, #tpu.memory_space<hbm>> -> memref<10000x128xf32, #tpu.memory_space<hbm>>
    %dma_start3A_127 = arith.constant 0 : i32
    %dma_start3A_128 = arith.constant 0 : i32
    %dma_start3A_129 = tpu.memref_slice %dma_start3A_126[%dma_start3A_127, %dma_start3A_128] : memref<10000x128xf32, #tpu.memory_space<hbm>> -> memref<10000x128xf32, #tpu.memory_space<hbm>>
    tpu.enqueue_indirect_dma source(%dma_start3A_129 : memref<10000x128xf32, #tpu.memory_space<hbm>>) target(%arg6 : memref<128x128xf32, #tpu.memory_space<vmem>>) offsets(%dma_start3A_122 : memref<128xi32, #tpu.memory_space<vmem>>) semaphore(%arg11 : memref<!tpu.dma_semaphore, #tpu.memory_space<semaphore_mem>>)
    %dma_start3A_130 = arith.constant 1 : i32
    %dma_start3A_131 = arith.constant 0 : i32
    %dma_start3A_132 = tpu.memref_slice %arg8[%dma_start3A_130, %dma_start3A_131] : memref<40x128xi32, #tpu.memory_space<vmem>> -> memref<1x128xi32, #tpu.memory_space<vmem>>
    %dma_start3A_133 = tpu.memref_squeeze %dma_start3A_132 : memref<1x128xi32, #tpu.memory_space<vmem>> -> memref<128xi32, #tpu.memory_space<vmem>>
    %dma_start3A_134 = arith.constant 0 : i32
    %dma_start3A_135 = arith.constant 0 : i32
    %dma_start3A_136 = tpu.memref_slice %arg2[%arg0, %dma_start3A_134, %dma_start3A_135] : memref<2x10000x128xf32, #tpu.memory_space<hbm>> -> memref<1x10000x128xf32, #tpu.memory_space<hbm>>
    %dma_start3A_137 = tpu.memref_squeeze %dma_start3A_136 : memref<1x10000x128xf32, #tpu.memory_space<hbm>> -> memref<10000x128xf32, #tpu.memory_space<hbm>>
    %dma_start3A_138 = arith.constant 0 : i32
    %dma_start3A_139 = arith.constant 0 : i32
    %dma_start3A_140 = tpu.memref_slice %dma_start3A_137[%dma_start3A_138, %dma_start3A_139] : memref<10000x128xf32, #tpu.memory_space<hbm>> -> memref<10000x128xf32, #tpu.memory_space<hbm>>
    tpu.enqueue_indirect_dma source(%dma_start3A_140 : memref<10000x128xf32, #tpu.memory_space<hbm>>) target(%arg7 : memref<128x128xf32, #tpu.memory_space<vmem>>) offsets(%dma_start3A_133 : memref<128xi32, #tpu.memory_space<vmem>>) semaphore(%arg12 : memref<!tpu.dma_semaphore, #tpu.memory_space<semaphore_mem>>)
    %scan3A_141 = arith.constant 0 : i32
    %scan3A_142 = arith.constant 19 : i32
    %scan3A_143 = arith.addi %scan3A_141, %scan3A_142 : i32
    %scan3A_144 = arith.constant 1 : i32
    scf.for %scan3A_171 = %scan3A_141 to %scan3A_143 step %scan3A_144  : i32 {
      %mul3A_172 = arith.constant 1 : i32
      %mul3A_173 = arith.muli %scan3A_171, %mul3A_172 : i32
      %add3A_174 = arith.constant 0 : i32
      %add3A_175 = arith.addi %add3A_174, %mul3A_173 : i32
      %mul3A_176 = arith.constant 2 : i32
      %mul3A_177 = arith.muli %mul3A_176, %add3A_175 : i32
      %dma_wait3A_178 = arith.constant 0 : i32
      %dma_wait3A_179 = tpu.memref_slice %arg8[%mul3A_177, %dma_wait3A_178] : memref<40x128xi32, #tpu.memory_space<vmem>> -> memref<1x128xi32, #tpu.memory_space<vmem>>
      %dma_wait3A_180 = tpu.memref_squeeze %dma_wait3A_179 : memref<1x128xi32, #tpu.memory_space<vmem>> -> memref<128xi32, #tpu.memory_space<vmem>>
      %dma_wait3A_181 = arith.constant 0 : i32
      %dma_wait3A_182 = arith.constant 0 : i32
      %dma_wait3A_183 = tpu.memref_slice %arg2[%arg0, %dma_wait3A_181, %dma_wait3A_182] : memref<2x10000x128xf32, #tpu.memory_space<hbm>> -> memref<1x10000x128xf32, #tpu.memory_space<hbm>>
      %dma_wait3A_184 = tpu.memref_squeeze %dma_wait3A_183 : memref<1x10000x128xf32, #tpu.memory_space<hbm>> -> memref<10000x128xf32, #tpu.memory_space<hbm>>
      %dma_wait3A_185 = arith.constant 0 : i32
      %dma_wait3A_186 = arith.constant 0 : i32
      %dma_wait3A_187 = tpu.memref_slice %dma_wait3A_184[%dma_wait3A_185, %dma_wait3A_186] : memref<10000x128xf32, #tpu.memory_space<hbm>> -> memref<10000x128xf32, #tpu.memory_space<hbm>>
      tpu.wait_indirect_dma semaphore(%arg11 : memref<!tpu.dma_semaphore, #tpu.memory_space<semaphore_mem>>) src(%dma_wait3A_187 : memref<10000x128xf32, #tpu.memory_space<hbm>>) dst(%arg6 : memref<128x128xf32, #tpu.memory_space<vmem>>)
      "tpu.region"() ({
        %run_scoped3A_224 = tpu.sem_alloc : memref<!tpu.dma_semaphore, #tpu.memory_space<semaphore_mem>>
        %dma_start3A_225 = arith.constant 0 : i32
        %dma_start3A_226 = tpu.memref_slice %arg9[%mul3A_177, %dma_start3A_225] : memref<40x128xi32, #tpu.memory_space<vmem>> -> memref<1x128xi32, #tpu.memory_space<vmem>>
        %dma_start3A_227 = tpu.memref_squeeze %dma_start3A_226 : memref<1x128xi32, #tpu.memory_space<vmem>> -> memref<128xi32, #tpu.memory_space<vmem>>
        %dma_start3A_228 = arith.constant 0 : i32
        %dma_start3A_229 = arith.constant 0 : i32
        %dma_start3A_230 = tpu.memref_slice %arg10[%dma_start3A_228, %dma_start3A_229] : memref<10240x128xf32, #tpu.memory_space<vmem_shared>> -> memref<10240x128xf32, #tpu.memory_space<vmem_shared>>
        tpu.enqueue_indirect_dma source(%arg6 : memref<128x128xf32, #tpu.memory_space<vmem>>) target(%dma_start3A_230 : memref<10240x128xf32, #tpu.memory_space<vmem_shared>>) offsets(%dma_start3A_227 : memref<128xi32, #tpu.memory_space<vmem>>) semaphore(%run_scoped3A_224 : memref<!tpu.dma_semaphore, #tpu.memory_space<semaphore_mem>>) {add = true}
        %dma_wait3A_231 = arith.constant 0 : i32
        %dma_wait3A_232 = tpu.memref_slice %arg9[%mul3A_177, %dma_wait3A_231] : memref<40x128xi32, #tpu.memory_space<vmem>> -> memref<1x128xi32, #tpu.memory_space<vmem>>
        %dma_wait3A_233 = tpu.memref_squeeze %dma_wait3A_232 : memref<1x128xi32, #tpu.memory_space<vmem>> -> memref<128xi32, #tpu.memory_space<vmem>>
        %dma_wait3A_234 = arith.constant 0 : i32
        %dma_wait3A_235 = arith.constant 0 : i32
        %dma_wait3A_236 = tpu.memref_slice %arg10[%dma_wait3A_234, %dma_wait3A_235] : memref<10240x128xf32, #tpu.memory_space<vmem_shared>> -> memref<10240x128xf32, #tpu.memory_space<vmem_shared>>
        tpu.wait_indirect_dma semaphore(%run_scoped3A_224 : memref<!tpu.dma_semaphore, #tpu.memory_space<semaphore_mem>>) src(%arg6 : memref<128x128xf32, #tpu.memory_space<vmem>>) dst(%dma_wait3A_236 : memref<10240x128xf32, #tpu.memory_space<vmem_shared>>)
        tpu.yield
      }) : () -> ()
      %add3A_188 = arith.constant 2 : i32
      %add3A_189 = arith.addi %mul3A_177, %add3A_188 : i32
      %dma_start3A_190 = arith.constant 0 : i32
      %dma_start3A_191 = tpu.memref_slice %arg8[%add3A_189, %dma_start3A_190] : memref<40x128xi32, #tpu.memory_space<vmem>> -> memref<1x128xi32, #tpu.memory_space<vmem>>
      %dma_start3A_192 = tpu.memref_squeeze %dma_start3A_191 : memref<1x128xi32, #tpu.memory_space<vmem>> -> memref<128xi32, #tpu.memory_space<vmem>>
      %dma_start3A_193 = arith.constant 0 : i32
      %dma_start3A_194 = arith.constant 0 : i32
      %dma_start3A_195 = tpu.memref_slice %arg2[%arg0, %dma_start3A_193, %dma_start3A_194] : memref<2x10000x128xf32, #tpu.memory_space<hbm>> -> memref<1x10000x128xf32, #tpu.memory_space<hbm>>
      %dma_start3A_196 = tpu.memref_squeeze %dma_start3A_195 : memref<1x10000x128xf32, #tpu.memory_space<hbm>> -> memref<10000x128xf32, #tpu.memory_space<hbm>>
      %dma_start3A_197 = arith.constant 0 : i32
      %dma_start3A_198 = arith.constant 0 : i32
      %dma_start3A_199 = tpu.memref_slice %dma_start3A_196[%dma_start3A_197, %dma_start3A_198] : memref<10000x128xf32, #tpu.memory_space<hbm>> -> memref<10000x128xf32, #tpu.memory_space<hbm>>
      tpu.enqueue_indirect_dma source(%dma_start3A_199 : memref<10000x128xf32, #tpu.memory_space<hbm>>) target(%arg6 : memref<128x128xf32, #tpu.memory_space<vmem>>) offsets(%dma_start3A_192 : memref<128xi32, #tpu.memory_space<vmem>>) semaphore(%arg11 : memref<!tpu.dma_semaphore, #tpu.memory_space<semaphore_mem>>)
      %add3A_200 = arith.constant 1 : i32
      %add3A_201 = arith.addi %mul3A_177, %add3A_200 : i32
      %dma_wait3A_202 = arith.constant 0 : i32
      %dma_wait3A_203 = tpu.memref_slice %arg8[%add3A_201, %dma_wait3A_202] : memref<40x128xi32, #tpu.memory_space<vmem>> -> memref<1x128xi32, #tpu.memory_space<vmem>>
      %dma_wait3A_204 = tpu.memref_squeeze %dma_wait3A_203 : memref<1x128xi32, #tpu.memory_space<vmem>> -> memref<128xi32, #tpu.memory_space<vmem>>
      %dma_wait3A_205 = arith.constant 0 : i32
      %dma_wait3A_206 = arith.constant 0 : i32
      %dma_wait3A_207 = tpu.memref_slice %arg2[%arg0, %dma_wait3A_205, %dma_wait3A_206] : memref<2x10000x128xf32, #tpu.memory_space<hbm>> -> memref<1x10000x128xf32, #tpu.memory_space<hbm>>
      %dma_wait3A_208 = tpu.memref_squeeze %dma_wait3A_207 : memref<1x10000x128xf32, #tpu.memory_space<hbm>> -> memref<10000x128xf32, #tpu.memory_space<hbm>>
      %dma_wait3A_209 = arith.constant 0 : i32
      %dma_wait3A_210 = arith.constant 0 : i32
      %dma_wait3A_211 = tpu.memref_slice %dma_wait3A_208[%dma_wait3A_209, %dma_wait3A_210] : memref<10000x128xf32, #tpu.memory_space<hbm>> -> memref<10000x128xf32, #tpu.memory_space<hbm>>
      tpu.wait_indirect_dma semaphore(%arg12 : memref<!tpu.dma_semaphore, #tpu.memory_space<semaphore_mem>>) src(%dma_wait3A_211 : memref<10000x128xf32, #tpu.memory_space<hbm>>) dst(%arg7 : memref<128x128xf32, #tpu.memory_space<vmem>>)
      "tpu.region"() ({
        %run_scoped3A_224 = tpu.sem_alloc : memref<!tpu.dma_semaphore, #tpu.memory_space<semaphore_mem>>
        %dma_start3A_225 = arith.constant 0 : i32
        %dma_start3A_226 = tpu.memref_slice %arg9[%add3A_201, %dma_start3A_225] : memref<40x128xi32, #tpu.memory_space<vmem>> -> memref<1x128xi32, #tpu.memory_space<vmem>>
        %dma_start3A_227 = tpu.memref_squeeze %dma_start3A_226 : memref<1x128xi32, #tpu.memory_space<vmem>> -> memref<128xi32, #tpu.memory_space<vmem>>
        %dma_start3A_228 = arith.constant 0 : i32
        %dma_start3A_229 = arith.constant 0 : i32
        %dma_start3A_230 = tpu.memref_slice %arg10[%dma_start3A_228, %dma_start3A_229] : memref<10240x128xf32, #tpu.memory_space<vmem_shared>> -> memref<10240x128xf32, #tpu.memory_space<vmem_shared>>
        tpu.enqueue_indirect_dma source(%arg7 : memref<128x128xf32, #tpu.memory_space<vmem>>) target(%dma_start3A_230 : memref<10240x128xf32, #tpu.memory_space<vmem_shared>>) offsets(%dma_start3A_227 : memref<128xi32, #tpu.memory_space<vmem>>) semaphore(%run_scoped3A_224 : memref<!tpu.dma_semaphore, #tpu.memory_space<semaphore_mem>>) {add = true}
        %dma_wait3A_231 = arith.constant 0 : i32
        %dma_wait3A_232 = tpu.memref_slice %arg9[%add3A_201, %dma_wait3A_231] : memref<40x128xi32, #tpu.memory_space<vmem>> -> memref<1x128xi32, #tpu.memory_space<vmem>>
        %dma_wait3A_233 = tpu.memref_squeeze %dma_wait3A_232 : memref<1x128xi32, #tpu.memory_space<vmem>> -> memref<128xi32, #tpu.memory_space<vmem>>
        %dma_wait3A_234 = arith.constant 0 : i32
        %dma_wait3A_235 = arith.constant 0 : i32
        %dma_wait3A_236 = tpu.memref_slice %arg10[%dma_wait3A_234, %dma_wait3A_235] : memref<10240x128xf32, #tpu.memory_space<vmem_shared>> -> memref<10240x128xf32, #tpu.memory_space<vmem_shared>>
        tpu.wait_indirect_dma semaphore(%run_scoped3A_224 : memref<!tpu.dma_semaphore, #tpu.memory_space<semaphore_mem>>) src(%arg7 : memref<128x128xf32, #tpu.memory_space<vmem>>) dst(%dma_wait3A_236 : memref<10240x128xf32, #tpu.memory_space<vmem_shared>>)
        tpu.yield
      }) : () -> ()
      %add3A_212 = arith.constant 3 : i32
      %add3A_213 = arith.addi %mul3A_177, %add3A_212 : i32
      %dma_start3A_214 = arith.constant 0 : i32
      %dma_start3A_215 = tpu.memref_slice %arg8[%add3A_213, %dma_start3A_214] : memref<40x128xi32, #tpu.memory_space<vmem>> -> memref<1x128xi32, #tpu.memory_space<vmem>>
      %dma_start3A_216 = tpu.memref_squeeze %dma_start3A_215 : memref<1x128xi32, #tpu.memory_space<vmem>> -> memref<128xi32, #tpu.memory_space<vmem>>
      %dma_start3A_217 = arith.constant 0 : i32
      %dma_start3A_218 = arith.constant 0 : i32
      %dma_start3A_219 = tpu.memref_slice %arg2[%arg0, %dma_start3A_217, %dma_start3A_218] : memref<2x10000x128xf32, #tpu.memory_space<hbm>> -> memref<1x10000x128xf32, #tpu.memory_space<hbm>>
      %dma_start3A_220 = tpu.memref_squeeze %dma_start3A_219 : memref<1x10000x128xf32, #tpu.memory_space<hbm>> -> memref<10000x128xf32, #tpu.memory_space<hbm>>
      %dma_start3A_221 = arith.constant 0 : i32
      %dma_start3A_222 = arith.constant 0 : i32
      %dma_start3A_223 = tpu.memref_slice %dma_start3A_220[%dma_start3A_221, %dma_start3A_222] : memref<10000x128xf32, #tpu.memory_space<hbm>> -> memref<10000x128xf32, #tpu.memory_space<hbm>>
      tpu.enqueue_indirect_dma source(%dma_start3A_223 : memref<10000x128xf32, #tpu.memory_space<hbm>>) target(%arg7 : memref<128x128xf32, #tpu.memory_space<vmem>>) offsets(%dma_start3A_216 : memref<128xi32, #tpu.memory_space<vmem>>) semaphore(%arg12 : memref<!tpu.dma_semaphore, #tpu.memory_space<semaphore_mem>>)
    }
    %scan3A_145 = arith.constant 19 : i32
    %dma_wait3A_146 = arith.constant 38 : i32
    %dma_wait3A_147 = arith.constant 0 : i32
    %dma_wait3A_148 = tpu.memref_slice %arg8[%dma_wait3A_146, %dma_wait3A_147] : memref<40x128xi32, #tpu.memory_space<vmem>> -> memref<1x128xi32, #tpu.memory_space<vmem>>
    %dma_wait3A_149 = tpu.memref_squeeze %dma_wait3A_148 : memref<1x128xi32, #tpu.memory_space<vmem>> -> memref<128xi32, #tpu.memory_space<vmem>>
    %dma_wait3A_150 = arith.constant 0 : i32
    %dma_wait3A_151 = arith.constant 0 : i32
    %dma_wait3A_152 = tpu.memref_slice %arg2[%arg0, %dma_wait3A_150, %dma_wait3A_151] : memref<2x10000x128xf32, #tpu.memory_space<hbm>> -> memref<1x10000x128xf32, #tpu.memory_space<hbm>>
    %dma_wait3A_153 = tpu.memref_squeeze %dma_wait3A_152 : memref<1x10000x128xf32, #tpu.memory_space<hbm>> -> memref<10000x128xf32, #tpu.memory_space<hbm>>
    %dma_wait3A_154 = arith.constant 0 : i32
    %dma_wait3A_155 = arith.constant 0 : i32
    %dma_wait3A_156 = tpu.memref_slice %dma_wait3A_153[%dma_wait3A_154, %dma_wait3A_155] : memref<10000x128xf32, #tpu.memory_space<hbm>> -> memref<10000x128xf32, #tpu.memory_space<hbm>>
    tpu.wait_indirect_dma semaphore(%arg11 : memref<!tpu.dma_semaphore, #tpu.memory_space<semaphore_mem>>) src(%dma_wait3A_156 : memref<10000x128xf32, #tpu.memory_space<hbm>>) dst(%arg6 : memref<128x128xf32, #tpu.memory_space<vmem>>)
    %run_scoped3A_157 = arith.constant 38 : i32
    "tpu.region"() ({
      %run_scoped3A_171 = tpu.sem_alloc : memref<!tpu.dma_semaphore, #tpu.memory_space<semaphore_mem>>
      %dma_start3A_172 = arith.constant 0 : i32
      %dma_start3A_173 = tpu.memref_slice %arg9[%run_scoped3A_157, %dma_start3A_172] : memref<40x128xi32, #tpu.memory_space<vmem>> -> memref<1x128xi32, #tpu.memory_space<vmem>>
      %dma_start3A_174 = tpu.memref_squeeze %dma_start3A_173 : memref<1x128xi32, #tpu.memory_space<vmem>> -> memref<128xi32, #tpu.memory_space<vmem>>
      %dma_start3A_175 = arith.constant 0 : i32
      %dma_start3A_176 = arith.constant 0 : i32
      %dma_start3A_177 = tpu.memref_slice %arg10[%dma_start3A_175, %dma_start3A_176] : memref<10240x128xf32, #tpu.memory_space<vmem_shared>> -> memref<10240x128xf32, #tpu.memory_space<vmem_shared>>
      tpu.enqueue_indirect_dma source(%arg6 : memref<128x128xf32, #tpu.memory_space<vmem>>) target(%dma_start3A_177 : memref<10240x128xf32, #tpu.memory_space<vmem_shared>>) offsets(%dma_start3A_174 : memref<128xi32, #tpu.memory_space<vmem>>) semaphore(%run_scoped3A_171 : memref<!tpu.dma_semaphore, #tpu.memory_space<semaphore_mem>>) {add = true}
      %dma_wait3A_178 = arith.constant 0 : i32
      %dma_wait3A_179 = tpu.memref_slice %arg9[%run_scoped3A_157, %dma_wait3A_178] : memref<40x128xi32, #tpu.memory_space<vmem>> -> memref<1x128xi32, #tpu.memory_space<vmem>>
      %dma_wait3A_180 = tpu.memref_squeeze %dma_wait3A_179 : memref<1x128xi32, #tpu.memory_space<vmem>> -> memref<128xi32, #tpu.memory_space<vmem>>
      %dma_wait3A_181 = arith.constant 0 : i32
      %dma_wait3A_182 = arith.constant 0 : i32
      %dma_wait3A_183 = tpu.memref_slice %arg10[%dma_wait3A_181, %dma_wait3A_182] : memref<10240x128xf32, #tpu.memory_space<vmem_shared>> -> memref<10240x128xf32, #tpu.memory_space<vmem_shared>>
      tpu.wait_indirect_dma semaphore(%run_scoped3A_171 : memref<!tpu.dma_semaphore, #tpu.memory_space<semaphore_mem>>) src(%arg6 : memref<128x128xf32, #tpu.memory_space<vmem>>) dst(%dma_wait3A_183 : memref<10240x128xf32, #tpu.memory_space<vmem_shared>>)
      tpu.yield
    }) : () -> ()
    %dma_wait3A_158 = arith.constant 39 : i32
    %dma_wait3A_159 = arith.constant 0 : i32
    %dma_wait3A_160 = tpu.memref_slice %arg8[%dma_wait3A_158, %dma_wait3A_159] : memref<40x128xi32, #tpu.memory_space<vmem>> -> memref<1x128xi32, #tpu.memory_space<vmem>>
    %dma_wait3A_161 = tpu.memref_squeeze %dma_wait3A_160 : memref<1x128xi32, #tpu.memory_space<vmem>> -> memref<128xi32, #tpu.memory_space<vmem>>
    %dma_wait3A_162 = arith.constant 0 : i32
    %dma_wait3A_163 = arith.constant 0 : i32
    %dma_wait3A_164 = tpu.memref_slice %arg2[%arg0, %dma_wait3A_162, %dma_wait3A_163] : memref<2x10000x128xf32, #tpu.memory_space<hbm>> -> memref<1x10000x128xf32, #tpu.memory_space<hbm>>
    %dma_wait3A_165 = tpu.memref_squeeze %dma_wait3A_164 : memref<1x10000x128xf32, #tpu.memory_space<hbm>> -> memref<10000x128xf32, #tpu.memory_space<hbm>>
    %dma_wait3A_166 = arith.constant 0 : i32
    %dma_wait3A_167 = arith.constant 0 : i32
    %dma_wait3A_168 = tpu.memref_slice %dma_wait3A_165[%dma_wait3A_166, %dma_wait3A_167] : memref<10000x128xf32, #tpu.memory_space<hbm>> -> memref<10000x128xf32, #tpu.memory_space<hbm>>
    tpu.wait_indirect_dma semaphore(%arg12 : memref<!tpu.dma_semaphore, #tpu.memory_space<semaphore_mem>>) src(%dma_wait3A_168 : memref<10000x128xf32, #tpu.memory_space<hbm>>) dst(%arg7 : memref<128x128xf32, #tpu.memory_space<vmem>>)
    %run_scoped3A_169 = arith.constant 39 : i32
    "tpu.region"() ({
      %run_scoped3A_171 = tpu.sem_alloc : memref<!tpu.dma_semaphore, #tpu.memory_space<semaphore_mem>>
      %dma_start3A_172 = arith.constant 0 : i32
      %dma_start3A_173 = tpu.memref_slice %arg9[%run_scoped3A_169, %dma_start3A_172] : memref<40x128xi32, #tpu.memory_space<vmem>> -> memref<1x128xi32, #tpu.memory_space<vmem>>
      %dma_start3A_174 = tpu.memref_squeeze %dma_start3A_173 : memref<1x128xi32, #tpu.memory_space<vmem>> -> memref<128xi32, #tpu.memory_space<vmem>>
      %dma_start3A_175 = arith.constant 0 : i32
      %dma_start3A_176 = arith.constant 0 : i32
      %dma_start3A_177 = tpu.memref_slice %arg10[%dma_start3A_175, %dma_start3A_176] : memref<10240x128xf32, #tpu.memory_space<vmem_shared>> -> memref<10240x128xf32, #tpu.memory_space<vmem_shared>>
      tpu.enqueue_indirect_dma source(%arg7 : memref<128x128xf32, #tpu.memory_space<vmem>>) target(%dma_start3A_177 : memref<10240x128xf32, #tpu.memory_space<vmem_shared>>) offsets(%dma_start3A_174 : memref<128xi32, #tpu.memory_space<vmem>>) semaphore(%run_scoped3A_171 : memref<!tpu.dma_semaphore, #tpu.memory_space<semaphore_mem>>) {add = true}
      %dma_wait3A_178 = arith.constant 0 : i32
      %dma_wait3A_179 = tpu.memref_slice %arg9[%run_scoped3A_169, %dma_wait3A_178] : memref<40x128xi32, #tpu.memory_space<vmem>> -> memref<1x128xi32, #tpu.memory_space<vmem>>
      %dma_wait3A_180 = tpu.memref_squeeze %dma_wait3A_179 : memref<1x128xi32, #tpu.memory_space<vmem>> -> memref<128xi32, #tpu.memory_space<vmem>>
      %dma_wait3A_181 = arith.constant 0 : i32
      %dma_wait3A_182 = arith.constant 0 : i32
      %dma_wait3A_183 = tpu.memref_slice %arg10[%dma_wait3A_181, %dma_wait3A_182] : memref<10240x128xf32, #tpu.memory_space<vmem_shared>> -> memref<10240x128xf32, #tpu.memory_space<vmem_shared>>
      tpu.wait_indirect_dma semaphore(%run_scoped3A_171 : memref<!tpu.dma_semaphore, #tpu.memory_space<semaphore_mem>>) src(%arg7 : memref<128x128xf32, #tpu.memory_space<vmem>>) dst(%dma_wait3A_183 : memref<10240x128xf32, #tpu.memory_space<vmem_shared>>)
      tpu.yield
    }) : () -> ()
    %barrier3A_170 = arith.constant 0 : index
    tpu.barrier barrier_id(%barrier3A_170)
    "tpu.region"() ({
      %run_scoped3A_171 = tpu.sem_alloc : memref<!tpu.dma_semaphore, #tpu.memory_space<semaphore_mem>>
      %dma_start3A_172 = arith.constant 0 : i32
      %dma_start3A_173 = arith.constant 0 : i32
      %dma_start3A_174 = tpu.memref_slice %arg5[%arg0, %dma_start3A_172, %dma_start3A_173] : memref<2x10240x128xf32, #tpu.memory_space<hbm>> -> memref<1x10240x128xf32, #tpu.memory_space<hbm>>
      %dma_start3A_175 = tpu.memref_squeeze %dma_start3A_174 : memref<1x10240x128xf32, #tpu.memory_space<hbm>> -> memref<10240x128xf32, #tpu.memory_space<hbm>>
      %dma_start3A_176 = arith.constant 0 : i32
      %dma_start3A_177 = tpu.memref_slice %dma_start3A_175[%mul3A_0, %dma_start3A_176] : memref<10240x128xf32, #tpu.memory_space<hbm>> -> memref<640x128xf32, #tpu.memory_space<hbm>>
      %dma_start3A_178 = arith.constant 0 : i32
      %dma_start3A_179 = tpu.memref_slice %arg10[%mul3A_0, %dma_start3A_178] : memref<10240x128xf32, #tpu.memory_space<vmem_shared>> -> memref<640x128xf32, #tpu.memory_space<vmem_shared>>
      tpu.enqueue_dma source(%dma_start3A_179 : memref<640x128xf32, #tpu.memory_space<vmem_shared>>) target(%dma_start3A_177 : memref<640x128xf32, #tpu.memory_space<hbm>>) target_semaphore(%run_scoped3A_171 : memref<!tpu.dma_semaphore, #tpu.memory_space<semaphore_mem>>)
      %dma_wait3A_180 = arith.constant 0 : i32
      %dma_wait3A_181 = arith.constant 0 : i32
      %dma_wait3A_182 = tpu.memref_slice %arg5[%arg0, %dma_wait3A_180, %dma_wait3A_181] : memref<2x10240x128xf32, #tpu.memory_space<hbm>> -> memref<1x10240x128xf32, #tpu.memory_space<hbm>>
      %dma_wait3A_183 = tpu.memref_squeeze %dma_wait3A_182 : memref<1x10240x128xf32, #tpu.memory_space<hbm>> -> memref<10240x128xf32, #tpu.memory_space<hbm>>
      %dma_wait3A_184 = arith.constant 0 : i32
      %dma_wait3A_185 = tpu.memref_slice %dma_wait3A_183[%mul3A_0, %dma_wait3A_184] : memref<10240x128xf32, #tpu.memory_space<hbm>> -> memref<640x128xf32, #tpu.memory_space<hbm>>
      %dma_wait3A_186 = arith.constant 0 : i32
      %dma_wait3A_187 = tpu.memref_slice %arg10[%mul3A_0, %dma_wait3A_186] : memref<10240x128xf32, #tpu.memory_space<vmem_shared>> -> memref<640x128xf32, #tpu.memory_space<vmem_shared>>
      tpu.wait_dma2 semaphore(%run_scoped3A_171 : memref<!tpu.dma_semaphore, #tpu.memory_space<semaphore_mem>>) src(%dma_wait3A_187 : memref<640x128xf32, #tpu.memory_space<vmem_shared>>) dst(%dma_wait3A_185 : memref<640x128xf32, #tpu.memory_space<hbm>>)
      tpu.yield
    }) : () -> ()
    return
  }
}

#map = affine_map<(d0, d1) -> (0, 0, 0)>
#map1 = affine_map<(d0, d1) -> (0, 0)>
module attributes {stable_mosaic.version = 14 : i64} {
  func.func @prop(%arg0: i32, %arg1: i32, %arg2: memref<2x10000x128xf32, #tpu.memory_space<hbm>>, %arg3: memref<1280x128xi32, #tpu.memory_space<hbm>>, %arg4: memref<1280x128xi32, #tpu.memory_space<hbm>>, %arg5: memref<2x10240x128xf32, #tpu.memory_space<hbm>>, %arg6: memref<128x128xf32, #tpu.memory_space<vmem>>, %arg7: memref<128x128xf32, #tpu.memory_space<vmem>>, %arg8: memref<40x128xi32, #tpu.memory_space<vmem>>, %arg9: memref<40x128xi32, #tpu.memory_space<vmem>>, %arg10: memref<10240x128xf32, #tpu.memory_space<vmem_shared>>, %arg11: memref<!tpu.dma_semaphore, #tpu.memory_space<semaphore_mem>>, %arg12: memref<!tpu.dma_semaphore, #tpu.memory_space<semaphore_mem>>) attributes {dimension_semantics = [#tpu.dimension_semantics<core_parallel>, #tpu.dimension_semantics<subcore_parallel>], iteration_bounds = array<i64: 2, 16>, scalar_prefetch = 0 : i64, scratch_operands = 7 : i64, tpu.core_type = #tpu.core_type<sc_vector_subcore>, window_params = [{transform_indices = #map}, {transform_indices = #map1}, {transform_indices = #map1}, {transform_indices = #map}]} {
    %mul3A = arith.constant 640 : i32
    %mul3A_0 = arith.muli %arg1, %mul3A : i32
    %broadcast_in_dim3A = arith.constant 0.000000e+00 : f32
    %broadcast_in_dim3A_1 = vector.broadcast %broadcast_in_dim3A : f32 to vector<16xf32>
    %scan3A = arith.constant 0 : i32
    %scan3A_2 = arith.constant 128 : i32
    %scan3A_3 = arith.addi %scan3A, %scan3A_2 : i32
    %scan3A_4 = arith.constant 1 : i32
    scf.for %scan3A_171 = %scan3A to %scan3A_3 step %scan3A_4  : i32 {
      %mul3A_172 = arith.constant 1 : i32
      %mul3A_173 = arith.muli %scan3A_171, %mul3A_172 : i32
      %add3A_174 = arith.constant 0 : i32
      %add3A_175 = arith.addi %add3A_174, %mul3A_173 : i32
      %swap3A = arith.index_cast %add3A_175 : i32 to index
      %swap3A_176 = arith.constant 0 : index
      %swap3A_177 = tpu.vector_load %arg6[%swap3A, %swap3A_176] {strides = array<i32>} : memref<128x128xf32, #tpu.memory_space<vmem>>, vector<1x16xf32>,
      %swap3A_178 = vector.shape_cast %swap3A_177 : vector<1x16xf32> to vector<16xf32>
      %swap3A_179 = vector.shape_cast %broadcast_in_dim3A_1 : vector<16xf32> to vector<1x16xf32>
      tpu.vector_store %arg6[%swap3A, %swap3A_176], %swap3A_179 {strides = array<i32>} : memref<128x128xf32, #tpu.memory_space<vmem>>, vector<1x16xf32>,
      %swap3A_180 = arith.index_cast %add3A_175 : i32 to index
      %swap3A_181 = arith.constant 16 : index
      %swap3A_182 = tpu.vector_load %arg6[%swap3A_180, %swap3A_181] {strides = array<i32>} : memref<128x128xf32, #tpu.memory_space<vmem>>, vector<1x16xf32>,
      %swap3A_183 = vector.shape_cast %swap3A_182 : vector<1x16xf32> to vector<16xf32>
      %swap3A_184 = vector.shape_cast %broadcast_in_dim3A_1 : vector<16xf32> to vector<1x16xf32>
      tpu.vector_store %arg6[%swap3A_180, %swap3A_181], %swap3A_184 {strides = array<i32>} : memref<128x128xf32, #tpu.memory_space<vmem>>, vector<1x16xf32>,
      %swap3A_185 = arith.index_cast %add3A_175 : i32 to index
      %swap3A_186 = arith.constant 32 : index
      %swap3A_187 = tpu.vector_load %arg6[%swap3A_185, %swap3A_186] {strides = array<i32>} : memref<128x128xf32, #tpu.memory_space<vmem>>, vector<1x16xf32>,
      %swap3A_188 = vector.shape_cast %swap3A_187 : vector<1x16xf32> to vector<16xf32>
      %swap3A_189 = vector.shape_cast %broadcast_in_dim3A_1 : vector<16xf32> to vector<1x16xf32>
      tpu.vector_store %arg6[%swap3A_185, %swap3A_186], %swap3A_189 {strides = array<i32>} : memref<128x128xf32, #tpu.memory_space<vmem>>, vector<1x16xf32>,
      %swap3A_190 = arith.index_cast %add3A_175 : i32 to index
      %swap3A_191 = arith.constant 48 : index
      %swap3A_192 = tpu.vector_load %arg6[%swap3A_190, %swap3A_191] {strides = array<i32>} : memref<128x128xf32, #tpu.memory_space<vmem>>, vector<1x16xf32>,
      %swap3A_193 = vector.shape_cast %swap3A_192 : vector<1x16xf32> to vector<16xf32>
      %swap3A_194 = vector.shape_cast %broadcast_in_dim3A_1 : vector<16xf32> to vector<1x16xf32>
      tpu.vector_store %arg6[%swap3A_190, %swap3A_191], %swap3A_194 {strides = array<i32>} : memref<128x128xf32, #tpu.memory_space<vmem>>, vector<1x16xf32>,
      %swap3A_195 = arith.index_cast %add3A_175 : i32 to index
      %swap3A_196 = arith.constant 64 : index
      %swap3A_197 = tpu.vector_load %arg6[%swap3A_195, %swap3A_196] {strides = array<i32>} : memref<128x128xf32, #tpu.memory_space<vmem>>, vector<1x16xf32>,
      %swap3A_198 = vector.shape_cast %swap3A_197 : vector<1x16xf32> to vector<16xf32>
      %swap3A_199 = vector.shape_cast %broadcast_in_dim3A_1 : vector<16xf32> to vector<1x16xf32>
      tpu.vector_store %arg6[%swap3A_195, %swap3A_196], %swap3A_199 {strides = array<i32>} : memref<128x128xf32, #tpu.memory_space<vmem>>, vector<1x16xf32>,
      %swap3A_200 = arith.index_cast %add3A_175 : i32 to index
      %swap3A_201 = arith.constant 80 : index
      %swap3A_202 = tpu.vector_load %arg6[%swap3A_200, %swap3A_201] {strides = array<i32>} : memref<128x128xf32, #tpu.memory_space<vmem>>, vector<1x16xf32>,
      %swap3A_203 = vector.shape_cast %swap3A_202 : vector<1x16xf32> to vector<16xf32>
      %swap3A_204 = vector.shape_cast %broadcast_in_dim3A_1 : vector<16xf32> to vector<1x16xf32>
      tpu.vector_store %arg6[%swap3A_200, %swap3A_201], %swap3A_204 {strides = array<i32>} : memref<128x128xf32, #tpu.memory_space<vmem>>, vector<1x16xf32>,
      %swap3A_205 = arith.index_cast %add3A_175 : i32 to index
      %swap3A_206 = arith.constant 96 : index
      %swap3A_207 = tpu.vector_load %arg6[%swap3A_205, %swap3A_206] {strides = array<i32>} : memref<128x128xf32, #tpu.memory_space<vmem>>, vector<1x16xf32>,
      %swap3A_208 = vector.shape_cast %swap3A_207 : vector<1x16xf32> to vector<16xf32>
      %swap3A_209 = vector.shape_cast %broadcast_in_dim3A_1 : vector<16xf32> to vector<1x16xf32>
      tpu.vector_store %arg6[%swap3A_205, %swap3A_206], %swap3A_209 {strides = array<i32>} : memref<128x128xf32, #tpu.memory_space<vmem>>, vector<1x16xf32>,
      %swap3A_210 = arith.index_cast %add3A_175 : i32 to index
      %swap3A_211 = arith.constant 112 : index
      %swap3A_212 = tpu.vector_load %arg6[%swap3A_210, %swap3A_211] {strides = array<i32>} : memref<128x128xf32, #tpu.memory_space<vmem>>, vector<1x16xf32>,
      %swap3A_213 = vector.shape_cast %swap3A_212 : vector<1x16xf32> to vector<16xf32>
      %swap3A_214 = vector.shape_cast %broadcast_in_dim3A_1 : vector<16xf32> to vector<1x16xf32>
      tpu.vector_store %arg6[%swap3A_210, %swap3A_211], %swap3A_214 {strides = array<i32>} : memref<128x128xf32, #tpu.memory_space<vmem>>, vector<1x16xf32>,
    }
    %scan3A_5 = arith.constant 128 : i32
    %add3A = arith.constant 0 : i32
    %add3A_6 = arith.addi %mul3A_0, %add3A : i32
    %dma_start3A = arith.constant 0 : i32
    %dma_start3A_7 = tpu.memref_slice %arg10[%add3A_6, %dma_start3A] : memref<10240x128xf32, #tpu.memory_space<vmem_shared>> -> memref<128x128xf32, #tpu.memory_space<vmem_shared>>
    %dma_start3A_8 = arith.constant 0 : i32
    %dma_start3A_9 = tpu.memref_slice %arg10[%add3A_6, %dma_start3A_8] : memref<10240x128xf32, #tpu.memory_space<vmem_shared>> -> memref<128x128xf32, #tpu.memory_space<vmem_shared>>
    tpu.enqueue_dma source(%arg6 : memref<128x128xf32, #tpu.memory_space<vmem>>) target(%dma_start3A_9 : memref<128x128xf32, #tpu.memory_space<vmem_shared>>) target_semaphore(%arg11 : memref<!tpu.dma_semaphore, #tpu.memory_space<semaphore_mem>>)
    %add3A_10 = arith.constant 128 : i32
    %add3A_11 = arith.addi %mul3A_0, %add3A_10 : i32
    %dma_start3A_12 = arith.constant 0 : i32
    %dma_start3A_13 = tpu.memref_slice %arg10[%add3A_11, %dma_start3A_12] : memref<10240x128xf32, #tpu.memory_space<vmem_shared>> -> memref<128x128xf32, #tpu.memory_space<vmem_shared>>
    %dma_start3A_14 = arith.constant 0 : i32
    %dma_start3A_15 = tpu.memref_slice %arg10[%add3A_11, %dma_start3A_14] : memref<10240x128xf32, #tpu.memory_space<vmem_shared>> -> memref<128x128xf32, #tpu.memory_space<vmem_shared>>
    tpu.enqueue_dma source(%arg6 : memref<128x128xf32, #tpu.memory_space<vmem>>) target(%dma_start3A_15 : memref<128x128xf32, #tpu.memory_space<vmem_shared>>) target_semaphore(%arg11 : memref<!tpu.dma_semaphore, #tpu.memory_space<semaphore_mem>>)
    %add3A_16 = arith.constant 256 : i32
    %add3A_17 = arith.addi %mul3A_0, %add3A_16 : i32
    %dma_start3A_18 = arith.constant 0 : i32
    %dma_start3A_19 = tpu.memref_slice %arg10[%add3A_17, %dma_start3A_18] : memref<10240x128xf32, #tpu.memory_space<vmem_shared>> -> memref<128x128xf32, #tpu.memory_space<vmem_shared>>
    %dma_start3A_20 = arith.constant 0 : i32
    %dma_start3A_21 = tpu.memref_slice %arg10[%add3A_17, %dma_start3A_20] : memref<10240x128xf32, #tpu.memory_space<vmem_shared>> -> memref<128x128xf32, #tpu.memory_space<vmem_shared>>
    tpu.enqueue_dma source(%arg6 : memref<128x128xf32, #tpu.memory_space<vmem>>) target(%dma_start3A_21 : memref<128x128xf32, #tpu.memory_space<vmem_shared>>) target_semaphore(%arg11 : memref<!tpu.dma_semaphore, #tpu.memory_space<semaphore_mem>>)
    %add3A_22 = arith.constant 384 : i32
    %add3A_23 = arith.addi %mul3A_0, %add3A_22 : i32
    %dma_start3A_24 = arith.constant 0 : i32
    %dma_start3A_25 = tpu.memref_slice %arg10[%add3A_23, %dma_start3A_24] : memref<10240x128xf32, #tpu.memory_space<vmem_shared>> -> memref<128x128xf32, #tpu.memory_space<vmem_shared>>
    %dma_start3A_26 = arith.constant 0 : i32
    %dma_start3A_27 = tpu.memref_slice %arg10[%add3A_23, %dma_start3A_26] : memref<10240x128xf32, #tpu.memory_space<vmem_shared>> -> memref<128x128xf32, #tpu.memory_space<vmem_shared>>
    tpu.enqueue_dma source(%arg6 : memref<128x128xf32, #tpu.memory_space<vmem>>) target(%dma_start3A_27 : memref<128x128xf32, #tpu.memory_space<vmem_shared>>) target_semaphore(%arg11 : memref<!tpu.dma_semaphore, #tpu.memory_space<semaphore_mem>>)
    %add3A_28 = arith.constant 512 : i32
    %add3A_29 = arith.addi %mul3A_0, %add3A_28 : i32
    %dma_start3A_30 = arith.constant 0 : i32
    %dma_start3A_31 = tpu.memref_slice %arg10[%add3A_29, %dma_start3A_30] : memref<10240x128xf32, #tpu.memory_space<vmem_shared>> -> memref<128x128xf32, #tpu.memory_space<vmem_shared>>
    %dma_start3A_32 = arith.constant 0 : i32
    %dma_start3A_33 = tpu.memref_slice %arg10[%add3A_29, %dma_start3A_32] : memref<10240x128xf32, #tpu.memory_space<vmem_shared>> -> memref<128x128xf32, #tpu.memory_space<vmem_shared>>
    tpu.enqueue_dma source(%arg6 : memref<128x128xf32, #tpu.memory_space<vmem>>) target(%dma_start3A_33 : memref<128x128xf32, #tpu.memory_space<vmem_shared>>) target_semaphore(%arg11 : memref<!tpu.dma_semaphore, #tpu.memory_space<semaphore_mem>>)
    %add3A_34 = arith.constant 0 : i32
    %add3A_35 = arith.addi %mul3A_0, %add3A_34 : i32
    %dma_wait3A = arith.constant 0 : i32
    %dma_wait3A_36 = tpu.memref_slice %arg10[%add3A_35, %dma_wait3A] : memref<10240x128xf32, #tpu.memory_space<vmem_shared>> -> memref<128x128xf32, #tpu.memory_space<vmem_shared>>
    %dma_wait3A_37 = arith.constant 0 : i32
    %dma_wait3A_38 = tpu.memref_slice %arg10[%add3A_35, %dma_wait3A_37] : memref<10240x128xf32, #tpu.memory_space<vmem_shared>> -> memref<128x128xf32, #tpu.memory_space<vmem_shared>>
    tpu.wait_dma2 semaphore(%arg11 : memref<!tpu.dma_semaphore, #tpu.memory_space<semaphore_mem>>) src(%arg6 : memref<128x128xf32, #tpu.memory_space<vmem>>) dst(%dma_wait3A_38 : memref<128x128xf32, #tpu.memory_space<vmem_shared>>)
    %add3A_39 = arith.constant 128 : i32
    %add3A_40 = arith.addi %mul3A_0, %add3A_39 : i32
    %dma_wait3A_41 = arith.constant 0 : i32
    %dma_wait3A_42 = tpu.memref_slice %arg10[%add3A_40, %dma_wait3A_41] : memref<10240x128xf32, #tpu.memory_space<vmem_shared>> -> memref<128x128xf32, #tpu.memory_space<vmem_shared>>
    %dma_wait3A_43 = arith.constant 0 : i32
    %dma_wait3A_44 = tpu.memref_slice %arg10[%add3A_40, %dma_wait3A_43] : memref<10240x128xf32, #tpu.memory_space<vmem_shared>> -> memref<128x128xf32, #tpu.memory_space<vmem_shared>>
    tpu.wait_dma2 semaphore(%arg11 : memref<!tpu.dma_semaphore, #tpu.memory_space<semaphore_mem>>) src(%arg6 : memref<128x128xf32, #tpu.memory_space<vmem>>) dst(%dma_wait3A_44 : memref<128x128xf32, #tpu.memory_space<vmem_shared>>)
    %add3A_45 = arith.constant 256 : i32
    %add3A_46 = arith.addi %mul3A_0, %add3A_45 : i32
    %dma_wait3A_47 = arith.constant 0 : i32
    %dma_wait3A_48 = tpu.memref_slice %arg10[%add3A_46, %dma_wait3A_47] : memref<10240x128xf32, #tpu.memory_space<vmem_shared>> -> memref<128x128xf32, #tpu.memory_space<vmem_shared>>
    %dma_wait3A_49 = arith.constant 0 : i32
    %dma_wait3A_50 = tpu.memref_slice %arg10[%add3A_46, %dma_wait3A_49] : memref<10240x128xf32, #tpu.memory_space<vmem_shared>> -> memref<128x128xf32, #tpu.memory_space<vmem_shared>>
    tpu.wait_dma2 semaphore(%arg11 : memref<!tpu.dma_semaphore, #tpu.memory_space<semaphore_mem>>) src(%arg6 : memref<128x128xf32, #tpu.memory_space<vmem>>) dst(%dma_wait3A_50 : memref<128x128xf32, #tpu.memory_space<vmem_shared>>)
    %add3A_51 = arith.constant 384 : i32
    %add3A_52 = arith.addi %mul3A_0, %add3A_51 : i32
    %dma_wait3A_53 = arith.constant 0 : i32
    %dma_wait3A_54 = tpu.memref_slice %arg10[%add3A_52, %dma_wait3A_53] : memref<10240x128xf32, #tpu.memory_space<vmem_shared>> -> memref<128x128xf32, #tpu.memory_space<vmem_shared>>
    %dma_wait3A_55 = arith.constant 0 : i32
    %dma_wait3A_56 = tpu.memref_slice %arg10[%add3A_52, %dma_wait3A_55] : memref<10240x128xf32, #tpu.memory_space<vmem_shared>> -> memref<128x128xf32, #tpu.memory_space<vmem_shared>>
    tpu.wait_dma2 semaphore(%arg11 : memref<!tpu.dma_semaphore, #tpu.memory_space<semaphore_mem>>) src(%arg6 : memref<128x128xf32, #tpu.memory_space<vmem>>) dst(%dma_wait3A_56 : memref<128x128xf32, #tpu.memory_space<vmem_shared>>)
    %add3A_57 = arith.constant 512 : i32
    %add3A_58 = arith.addi %mul3A_0, %add3A_57 : i32
    %dma_wait3A_59 = arith.constant 0 : i32
    %dma_wait3A_60 = tpu.memref_slice %arg10[%add3A_58, %dma_wait3A_59] : memref<10240x128xf32, #tpu.memory_space<vmem_shared>> -> memref<128x128xf32, #tpu.memory_space<vmem_shared>>
    %dma_wait3A_61 = arith.constant 0 : i32
    %dma_wait3A_62 = tpu.memref_slice %arg10[%add3A_58, %dma_wait3A_61] : memref<10240x128xf32, #tpu.memory_space<vmem_shared>> -> memref<128x128xf32, #tpu.memory_space<vmem_shared>>
    tpu.wait_dma2 semaphore(%arg11 : memref<!tpu.dma_semaphore, #tpu.memory_space<semaphore_mem>>) src(%arg6 : memref<128x128xf32, #tpu.memory_space<vmem>>) dst(%dma_wait3A_62 : memref<128x128xf32, #tpu.memory_space<vmem_shared>>)
    %barrier3A = arith.constant 0 : index
    tpu.barrier barrier_id(%barrier3A)
    %mul3A_63 = arith.constant 80 : i32
    %mul3A_64 = arith.muli %arg1, %mul3A_63 : i32
    %add3A_65 = arith.constant 0 : i32
    %add3A_66 = arith.addi %mul3A_64, %add3A_65 : i32
    "tpu.region"() ({
      %run_scoped3A_171 = tpu.sem_alloc : memref<!tpu.dma_semaphore, #tpu.memory_space<semaphore_mem>>
      %dma_start3A_172 = arith.constant 0 : i32
      %dma_start3A_173 = tpu.memref_slice %arg3[%add3A_66, %dma_start3A_172] : memref<1280x128xi32, #tpu.memory_space<hbm>> -> memref<40x128xi32, #tpu.memory_space<hbm>>
      %dma_start3A_174 = arith.constant 0 : i32
      %dma_start3A_175 = tpu.memref_slice %arg3[%add3A_66, %dma_start3A_174] : memref<1280x128xi32, #tpu.memory_space<hbm>> -> memref<40x128xi32, #tpu.memory_space<hbm>>
      tpu.enqueue_dma source(%dma_start3A_175 : memref<40x128xi32, #tpu.memory_space<hbm>>) target(%arg8 : memref<40x128xi32, #tpu.memory_space<vmem>>) target_semaphore(%run_scoped3A_171 : memref<!tpu.dma_semaphore, #tpu.memory_space<semaphore_mem>>)
      %dma_wait3A_176 = arith.constant 0 : i32
      %dma_wait3A_177 = tpu.memref_slice %arg3[%add3A_66, %dma_wait3A_176] : memref<1280x128xi32, #tpu.memory_space<hbm>> -> memref<40x128xi32, #tpu.memory_space<hbm>>
      %dma_wait3A_178 = arith.constant 0 : i32
      %dma_wait3A_179 = tpu.memref_slice %arg3[%add3A_66, %dma_wait3A_178] : memref<1280x128xi32, #tpu.memory_space<hbm>> -> memref<40x128xi32, #tpu.memory_space<hbm>>
      tpu.wait_dma2 semaphore(%run_scoped3A_171 : memref<!tpu.dma_semaphore, #tpu.memory_space<semaphore_mem>>) src(%dma_wait3A_179 : memref<40x128xi32, #tpu.memory_space<hbm>>) dst(%arg8 : memref<40x128xi32, #tpu.memory_space<vmem>>)
      tpu.yield
    }) : () -> ()
    "tpu.region"() ({
      %run_scoped3A_171 = tpu.sem_alloc : memref<!tpu.dma_semaphore, #tpu.memory_space<semaphore_mem>>
      %dma_start3A_172 = arith.constant 0 : i32
      %dma_start3A_173 = tpu.memref_slice %arg4[%add3A_66, %dma_start3A_172] : memref<1280x128xi32, #tpu.memory_space<hbm>> -> memref<40x128xi32, #tpu.memory_space<hbm>>
      %dma_start3A_174 = arith.constant 0 : i32
      %dma_start3A_175 = tpu.memref_slice %arg4[%add3A_66, %dma_start3A_174] : memref<1280x128xi32, #tpu.memory_space<hbm>> -> memref<40x128xi32, #tpu.memory_space<hbm>>
      tpu.enqueue_dma source(%dma_start3A_175 : memref<40x128xi32, #tpu.memory_space<hbm>>) target(%arg9 : memref<40x128xi32, #tpu.memory_space<vmem>>) target_semaphore(%run_scoped3A_171 : memref<!tpu.dma_semaphore, #tpu.memory_space<semaphore_mem>>)
      %dma_wait3A_176 = arith.constant 0 : i32
      %dma_wait3A_177 = tpu.memref_slice %arg4[%add3A_66, %dma_wait3A_176] : memref<1280x128xi32, #tpu.memory_space<hbm>> -> memref<40x128xi32, #tpu.memory_space<hbm>>
      %dma_wait3A_178 = arith.constant 0 : i32
      %dma_wait3A_179 = tpu.memref_slice %arg4[%add3A_66, %dma_wait3A_178] : memref<1280x128xi32, #tpu.memory_space<hbm>> -> memref<40x128xi32, #tpu.memory_space<hbm>>
      tpu.wait_dma2 semaphore(%run_scoped3A_171 : memref<!tpu.dma_semaphore, #tpu.memory_space<semaphore_mem>>) src(%dma_wait3A_179 : memref<40x128xi32, #tpu.memory_space<hbm>>) dst(%arg9 : memref<40x128xi32, #tpu.memory_space<vmem>>)
      tpu.yield
    }) : () -> ()
    %dma_start3A_67 = arith.constant 0 : i32
    %dma_start3A_68 = arith.constant 0 : i32
    %dma_start3A_69 = tpu.memref_slice %arg8[%dma_start3A_67, %dma_start3A_68] : memref<40x128xi32, #tpu.memory_space<vmem>> -> memref<1x128xi32, #tpu.memory_space<vmem>>
    %dma_start3A_70 = tpu.memref_squeeze %dma_start3A_69 : memref<1x128xi32, #tpu.memory_space<vmem>> -> memref<128xi32, #tpu.memory_space<vmem>>
    %dma_start3A_71 = arith.constant 0 : i32
    %dma_start3A_72 = arith.constant 0 : i32
    %dma_start3A_73 = tpu.memref_slice %arg2[%arg0, %dma_start3A_71, %dma_start3A_72] : memref<2x10000x128xf32, #tpu.memory_space<hbm>> -> memref<1x10000x128xf32, #tpu.memory_space<hbm>>
    %dma_start3A_74 = tpu.memref_squeeze %dma_start3A_73 : memref<1x10000x128xf32, #tpu.memory_space<hbm>> -> memref<10000x128xf32, #tpu.memory_space<hbm>>
    %dma_start3A_75 = arith.constant 0 : i32
    %dma_start3A_76 = arith.constant 0 : i32
    %dma_start3A_77 = tpu.memref_slice %dma_start3A_74[%dma_start3A_75, %dma_start3A_76] : memref<10000x128xf32, #tpu.memory_space<hbm>> -> memref<10000x128xf32, #tpu.memory_space<hbm>>
    tpu.enqueue_indirect_dma source(%dma_start3A_77 : memref<10000x128xf32, #tpu.memory_space<hbm>>) target(%arg6 : memref<128x128xf32, #tpu.memory_space<vmem>>) offsets(%dma_start3A_70 : memref<128xi32, #tpu.memory_space<vmem>>) semaphore(%arg11 : memref<!tpu.dma_semaphore, #tpu.memory_space<semaphore_mem>>)
    %dma_start3A_78 = arith.constant 1 : i32
    %dma_start3A_79 = arith.constant 0 : i32
    %dma_start3A_80 = tpu.memref_slice %arg8[%dma_start3A_78, %dma_start3A_79] : memref<40x128xi32, #tpu.memory_space<vmem>> -> memref<1x128xi32, #tpu.memory_space<vmem>>
    %dma_start3A_81 = tpu.memref_squeeze %dma_start3A_80 : memref<1x128xi32, #tpu.memory_space<vmem>> -> memref<128xi32, #tpu.memory_space<vmem>>
    %dma_start3A_82 = arith.constant 0 : i32
    %dma_start3A_83 = arith.constant 0 : i32
    %dma_start3A_84 = tpu.memref_slice %arg2[%arg0, %dma_start3A_82, %dma_start3A_83] : memref<2x10000x128xf32, #tpu.memory_space<hbm>> -> memref<1x10000x128xf32, #tpu.memory_space<hbm>>
    %dma_start3A_85 = tpu.memref_squeeze %dma_start3A_84 : memref<1x10000x128xf32, #tpu.memory_space<hbm>> -> memref<10000x128xf32, #tpu.memory_space<hbm>>
    %dma_start3A_86 = arith.constant 0 : i32
    %dma_start3A_87 = arith.constant 0 : i32
    %dma_start3A_88 = tpu.memref_slice %dma_start3A_85[%dma_start3A_86, %dma_start3A_87] : memref<10000x128xf32, #tpu.memory_space<hbm>> -> memref<10000x128xf32, #tpu.memory_space<hbm>>
    tpu.enqueue_indirect_dma source(%dma_start3A_88 : memref<10000x128xf32, #tpu.memory_space<hbm>>) target(%arg7 : memref<128x128xf32, #tpu.memory_space<vmem>>) offsets(%dma_start3A_81 : memref<128xi32, #tpu.memory_space<vmem>>) semaphore(%arg12 : memref<!tpu.dma_semaphore, #tpu.memory_space<semaphore_mem>>)
    %scan3A_89 = arith.constant 0 : i32
    %scan3A_90 = arith.constant 19 : i32
    %scan3A_91 = arith.addi %scan3A_89, %scan3A_90 : i32
    %scan3A_92 = arith.constant 1 : i32
    scf.for %scan3A_171 = %scan3A_89 to %scan3A_91 step %scan3A_92  : i32 {
      %mul3A_172 = arith.constant 1 : i32
      %mul3A_173 = arith.muli %scan3A_171, %mul3A_172 : i32
      %add3A_174 = arith.constant 0 : i32
      %add3A_175 = arith.addi %add3A_174, %mul3A_173 : i32
      %mul3A_176 = arith.constant 2 : i32
      %mul3A_177 = arith.muli %mul3A_176, %add3A_175 : i32
      %dma_wait3A_178 = arith.constant 0 : i32
      %dma_wait3A_179 = tpu.memref_slice %arg8[%mul3A_177, %dma_wait3A_178] : memref<40x128xi32, #tpu.memory_space<vmem>> -> memref<1x128xi32, #tpu.memory_space<vmem>>
      %dma_wait3A_180 = tpu.memref_squeeze %dma_wait3A_179 : memref<1x128xi32, #tpu.memory_space<vmem>> -> memref<128xi32, #tpu.memory_space<vmem>>
      %dma_wait3A_181 = arith.constant 0 : i32
      %dma_wait3A_182 = arith.constant 0 : i32
      %dma_wait3A_183 = tpu.memref_slice %arg2[%arg0, %dma_wait3A_181, %dma_wait3A_182] : memref<2x10000x128xf32, #tpu.memory_space<hbm>> -> memref<1x10000x128xf32, #tpu.memory_space<hbm>>
      %dma_wait3A_184 = tpu.memref_squeeze %dma_wait3A_183 : memref<1x10000x128xf32, #tpu.memory_space<hbm>> -> memref<10000x128xf32, #tpu.memory_space<hbm>>
      %dma_wait3A_185 = arith.constant 0 : i32
      %dma_wait3A_186 = arith.constant 0 : i32
      %dma_wait3A_187 = tpu.memref_slice %dma_wait3A_184[%dma_wait3A_185, %dma_wait3A_186] : memref<10000x128xf32, #tpu.memory_space<hbm>> -> memref<10000x128xf32, #tpu.memory_space<hbm>>
      tpu.wait_indirect_dma semaphore(%arg11 : memref<!tpu.dma_semaphore, #tpu.memory_space<semaphore_mem>>) src(%dma_wait3A_187 : memref<10000x128xf32, #tpu.memory_space<hbm>>) dst(%arg6 : memref<128x128xf32, #tpu.memory_space<vmem>>)
      "tpu.region"() ({
        %run_scoped3A_224 = tpu.sem_alloc : memref<!tpu.dma_semaphore, #tpu.memory_space<semaphore_mem>>
        %dma_start3A_225 = arith.constant 0 : i32
        %dma_start3A_226 = tpu.memref_slice %arg9[%mul3A_177, %dma_start3A_225] : memref<40x128xi32, #tpu.memory_space<vmem>> -> memref<1x128xi32, #tpu.memory_space<vmem>>
        %dma_start3A_227 = tpu.memref_squeeze %dma_start3A_226 : memref<1x128xi32, #tpu.memory_space<vmem>> -> memref<128xi32, #tpu.memory_space<vmem>>
        %dma_start3A_228 = arith.constant 0 : i32
        %dma_start3A_229 = arith.constant 0 : i32
        %dma_start3A_230 = tpu.memref_slice %arg10[%dma_start3A_228, %dma_start3A_229] : memref<10240x128xf32, #tpu.memory_space<vmem_shared>> -> memref<10240x128xf32, #tpu.memory_space<vmem_shared>>
        tpu.enqueue_indirect_dma source(%arg6 : memref<128x128xf32, #tpu.memory_space<vmem>>) target(%dma_start3A_230 : memref<10240x128xf32, #tpu.memory_space<vmem_shared>>) offsets(%dma_start3A_227 : memref<128xi32, #tpu.memory_space<vmem>>) semaphore(%run_scoped3A_224 : memref<!tpu.dma_semaphore, #tpu.memory_space<semaphore_mem>>) {add = true}
        %dma_wait3A_231 = arith.constant 0 : i32
        %dma_wait3A_232 = tpu.memref_slice %arg9[%mul3A_177, %dma_wait3A_231] : memref<40x128xi32, #tpu.memory_space<vmem>> -> memref<1x128xi32, #tpu.memory_space<vmem>>
        %dma_wait3A_233 = tpu.memref_squeeze %dma_wait3A_232 : memref<1x128xi32, #tpu.memory_space<vmem>> -> memref<128xi32, #tpu.memory_space<vmem>>
        %dma_wait3A_234 = arith.constant 0 : i32
        %dma_wait3A_235 = arith.constant 0 : i32
        %dma_wait3A_236 = tpu.memref_slice %arg10[%dma_wait3A_234, %dma_wait3A_235] : memref<10240x128xf32, #tpu.memory_space<vmem_shared>> -> memref<10240x128xf32, #tpu.memory_space<vmem_shared>>
        tpu.wait_indirect_dma semaphore(%run_scoped3A_224 : memref<!tpu.dma_semaphore, #tpu.memory_space<semaphore_mem>>) src(%arg6 : memref<128x128xf32, #tpu.memory_space<vmem>>) dst(%dma_wait3A_236 : memref<10240x128xf32, #tpu.memory_space<vmem_shared>>)
        tpu.yield
      }) : () -> ()
      %add3A_188 = arith.constant 2 : i32
      %add3A_189 = arith.addi %mul3A_177, %add3A_188 : i32
      %dma_start3A_190 = arith.constant 0 : i32
      %dma_start3A_191 = tpu.memref_slice %arg8[%add3A_189, %dma_start3A_190] : memref<40x128xi32, #tpu.memory_space<vmem>> -> memref<1x128xi32, #tpu.memory_space<vmem>>
      %dma_start3A_192 = tpu.memref_squeeze %dma_start3A_191 : memref<1x128xi32, #tpu.memory_space<vmem>> -> memref<128xi32, #tpu.memory_space<vmem>>
      %dma_start3A_193 = arith.constant 0 : i32
      %dma_start3A_194 = arith.constant 0 : i32
      %dma_start3A_195 = tpu.memref_slice %arg2[%arg0, %dma_start3A_193, %dma_start3A_194] : memref<2x10000x128xf32, #tpu.memory_space<hbm>> -> memref<1x10000x128xf32, #tpu.memory_space<hbm>>
      %dma_start3A_196 = tpu.memref_squeeze %dma_start3A_195 : memref<1x10000x128xf32, #tpu.memory_space<hbm>> -> memref<10000x128xf32, #tpu.memory_space<hbm>>
      %dma_start3A_197 = arith.constant 0 : i32
      %dma_start3A_198 = arith.constant 0 : i32
      %dma_start3A_199 = tpu.memref_slice %dma_start3A_196[%dma_start3A_197, %dma_start3A_198] : memref<10000x128xf32, #tpu.memory_space<hbm>> -> memref<10000x128xf32, #tpu.memory_space<hbm>>
      tpu.enqueue_indirect_dma source(%dma_start3A_199 : memref<10000x128xf32, #tpu.memory_space<hbm>>) target(%arg6 : memref<128x128xf32, #tpu.memory_space<vmem>>) offsets(%dma_start3A_192 : memref<128xi32, #tpu.memory_space<vmem>>) semaphore(%arg11 : memref<!tpu.dma_semaphore, #tpu.memory_space<semaphore_mem>>)
      %add3A_200 = arith.constant 1 : i32
      %add3A_201 = arith.addi %mul3A_177, %add3A_200 : i32
      %dma_wait3A_202 = arith.constant 0 : i32
      %dma_wait3A_203 = tpu.memref_slice %arg8[%add3A_201, %dma_wait3A_202] : memref<40x128xi32, #tpu.memory_space<vmem>> -> memref<1x128xi32, #tpu.memory_space<vmem>>
      %dma_wait3A_204 = tpu.memref_squeeze %dma_wait3A_203 : memref<1x128xi32, #tpu.memory_space<vmem>> -> memref<128xi32, #tpu.memory_space<vmem>>
      %dma_wait3A_205 = arith.constant 0 : i32
      %dma_wait3A_206 = arith.constant 0 : i32
      %dma_wait3A_207 = tpu.memref_slice %arg2[%arg0, %dma_wait3A_205, %dma_wait3A_206] : memref<2x10000x128xf32, #tpu.memory_space<hbm>> -> memref<1x10000x128xf32, #tpu.memory_space<hbm>>
      %dma_wait3A_208 = tpu.memref_squeeze %dma_wait3A_207 : memref<1x10000x128xf32, #tpu.memory_space<hbm>> -> memref<10000x128xf32, #tpu.memory_space<hbm>>
      %dma_wait3A_209 = arith.constant 0 : i32
      %dma_wait3A_210 = arith.constant 0 : i32
      %dma_wait3A_211 = tpu.memref_slice %dma_wait3A_208[%dma_wait3A_209, %dma_wait3A_210] : memref<10000x128xf32, #tpu.memory_space<hbm>> -> memref<10000x128xf32, #tpu.memory_space<hbm>>
      tpu.wait_indirect_dma semaphore(%arg12 : memref<!tpu.dma_semaphore, #tpu.memory_space<semaphore_mem>>) src(%dma_wait3A_211 : memref<10000x128xf32, #tpu.memory_space<hbm>>) dst(%arg7 : memref<128x128xf32, #tpu.memory_space<vmem>>)
      "tpu.region"() ({
        %run_scoped3A_224 = tpu.sem_alloc : memref<!tpu.dma_semaphore, #tpu.memory_space<semaphore_mem>>
        %dma_start3A_225 = arith.constant 0 : i32
        %dma_start3A_226 = tpu.memref_slice %arg9[%add3A_201, %dma_start3A_225] : memref<40x128xi32, #tpu.memory_space<vmem>> -> memref<1x128xi32, #tpu.memory_space<vmem>>
        %dma_start3A_227 = tpu.memref_squeeze %dma_start3A_226 : memref<1x128xi32, #tpu.memory_space<vmem>> -> memref<128xi32, #tpu.memory_space<vmem>>
        %dma_start3A_228 = arith.constant 0 : i32
        %dma_start3A_229 = arith.constant 0 : i32
        %dma_start3A_230 = tpu.memref_slice %arg10[%dma_start3A_228, %dma_start3A_229] : memref<10240x128xf32, #tpu.memory_space<vmem_shared>> -> memref<10240x128xf32, #tpu.memory_space<vmem_shared>>
        tpu.enqueue_indirect_dma source(%arg7 : memref<128x128xf32, #tpu.memory_space<vmem>>) target(%dma_start3A_230 : memref<10240x128xf32, #tpu.memory_space<vmem_shared>>) offsets(%dma_start3A_227 : memref<128xi32, #tpu.memory_space<vmem>>) semaphore(%run_scoped3A_224 : memref<!tpu.dma_semaphore, #tpu.memory_space<semaphore_mem>>) {add = true}
        %dma_wait3A_231 = arith.constant 0 : i32
        %dma_wait3A_232 = tpu.memref_slice %arg9[%add3A_201, %dma_wait3A_231] : memref<40x128xi32, #tpu.memory_space<vmem>> -> memref<1x128xi32, #tpu.memory_space<vmem>>
        %dma_wait3A_233 = tpu.memref_squeeze %dma_wait3A_232 : memref<1x128xi32, #tpu.memory_space<vmem>> -> memref<128xi32, #tpu.memory_space<vmem>>
        %dma_wait3A_234 = arith.constant 0 : i32
        %dma_wait3A_235 = arith.constant 0 : i32
        %dma_wait3A_236 = tpu.memref_slice %arg10[%dma_wait3A_234, %dma_wait3A_235] : memref<10240x128xf32, #tpu.memory_space<vmem_shared>> -> memref<10240x128xf32, #tpu.memory_space<vmem_shared>>
        tpu.wait_indirect_dma semaphore(%run_scoped3A_224 : memref<!tpu.dma_semaphore, #tpu.memory_space<semaphore_mem>>) src(%arg7 : memref<128x128xf32, #tpu.memory_space<vmem>>) dst(%dma_wait3A_236 : memref<10240x128xf32, #tpu.memory_space<vmem_shared>>)
        tpu.yield
      }) : () -> ()
      %add3A_212 = arith.constant 3 : i32
      %add3A_213 = arith.addi %mul3A_177, %add3A_212 : i32
      %dma_start3A_214 = arith.constant 0 : i32
      %dma_start3A_215 = tpu.memref_slice %arg8[%add3A_213, %dma_start3A_214] : memref<40x128xi32, #tpu.memory_space<vmem>> -> memref<1x128xi32, #tpu.memory_space<vmem>>
      %dma_start3A_216 = tpu.memref_squeeze %dma_start3A_215 : memref<1x128xi32, #tpu.memory_space<vmem>> -> memref<128xi32, #tpu.memory_space<vmem>>
      %dma_start3A_217 = arith.constant 0 : i32
      %dma_start3A_218 = arith.constant 0 : i32
      %dma_start3A_219 = tpu.memref_slice %arg2[%arg0, %dma_start3A_217, %dma_start3A_218] : memref<2x10000x128xf32, #tpu.memory_space<hbm>> -> memref<1x10000x128xf32, #tpu.memory_space<hbm>>
      %dma_start3A_220 = tpu.memref_squeeze %dma_start3A_219 : memref<1x10000x128xf32, #tpu.memory_space<hbm>> -> memref<10000x128xf32, #tpu.memory_space<hbm>>
      %dma_start3A_221 = arith.constant 0 : i32
      %dma_start3A_222 = arith.constant 0 : i32
      %dma_start3A_223 = tpu.memref_slice %dma_start3A_220[%dma_start3A_221, %dma_start3A_222] : memref<10000x128xf32, #tpu.memory_space<hbm>> -> memref<10000x128xf32, #tpu.memory_space<hbm>>
      tpu.enqueue_indirect_dma source(%dma_start3A_223 : memref<10000x128xf32, #tpu.memory_space<hbm>>) target(%arg7 : memref<128x128xf32, #tpu.memory_space<vmem>>) offsets(%dma_start3A_216 : memref<128xi32, #tpu.memory_space<vmem>>) semaphore(%arg12 : memref<!tpu.dma_semaphore, #tpu.memory_space<semaphore_mem>>)
    }
    %scan3A_93 = arith.constant 19 : i32
    %dma_wait3A_94 = arith.constant 38 : i32
    %dma_wait3A_95 = arith.constant 0 : i32
    %dma_wait3A_96 = tpu.memref_slice %arg8[%dma_wait3A_94, %dma_wait3A_95] : memref<40x128xi32, #tpu.memory_space<vmem>> -> memref<1x128xi32, #tpu.memory_space<vmem>>
    %dma_wait3A_97 = tpu.memref_squeeze %dma_wait3A_96 : memref<1x128xi32, #tpu.memory_space<vmem>> -> memref<128xi32, #tpu.memory_space<vmem>>
    %dma_wait3A_98 = arith.constant 0 : i32
    %dma_wait3A_99 = arith.constant 0 : i32
    %dma_wait3A_100 = tpu.memref_slice %arg2[%arg0, %dma_wait3A_98, %dma_wait3A_99] : memref<2x10000x128xf32, #tpu.memory_space<hbm>> -> memref<1x10000x128xf32, #tpu.memory_space<hbm>>
    %dma_wait3A_101 = tpu.memref_squeeze %dma_wait3A_100 : memref<1x10000x128xf32, #tpu.memory_space<hbm>> -> memref<10000x128xf32, #tpu.memory_space<hbm>>
    %dma_wait3A_102 = arith.constant 0 : i32
    %dma_wait3A_103 = arith.constant 0 : i32
    %dma_wait3A_104 = tpu.memref_slice %dma_wait3A_101[%dma_wait3A_102, %dma_wait3A_103] : memref<10000x128xf32, #tpu.memory_space<hbm>> -> memref<10000x128xf32, #tpu.memory_space<hbm>>
    tpu.wait_indirect_dma semaphore(%arg11 : memref<!tpu.dma_semaphore, #tpu.memory_space<semaphore_mem>>) src(%dma_wait3A_104 : memref<10000x128xf32, #tpu.memory_space<hbm>>) dst(%arg6 : memref<128x128xf32, #tpu.memory_space<vmem>>)
    %run_scoped3A = arith.constant 38 : i32
    "tpu.region"() ({
      %run_scoped3A_171 = tpu.sem_alloc : memref<!tpu.dma_semaphore, #tpu.memory_space<semaphore_mem>>
      %dma_start3A_172 = arith.constant 0 : i32
      %dma_start3A_173 = tpu.memref_slice %arg9[%run_scoped3A, %dma_start3A_172] : memref<40x128xi32, #tpu.memory_space<vmem>> -> memref<1x128xi32, #tpu.memory_space<vmem>>
      %dma_start3A_174 = tpu.memref_squeeze %dma_start3A_173 : memref<1x128xi32, #tpu.memory_space<vmem>> -> memref<128xi32, #tpu.memory_space<vmem>>
      %dma_start3A_175 = arith.constant 0 : i32
      %dma_start3A_176 = arith.constant 0 : i32
      %dma_start3A_177 = tpu.memref_slice %arg10[%dma_start3A_175, %dma_start3A_176] : memref<10240x128xf32, #tpu.memory_space<vmem_shared>> -> memref<10240x128xf32, #tpu.memory_space<vmem_shared>>
      tpu.enqueue_indirect_dma source(%arg6 : memref<128x128xf32, #tpu.memory_space<vmem>>) target(%dma_start3A_177 : memref<10240x128xf32, #tpu.memory_space<vmem_shared>>) offsets(%dma_start3A_174 : memref<128xi32, #tpu.memory_space<vmem>>) semaphore(%run_scoped3A_171 : memref<!tpu.dma_semaphore, #tpu.memory_space<semaphore_mem>>) {add = true}
      %dma_wait3A_178 = arith.constant 0 : i32
      %dma_wait3A_179 = tpu.memref_slice %arg9[%run_scoped3A, %dma_wait3A_178] : memref<40x128xi32, #tpu.memory_space<vmem>> -> memref<1x128xi32, #tpu.memory_space<vmem>>
      %dma_wait3A_180 = tpu.memref_squeeze %dma_wait3A_179 : memref<1x128xi32, #tpu.memory_space<vmem>> -> memref<128xi32, #tpu.memory_space<vmem>>
      %dma_wait3A_181 = arith.constant 0 : i32
      %dma_wait3A_182 = arith.constant 0 : i32
      %dma_wait3A_183 = tpu.memref_slice %arg10[%dma_wait3A_181, %dma_wait3A_182] : memref<10240x128xf32, #tpu.memory_space<vmem_shared>> -> memref<10240x128xf32, #tpu.memory_space<vmem_shared>>
      tpu.wait_indirect_dma semaphore(%run_scoped3A_171 : memref<!tpu.dma_semaphore, #tpu.memory_space<semaphore_mem>>) src(%arg6 : memref<128x128xf32, #tpu.memory_space<vmem>>) dst(%dma_wait3A_183 : memref<10240x128xf32, #tpu.memory_space<vmem_shared>>)
      tpu.yield
    }) : () -> ()
    %dma_wait3A_105 = arith.constant 39 : i32
    %dma_wait3A_106 = arith.constant 0 : i32
    %dma_wait3A_107 = tpu.memref_slice %arg8[%dma_wait3A_105, %dma_wait3A_106] : memref<40x128xi32, #tpu.memory_space<vmem>> -> memref<1x128xi32, #tpu.memory_space<vmem>>
    %dma_wait3A_108 = tpu.memref_squeeze %dma_wait3A_107 : memref<1x128xi32, #tpu.memory_space<vmem>> -> memref<128xi32, #tpu.memory_space<vmem>>
    %dma_wait3A_109 = arith.constant 0 : i32
    %dma_wait3A_110 = arith.constant 0 : i32
    %dma_wait3A_111 = tpu.memref_slice %arg2[%arg0, %dma_wait3A_109, %dma_wait3A_110] : memref<2x10000x128xf32, #tpu.memory_space<hbm>> -> memref<1x10000x128xf32, #tpu.memory_space<hbm>>
    %dma_wait3A_112 = tpu.memref_squeeze %dma_wait3A_111 : memref<1x10000x128xf32, #tpu.memory_space<hbm>> -> memref<10000x128xf32, #tpu.memory_space<hbm>>
    %dma_wait3A_113 = arith.constant 0 : i32
    %dma_wait3A_114 = arith.constant 0 : i32
    %dma_wait3A_115 = tpu.memref_slice %dma_wait3A_112[%dma_wait3A_113, %dma_wait3A_114] : memref<10000x128xf32, #tpu.memory_space<hbm>> -> memref<10000x128xf32, #tpu.memory_space<hbm>>
    tpu.wait_indirect_dma semaphore(%arg12 : memref<!tpu.dma_semaphore, #tpu.memory_space<semaphore_mem>>) src(%dma_wait3A_115 : memref<10000x128xf32, #tpu.memory_space<hbm>>) dst(%arg7 : memref<128x128xf32, #tpu.memory_space<vmem>>)
    %run_scoped3A_116 = arith.constant 39 : i32
    "tpu.region"() ({
      %run_scoped3A_171 = tpu.sem_alloc : memref<!tpu.dma_semaphore, #tpu.memory_space<semaphore_mem>>
      %dma_start3A_172 = arith.constant 0 : i32
      %dma_start3A_173 = tpu.memref_slice %arg9[%run_scoped3A_116, %dma_start3A_172] : memref<40x128xi32, #tpu.memory_space<vmem>> -> memref<1x128xi32, #tpu.memory_space<vmem>>
      %dma_start3A_174 = tpu.memref_squeeze %dma_start3A_173 : memref<1x128xi32, #tpu.memory_space<vmem>> -> memref<128xi32, #tpu.memory_space<vmem>>
      %dma_start3A_175 = arith.constant 0 : i32
      %dma_start3A_176 = arith.constant 0 : i32
      %dma_start3A_177 = tpu.memref_slice %arg10[%dma_start3A_175, %dma_start3A_176] : memref<10240x128xf32, #tpu.memory_space<vmem_shared>> -> memref<10240x128xf32, #tpu.memory_space<vmem_shared>>
      tpu.enqueue_indirect_dma source(%arg7 : memref<128x128xf32, #tpu.memory_space<vmem>>) target(%dma_start3A_177 : memref<10240x128xf32, #tpu.memory_space<vmem_shared>>) offsets(%dma_start3A_174 : memref<128xi32, #tpu.memory_space<vmem>>) semaphore(%run_scoped3A_171 : memref<!tpu.dma_semaphore, #tpu.memory_space<semaphore_mem>>) {add = true}
      %dma_wait3A_178 = arith.constant 0 : i32
      %dma_wait3A_179 = tpu.memref_slice %arg9[%run_scoped3A_116, %dma_wait3A_178] : memref<40x128xi32, #tpu.memory_space<vmem>> -> memref<1x128xi32, #tpu.memory_space<vmem>>
      %dma_wait3A_180 = tpu.memref_squeeze %dma_wait3A_179 : memref<1x128xi32, #tpu.memory_space<vmem>> -> memref<128xi32, #tpu.memory_space<vmem>>
      %dma_wait3A_181 = arith.constant 0 : i32
      %dma_wait3A_182 = arith.constant 0 : i32
      %dma_wait3A_183 = tpu.memref_slice %arg10[%dma_wait3A_181, %dma_wait3A_182] : memref<10240x128xf32, #tpu.memory_space<vmem_shared>> -> memref<10240x128xf32, #tpu.memory_space<vmem_shared>>
      tpu.wait_indirect_dma semaphore(%run_scoped3A_171 : memref<!tpu.dma_semaphore, #tpu.memory_space<semaphore_mem>>) src(%arg7 : memref<128x128xf32, #tpu.memory_space<vmem>>) dst(%dma_wait3A_183 : memref<10240x128xf32, #tpu.memory_space<vmem_shared>>)
      tpu.yield
    }) : () -> ()
    %add3A_117 = arith.constant 40 : i32
    %add3A_118 = arith.addi %mul3A_64, %add3A_117 : i32
    "tpu.region"() ({
      %run_scoped3A_171 = tpu.sem_alloc : memref<!tpu.dma_semaphore, #tpu.memory_space<semaphore_mem>>
      %dma_start3A_172 = arith.constant 0 : i32
      %dma_start3A_173 = tpu.memref_slice %arg3[%add3A_118, %dma_start3A_172] : memref<1280x128xi32, #tpu.memory_space<hbm>> -> memref<40x128xi32, #tpu.memory_space<hbm>>
      %dma_start3A_174 = arith.constant 0 : i32
      %dma_start3A_175 = tpu.memref_slice %arg3[%add3A_118, %dma_start3A_174] : memref<1280x128xi32, #tpu.memory_space<hbm>> -> memref<40x128xi32, #tpu.memory_space<hbm>>
      tpu.enqueue_dma source(%dma_start3A_175 : memref<40x128xi32, #tpu.memory_space<hbm>>) target(%arg8 : memref<40x128xi32, #tpu.memory_space<vmem>>) target_semaphore(%run_scoped3A_171 : memref<!tpu.dma_semaphore, #tpu.memory_space<semaphore_mem>>)
      %dma_wait3A_176 = arith.constant 0 : i32
      %dma_wait3A_177 = tpu.memref_slice %arg3[%add3A_118, %dma_wait3A_176] : memref<1280x128xi32, #tpu.memory_space<hbm>> -> memref<40x128xi32, #tpu.memory_space<hbm>>
      %dma_wait3A_178 = arith.constant 0 : i32
      %dma_wait3A_179 = tpu.memref_slice %arg3[%add3A_118, %dma_wait3A_178] : memref<1280x128xi32, #tpu.memory_space<hbm>> -> memref<40x128xi32, #tpu.memory_space<hbm>>
      tpu.wait_dma2 semaphore(%run_scoped3A_171 : memref<!tpu.dma_semaphore, #tpu.memory_space<semaphore_mem>>) src(%dma_wait3A_179 : memref<40x128xi32, #tpu.memory_space<hbm>>) dst(%arg8 : memref<40x128xi32, #tpu.memory_space<vmem>>)
      tpu.yield
    }) : () -> ()
    "tpu.region"() ({
      %run_scoped3A_171 = tpu.sem_alloc : memref<!tpu.dma_semaphore, #tpu.memory_space<semaphore_mem>>
      %dma_start3A_172 = arith.constant 0 : i32
      %dma_start3A_173 = tpu.memref_slice %arg4[%add3A_118, %dma_start3A_172] : memref<1280x128xi32, #tpu.memory_space<hbm>> -> memref<40x128xi32, #tpu.memory_space<hbm>>
      %dma_start3A_174 = arith.constant 0 : i32
      %dma_start3A_175 = tpu.memref_slice %arg4[%add3A_118, %dma_start3A_174] : memref<1280x128xi32, #tpu.memory_space<hbm>> -> memref<40x128xi32, #tpu.memory_space<hbm>>
      tpu.enqueue_dma source(%dma_start3A_175 : memref<40x128xi32, #tpu.memory_space<hbm>>) target(%arg9 : memref<40x128xi32, #tpu.memory_space<vmem>>) target_semaphore(%run_scoped3A_171 : memref<!tpu.dma_semaphore, #tpu.memory_space<semaphore_mem>>)
      %dma_wait3A_176 = arith.constant 0 : i32
      %dma_wait3A_177 = tpu.memref_slice %arg4[%add3A_118, %dma_wait3A_176] : memref<1280x128xi32, #tpu.memory_space<hbm>> -> memref<40x128xi32, #tpu.memory_space<hbm>>
      %dma_wait3A_178 = arith.constant 0 : i32
      %dma_wait3A_179 = tpu.memref_slice %arg4[%add3A_118, %dma_wait3A_178] : memref<1280x128xi32, #tpu.memory_space<hbm>> -> memref<40x128xi32, #tpu.memory_space<hbm>>
      tpu.wait_dma2 semaphore(%run_scoped3A_171 : memref<!tpu.dma_semaphore, #tpu.memory_space<semaphore_mem>>) src(%dma_wait3A_179 : memref<40x128xi32, #tpu.memory_space<hbm>>) dst(%arg9 : memref<40x128xi32, #tpu.memory_space<vmem>>)
      tpu.yield
    }) : () -> ()
    %dma_start3A_119 = arith.constant 0 : i32
    %dma_start3A_120 = arith.constant 0 : i32
    %dma_start3A_121 = tpu.memref_slice %arg8[%dma_start3A_119, %dma_start3A_120] : memref<40x128xi32, #tpu.memory_space<vmem>> -> memref<1x128xi32, #tpu.memory_space<vmem>>
    %dma_start3A_122 = tpu.memref_squeeze %dma_start3A_121 : memref<1x128xi32, #tpu.memory_space<vmem>> -> memref<128xi32, #tpu.memory_space<vmem>>
    %dma_start3A_123 = arith.constant 0 : i32
    %dma_start3A_124 = arith.constant 0 : i32
    %dma_start3A_125 = tpu.memref_slice %arg2[%arg0, %dma_start3A_123, %dma_start3A_124] : memref<2x10000x128xf32, #tpu.memory_space<hbm>> -> memref<1x10000x128xf32, #tpu.memory_space<hbm>>
    %dma_start3A_126 = tpu.memref_squeeze %dma_start3A_125 : memref<1x10000x128xf32, #tpu.memory_space<hbm>> -> memref<10000x128xf32, #tpu.memory_space<hbm>>
    %dma_start3A_127 = arith.constant 0 : i32
    %dma_start3A_128 = arith.constant 0 : i32
    %dma_start3A_129 = tpu.memref_slice %dma_start3A_126[%dma_start3A_127, %dma_start3A_128] : memref<10000x128xf32, #tpu.memory_space<hbm>> -> memref<10000x128xf32, #tpu.memory_space<hbm>>
    tpu.enqueue_indirect_dma source(%dma_start3A_129 : memref<10000x128xf32, #tpu.memory_space<hbm>>) target(%arg6 : memref<128x128xf32, #tpu.memory_space<vmem>>) offsets(%dma_start3A_122 : memref<128xi32, #tpu.memory_space<vmem>>) semaphore(%arg11 : memref<!tpu.dma_semaphore, #tpu.memory_space<semaphore_mem>>)
    %dma_start3A_130 = arith.constant 1 : i32
    %dma_start3A_131 = arith.constant 0 : i32
    %dma_start3A_132 = tpu.memref_slice %arg8[%dma_start3A_130, %dma_start3A_131] : memref<40x128xi32, #tpu.memory_space<vmem>> -> memref<1x128xi32, #tpu.memory_space<vmem>>
    %dma_start3A_133 = tpu.memref_squeeze %dma_start3A_132 : memref<1x128xi32, #tpu.memory_space<vmem>> -> memref<128xi32, #tpu.memory_space<vmem>>
    %dma_start3A_134 = arith.constant 0 : i32
    %dma_start3A_135 = arith.constant 0 : i32
    %dma_start3A_136 = tpu.memref_slice %arg2[%arg0, %dma_start3A_134, %dma_start3A_135] : memref<2x10000x128xf32, #tpu.memory_space<hbm>> -> memref<1x10000x128xf32, #tpu.memory_space<hbm>>
    %dma_start3A_137 = tpu.memref_squeeze %dma_start3A_136 : memref<1x10000x128xf32, #tpu.memory_space<hbm>> -> memref<10000x128xf32, #tpu.memory_space<hbm>>
    %dma_start3A_138 = arith.constant 0 : i32
    %dma_start3A_139 = arith.constant 0 : i32
    %dma_start3A_140 = tpu.memref_slice %dma_start3A_137[%dma_start3A_138, %dma_start3A_139] : memref<10000x128xf32, #tpu.memory_space<hbm>> -> memref<10000x128xf32, #tpu.memory_space<hbm>>
    tpu.enqueue_indirect_dma source(%dma_start3A_140 : memref<10000x128xf32, #tpu.memory_space<hbm>>) target(%arg7 : memref<128x128xf32, #tpu.memory_space<vmem>>) offsets(%dma_start3A_133 : memref<128xi32, #tpu.memory_space<vmem>>) semaphore(%arg12 : memref<!tpu.dma_semaphore, #tpu.memory_space<semaphore_mem>>)
    %scan3A_141 = arith.constant 0 : i32
    %scan3A_142 = arith.constant 19 : i32
    %scan3A_143 = arith.addi %scan3A_141, %scan3A_142 : i32
    %scan3A_144 = arith.constant 1 : i32
    scf.for %scan3A_171 = %scan3A_141 to %scan3A_143 step %scan3A_144  : i32 {
      %mul3A_172 = arith.constant 1 : i32
      %mul3A_173 = arith.muli %scan3A_171, %mul3A_172 : i32
      %add3A_174 = arith.constant 0 : i32
      %add3A_175 = arith.addi %add3A_174, %mul3A_173 : i32
      %mul3A_176 = arith.constant 2 : i32
      %mul3A_177 = arith.muli %mul3A_176, %add3A_175 : i32
      %dma_wait3A_178 = arith.constant 0 : i32
      %dma_wait3A_179 = tpu.memref_slice %arg8[%mul3A_177, %dma_wait3A_178] : memref<40x128xi32, #tpu.memory_space<vmem>> -> memref<1x128xi32, #tpu.memory_space<vmem>>
      %dma_wait3A_180 = tpu.memref_squeeze %dma_wait3A_179 : memref<1x128xi32, #tpu.memory_space<vmem>> -> memref<128xi32, #tpu.memory_space<vmem>>
      %dma_wait3A_181 = arith.constant 0 : i32
      %dma_wait3A_182 = arith.constant 0 : i32
      %dma_wait3A_183 = tpu.memref_slice %arg2[%arg0, %dma_wait3A_181, %dma_wait3A_182] : memref<2x10000x128xf32, #tpu.memory_space<hbm>> -> memref<1x10000x128xf32, #tpu.memory_space<hbm>>
      %dma_wait3A_184 = tpu.memref_squeeze %dma_wait3A_183 : memref<1x10000x128xf32, #tpu.memory_space<hbm>> -> memref<10000x128xf32, #tpu.memory_space<hbm>>
      %dma_wait3A_185 = arith.constant 0 : i32
      %dma_wait3A_186 = arith.constant 0 : i32
      %dma_wait3A_187 = tpu.memref_slice %dma_wait3A_184[%dma_wait3A_185, %dma_wait3A_186] : memref<10000x128xf32, #tpu.memory_space<hbm>> -> memref<10000x128xf32, #tpu.memory_space<hbm>>
      tpu.wait_indirect_dma semaphore(%arg11 : memref<!tpu.dma_semaphore, #tpu.memory_space<semaphore_mem>>) src(%dma_wait3A_187 : memref<10000x128xf32, #tpu.memory_space<hbm>>) dst(%arg6 : memref<128x128xf32, #tpu.memory_space<vmem>>)
      "tpu.region"() ({
        %run_scoped3A_224 = tpu.sem_alloc : memref<!tpu.dma_semaphore, #tpu.memory_space<semaphore_mem>>
        %dma_start3A_225 = arith.constant 0 : i32
        %dma_start3A_226 = tpu.memref_slice %arg9[%mul3A_177, %dma_start3A_225] : memref<40x128xi32, #tpu.memory_space<vmem>> -> memref<1x128xi32, #tpu.memory_space<vmem>>
        %dma_start3A_227 = tpu.memref_squeeze %dma_start3A_226 : memref<1x128xi32, #tpu.memory_space<vmem>> -> memref<128xi32, #tpu.memory_space<vmem>>
        %dma_start3A_228 = arith.constant 0 : i32
        %dma_start3A_229 = arith.constant 0 : i32
        %dma_start3A_230 = tpu.memref_slice %arg10[%dma_start3A_228, %dma_start3A_229] : memref<10240x128xf32, #tpu.memory_space<vmem_shared>> -> memref<10240x128xf32, #tpu.memory_space<vmem_shared>>
        tpu.enqueue_indirect_dma source(%arg6 : memref<128x128xf32, #tpu.memory_space<vmem>>) target(%dma_start3A_230 : memref<10240x128xf32, #tpu.memory_space<vmem_shared>>) offsets(%dma_start3A_227 : memref<128xi32, #tpu.memory_space<vmem>>) semaphore(%run_scoped3A_224 : memref<!tpu.dma_semaphore, #tpu.memory_space<semaphore_mem>>) {add = true}
        %dma_wait3A_231 = arith.constant 0 : i32
        %dma_wait3A_232 = tpu.memref_slice %arg9[%mul3A_177, %dma_wait3A_231] : memref<40x128xi32, #tpu.memory_space<vmem>> -> memref<1x128xi32, #tpu.memory_space<vmem>>
        %dma_wait3A_233 = tpu.memref_squeeze %dma_wait3A_232 : memref<1x128xi32, #tpu.memory_space<vmem>> -> memref<128xi32, #tpu.memory_space<vmem>>
        %dma_wait3A_234 = arith.constant 0 : i32
        %dma_wait3A_235 = arith.constant 0 : i32
        %dma_wait3A_236 = tpu.memref_slice %arg10[%dma_wait3A_234, %dma_wait3A_235] : memref<10240x128xf32, #tpu.memory_space<vmem_shared>> -> memref<10240x128xf32, #tpu.memory_space<vmem_shared>>
        tpu.wait_indirect_dma semaphore(%run_scoped3A_224 : memref<!tpu.dma_semaphore, #tpu.memory_space<semaphore_mem>>) src(%arg6 : memref<128x128xf32, #tpu.memory_space<vmem>>) dst(%dma_wait3A_236 : memref<10240x128xf32, #tpu.memory_space<vmem_shared>>)
        tpu.yield
      }) : () -> ()
      %add3A_188 = arith.constant 2 : i32
      %add3A_189 = arith.addi %mul3A_177, %add3A_188 : i32
      %dma_start3A_190 = arith.constant 0 : i32
      %dma_start3A_191 = tpu.memref_slice %arg8[%add3A_189, %dma_start3A_190] : memref<40x128xi32, #tpu.memory_space<vmem>> -> memref<1x128xi32, #tpu.memory_space<vmem>>
      %dma_start3A_192 = tpu.memref_squeeze %dma_start3A_191 : memref<1x128xi32, #tpu.memory_space<vmem>> -> memref<128xi32, #tpu.memory_space<vmem>>
      %dma_start3A_193 = arith.constant 0 : i32
      %dma_start3A_194 = arith.constant 0 : i32
      %dma_start3A_195 = tpu.memref_slice %arg2[%arg0, %dma_start3A_193, %dma_start3A_194] : memref<2x10000x128xf32, #tpu.memory_space<hbm>> -> memref<1x10000x128xf32, #tpu.memory_space<hbm>>
      %dma_start3A_196 = tpu.memref_squeeze %dma_start3A_195 : memref<1x10000x128xf32, #tpu.memory_space<hbm>> -> memref<10000x128xf32, #tpu.memory_space<hbm>>
      %dma_start3A_197 = arith.constant 0 : i32
      %dma_start3A_198 = arith.constant 0 : i32
      %dma_start3A_199 = tpu.memref_slice %dma_start3A_196[%dma_start3A_197, %dma_start3A_198] : memref<10000x128xf32, #tpu.memory_space<hbm>> -> memref<10000x128xf32, #tpu.memory_space<hbm>>
      tpu.enqueue_indirect_dma source(%dma_start3A_199 : memref<10000x128xf32, #tpu.memory_space<hbm>>) target(%arg6 : memref<128x128xf32, #tpu.memory_space<vmem>>) offsets(%dma_start3A_192 : memref<128xi32, #tpu.memory_space<vmem>>) semaphore(%arg11 : memref<!tpu.dma_semaphore, #tpu.memory_space<semaphore_mem>>)
      %add3A_200 = arith.constant 1 : i32
      %add3A_201 = arith.addi %mul3A_177, %add3A_200 : i32
      %dma_wait3A_202 = arith.constant 0 : i32
      %dma_wait3A_203 = tpu.memref_slice %arg8[%add3A_201, %dma_wait3A_202] : memref<40x128xi32, #tpu.memory_space<vmem>> -> memref<1x128xi32, #tpu.memory_space<vmem>>
      %dma_wait3A_204 = tpu.memref_squeeze %dma_wait3A_203 : memref<1x128xi32, #tpu.memory_space<vmem>> -> memref<128xi32, #tpu.memory_space<vmem>>
      %dma_wait3A_205 = arith.constant 0 : i32
      %dma_wait3A_206 = arith.constant 0 : i32
      %dma_wait3A_207 = tpu.memref_slice %arg2[%arg0, %dma_wait3A_205, %dma_wait3A_206] : memref<2x10000x128xf32, #tpu.memory_space<hbm>> -> memref<1x10000x128xf32, #tpu.memory_space<hbm>>
      %dma_wait3A_208 = tpu.memref_squeeze %dma_wait3A_207 : memref<1x10000x128xf32, #tpu.memory_space<hbm>> -> memref<10000x128xf32, #tpu.memory_space<hbm>>
      %dma_wait3A_209 = arith.constant 0 : i32
      %dma_wait3A_210 = arith.constant 0 : i32
      %dma_wait3A_211 = tpu.memref_slice %dma_wait3A_208[%dma_wait3A_209, %dma_wait3A_210] : memref<10000x128xf32, #tpu.memory_space<hbm>> -> memref<10000x128xf32, #tpu.memory_space<hbm>>
      tpu.wait_indirect_dma semaphore(%arg12 : memref<!tpu.dma_semaphore, #tpu.memory_space<semaphore_mem>>) src(%dma_wait3A_211 : memref<10000x128xf32, #tpu.memory_space<hbm>>) dst(%arg7 : memref<128x128xf32, #tpu.memory_space<vmem>>)
      "tpu.region"() ({
        %run_scoped3A_224 = tpu.sem_alloc : memref<!tpu.dma_semaphore, #tpu.memory_space<semaphore_mem>>
        %dma_start3A_225 = arith.constant 0 : i32
        %dma_start3A_226 = tpu.memref_slice %arg9[%add3A_201, %dma_start3A_225] : memref<40x128xi32, #tpu.memory_space<vmem>> -> memref<1x128xi32, #tpu.memory_space<vmem>>
        %dma_start3A_227 = tpu.memref_squeeze %dma_start3A_226 : memref<1x128xi32, #tpu.memory_space<vmem>> -> memref<128xi32, #tpu.memory_space<vmem>>
        %dma_start3A_228 = arith.constant 0 : i32
        %dma_start3A_229 = arith.constant 0 : i32
        %dma_start3A_230 = tpu.memref_slice %arg10[%dma_start3A_228, %dma_start3A_229] : memref<10240x128xf32, #tpu.memory_space<vmem_shared>> -> memref<10240x128xf32, #tpu.memory_space<vmem_shared>>
        tpu.enqueue_indirect_dma source(%arg7 : memref<128x128xf32, #tpu.memory_space<vmem>>) target(%dma_start3A_230 : memref<10240x128xf32, #tpu.memory_space<vmem_shared>>) offsets(%dma_start3A_227 : memref<128xi32, #tpu.memory_space<vmem>>) semaphore(%run_scoped3A_224 : memref<!tpu.dma_semaphore, #tpu.memory_space<semaphore_mem>>) {add = true}
        %dma_wait3A_231 = arith.constant 0 : i32
        %dma_wait3A_232 = tpu.memref_slice %arg9[%add3A_201, %dma_wait3A_231] : memref<40x128xi32, #tpu.memory_space<vmem>> -> memref<1x128xi32, #tpu.memory_space<vmem>>
        %dma_wait3A_233 = tpu.memref_squeeze %dma_wait3A_232 : memref<1x128xi32, #tpu.memory_space<vmem>> -> memref<128xi32, #tpu.memory_space<vmem>>
        %dma_wait3A_234 = arith.constant 0 : i32
        %dma_wait3A_235 = arith.constant 0 : i32
        %dma_wait3A_236 = tpu.memref_slice %arg10[%dma_wait3A_234, %dma_wait3A_235] : memref<10240x128xf32, #tpu.memory_space<vmem_shared>> -> memref<10240x128xf32, #tpu.memory_space<vmem_shared>>
        tpu.wait_indirect_dma semaphore(%run_scoped3A_224 : memref<!tpu.dma_semaphore, #tpu.memory_space<semaphore_mem>>) src(%arg7 : memref<128x128xf32, #tpu.memory_space<vmem>>) dst(%dma_wait3A_236 : memref<10240x128xf32, #tpu.memory_space<vmem_shared>>)
        tpu.yield
      }) : () -> ()
      %add3A_212 = arith.constant 3 : i32
      %add3A_213 = arith.addi %mul3A_177, %add3A_212 : i32
      %dma_start3A_214 = arith.constant 0 : i32
      %dma_start3A_215 = tpu.memref_slice %arg8[%add3A_213, %dma_start3A_214] : memref<40x128xi32, #tpu.memory_space<vmem>> -> memref<1x128xi32, #tpu.memory_space<vmem>>
      %dma_start3A_216 = tpu.memref_squeeze %dma_start3A_215 : memref<1x128xi32, #tpu.memory_space<vmem>> -> memref<128xi32, #tpu.memory_space<vmem>>
      %dma_start3A_217 = arith.constant 0 : i32
      %dma_start3A_218 = arith.constant 0 : i32
      %dma_start3A_219 = tpu.memref_slice %arg2[%arg0, %dma_start3A_217, %dma_start3A_218] : memref<2x10000x128xf32, #tpu.memory_space<hbm>> -> memref<1x10000x128xf32, #tpu.memory_space<hbm>>
      %dma_start3A_220 = tpu.memref_squeeze %dma_start3A_219 : memref<1x10000x128xf32, #tpu.memory_space<hbm>> -> memref<10000x128xf32, #tpu.memory_space<hbm>>
      %dma_start3A_221 = arith.constant 0 : i32
      %dma_start3A_222 = arith.constant 0 : i32
      %dma_start3A_223 = tpu.memref_slice %dma_start3A_220[%dma_start3A_221, %dma_start3A_222] : memref<10000x128xf32, #tpu.memory_space<hbm>> -> memref<10000x128xf32, #tpu.memory_space<hbm>>
      tpu.enqueue_indirect_dma source(%dma_start3A_223 : memref<10000x128xf32, #tpu.memory_space<hbm>>) target(%arg7 : memref<128x128xf32, #tpu.memory_space<vmem>>) offsets(%dma_start3A_216 : memref<128xi32, #tpu.memory_space<vmem>>) semaphore(%arg12 : memref<!tpu.dma_semaphore, #tpu.memory_space<semaphore_mem>>)
    }
    %scan3A_145 = arith.constant 19 : i32
    %dma_wait3A_146 = arith.constant 38 : i32
    %dma_wait3A_147 = arith.constant 0 : i32
    %dma_wait3A_148 = tpu.memref_slice %arg8[%dma_wait3A_146, %dma_wait3A_147] : memref<40x128xi32, #tpu.memory_space<vmem>> -> memref<1x128xi32, #tpu.memory_space<vmem>>
    %dma_wait3A_149 = tpu.memref_squeeze %dma_wait3A_148 : memref<1x128xi32, #tpu.memory_space<vmem>> -> memref<128xi32, #tpu.memory_space<vmem>>
    %dma_wait3A_150 = arith.constant 0 : i32
    %dma_wait3A_151 = arith.constant 0 : i32
    %dma_wait3A_152 = tpu.memref_slice %arg2[%arg0, %dma_wait3A_150, %dma_wait3A_151] : memref<2x10000x128xf32, #tpu.memory_space<hbm>> -> memref<1x10000x128xf32, #tpu.memory_space<hbm>>
    %dma_wait3A_153 = tpu.memref_squeeze %dma_wait3A_152 : memref<1x10000x128xf32, #tpu.memory_space<hbm>> -> memref<10000x128xf32, #tpu.memory_space<hbm>>
    %dma_wait3A_154 = arith.constant 0 : i32
    %dma_wait3A_155 = arith.constant 0 : i32
    %dma_wait3A_156 = tpu.memref_slice %dma_wait3A_153[%dma_wait3A_154, %dma_wait3A_155] : memref<10000x128xf32, #tpu.memory_space<hbm>> -> memref<10000x128xf32, #tpu.memory_space<hbm>>
    tpu.wait_indirect_dma semaphore(%arg11 : memref<!tpu.dma_semaphore, #tpu.memory_space<semaphore_mem>>) src(%dma_wait3A_156 : memref<10000x128xf32, #tpu.memory_space<hbm>>) dst(%arg6 : memref<128x128xf32, #tpu.memory_space<vmem>>)
    %run_scoped3A_157 = arith.constant 38 : i32
    "tpu.region"() ({
      %run_scoped3A_171 = tpu.sem_alloc : memref<!tpu.dma_semaphore, #tpu.memory_space<semaphore_mem>>
      %dma_start3A_172 = arith.constant 0 : i32
      %dma_start3A_173 = tpu.memref_slice %arg9[%run_scoped3A_157, %dma_start3A_172] : memref<40x128xi32, #tpu.memory_space<vmem>> -> memref<1x128xi32, #tpu.memory_space<vmem>>
      %dma_start3A_174 = tpu.memref_squeeze %dma_start3A_173 : memref<1x128xi32, #tpu.memory_space<vmem>> -> memref<128xi32, #tpu.memory_space<vmem>>
      %dma_start3A_175 = arith.constant 0 : i32
      %dma_start3A_176 = arith.constant 0 : i32
      %dma_start3A_177 = tpu.memref_slice %arg10[%dma_start3A_175, %dma_start3A_176] : memref<10240x128xf32, #tpu.memory_space<vmem_shared>> -> memref<10240x128xf32, #tpu.memory_space<vmem_shared>>
      tpu.enqueue_indirect_dma source(%arg6 : memref<128x128xf32, #tpu.memory_space<vmem>>) target(%dma_start3A_177 : memref<10240x128xf32, #tpu.memory_space<vmem_shared>>) offsets(%dma_start3A_174 : memref<128xi32, #tpu.memory_space<vmem>>) semaphore(%run_scoped3A_171 : memref<!tpu.dma_semaphore, #tpu.memory_space<semaphore_mem>>) {add = true}
      %dma_wait3A_178 = arith.constant 0 : i32
      %dma_wait3A_179 = tpu.memref_slice %arg9[%run_scoped3A_157, %dma_wait3A_178] : memref<40x128xi32, #tpu.memory_space<vmem>> -> memref<1x128xi32, #tpu.memory_space<vmem>>
      %dma_wait3A_180 = tpu.memref_squeeze %dma_wait3A_179 : memref<1x128xi32, #tpu.memory_space<vmem>> -> memref<128xi32, #tpu.memory_space<vmem>>
      %dma_wait3A_181 = arith.constant 0 : i32
      %dma_wait3A_182 = arith.constant 0 : i32
      %dma_wait3A_183 = tpu.memref_slice %arg10[%dma_wait3A_181, %dma_wait3A_182] : memref<10240x128xf32, #tpu.memory_space<vmem_shared>> -> memref<10240x128xf32, #tpu.memory_space<vmem_shared>>
      tpu.wait_indirect_dma semaphore(%run_scoped3A_171 : memref<!tpu.dma_semaphore, #tpu.memory_space<semaphore_mem>>) src(%arg6 : memref<128x128xf32, #tpu.memory_space<vmem>>) dst(%dma_wait3A_183 : memref<10240x128xf32, #tpu.memory_space<vmem_shared>>)
      tpu.yield
    }) : () -> ()
    %dma_wait3A_158 = arith.constant 39 : i32
    %dma_wait3A_159 = arith.constant 0 : i32
    %dma_wait3A_160 = tpu.memref_slice %arg8[%dma_wait3A_158, %dma_wait3A_159] : memref<40x128xi32, #tpu.memory_space<vmem>> -> memref<1x128xi32, #tpu.memory_space<vmem>>
    %dma_wait3A_161 = tpu.memref_squeeze %dma_wait3A_160 : memref<1x128xi32, #tpu.memory_space<vmem>> -> memref<128xi32, #tpu.memory_space<vmem>>
    %dma_wait3A_162 = arith.constant 0 : i32
    %dma_wait3A_163 = arith.constant 0 : i32
    %dma_wait3A_164 = tpu.memref_slice %arg2[%arg0, %dma_wait3A_162, %dma_wait3A_163] : memref<2x10000x128xf32, #tpu.memory_space<hbm>> -> memref<1x10000x128xf32, #tpu.memory_space<hbm>>
    %dma_wait3A_165 = tpu.memref_squeeze %dma_wait3A_164 : memref<1x10000x128xf32, #tpu.memory_space<hbm>> -> memref<10000x128xf32, #tpu.memory_space<hbm>>
    %dma_wait3A_166 = arith.constant 0 : i32
    %dma_wait3A_167 = arith.constant 0 : i32
    %dma_wait3A_168 = tpu.memref_slice %dma_wait3A_165[%dma_wait3A_166, %dma_wait3A_167] : memref<10000x128xf32, #tpu.memory_space<hbm>> -> memref<10000x128xf32, #tpu.memory_space<hbm>>
    tpu.wait_indirect_dma semaphore(%arg12 : memref<!tpu.dma_semaphore, #tpu.memory_space<semaphore_mem>>) src(%dma_wait3A_168 : memref<10000x128xf32, #tpu.memory_space<hbm>>) dst(%arg7 : memref<128x128xf32, #tpu.memory_space<vmem>>)
    %run_scoped3A_169 = arith.constant 39 : i32
    "tpu.region"() ({
      %run_scoped3A_171 = tpu.sem_alloc : memref<!tpu.dma_semaphore, #tpu.memory_space<semaphore_mem>>
      %dma_start3A_172 = arith.constant 0 : i32
      %dma_start3A_173 = tpu.memref_slice %arg9[%run_scoped3A_169, %dma_start3A_172] : memref<40x128xi32, #tpu.memory_space<vmem>> -> memref<1x128xi32, #tpu.memory_space<vmem>>
      %dma_start3A_174 = tpu.memref_squeeze %dma_start3A_173 : memref<1x128xi32, #tpu.memory_space<vmem>> -> memref<128xi32, #tpu.memory_space<vmem>>
      %dma_start3A_175 = arith.constant 0 : i32
      %dma_start3A_176 = arith.constant 0 : i32
      %dma_start3A_177 = tpu.memref_slice %arg10[%dma_start3A_175, %dma_start3A_176] : memref<10240x128xf32, #tpu.memory_space<vmem_shared>> -> memref<10240x128xf32, #tpu.memory_space<vmem_shared>>
      tpu.enqueue_indirect_dma source(%arg7 : memref<128x128xf32, #tpu.memory_space<vmem>>) target(%dma_start3A_177 : memref<10240x128xf32, #tpu.memory_space<vmem_shared>>) offsets(%dma_start3A_174 : memref<128xi32, #tpu.memory_space<vmem>>) semaphore(%run_scoped3A_171 : memref<!tpu.dma_semaphore, #tpu.memory_space<semaphore_mem>>) {add = true}
      %dma_wait3A_178 = arith.constant 0 : i32
      %dma_wait3A_179 = tpu.memref_slice %arg9[%run_scoped3A_169, %dma_wait3A_178] : memref<40x128xi32, #tpu.memory_space<vmem>> -> memref<1x128xi32, #tpu.memory_space<vmem>>
      %dma_wait3A_180 = tpu.memref_squeeze %dma_wait3A_179 : memref<1x128xi32, #tpu.memory_space<vmem>> -> memref<128xi32, #tpu.memory_space<vmem>>
      %dma_wait3A_181 = arith.constant 0 : i32
      %dma_wait3A_182 = arith.constant 0 : i32
      %dma_wait3A_183 = tpu.memref_slice %arg10[%dma_wait3A_181, %dma_wait3A_182] : memref<10240x128xf32, #tpu.memory_space<vmem_shared>> -> memref<10240x128xf32, #tpu.memory_space<vmem_shared>>
      tpu.wait_indirect_dma semaphore(%run_scoped3A_171 : memref<!tpu.dma_semaphore, #tpu.memory_space<semaphore_mem>>) src(%arg7 : memref<128x128xf32, #tpu.memory_space<vmem>>) dst(%dma_wait3A_183 : memref<10240x128xf32, #tpu.memory_space<vmem_shared>>)
      tpu.yield
    }) : () -> ()
    %barrier3A_170 = arith.constant 0 : index
    tpu.barrier barrier_id(%barrier3A_170)
    "tpu.region"() ({
      %run_scoped3A_171 = tpu.sem_alloc : memref<!tpu.dma_semaphore, #tpu.memory_space<semaphore_mem>>
      %dma_start3A_172 = arith.constant 0 : i32
      %dma_start3A_173 = arith.constant 0 : i32
      %dma_start3A_174 = tpu.memref_slice %arg5[%arg0, %dma_start3A_172, %dma_start3A_173] : memref<2x10240x128xf32, #tpu.memory_space<hbm>> -> memref<1x10240x128xf32, #tpu.memory_space<hbm>>
      %dma_start3A_175 = tpu.memref_squeeze %dma_start3A_174 : memref<1x10240x128xf32, #tpu.memory_space<hbm>> -> memref<10240x128xf32, #tpu.memory_space<hbm>>
      %dma_start3A_176 = arith.constant 0 : i32
      %dma_start3A_177 = tpu.memref_slice %dma_start3A_175[%mul3A_0, %dma_start3A_176] : memref<10240x128xf32, #tpu.memory_space<hbm>> -> memref<640x128xf32, #tpu.memory_space<hbm>>
      %dma_start3A_178 = arith.constant 0 : i32
      %dma_start3A_179 = tpu.memref_slice %arg10[%mul3A_0, %dma_start3A_178] : memref<10240x128xf32, #tpu.memory_space<vmem_shared>> -> memref<640x128xf32, #tpu.memory_space<vmem_shared>>
      tpu.enqueue_dma source(%dma_start3A_179 : memref<640x128xf32, #tpu.memory_space<vmem_shared>>) target(%dma_start3A_177 : memref<640x128xf32, #tpu.memory_space<hbm>>) target_semaphore(%run_scoped3A_171 : memref<!tpu.dma_semaphore, #tpu.memory_space<semaphore_mem>>)
      %dma_wait3A_180 = arith.constant 0 : i32
      %dma_wait3A_181 = arith.constant 0 : i32
      %dma_wait3A_182 = tpu.memref_slice %arg5[%arg0, %dma_wait3A_180, %dma_wait3A_181] : memref<2x10240x128xf32, #tpu.memory_space<hbm>> -> memref<1x10240x128xf32, #tpu.memory_space<hbm>>
      %dma_wait3A_183 = tpu.memref_squeeze %dma_wait3A_182 : memref<1x10240x128xf32, #tpu.memory_space<hbm>> -> memref<10240x128xf32, #tpu.memory_space<hbm>>
      %dma_wait3A_184 = arith.constant 0 : i32
      %dma_wait3A_185 = tpu.memref_slice %dma_wait3A_183[%mul3A_0, %dma_wait3A_184] : memref<10240x128xf32, #tpu.memory_space<hbm>> -> memref<640x128xf32, #tpu.memory_space<hbm>>
      %dma_wait3A_186 = arith.constant 0 : i32
      %dma_wait3A_187 = tpu.memref_slice %arg10[%mul3A_0, %dma_wait3A_186] : memref<10240x128xf32, #tpu.memory_space<vmem_shared>> -> memref<640x128xf32, #tpu.memory_space<vmem_shared>>
      tpu.wait_dma2 semaphore(%run_scoped3A_171 : memref<!tpu.dma_semaphore, #tpu.memory_space<semaphore_mem>>) src(%dma_wait3A_187 : memref<640x128xf32, #tpu.memory_space<vmem_shared>>) dst(%dma_wait3A_185 : memref<640x128xf32, #tpu.memory_space<hbm>>)
      tpu.yield
    }) : () -> ()
    return
  }
}

#map = affine_map<(d0, d1) -> (0, 0)>
#map1 = affine_map<(d0, d1) -> (0, 0, 0)>
module attributes {stable_mosaic.version = 14 : i64} {
  func.func @prop(%arg0: i32, %arg1: i32, %arg2: memref<10000x128xf32, #tpu.memory_space<hbm>>, %arg3: memref<1280x128xi32, #tpu.memory_space<hbm>>, %arg4: memref<1280x128xi32, #tpu.memory_space<hbm>>, %arg5: memref<2x10240x128xf32, #tpu.memory_space<hbm>>, %arg6: memref<128x128xf32, #tpu.memory_space<vmem>>, %arg7: memref<128x128xf32, #tpu.memory_space<vmem>>, %arg8: memref<40x128xi32, #tpu.memory_space<vmem>>, %arg9: memref<40x128xi32, #tpu.memory_space<vmem>>, %arg10: memref<10240x128xf32, #tpu.memory_space<vmem_shared>>, %arg11: memref<!tpu.dma_semaphore, #tpu.memory_space<semaphore_mem>>, %arg12: memref<!tpu.dma_semaphore, #tpu.memory_space<semaphore_mem>>) attributes {dimension_semantics = [#tpu.dimension_semantics<core_parallel>, #tpu.dimension_semantics<subcore_parallel>], iteration_bounds = array<i64: 2, 16>, scalar_prefetch = 0 : i64, scratch_operands = 7 : i64, tpu.core_type = #tpu.core_type<sc_vector_subcore>, window_params = [{transform_indices = #map}, {transform_indices = #map}, {transform_indices = #map}, {transform_indices = #map1}]} {
    %mul3A = arith.constant 640 : i32
    %mul3A_0 = arith.muli %arg1, %mul3A : i32
    %broadcast_in_dim3A = arith.constant 0.000000e+00 : f32
    %broadcast_in_dim3A_1 = vector.broadcast %broadcast_in_dim3A : f32 to vector<16xf32>
    %scan3A = arith.constant 0 : i32
    %scan3A_2 = arith.constant 128 : i32
    %scan3A_3 = arith.addi %scan3A, %scan3A_2 : i32
    %scan3A_4 = arith.constant 1 : i32
    scf.for %scan3A_105 = %scan3A to %scan3A_3 step %scan3A_4  : i32 {
      %mul3A_106 = arith.constant 1 : i32
      %mul3A_107 = arith.muli %scan3A_105, %mul3A_106 : i32
      %add3A_108 = arith.constant 0 : i32
      %add3A_109 = arith.addi %add3A_108, %mul3A_107 : i32
      %swap3A = arith.index_cast %add3A_109 : i32 to index
      %swap3A_110 = arith.constant 0 : index
      %swap3A_111 = tpu.vector_load %arg6[%swap3A, %swap3A_110] {strides = array<i32>} : memref<128x128xf32, #tpu.memory_space<vmem>>, vector<1x16xf32>,
      %swap3A_112 = vector.shape_cast %swap3A_111 : vector<1x16xf32> to vector<16xf32>
      %swap3A_113 = vector.shape_cast %broadcast_in_dim3A_1 : vector<16xf32> to vector<1x16xf32>
      tpu.vector_store %arg6[%swap3A, %swap3A_110], %swap3A_113 {strides = array<i32>} : memref<128x128xf32, #tpu.memory_space<vmem>>, vector<1x16xf32>,
      %swap3A_114 = arith.index_cast %add3A_109 : i32 to index
      %swap3A_115 = arith.constant 16 : index
      %swap3A_116 = tpu.vector_load %arg6[%swap3A_114, %swap3A_115] {strides = array<i32>} : memref<128x128xf32, #tpu.memory_space<vmem>>, vector<1x16xf32>,
      %swap3A_117 = vector.shape_cast %swap3A_116 : vector<1x16xf32> to vector<16xf32>
      %swap3A_118 = vector.shape_cast %broadcast_in_dim3A_1 : vector<16xf32> to vector<1x16xf32>
      tpu.vector_store %arg6[%swap3A_114, %swap3A_115], %swap3A_118 {strides = array<i32>} : memref<128x128xf32, #tpu.memory_space<vmem>>, vector<1x16xf32>,
      %swap3A_119 = arith.index_cast %add3A_109 : i32 to index
      %swap3A_120 = arith.constant 32 : index
      %swap3A_121 = tpu.vector_load %arg6[%swap3A_119, %swap3A_120] {strides = array<i32>} : memref<128x128xf32, #tpu.memory_space<vmem>>, vector<1x16xf32>,
      %swap3A_122 = vector.shape_cast %swap3A_121 : vector<1x16xf32> to vector<16xf32>
      %swap3A_123 = vector.shape_cast %broadcast_in_dim3A_1 : vector<16xf32> to vector<1x16xf32>
      tpu.vector_store %arg6[%swap3A_119, %swap3A_120], %swap3A_123 {strides = array<i32>} : memref<128x128xf32, #tpu.memory_space<vmem>>, vector<1x16xf32>,
      %swap3A_124 = arith.index_cast %add3A_109 : i32 to index
      %swap3A_125 = arith.constant 48 : index
      %swap3A_126 = tpu.vector_load %arg6[%swap3A_124, %swap3A_125] {strides = array<i32>} : memref<128x128xf32, #tpu.memory_space<vmem>>, vector<1x16xf32>,
      %swap3A_127 = vector.shape_cast %swap3A_126 : vector<1x16xf32> to vector<16xf32>
      %swap3A_128 = vector.shape_cast %broadcast_in_dim3A_1 : vector<16xf32> to vector<1x16xf32>
      tpu.vector_store %arg6[%swap3A_124, %swap3A_125], %swap3A_128 {strides = array<i32>} : memref<128x128xf32, #tpu.memory_space<vmem>>, vector<1x16xf32>,
      %swap3A_129 = arith.index_cast %add3A_109 : i32 to index
      %swap3A_130 = arith.constant 64 : index
      %swap3A_131 = tpu.vector_load %arg6[%swap3A_129, %swap3A_130] {strides = array<i32>} : memref<128x128xf32, #tpu.memory_space<vmem>>, vector<1x16xf32>,
      %swap3A_132 = vector.shape_cast %swap3A_131 : vector<1x16xf32> to vector<16xf32>
      %swap3A_133 = vector.shape_cast %broadcast_in_dim3A_1 : vector<16xf32> to vector<1x16xf32>
      tpu.vector_store %arg6[%swap3A_129, %swap3A_130], %swap3A_133 {strides = array<i32>} : memref<128x128xf32, #tpu.memory_space<vmem>>, vector<1x16xf32>,
      %swap3A_134 = arith.index_cast %add3A_109 : i32 to index
      %swap3A_135 = arith.constant 80 : index
      %swap3A_136 = tpu.vector_load %arg6[%swap3A_134, %swap3A_135] {strides = array<i32>} : memref<128x128xf32, #tpu.memory_space<vmem>>, vector<1x16xf32>,
      %swap3A_137 = vector.shape_cast %swap3A_136 : vector<1x16xf32> to vector<16xf32>
      %swap3A_138 = vector.shape_cast %broadcast_in_dim3A_1 : vector<16xf32> to vector<1x16xf32>
      tpu.vector_store %arg6[%swap3A_134, %swap3A_135], %swap3A_138 {strides = array<i32>} : memref<128x128xf32, #tpu.memory_space<vmem>>, vector<1x16xf32>,
      %swap3A_139 = arith.index_cast %add3A_109 : i32 to index
      %swap3A_140 = arith.constant 96 : index
      %swap3A_141 = tpu.vector_load %arg6[%swap3A_139, %swap3A_140] {strides = array<i32>} : memref<128x128xf32, #tpu.memory_space<vmem>>, vector<1x16xf32>,
      %swap3A_142 = vector.shape_cast %swap3A_141 : vector<1x16xf32> to vector<16xf32>
      %swap3A_143 = vector.shape_cast %broadcast_in_dim3A_1 : vector<16xf32> to vector<1x16xf32>
      tpu.vector_store %arg6[%swap3A_139, %swap3A_140], %swap3A_143 {strides = array<i32>} : memref<128x128xf32, #tpu.memory_space<vmem>>, vector<1x16xf32>,
      %swap3A_144 = arith.index_cast %add3A_109 : i32 to index
      %swap3A_145 = arith.constant 112 : index
      %swap3A_146 = tpu.vector_load %arg6[%swap3A_144, %swap3A_145] {strides = array<i32>} : memref<128x128xf32, #tpu.memory_space<vmem>>, vector<1x16xf32>,
      %swap3A_147 = vector.shape_cast %swap3A_146 : vector<1x16xf32> to vector<16xf32>
      %swap3A_148 = vector.shape_cast %broadcast_in_dim3A_1 : vector<16xf32> to vector<1x16xf32>
      tpu.vector_store %arg6[%swap3A_144, %swap3A_145], %swap3A_148 {strides = array<i32>} : memref<128x128xf32, #tpu.memory_space<vmem>>, vector<1x16xf32>,
    }
    %scan3A_5 = arith.constant 128 : i32
    %add3A = arith.constant 0 : i32
    %add3A_6 = arith.addi %mul3A_0, %add3A : i32
    %dma_start3A = arith.constant 0 : i32
    %dma_start3A_7 = tpu.memref_slice %arg10[%add3A_6, %dma_start3A] : memref<10240x128xf32, #tpu.memory_space<vmem_shared>> -> memref<128x128xf32, #tpu.memory_space<vmem_shared>>
    %dma_start3A_8 = arith.constant 0 : i32
    %dma_start3A_9 = tpu.memref_slice %arg10[%add3A_6, %dma_start3A_8] : memref<10240x128xf32, #tpu.memory_space<vmem_shared>> -> memref<128x128xf32, #tpu.memory_space<vmem_shared>>
    tpu.enqueue_dma source(%arg6 : memref<128x128xf32, #tpu.memory_space<vmem>>) target(%dma_start3A_9 : memref<128x128xf32, #tpu.memory_space<vmem_shared>>) target_semaphore(%arg11 : memref<!tpu.dma_semaphore, #tpu.memory_space<semaphore_mem>>)
    %add3A_10 = arith.constant 128 : i32
    %add3A_11 = arith.addi %mul3A_0, %add3A_10 : i32
    %dma_start3A_12 = arith.constant 0 : i32
    %dma_start3A_13 = tpu.memref_slice %arg10[%add3A_11, %dma_start3A_12] : memref<10240x128xf32, #tpu.memory_space<vmem_shared>> -> memref<128x128xf32, #tpu.memory_space<vmem_shared>>
    %dma_start3A_14 = arith.constant 0 : i32
    %dma_start3A_15 = tpu.memref_slice %arg10[%add3A_11, %dma_start3A_14] : memref<10240x128xf32, #tpu.memory_space<vmem_shared>> -> memref<128x128xf32, #tpu.memory_space<vmem_shared>>
    tpu.enqueue_dma source(%arg6 : memref<128x128xf32, #tpu.memory_space<vmem>>) target(%dma_start3A_15 : memref<128x128xf32, #tpu.memory_space<vmem_shared>>) target_semaphore(%arg11 : memref<!tpu.dma_semaphore, #tpu.memory_space<semaphore_mem>>)
    %add3A_16 = arith.constant 256 : i32
    %add3A_17 = arith.addi %mul3A_0, %add3A_16 : i32
    %dma_start3A_18 = arith.constant 0 : i32
    %dma_start3A_19 = tpu.memref_slice %arg10[%add3A_17, %dma_start3A_18] : memref<10240x128xf32, #tpu.memory_space<vmem_shared>> -> memref<128x128xf32, #tpu.memory_space<vmem_shared>>
    %dma_start3A_20 = arith.constant 0 : i32
    %dma_start3A_21 = tpu.memref_slice %arg10[%add3A_17, %dma_start3A_20] : memref<10240x128xf32, #tpu.memory_space<vmem_shared>> -> memref<128x128xf32, #tpu.memory_space<vmem_shared>>
    tpu.enqueue_dma source(%arg6 : memref<128x128xf32, #tpu.memory_space<vmem>>) target(%dma_start3A_21 : memref<128x128xf32, #tpu.memory_space<vmem_shared>>) target_semaphore(%arg11 : memref<!tpu.dma_semaphore, #tpu.memory_space<semaphore_mem>>)
    %add3A_22 = arith.constant 384 : i32
    %add3A_23 = arith.addi %mul3A_0, %add3A_22 : i32
    %dma_start3A_24 = arith.constant 0 : i32
    %dma_start3A_25 = tpu.memref_slice %arg10[%add3A_23, %dma_start3A_24] : memref<10240x128xf32, #tpu.memory_space<vmem_shared>> -> memref<128x128xf32, #tpu.memory_space<vmem_shared>>
    %dma_start3A_26 = arith.constant 0 : i32
    %dma_start3A_27 = tpu.memref_slice %arg10[%add3A_23, %dma_start3A_26] : memref<10240x128xf32, #tpu.memory_space<vmem_shared>> -> memref<128x128xf32, #tpu.memory_space<vmem_shared>>
    tpu.enqueue_dma source(%arg6 : memref<128x128xf32, #tpu.memory_space<vmem>>) target(%dma_start3A_27 : memref<128x128xf32, #tpu.memory_space<vmem_shared>>) target_semaphore(%arg11 : memref<!tpu.dma_semaphore, #tpu.memory_space<semaphore_mem>>)
    %add3A_28 = arith.constant 512 : i32
    %add3A_29 = arith.addi %mul3A_0, %add3A_28 : i32
    %dma_start3A_30 = arith.constant 0 : i32
    %dma_start3A_31 = tpu.memref_slice %arg10[%add3A_29, %dma_start3A_30] : memref<10240x128xf32, #tpu.memory_space<vmem_shared>> -> memref<128x128xf32, #tpu.memory_space<vmem_shared>>
    %dma_start3A_32 = arith.constant 0 : i32
    %dma_start3A_33 = tpu.memref_slice %arg10[%add3A_29, %dma_start3A_32] : memref<10240x128xf32, #tpu.memory_space<vmem_shared>> -> memref<128x128xf32, #tpu.memory_space<vmem_shared>>
    tpu.enqueue_dma source(%arg6 : memref<128x128xf32, #tpu.memory_space<vmem>>) target(%dma_start3A_33 : memref<128x128xf32, #tpu.memory_space<vmem_shared>>) target_semaphore(%arg11 : memref<!tpu.dma_semaphore, #tpu.memory_space<semaphore_mem>>)
    %add3A_34 = arith.constant 0 : i32
    %add3A_35 = arith.addi %mul3A_0, %add3A_34 : i32
    %dma_wait3A = arith.constant 0 : i32
    %dma_wait3A_36 = tpu.memref_slice %arg10[%add3A_35, %dma_wait3A] : memref<10240x128xf32, #tpu.memory_space<vmem_shared>> -> memref<128x128xf32, #tpu.memory_space<vmem_shared>>
    %dma_wait3A_37 = arith.constant 0 : i32
    %dma_wait3A_38 = tpu.memref_slice %arg10[%add3A_35, %dma_wait3A_37] : memref<10240x128xf32, #tpu.memory_space<vmem_shared>> -> memref<128x128xf32, #tpu.memory_space<vmem_shared>>
    tpu.wait_dma2 semaphore(%arg11 : memref<!tpu.dma_semaphore, #tpu.memory_space<semaphore_mem>>) src(%arg6 : memref<128x128xf32, #tpu.memory_space<vmem>>) dst(%dma_wait3A_38 : memref<128x128xf32, #tpu.memory_space<vmem_shared>>)
    %add3A_39 = arith.constant 128 : i32
    %add3A_40 = arith.addi %mul3A_0, %add3A_39 : i32
    %dma_wait3A_41 = arith.constant 0 : i32
    %dma_wait3A_42 = tpu.memref_slice %arg10[%add3A_40, %dma_wait3A_41] : memref<10240x128xf32, #tpu.memory_space<vmem_shared>> -> memref<128x128xf32, #tpu.memory_space<vmem_shared>>
    %dma_wait3A_43 = arith.constant 0 : i32
    %dma_wait3A_44 = tpu.memref_slice %arg10[%add3A_40, %dma_wait3A_43] : memref<10240x128xf32, #tpu.memory_space<vmem_shared>> -> memref<128x128xf32, #tpu.memory_space<vmem_shared>>
    tpu.wait_dma2 semaphore(%arg11 : memref<!tpu.dma_semaphore, #tpu.memory_space<semaphore_mem>>) src(%arg6 : memref<128x128xf32, #tpu.memory_space<vmem>>) dst(%dma_wait3A_44 : memref<128x128xf32, #tpu.memory_space<vmem_shared>>)
    %add3A_45 = arith.constant 256 : i32
    %add3A_46 = arith.addi %mul3A_0, %add3A_45 : i32
    %dma_wait3A_47 = arith.constant 0 : i32
    %dma_wait3A_48 = tpu.memref_slice %arg10[%add3A_46, %dma_wait3A_47] : memref<10240x128xf32, #tpu.memory_space<vmem_shared>> -> memref<128x128xf32, #tpu.memory_space<vmem_shared>>
    %dma_wait3A_49 = arith.constant 0 : i32
    %dma_wait3A_50 = tpu.memref_slice %arg10[%add3A_46, %dma_wait3A_49] : memref<10240x128xf32, #tpu.memory_space<vmem_shared>> -> memref<128x128xf32, #tpu.memory_space<vmem_shared>>
    tpu.wait_dma2 semaphore(%arg11 : memref<!tpu.dma_semaphore, #tpu.memory_space<semaphore_mem>>) src(%arg6 : memref<128x128xf32, #tpu.memory_space<vmem>>) dst(%dma_wait3A_50 : memref<128x128xf32, #tpu.memory_space<vmem_shared>>)
    %add3A_51 = arith.constant 384 : i32
    %add3A_52 = arith.addi %mul3A_0, %add3A_51 : i32
    %dma_wait3A_53 = arith.constant 0 : i32
    %dma_wait3A_54 = tpu.memref_slice %arg10[%add3A_52, %dma_wait3A_53] : memref<10240x128xf32, #tpu.memory_space<vmem_shared>> -> memref<128x128xf32, #tpu.memory_space<vmem_shared>>
    %dma_wait3A_55 = arith.constant 0 : i32
    %dma_wait3A_56 = tpu.memref_slice %arg10[%add3A_52, %dma_wait3A_55] : memref<10240x128xf32, #tpu.memory_space<vmem_shared>> -> memref<128x128xf32, #tpu.memory_space<vmem_shared>>
    tpu.wait_dma2 semaphore(%arg11 : memref<!tpu.dma_semaphore, #tpu.memory_space<semaphore_mem>>) src(%arg6 : memref<128x128xf32, #tpu.memory_space<vmem>>) dst(%dma_wait3A_56 : memref<128x128xf32, #tpu.memory_space<vmem_shared>>)
    %add3A_57 = arith.constant 512 : i32
    %add3A_58 = arith.addi %mul3A_0, %add3A_57 : i32
    %dma_wait3A_59 = arith.constant 0 : i32
    %dma_wait3A_60 = tpu.memref_slice %arg10[%add3A_58, %dma_wait3A_59] : memref<10240x128xf32, #tpu.memory_space<vmem_shared>> -> memref<128x128xf32, #tpu.memory_space<vmem_shared>>
    %dma_wait3A_61 = arith.constant 0 : i32
    %dma_wait3A_62 = tpu.memref_slice %arg10[%add3A_58, %dma_wait3A_61] : memref<10240x128xf32, #tpu.memory_space<vmem_shared>> -> memref<128x128xf32, #tpu.memory_space<vmem_shared>>
    tpu.wait_dma2 semaphore(%arg11 : memref<!tpu.dma_semaphore, #tpu.memory_space<semaphore_mem>>) src(%arg6 : memref<128x128xf32, #tpu.memory_space<vmem>>) dst(%dma_wait3A_62 : memref<128x128xf32, #tpu.memory_space<vmem_shared>>)
    %barrier3A = arith.constant 0 : index
    tpu.barrier barrier_id(%barrier3A)
    %mul3A_63 = arith.constant 16 : i32
    %mul3A_64 = arith.muli %arg0, %mul3A_63 : i32
    %add3A_65 = arith.addi %mul3A_64, %arg1 : i32
    %mul3A_66 = arith.constant 40 : i32
    %mul3A_67 = arith.muli %add3A_65, %mul3A_66 : i32
    %add3A_68 = arith.constant 0 : i32
    %add3A_69 = arith.addi %mul3A_67, %add3A_68 : i32
    "tpu.region"() ({
      %run_scoped3A_105 = tpu.sem_alloc : memref<!tpu.dma_semaphore, #tpu.memory_space<semaphore_mem>>
      %dma_start3A_106 = arith.constant 0 : i32
      %dma_start3A_107 = tpu.memref_slice %arg3[%add3A_69, %dma_start3A_106] : memref<1280x128xi32, #tpu.memory_space<hbm>> -> memref<40x128xi32, #tpu.memory_space<hbm>>
      %dma_start3A_108 = arith.constant 0 : i32
      %dma_start3A_109 = tpu.memref_slice %arg3[%add3A_69, %dma_start3A_108] : memref<1280x128xi32, #tpu.memory_space<hbm>> -> memref<40x128xi32, #tpu.memory_space<hbm>>
      tpu.enqueue_dma source(%dma_start3A_109 : memref<40x128xi32, #tpu.memory_space<hbm>>) target(%arg8 : memref<40x128xi32, #tpu.memory_space<vmem>>) target_semaphore(%run_scoped3A_105 : memref<!tpu.dma_semaphore, #tpu.memory_space<semaphore_mem>>)
      %dma_wait3A_110 = arith.constant 0 : i32
      %dma_wait3A_111 = tpu.memref_slice %arg3[%add3A_69, %dma_wait3A_110] : memref<1280x128xi32, #tpu.memory_space<hbm>> -> memref<40x128xi32, #tpu.memory_space<hbm>>
      %dma_wait3A_112 = arith.constant 0 : i32
      %dma_wait3A_113 = tpu.memref_slice %arg3[%add3A_69, %dma_wait3A_112] : memref<1280x128xi32, #tpu.memory_space<hbm>> -> memref<40x128xi32, #tpu.memory_space<hbm>>
      tpu.wait_dma2 semaphore(%run_scoped3A_105 : memref<!tpu.dma_semaphore, #tpu.memory_space<semaphore_mem>>) src(%dma_wait3A_113 : memref<40x128xi32, #tpu.memory_space<hbm>>) dst(%arg8 : memref<40x128xi32, #tpu.memory_space<vmem>>)
      tpu.yield
    }) : () -> ()
    "tpu.region"() ({
      %run_scoped3A_105 = tpu.sem_alloc : memref<!tpu.dma_semaphore, #tpu.memory_space<semaphore_mem>>
      %dma_start3A_106 = arith.constant 0 : i32
      %dma_start3A_107 = tpu.memref_slice %arg4[%add3A_69, %dma_start3A_106] : memref<1280x128xi32, #tpu.memory_space<hbm>> -> memref<40x128xi32, #tpu.memory_space<hbm>>
      %dma_start3A_108 = arith.constant 0 : i32
      %dma_start3A_109 = tpu.memref_slice %arg4[%add3A_69, %dma_start3A_108] : memref<1280x128xi32, #tpu.memory_space<hbm>> -> memref<40x128xi32, #tpu.memory_space<hbm>>
      tpu.enqueue_dma source(%dma_start3A_109 : memref<40x128xi32, #tpu.memory_space<hbm>>) target(%arg9 : memref<40x128xi32, #tpu.memory_space<vmem>>) target_semaphore(%run_scoped3A_105 : memref<!tpu.dma_semaphore, #tpu.memory_space<semaphore_mem>>)
      %dma_wait3A_110 = arith.constant 0 : i32
      %dma_wait3A_111 = tpu.memref_slice %arg4[%add3A_69, %dma_wait3A_110] : memref<1280x128xi32, #tpu.memory_space<hbm>> -> memref<40x128xi32, #tpu.memory_space<hbm>>
      %dma_wait3A_112 = arith.constant 0 : i32
      %dma_wait3A_113 = tpu.memref_slice %arg4[%add3A_69, %dma_wait3A_112] : memref<1280x128xi32, #tpu.memory_space<hbm>> -> memref<40x128xi32, #tpu.memory_space<hbm>>
      tpu.wait_dma2 semaphore(%run_scoped3A_105 : memref<!tpu.dma_semaphore, #tpu.memory_space<semaphore_mem>>) src(%dma_wait3A_113 : memref<40x128xi32, #tpu.memory_space<hbm>>) dst(%arg9 : memref<40x128xi32, #tpu.memory_space<vmem>>)
      tpu.yield
    }) : () -> ()
    %dma_start3A_70 = arith.constant 0 : i32
    %dma_start3A_71 = arith.constant 0 : i32
    %dma_start3A_72 = tpu.memref_slice %arg8[%dma_start3A_70, %dma_start3A_71] : memref<40x128xi32, #tpu.memory_space<vmem>> -> memref<1x128xi32, #tpu.memory_space<vmem>>
    %dma_start3A_73 = tpu.memref_squeeze %dma_start3A_72 : memref<1x128xi32, #tpu.memory_space<vmem>> -> memref<128xi32, #tpu.memory_space<vmem>>
    %dma_start3A_74 = arith.constant 0 : i32
    %dma_start3A_75 = arith.constant 0 : i32
    %dma_start3A_76 = tpu.memref_slice %arg2[%dma_start3A_74, %dma_start3A_75] : memref<10000x128xf32, #tpu.memory_space<hbm>> -> memref<10000x128xf32, #tpu.memory_space<hbm>>
    tpu.enqueue_indirect_dma source(%dma_start3A_76 : memref<10000x128xf32, #tpu.memory_space<hbm>>) target(%arg6 : memref<128x128xf32, #tpu.memory_space<vmem>>) offsets(%dma_start3A_73 : memref<128xi32, #tpu.memory_space<vmem>>) semaphore(%arg11 : memref<!tpu.dma_semaphore, #tpu.memory_space<semaphore_mem>>)
    %dma_start3A_77 = arith.constant 1 : i32
    %dma_start3A_78 = arith.constant 0 : i32
    %dma_start3A_79 = tpu.memref_slice %arg8[%dma_start3A_77, %dma_start3A_78] : memref<40x128xi32, #tpu.memory_space<vmem>> -> memref<1x128xi32, #tpu.memory_space<vmem>>
    %dma_start3A_80 = tpu.memref_squeeze %dma_start3A_79 : memref<1x128xi32, #tpu.memory_space<vmem>> -> memref<128xi32, #tpu.memory_space<vmem>>
    %dma_start3A_81 = arith.constant 0 : i32
    %dma_start3A_82 = arith.constant 0 : i32
    %dma_start3A_83 = tpu.memref_slice %arg2[%dma_start3A_81, %dma_start3A_82] : memref<10000x128xf32, #tpu.memory_space<hbm>> -> memref<10000x128xf32, #tpu.memory_space<hbm>>
    tpu.enqueue_indirect_dma source(%dma_start3A_83 : memref<10000x128xf32, #tpu.memory_space<hbm>>) target(%arg7 : memref<128x128xf32, #tpu.memory_space<vmem>>) offsets(%dma_start3A_80 : memref<128xi32, #tpu.memory_space<vmem>>) semaphore(%arg12 : memref<!tpu.dma_semaphore, #tpu.memory_space<semaphore_mem>>)
    %scan3A_84 = arith.constant 0 : i32
    %scan3A_85 = arith.constant 19 : i32
    %scan3A_86 = arith.addi %scan3A_84, %scan3A_85 : i32
    %scan3A_87 = arith.constant 1 : i32
    scf.for %scan3A_105 = %scan3A_84 to %scan3A_86 step %scan3A_87  : i32 {
      %mul3A_106 = arith.constant 1 : i32
      %mul3A_107 = arith.muli %scan3A_105, %mul3A_106 : i32
      %add3A_108 = arith.constant 0 : i32
      %add3A_109 = arith.addi %add3A_108, %mul3A_107 : i32
      %mul3A_110 = arith.constant 2 : i32
      %mul3A_111 = arith.muli %mul3A_110, %add3A_109 : i32
      %dma_wait3A_112 = arith.constant 0 : i32
      %dma_wait3A_113 = tpu.memref_slice %arg8[%mul3A_111, %dma_wait3A_112] : memref<40x128xi32, #tpu.memory_space<vmem>> -> memref<1x128xi32, #tpu.memory_space<vmem>>
      %dma_wait3A_114 = tpu.memref_squeeze %dma_wait3A_113 : memref<1x128xi32, #tpu.memory_space<vmem>> -> memref<128xi32, #tpu.memory_space<vmem>>
      %dma_wait3A_115 = arith.constant 0 : i32
      %dma_wait3A_116 = arith.constant 0 : i32
      %dma_wait3A_117 = tpu.memref_slice %arg2[%dma_wait3A_115, %dma_wait3A_116] : memref<10000x128xf32, #tpu.memory_space<hbm>> -> memref<10000x128xf32, #tpu.memory_space<hbm>>
      tpu.wait_indirect_dma semaphore(%arg11 : memref<!tpu.dma_semaphore, #tpu.memory_space<semaphore_mem>>) src(%dma_wait3A_117 : memref<10000x128xf32, #tpu.memory_space<hbm>>) dst(%arg6 : memref<128x128xf32, #tpu.memory_space<vmem>>)
      "tpu.region"() ({
        %run_scoped3A_142 = tpu.sem_alloc : memref<!tpu.dma_semaphore, #tpu.memory_space<semaphore_mem>>
        %dma_start3A_143 = arith.constant 0 : i32
        %dma_start3A_144 = tpu.memref_slice %arg9[%mul3A_111, %dma_start3A_143] : memref<40x128xi32, #tpu.memory_space<vmem>> -> memref<1x128xi32, #tpu.memory_space<vmem>>
        %dma_start3A_145 = tpu.memref_squeeze %dma_start3A_144 : memref<1x128xi32, #tpu.memory_space<vmem>> -> memref<128xi32, #tpu.memory_space<vmem>>
        %dma_start3A_146 = arith.constant 0 : i32
        %dma_start3A_147 = arith.constant 0 : i32
        %dma_start3A_148 = tpu.memref_slice %arg10[%dma_start3A_146, %dma_start3A_147] : memref<10240x128xf32, #tpu.memory_space<vmem_shared>> -> memref<10240x128xf32, #tpu.memory_space<vmem_shared>>
        tpu.enqueue_indirect_dma source(%arg6 : memref<128x128xf32, #tpu.memory_space<vmem>>) target(%dma_start3A_148 : memref<10240x128xf32, #tpu.memory_space<vmem_shared>>) offsets(%dma_start3A_145 : memref<128xi32, #tpu.memory_space<vmem>>) semaphore(%run_scoped3A_142 : memref<!tpu.dma_semaphore, #tpu.memory_space<semaphore_mem>>) {add = true}
        %dma_wait3A_149 = arith.constant 0 : i32
        %dma_wait3A_150 = tpu.memref_slice %arg9[%mul3A_111, %dma_wait3A_149] : memref<40x128xi32, #tpu.memory_space<vmem>> -> memref<1x128xi32, #tpu.memory_space<vmem>>
        %dma_wait3A_151 = tpu.memref_squeeze %dma_wait3A_150 : memref<1x128xi32, #tpu.memory_space<vmem>> -> memref<128xi32, #tpu.memory_space<vmem>>
        %dma_wait3A_152 = arith.constant 0 : i32
        %dma_wait3A_153 = arith.constant 0 : i32
        %dma_wait3A_154 = tpu.memref_slice %arg10[%dma_wait3A_152, %dma_wait3A_153] : memref<10240x128xf32, #tpu.memory_space<vmem_shared>> -> memref<10240x128xf32, #tpu.memory_space<vmem_shared>>
        tpu.wait_indirect_dma semaphore(%run_scoped3A_142 : memref<!tpu.dma_semaphore, #tpu.memory_space<semaphore_mem>>) src(%arg6 : memref<128x128xf32, #tpu.memory_space<vmem>>) dst(%dma_wait3A_154 : memref<10240x128xf32, #tpu.memory_space<vmem_shared>>)
        tpu.yield
      }) : () -> ()
      %add3A_118 = arith.constant 2 : i32
      %add3A_119 = arith.addi %mul3A_111, %add3A_118 : i32
      %dma_start3A_120 = arith.constant 0 : i32
      %dma_start3A_121 = tpu.memref_slice %arg8[%add3A_119, %dma_start3A_120] : memref<40x128xi32, #tpu.memory_space<vmem>> -> memref<1x128xi32, #tpu.memory_space<vmem>>
      %dma_start3A_122 = tpu.memref_squeeze %dma_start3A_121 : memref<1x128xi32, #tpu.memory_space<vmem>> -> memref<128xi32, #tpu.memory_space<vmem>>
      %dma_start3A_123 = arith.constant 0 : i32
      %dma_start3A_124 = arith.constant 0 : i32
      %dma_start3A_125 = tpu.memref_slice %arg2[%dma_start3A_123, %dma_start3A_124] : memref<10000x128xf32, #tpu.memory_space<hbm>> -> memref<10000x128xf32, #tpu.memory_space<hbm>>
      tpu.enqueue_indirect_dma source(%dma_start3A_125 : memref<10000x128xf32, #tpu.memory_space<hbm>>) target(%arg6 : memref<128x128xf32, #tpu.memory_space<vmem>>) offsets(%dma_start3A_122 : memref<128xi32, #tpu.memory_space<vmem>>) semaphore(%arg11 : memref<!tpu.dma_semaphore, #tpu.memory_space<semaphore_mem>>)
      %add3A_126 = arith.constant 1 : i32
      %add3A_127 = arith.addi %mul3A_111, %add3A_126 : i32
      %dma_wait3A_128 = arith.constant 0 : i32
      %dma_wait3A_129 = tpu.memref_slice %arg8[%add3A_127, %dma_wait3A_128] : memref<40x128xi32, #tpu.memory_space<vmem>> -> memref<1x128xi32, #tpu.memory_space<vmem>>
      %dma_wait3A_130 = tpu.memref_squeeze %dma_wait3A_129 : memref<1x128xi32, #tpu.memory_space<vmem>> -> memref<128xi32, #tpu.memory_space<vmem>>
      %dma_wait3A_131 = arith.constant 0 : i32
      %dma_wait3A_132 = arith.constant 0 : i32
      %dma_wait3A_133 = tpu.memref_slice %arg2[%dma_wait3A_131, %dma_wait3A_132] : memref<10000x128xf32, #tpu.memory_space<hbm>> -> memref<10000x128xf32, #tpu.memory_space<hbm>>
      tpu.wait_indirect_dma semaphore(%arg12 : memref<!tpu.dma_semaphore, #tpu.memory_space<semaphore_mem>>) src(%dma_wait3A_133 : memref<10000x128xf32, #tpu.memory_space<hbm>>) dst(%arg7 : memref<128x128xf32, #tpu.memory_space<vmem>>)
      "tpu.region"() ({
        %run_scoped3A_142 = tpu.sem_alloc : memref<!tpu.dma_semaphore, #tpu.memory_space<semaphore_mem>>
        %dma_start3A_143 = arith.constant 0 : i32
        %dma_start3A_144 = tpu.memref_slice %arg9[%add3A_127, %dma_start3A_143] : memref<40x128xi32, #tpu.memory_space<vmem>> -> memref<1x128xi32, #tpu.memory_space<vmem>>
        %dma_start3A_145 = tpu.memref_squeeze %dma_start3A_144 : memref<1x128xi32, #tpu.memory_space<vmem>> -> memref<128xi32, #tpu.memory_space<vmem>>
        %dma_start3A_146 = arith.constant 0 : i32
        %dma_start3A_147 = arith.constant 0 : i32
        %dma_start3A_148 = tpu.memref_slice %arg10[%dma_start3A_146, %dma_start3A_147] : memref<10240x128xf32, #tpu.memory_space<vmem_shared>> -> memref<10240x128xf32, #tpu.memory_space<vmem_shared>>
        tpu.enqueue_indirect_dma source(%arg7 : memref<128x128xf32, #tpu.memory_space<vmem>>) target(%dma_start3A_148 : memref<10240x128xf32, #tpu.memory_space<vmem_shared>>) offsets(%dma_start3A_145 : memref<128xi32, #tpu.memory_space<vmem>>) semaphore(%run_scoped3A_142 : memref<!tpu.dma_semaphore, #tpu.memory_space<semaphore_mem>>) {add = true}
        %dma_wait3A_149 = arith.constant 0 : i32
        %dma_wait3A_150 = tpu.memref_slice %arg9[%add3A_127, %dma_wait3A_149] : memref<40x128xi32, #tpu.memory_space<vmem>> -> memref<1x128xi32, #tpu.memory_space<vmem>>
        %dma_wait3A_151 = tpu.memref_squeeze %dma_wait3A_150 : memref<1x128xi32, #tpu.memory_space<vmem>> -> memref<128xi32, #tpu.memory_space<vmem>>
        %dma_wait3A_152 = arith.constant 0 : i32
        %dma_wait3A_153 = arith.constant 0 : i32
        %dma_wait3A_154 = tpu.memref_slice %arg10[%dma_wait3A_152, %dma_wait3A_153] : memref<10240x128xf32, #tpu.memory_space<vmem_shared>> -> memref<10240x128xf32, #tpu.memory_space<vmem_shared>>
        tpu.wait_indirect_dma semaphore(%run_scoped3A_142 : memref<!tpu.dma_semaphore, #tpu.memory_space<semaphore_mem>>) src(%arg7 : memref<128x128xf32, #tpu.memory_space<vmem>>) dst(%dma_wait3A_154 : memref<10240x128xf32, #tpu.memory_space<vmem_shared>>)
        tpu.yield
      }) : () -> ()
      %add3A_134 = arith.constant 3 : i32
      %add3A_135 = arith.addi %mul3A_111, %add3A_134 : i32
      %dma_start3A_136 = arith.constant 0 : i32
      %dma_start3A_137 = tpu.memref_slice %arg8[%add3A_135, %dma_start3A_136] : memref<40x128xi32, #tpu.memory_space<vmem>> -> memref<1x128xi32, #tpu.memory_space<vmem>>
      %dma_start3A_138 = tpu.memref_squeeze %dma_start3A_137 : memref<1x128xi32, #tpu.memory_space<vmem>> -> memref<128xi32, #tpu.memory_space<vmem>>
      %dma_start3A_139 = arith.constant 0 : i32
      %dma_start3A_140 = arith.constant 0 : i32
      %dma_start3A_141 = tpu.memref_slice %arg2[%dma_start3A_139, %dma_start3A_140] : memref<10000x128xf32, #tpu.memory_space<hbm>> -> memref<10000x128xf32, #tpu.memory_space<hbm>>
      tpu.enqueue_indirect_dma source(%dma_start3A_141 : memref<10000x128xf32, #tpu.memory_space<hbm>>) target(%arg7 : memref<128x128xf32, #tpu.memory_space<vmem>>) offsets(%dma_start3A_138 : memref<128xi32, #tpu.memory_space<vmem>>) semaphore(%arg12 : memref<!tpu.dma_semaphore, #tpu.memory_space<semaphore_mem>>)
    }
    %scan3A_88 = arith.constant 19 : i32
    %dma_wait3A_89 = arith.constant 38 : i32
    %dma_wait3A_90 = arith.constant 0 : i32
    %dma_wait3A_91 = tpu.memref_slice %arg8[%dma_wait3A_89, %dma_wait3A_90] : memref<40x128xi32, #tpu.memory_space<vmem>> -> memref<1x128xi32, #tpu.memory_space<vmem>>
    %dma_wait3A_92 = tpu.memref_squeeze %dma_wait3A_91 : memref<1x128xi32, #tpu.memory_space<vmem>> -> memref<128xi32, #tpu.memory_space<vmem>>
    %dma_wait3A_93 = arith.constant 0 : i32
    %dma_wait3A_94 = arith.constant 0 : i32
    %dma_wait3A_95 = tpu.memref_slice %arg2[%dma_wait3A_93, %dma_wait3A_94] : memref<10000x128xf32, #tpu.memory_space<hbm>> -> memref<10000x128xf32, #tpu.memory_space<hbm>>
    tpu.wait_indirect_dma semaphore(%arg11 : memref<!tpu.dma_semaphore, #tpu.memory_space<semaphore_mem>>) src(%dma_wait3A_95 : memref<10000x128xf32, #tpu.memory_space<hbm>>) dst(%arg6 : memref<128x128xf32, #tpu.memory_space<vmem>>)
    %run_scoped3A = arith.constant 38 : i32
    "tpu.region"() ({
      %run_scoped3A_105 = tpu.sem_alloc : memref<!tpu.dma_semaphore, #tpu.memory_space<semaphore_mem>>
      %dma_start3A_106 = arith.constant 0 : i32
      %dma_start3A_107 = tpu.memref_slice %arg9[%run_scoped3A, %dma_start3A_106] : memref<40x128xi32, #tpu.memory_space<vmem>> -> memref<1x128xi32, #tpu.memory_space<vmem>>
      %dma_start3A_108 = tpu.memref_squeeze %dma_start3A_107 : memref<1x128xi32, #tpu.memory_space<vmem>> -> memref<128xi32, #tpu.memory_space<vmem>>
      %dma_start3A_109 = arith.constant 0 : i32
      %dma_start3A_110 = arith.constant 0 : i32
      %dma_start3A_111 = tpu.memref_slice %arg10[%dma_start3A_109, %dma_start3A_110] : memref<10240x128xf32, #tpu.memory_space<vmem_shared>> -> memref<10240x128xf32, #tpu.memory_space<vmem_shared>>
      tpu.enqueue_indirect_dma source(%arg6 : memref<128x128xf32, #tpu.memory_space<vmem>>) target(%dma_start3A_111 : memref<10240x128xf32, #tpu.memory_space<vmem_shared>>) offsets(%dma_start3A_108 : memref<128xi32, #tpu.memory_space<vmem>>) semaphore(%run_scoped3A_105 : memref<!tpu.dma_semaphore, #tpu.memory_space<semaphore_mem>>) {add = true}
      %dma_wait3A_112 = arith.constant 0 : i32
      %dma_wait3A_113 = tpu.memref_slice %arg9[%run_scoped3A, %dma_wait3A_112] : memref<40x128xi32, #tpu.memory_space<vmem>> -> memref<1x128xi32, #tpu.memory_space<vmem>>
      %dma_wait3A_114 = tpu.memref_squeeze %dma_wait3A_113 : memref<1x128xi32, #tpu.memory_space<vmem>> -> memref<128xi32, #tpu.memory_space<vmem>>
      %dma_wait3A_115 = arith.constant 0 : i32
      %dma_wait3A_116 = arith.constant 0 : i32
      %dma_wait3A_117 = tpu.memref_slice %arg10[%dma_wait3A_115, %dma_wait3A_116] : memref<10240x128xf32, #tpu.memory_space<vmem_shared>> -> memref<10240x128xf32, #tpu.memory_space<vmem_shared>>
      tpu.wait_indirect_dma semaphore(%run_scoped3A_105 : memref<!tpu.dma_semaphore, #tpu.memory_space<semaphore_mem>>) src(%arg6 : memref<128x128xf32, #tpu.memory_space<vmem>>) dst(%dma_wait3A_117 : memref<10240x128xf32, #tpu.memory_space<vmem_shared>>)
      tpu.yield
    }) : () -> ()
    %dma_wait3A_96 = arith.constant 39 : i32
    %dma_wait3A_97 = arith.constant 0 : i32
    %dma_wait3A_98 = tpu.memref_slice %arg8[%dma_wait3A_96, %dma_wait3A_97] : memref<40x128xi32, #tpu.memory_space<vmem>> -> memref<1x128xi32, #tpu.memory_space<vmem>>
    %dma_wait3A_99 = tpu.memref_squeeze %dma_wait3A_98 : memref<1x128xi32, #tpu.memory_space<vmem>> -> memref<128xi32, #tpu.memory_space<vmem>>
    %dma_wait3A_100 = arith.constant 0 : i32
    %dma_wait3A_101 = arith.constant 0 : i32
    %dma_wait3A_102 = tpu.memref_slice %arg2[%dma_wait3A_100, %dma_wait3A_101] : memref<10000x128xf32, #tpu.memory_space<hbm>> -> memref<10000x128xf32, #tpu.memory_space<hbm>>
    tpu.wait_indirect_dma semaphore(%arg12 : memref<!tpu.dma_semaphore, #tpu.memory_space<semaphore_mem>>) src(%dma_wait3A_102 : memref<10000x128xf32, #tpu.memory_space<hbm>>) dst(%arg7 : memref<128x128xf32, #tpu.memory_space<vmem>>)
    %run_scoped3A_103 = arith.constant 39 : i32
    "tpu.region"() ({
      %run_scoped3A_105 = tpu.sem_alloc : memref<!tpu.dma_semaphore, #tpu.memory_space<semaphore_mem>>
      %dma_start3A_106 = arith.constant 0 : i32
      %dma_start3A_107 = tpu.memref_slice %arg9[%run_scoped3A_103, %dma_start3A_106] : memref<40x128xi32, #tpu.memory_space<vmem>> -> memref<1x128xi32, #tpu.memory_space<vmem>>
      %dma_start3A_108 = tpu.memref_squeeze %dma_start3A_107 : memref<1x128xi32, #tpu.memory_space<vmem>> -> memref<128xi32, #tpu.memory_space<vmem>>
      %dma_start3A_109 = arith.constant 0 : i32
      %dma_start3A_110 = arith.constant 0 : i32
      %dma_start3A_111 = tpu.memref_slice %arg10[%dma_start3A_109, %dma_start3A_110] : memref<10240x128xf32, #tpu.memory_space<vmem_shared>> -> memref<10240x128xf32, #tpu.memory_space<vmem_shared>>
      tpu.enqueue_indirect_dma source(%arg7 : memref<128x128xf32, #tpu.memory_space<vmem>>) target(%dma_start3A_111 : memref<10240x128xf32, #tpu.memory_space<vmem_shared>>) offsets(%dma_start3A_108 : memref<128xi32, #tpu.memory_space<vmem>>) semaphore(%run_scoped3A_105 : memref<!tpu.dma_semaphore, #tpu.memory_space<semaphore_mem>>) {add = true}
      %dma_wait3A_112 = arith.constant 0 : i32
      %dma_wait3A_113 = tpu.memref_slice %arg9[%run_scoped3A_103, %dma_wait3A_112] : memref<40x128xi32, #tpu.memory_space<vmem>> -> memref<1x128xi32, #tpu.memory_space<vmem>>
      %dma_wait3A_114 = tpu.memref_squeeze %dma_wait3A_113 : memref<1x128xi32, #tpu.memory_space<vmem>> -> memref<128xi32, #tpu.memory_space<vmem>>
      %dma_wait3A_115 = arith.constant 0 : i32
      %dma_wait3A_116 = arith.constant 0 : i32
      %dma_wait3A_117 = tpu.memref_slice %arg10[%dma_wait3A_115, %dma_wait3A_116] : memref<10240x128xf32, #tpu.memory_space<vmem_shared>> -> memref<10240x128xf32, #tpu.memory_space<vmem_shared>>
      tpu.wait_indirect_dma semaphore(%run_scoped3A_105 : memref<!tpu.dma_semaphore, #tpu.memory_space<semaphore_mem>>) src(%arg7 : memref<128x128xf32, #tpu.memory_space<vmem>>) dst(%dma_wait3A_117 : memref<10240x128xf32, #tpu.memory_space<vmem_shared>>)
      tpu.yield
    }) : () -> ()
    %barrier3A_104 = arith.constant 0 : index
    tpu.barrier barrier_id(%barrier3A_104)
    "tpu.region"() ({
      %run_scoped3A_105 = tpu.sem_alloc : memref<!tpu.dma_semaphore, #tpu.memory_space<semaphore_mem>>
      %dma_start3A_106 = arith.constant 0 : i32
      %dma_start3A_107 = arith.constant 0 : i32
      %dma_start3A_108 = tpu.memref_slice %arg5[%arg0, %dma_start3A_106, %dma_start3A_107] : memref<2x10240x128xf32, #tpu.memory_space<hbm>> -> memref<1x10240x128xf32, #tpu.memory_space<hbm>>
      %dma_start3A_109 = tpu.memref_squeeze %dma_start3A_108 : memref<1x10240x128xf32, #tpu.memory_space<hbm>> -> memref<10240x128xf32, #tpu.memory_space<hbm>>
      %dma_start3A_110 = arith.constant 0 : i32
      %dma_start3A_111 = tpu.memref_slice %dma_start3A_109[%mul3A_0, %dma_start3A_110] : memref<10240x128xf32, #tpu.memory_space<hbm>> -> memref<640x128xf32, #tpu.memory_space<hbm>>
      %dma_start3A_112 = arith.constant 0 : i32
      %dma_start3A_113 = tpu.memref_slice %arg10[%mul3A_0, %dma_start3A_112] : memref<10240x128xf32, #tpu.memory_space<vmem_shared>> -> memref<640x128xf32, #tpu.memory_space<vmem_shared>>
      tpu.enqueue_dma source(%dma_start3A_113 : memref<640x128xf32, #tpu.memory_space<vmem_shared>>) target(%dma_start3A_111 : memref<640x128xf32, #tpu.memory_space<hbm>>) target_semaphore(%run_scoped3A_105 : memref<!tpu.dma_semaphore, #tpu.memory_space<semaphore_mem>>)
      %dma_wait3A_114 = arith.constant 0 : i32
      %dma_wait3A_115 = arith.constant 0 : i32
      %dma_wait3A_116 = tpu.memref_slice %arg5[%arg0, %dma_wait3A_114, %dma_wait3A_115] : memref<2x10240x128xf32, #tpu.memory_space<hbm>> -> memref<1x10240x128xf32, #tpu.memory_space<hbm>>
      %dma_wait3A_117 = tpu.memref_squeeze %dma_wait3A_116 : memref<1x10240x128xf32, #tpu.memory_space<hbm>> -> memref<10240x128xf32, #tpu.memory_space<hbm>>
      %dma_wait3A_118 = arith.constant 0 : i32
      %dma_wait3A_119 = tpu.memref_slice %dma_wait3A_117[%mul3A_0, %dma_wait3A_118] : memref<10240x128xf32, #tpu.memory_space<hbm>> -> memref<640x128xf32, #tpu.memory_space<hbm>>
      %dma_wait3A_120 = arith.constant 0 : i32
      %dma_wait3A_121 = tpu.memref_slice %arg10[%mul3A_0, %dma_wait3A_120] : memref<10240x128xf32, #tpu.memory_space<vmem_shared>> -> memref<640x128xf32, #tpu.memory_space<vmem_shared>>
      tpu.wait_dma2 semaphore(%run_scoped3A_105 : memref<!tpu.dma_semaphore, #tpu.memory_space<semaphore_mem>>) src(%dma_wait3A_121 : memref<640x128xf32, #tpu.memory_space<vmem_shared>>) dst(%dma_wait3A_119 : memref<640x128xf32, #tpu.memory_space<hbm>>)
      tpu.yield
    }) : () -> ()
    return
  }
}

module attributes {stable_mosaic.version = 14 : i64} {
  func.func @_tc_first_body(%arg0: i32, %arg1: memref<2x1000x128xf32, #tpu.memory_space<vmem>>, %arg2: memref<1000x256xf32, #tpu.memory_space<vmem>>, %arg3: memref<256x256xf32, #tpu.memory_space<vmem>>, %arg4: memref<2x1000x128xf32, #tpu.memory_space<vmem>>, %arg5: memref<1000x1xf32, #tpu.memory_space<vmem>>) attributes {dimension_semantics = [#tpu.dimension_semantics<arbitrary>], iteration_bounds = array<i64: 10>, scalar_prefetch = 0 : i64, scratch_operands = 0 : i64, tpu.core_type = #tpu.core_type<tc>, window_params = [{transform_indices = @transform_0, window_bounds = array<i64: 2, 1000, 128>}, {transform_indices = @transform_1, window_bounds = array<i64: 1000, 256>}, {pipeline_mode = #tpu.pipeline_mode<synchronous>, transform_indices = @transform_2, window_bounds = array<i64: 256, 256>}, {transform_indices = @transform_3, window_bounds = array<i64: 2, 1000, 128>}, {transform_indices = @transform_4, window_bounds = array<i64: 1000, 1>}]} {
    %get3A = arith.constant 0 : index
    %get3A_0 = arith.constant 0 : index
    %get3A_1 = arith.constant 0 : index
    %get3A_2 = vector.load %arg1[%get3A, %get3A_0, %get3A_1] : memref<2x1000x128xf32, #tpu.memory_space<vmem>>, vector<1x1000x1xf32>
    %get3A_3 = vector.shape_cast %get3A_2 : vector<1x1000x1xf32> to vector<1000x1xf32>
    %add3A = arith.constant 1.000000e+00 : f32
    %add3A_4 = vector.broadcast %add3A : f32 to vector<1000x1xf32>
    %add3A_5 = arith.addf %add3A_4, %get3A_3 : vector<1000x1xf32>
    %get3A_6 = arith.constant 1 : index
    %get3A_7 = arith.constant 0 : index
    %get3A_8 = arith.constant 0 : index
    %get3A_9 = vector.load %arg1[%get3A_6, %get3A_7, %get3A_8] : memref<2x1000x128xf32, #tpu.memory_space<vmem>>, vector<1x1000x1xf32>
    %get3A_10 = vector.shape_cast %get3A_9 : vector<1x1000x1xf32> to vector<1000x1xf32>
    %add3A_11 = arith.addf %add3A_5, %get3A_10 : vector<1000x1xf32>
    %rsqrt3A = math.rsqrt %add3A_11 : vector<1000x1xf32>
    %get3A_12 = arith.constant 0 : index
    %get3A_13 = arith.constant 0 : index
    %get3A_14 = vector.load %arg2[%get3A_12, %get3A_13] : memref<1000x256xf32, #tpu.memory_space<vmem>>, vector<1000x256xf32>
    %get3A_15 = arith.constant 0 : index
    %get3A_16 = arith.constant 0 : index
    %get3A_17 = vector.load %arg3[%get3A_15, %get3A_16] : memref<256x256xf32, #tpu.memory_space<vmem>>, vector<256x256xf32>
    %dot_general3A = arith.constant dense<0.000000e+00> : vector<1000x256xf32>
    %dot_general3A_18 = tpu.matmul %get3A_14, %get3A_17, %dot_general3A {dimension_numbers = #tpu.dot_dimension_numbers<[1], [0], [0], [1], [0, 0, 1, 1], [], []>, precision = #tpu.contract_precision<fp32>, transpose_lhs_hint = false} : vector<1000x256xf32>, vector<256x256xf32>, vector<1000x256xf32> -> vector<1000x256xf32>
    %mul3A = vector.broadcast %rsqrt3A : vector<1000x1xf32> to vector<1000x256xf32>
    %mul3A_19 = arith.mulf %dot_general3A_18, %mul3A : vector<1000x256xf32>
    %slice3A = vector.extract_strided_slice %mul3A_19 {offsets = [0, 0], sizes = [1000, 128], strides = [1, 1]} : vector<1000x256xf32> to vector<1000x128xf32>
    %swap3A = arith.constant 0 : index
    %swap3A_20 = arith.constant 0 : index
    %swap3A_21 = arith.constant 0 : index
    %swap3A_22 = vector.load %arg4[%swap3A, %swap3A_20, %swap3A_21] : memref<2x1000x128xf32, #tpu.memory_space<vmem>>, vector<1x1000x128xf32>
    %swap3A_23 = vector.shape_cast %swap3A_22 : vector<1x1000x128xf32> to vector<1000x128xf32>
    %swap3A_24 = vector.shape_cast %slice3A : vector<1000x128xf32> to vector<1x1000x128xf32>
    tpu.vector_store %arg4[%swap3A, %swap3A_20, %swap3A_21], %swap3A_24 {strides = array<i32>} : memref<2x1000x128xf32, #tpu.memory_space<vmem>>, vector<1x1000x128xf32>,
    %slice3A_25 = vector.extract_strided_slice %mul3A_19 {offsets = [0, 128], sizes = [1000, 128], strides = [1, 1]} : vector<1000x256xf32> to vector<1000x128xf32>
    %swap3A_26 = arith.constant 1 : index
    %swap3A_27 = arith.constant 0 : index
    %swap3A_28 = arith.constant 0 : index
    %swap3A_29 = vector.load %arg4[%swap3A_26, %swap3A_27, %swap3A_28] : memref<2x1000x128xf32, #tpu.memory_space<vmem>>, vector<1x1000x128xf32>
    %swap3A_30 = vector.shape_cast %swap3A_29 : vector<1x1000x128xf32> to vector<1000x128xf32>
    %swap3A_31 = vector.shape_cast %slice3A_25 : vector<1000x128xf32> to vector<1x1000x128xf32>
    tpu.vector_store %arg4[%swap3A_26, %swap3A_27, %swap3A_28], %swap3A_31 {strides = array<i32>} : memref<2x1000x128xf32, #tpu.memory_space<vmem>>, vector<1x1000x128xf32>,
    %swap3A_32 = arith.constant 0 : index
    %swap3A_33 = arith.constant 0 : index
    %swap3A_34 = vector.load %arg5[%swap3A_32, %swap3A_33] : memref<1000x1xf32, #tpu.memory_space<vmem>>, vector<1000x1xf32>
    tpu.vector_store %arg5[%swap3A_32, %swap3A_33], %rsqrt3A {strides = array<i32>} : memref<1000x1xf32, #tpu.memory_space<vmem>>, vector<1000x1xf32>,
    return
  }
  func.func @transform_0(%arg0: i32) -> (i32, i32, i32) {
    %c0_i32 = arith.constant 0 : i32
    %c0_i32_0 = arith.constant 0 : i32
    %c0_i32_1 = arith.constant 0 : i32
    return %c0_i32, %arg0, %c0_i32_0 : i32, i32, i32
  }
  func.func @transform_1(%arg0: i32) -> (i32, i32) {
    %c0_i32 = arith.constant 0 : i32
    %c0_i32_0 = arith.constant 0 : i32
    return %arg0, %c0_i32 : i32, i32
  }
  func.func @transform_2(%arg0: i32) -> (i32, i32) {
    %c0_i32 = arith.constant 0 : i32
    %c0_i32_0 = arith.constant 0 : i32
    %c0_i32_1 = arith.constant 0 : i32
    return %c0_i32, %c0_i32_0 : i32, i32
  }
  func.func @transform_3(%arg0: i32) -> (i32, i32, i32) {
    %c0_i32 = arith.constant 0 : i32
    %c0_i32_0 = arith.constant 0 : i32
    %c0_i32_1 = arith.constant 0 : i32
    return %c0_i32, %arg0, %c0_i32_0 : i32, i32, i32
  }
  func.func @transform_4(%arg0: i32) -> (i32, i32) {
    %c0_i32 = arith.constant 0 : i32
    %c0_i32_0 = arith.constant 0 : i32
    return %arg0, %c0_i32 : i32, i32
  }
}

module attributes {stable_mosaic.version = 14 : i64} {
  func.func @_tc_mid_body(%arg0: i32, %arg1: memref<2x1000x128xf32, #tpu.memory_space<vmem>>, %arg2: memref<2x1000x128xf32, #tpu.memory_space<vmem>>, %arg3: memref<1000x1xf32, #tpu.memory_space<vmem>>, %arg4: memref<1x256xf32, #tpu.memory_space<vmem>>, %arg5: memref<256x256xf32, #tpu.memory_space<vmem>>, %arg6: memref<2x1000x128xf32, #tpu.memory_space<vmem>>) attributes {dimension_semantics = [#tpu.dimension_semantics<arbitrary>], iteration_bounds = array<i64: 10>, scalar_prefetch = 0 : i64, scratch_operands = 0 : i64, tpu.core_type = #tpu.core_type<tc>, window_params = [{transform_indices = @transform_0, window_bounds = array<i64: 2, 1000, 128>}, {transform_indices = @transform_1, window_bounds = array<i64: 2, 1000, 128>}, {transform_indices = @transform_2, window_bounds = array<i64: 1000, 1>}, {pipeline_mode = #tpu.pipeline_mode<synchronous>, transform_indices = @transform_3, window_bounds = array<i64: 1, 256>}, {pipeline_mode = #tpu.pipeline_mode<synchronous>, transform_indices = @transform_4, window_bounds = array<i64: 256, 256>}, {transform_indices = @transform_5, window_bounds = array<i64: 2, 1000, 128>}]} {
    %get3A = arith.constant 0 : index
    %get3A_0 = arith.constant 0 : index
    %get3A_1 = arith.constant 0 : index
    %get3A_2 = vector.load %arg1[%get3A, %get3A_0, %get3A_1] : memref<2x1000x128xf32, #tpu.memory_space<vmem>>, vector<1x1000x128xf32>
    %get3A_3 = vector.shape_cast %get3A_2 : vector<1x1000x128xf32> to vector<1000x128xf32>
    %get3A_4 = arith.constant 0 : index
    %get3A_5 = arith.constant 0 : index
    %get3A_6 = arith.constant 0 : index
    %get3A_7 = vector.load %arg2[%get3A_4, %get3A_5, %get3A_6] : memref<2x1000x128xf32, #tpu.memory_space<vmem>>, vector<1x1000x128xf32>
    %get3A_8 = vector.shape_cast %get3A_7 : vector<1x1000x128xf32> to vector<1000x128xf32>
    %add3A = arith.addf %get3A_3, %get3A_8 : vector<1000x128xf32>
    %get3A_9 = arith.constant 1 : index
    %get3A_10 = arith.constant 0 : index
    %get3A_11 = arith.constant 0 : index
    %get3A_12 = vector.load %arg1[%get3A_9, %get3A_10, %get3A_11] : memref<2x1000x128xf32, #tpu.memory_space<vmem>>, vector<1x1000x128xf32>
    %get3A_13 = vector.shape_cast %get3A_12 : vector<1x1000x128xf32> to vector<1000x128xf32>
    %get3A_14 = arith.constant 1 : index
    %get3A_15 = arith.constant 0 : index
    %get3A_16 = arith.constant 0 : index
    %get3A_17 = vector.load %arg2[%get3A_14, %get3A_15, %get3A_16] : memref<2x1000x128xf32, #tpu.memory_space<vmem>>, vector<1x1000x128xf32>
    %get3A_18 = vector.shape_cast %get3A_17 : vector<1x1000x128xf32> to vector<1000x128xf32>
    %add3A_19 = arith.addf %get3A_13, %get3A_18 : vector<1000x128xf32>
    %concatenate3A = tpu.concatenate %add3A, %add3A_19 in 1 : vector<1000x128xf32>, vector<1000x128xf32> -> vector<1000x256xf32>
    %get3A_20 = arith.constant 0 : index
    %get3A_21 = arith.constant 0 : index
    %get3A_22 = vector.load %arg3[%get3A_20, %get3A_21] : memref<1000x1xf32, #tpu.memory_space<vmem>>, vector<1000x1xf32>
    %mul3A = vector.broadcast %get3A_22 : vector<1000x1xf32> to vector<1000x256xf32>
    %mul3A_23 = arith.mulf %concatenate3A, %mul3A : vector<1000x256xf32>
    %get3A_24 = arith.constant 0 : index
    %get3A_25 = arith.constant 0 : index
    %get3A_26 = vector.load %arg4[%get3A_24, %get3A_25] : memref<1x256xf32, #tpu.memory_space<vmem>>, vector<1x256xf32>
    %add3A_27 = vector.broadcast %get3A_26 : vector<1x256xf32> to vector<1000x256xf32>
    %add3A_28 = arith.addf %mul3A_23, %add3A_27 : vector<1000x256xf32>
    %max3A = arith.constant 0.000000e+00 : f32
    %max3A_29 = vector.broadcast %max3A : f32 to vector<1000x256xf32>
    %max3A_30 = arith.maximumf %add3A_28, %max3A_29 : vector<1000x256xf32>
    %get3A_31 = arith.constant 0 : index
    %get3A_32 = arith.constant 0 : index
    %get3A_33 = vector.load %arg5[%get3A_31, %get3A_32] : memref<256x256xf32, #tpu.memory_space<vmem>>, vector<256x256xf32>
    %dot_general3A = arith.constant dense<0.000000e+00> : vector<1000x256xf32>
    %dot_general3A_34 = tpu.matmul %max3A_30, %get3A_33, %dot_general3A {dimension_numbers = #tpu.dot_dimension_numbers<[1], [0], [0], [1], [0, 0, 1, 1], [], []>, precision = #tpu.contract_precision<fp32>, transpose_lhs_hint = false} : vector<1000x256xf32>, vector<256x256xf32>, vector<1000x256xf32> -> vector<1000x256xf32>
    %mul3A_35 = vector.broadcast %get3A_22 : vector<1000x1xf32> to vector<1000x256xf32>
    %mul3A_36 = arith.mulf %dot_general3A_34, %mul3A_35 : vector<1000x256xf32>
    %slice3A = vector.extract_strided_slice %mul3A_36 {offsets = [0, 0], sizes = [1000, 128], strides = [1, 1]} : vector<1000x256xf32> to vector<1000x128xf32>
    %swap3A = arith.constant 0 : index
    %swap3A_37 = arith.constant 0 : index
    %swap3A_38 = arith.constant 0 : index
    %swap3A_39 = vector.load %arg6[%swap3A, %swap3A_37, %swap3A_38] : memref<2x1000x128xf32, #tpu.memory_space<vmem>>, vector<1x1000x128xf32>
    %swap3A_40 = vector.shape_cast %swap3A_39 : vector<1x1000x128xf32> to vector<1000x128xf32>
    %swap3A_41 = vector.shape_cast %slice3A : vector<1000x128xf32> to vector<1x1000x128xf32>
    tpu.vector_store %arg6[%swap3A, %swap3A_37, %swap3A_38], %swap3A_41 {strides = array<i32>} : memref<2x1000x128xf32, #tpu.memory_space<vmem>>, vector<1x1000x128xf32>,
    %slice3A_42 = vector.extract_strided_slice %mul3A_36 {offsets = [0, 128], sizes = [1000, 128], strides = [1, 1]} : vector<1000x256xf32> to vector<1000x128xf32>
    %swap3A_43 = arith.constant 1 : index
    %swap3A_44 = arith.constant 0 : index
    %swap3A_45 = arith.constant 0 : index
    %swap3A_46 = vector.load %arg6[%swap3A_43, %swap3A_44, %swap3A_45] : memref<2x1000x128xf32, #tpu.memory_space<vmem>>, vector<1x1000x128xf32>
    %swap3A_47 = vector.shape_cast %swap3A_46 : vector<1x1000x128xf32> to vector<1000x128xf32>
    %swap3A_48 = vector.shape_cast %slice3A_42 : vector<1000x128xf32> to vector<1x1000x128xf32>
    tpu.vector_store %arg6[%swap3A_43, %swap3A_44, %swap3A_45], %swap3A_48 {strides = array<i32>} : memref<2x1000x128xf32, #tpu.memory_space<vmem>>, vector<1x1000x128xf32>,
    return
  }
  func.func @transform_0(%arg0: i32) -> (i32, i32, i32) {
    %c0_i32 = arith.constant 0 : i32
    %c0_i32_0 = arith.constant 0 : i32
    %c0_i32_1 = arith.constant 0 : i32
    return %c0_i32, %arg0, %c0_i32_0 : i32, i32, i32
  }
  func.func @transform_1(%arg0: i32) -> (i32, i32, i32) {
    %c0_i32 = arith.constant 0 : i32
    %c0_i32_0 = arith.constant 0 : i32
    %c0_i32_1 = arith.constant 0 : i32
    return %c0_i32, %arg0, %c0_i32_0 : i32, i32, i32
  }
  func.func @transform_2(%arg0: i32) -> (i32, i32) {
    %c0_i32 = arith.constant 0 : i32
    %c0_i32_0 = arith.constant 0 : i32
    return %arg0, %c0_i32 : i32, i32
  }
  func.func @transform_3(%arg0: i32) -> (i32, i32) {
    %c0_i32 = arith.constant 0 : i32
    %c0_i32_0 = arith.constant 0 : i32
    %c0_i32_1 = arith.constant 0 : i32
    return %c0_i32, %c0_i32_0 : i32, i32
  }
  func.func @transform_4(%arg0: i32) -> (i32, i32) {
    %c0_i32 = arith.constant 0 : i32
    %c0_i32_0 = arith.constant 0 : i32
    %c0_i32_1 = arith.constant 0 : i32
    return %c0_i32, %c0_i32_0 : i32, i32
  }
  func.func @transform_5(%arg0: i32) -> (i32, i32, i32) {
    %c0_i32 = arith.constant 0 : i32
    %c0_i32_0 = arith.constant 0 : i32
    %c0_i32_1 = arith.constant 0 : i32
    return %c0_i32, %arg0, %c0_i32_0 : i32, i32, i32
  }
}

module attributes {stable_mosaic.version = 14 : i64} {
  func.func @_tc_mid_body(%arg0: i32, %arg1: memref<2x1000x128xf32, #tpu.memory_space<vmem>>, %arg2: memref<2x1000x128xf32, #tpu.memory_space<vmem>>, %arg3: memref<1000x1xf32, #tpu.memory_space<vmem>>, %arg4: memref<1x256xf32, #tpu.memory_space<vmem>>, %arg5: memref<256x64xf32, #tpu.memory_space<vmem>>, %arg6: memref<1000x128xf32, #tpu.memory_space<vmem>>) attributes {dimension_semantics = [#tpu.dimension_semantics<arbitrary>], iteration_bounds = array<i64: 10>, scalar_prefetch = 0 : i64, scratch_operands = 0 : i64, tpu.core_type = #tpu.core_type<tc>, window_params = [{transform_indices = @transform_0, window_bounds = array<i64: 2, 1000, 128>}, {transform_indices = @transform_1, window_bounds = array<i64: 2, 1000, 128>}, {transform_indices = @transform_2, window_bounds = array<i64: 1000, 1>}, {pipeline_mode = #tpu.pipeline_mode<synchronous>, transform_indices = @transform_3, window_bounds = array<i64: 1, 256>}, {pipeline_mode = #tpu.pipeline_mode<synchronous>, transform_indices = @transform_4, window_bounds = array<i64: 256, 64>}, {transform_indices = @transform_5, window_bounds = array<i64: 1000, 128>}]} {
    %get3A = arith.constant 0 : index
    %get3A_0 = arith.constant 0 : index
    %get3A_1 = arith.constant 0 : index
    %get3A_2 = vector.load %arg1[%get3A, %get3A_0, %get3A_1] : memref<2x1000x128xf32, #tpu.memory_space<vmem>>, vector<1x1000x128xf32>
    %get3A_3 = vector.shape_cast %get3A_2 : vector<1x1000x128xf32> to vector<1000x128xf32>
    %get3A_4 = arith.constant 0 : index
    %get3A_5 = arith.constant 0 : index
    %get3A_6 = arith.constant 0 : index
    %get3A_7 = vector.load %arg2[%get3A_4, %get3A_5, %get3A_6] : memref<2x1000x128xf32, #tpu.memory_space<vmem>>, vector<1x1000x128xf32>
    %get3A_8 = vector.shape_cast %get3A_7 : vector<1x1000x128xf32> to vector<1000x128xf32>
    %add3A = arith.addf %get3A_3, %get3A_8 : vector<1000x128xf32>
    %get3A_9 = arith.constant 1 : index
    %get3A_10 = arith.constant 0 : index
    %get3A_11 = arith.constant 0 : index
    %get3A_12 = vector.load %arg1[%get3A_9, %get3A_10, %get3A_11] : memref<2x1000x128xf32, #tpu.memory_space<vmem>>, vector<1x1000x128xf32>
    %get3A_13 = vector.shape_cast %get3A_12 : vector<1x1000x128xf32> to vector<1000x128xf32>
    %get3A_14 = arith.constant 1 : index
    %get3A_15 = arith.constant 0 : index
    %get3A_16 = arith.constant 0 : index
    %get3A_17 = vector.load %arg2[%get3A_14, %get3A_15, %get3A_16] : memref<2x1000x128xf32, #tpu.memory_space<vmem>>, vector<1x1000x128xf32>
    %get3A_18 = vector.shape_cast %get3A_17 : vector<1x1000x128xf32> to vector<1000x128xf32>
    %add3A_19 = arith.addf %get3A_13, %get3A_18 : vector<1000x128xf32>
    %concatenate3A = tpu.concatenate %add3A, %add3A_19 in 1 : vector<1000x128xf32>, vector<1000x128xf32> -> vector<1000x256xf32>
    %get3A_20 = arith.constant 0 : index
    %get3A_21 = arith.constant 0 : index
    %get3A_22 = vector.load %arg3[%get3A_20, %get3A_21] : memref<1000x1xf32, #tpu.memory_space<vmem>>, vector<1000x1xf32>
    %mul3A = vector.broadcast %get3A_22 : vector<1000x1xf32> to vector<1000x256xf32>
    %mul3A_23 = arith.mulf %concatenate3A, %mul3A : vector<1000x256xf32>
    %get3A_24 = arith.constant 0 : index
    %get3A_25 = arith.constant 0 : index
    %get3A_26 = vector.load %arg4[%get3A_24, %get3A_25] : memref<1x256xf32, #tpu.memory_space<vmem>>, vector<1x256xf32>
    %add3A_27 = vector.broadcast %get3A_26 : vector<1x256xf32> to vector<1000x256xf32>
    %add3A_28 = arith.addf %mul3A_23, %add3A_27 : vector<1000x256xf32>
    %max3A = arith.constant 0.000000e+00 : f32
    %max3A_29 = vector.broadcast %max3A : f32 to vector<1000x256xf32>
    %max3A_30 = arith.maximumf %add3A_28, %max3A_29 : vector<1000x256xf32>
    %get3A_31 = arith.constant 0 : index
    %get3A_32 = arith.constant 0 : index
    %get3A_33 = vector.load %arg5[%get3A_31, %get3A_32] : memref<256x64xf32, #tpu.memory_space<vmem>>, vector<256x64xf32>
    %dot_general3A = arith.constant dense<0.000000e+00> : vector<1000x64xf32>
    %dot_general3A_34 = tpu.matmul %max3A_30, %get3A_33, %dot_general3A {dimension_numbers = #tpu.dot_dimension_numbers<[1], [0], [0], [1], [0, 0, 1, 1], [], []>, precision = #tpu.contract_precision<fp32>, transpose_lhs_hint = false} : vector<1000x256xf32>, vector<256x64xf32>, vector<1000x64xf32> -> vector<1000x64xf32>
    %mul3A_35 = vector.broadcast %get3A_22 : vector<1000x1xf32> to vector<1000x64xf32>
    %mul3A_36 = arith.mulf %dot_general3A_34, %mul3A_35 : vector<1000x64xf32>
    %broadcast_in_dim3A = arith.constant 0.000000e+00 : f32
    %broadcast_in_dim3A_37 = vector.broadcast %broadcast_in_dim3A : f32 to vector<1000x64xf32>
    %concatenate3A_38 = tpu.concatenate %mul3A_36, %broadcast_in_dim3A_37 in 1 : vector<1000x64xf32>, vector<1000x64xf32> -> vector<1000x128xf32>
    %swap3A = arith.constant 0 : index
    %swap3A_39 = arith.constant 0 : index
    %swap3A_40 = vector.load %arg6[%swap3A, %swap3A_39] : memref<1000x128xf32, #tpu.memory_space<vmem>>, vector<1000x128xf32>
    tpu.vector_store %arg6[%swap3A, %swap3A_39], %concatenate3A_38 {strides = array<i32>} : memref<1000x128xf32, #tpu.memory_space<vmem>>, vector<1000x128xf32>,
    return
  }
  func.func @transform_0(%arg0: i32) -> (i32, i32, i32) {
    %c0_i32 = arith.constant 0 : i32
    %c0_i32_0 = arith.constant 0 : i32
    %c0_i32_1 = arith.constant 0 : i32
    return %c0_i32, %arg0, %c0_i32_0 : i32, i32, i32
  }
  func.func @transform_1(%arg0: i32) -> (i32, i32, i32) {
    %c0_i32 = arith.constant 0 : i32
    %c0_i32_0 = arith.constant 0 : i32
    %c0_i32_1 = arith.constant 0 : i32
    return %c0_i32, %arg0, %c0_i32_0 : i32, i32, i32
  }
  func.func @transform_2(%arg0: i32) -> (i32, i32) {
    %c0_i32 = arith.constant 0 : i32
    %c0_i32_0 = arith.constant 0 : i32
    return %arg0, %c0_i32 : i32, i32
  }
  func.func @transform_3(%arg0: i32) -> (i32, i32) {
    %c0_i32 = arith.constant 0 : i32
    %c0_i32_0 = arith.constant 0 : i32
    %c0_i32_1 = arith.constant 0 : i32
    return %c0_i32, %c0_i32_0 : i32, i32
  }
  func.func @transform_4(%arg0: i32) -> (i32, i32) {
    %c0_i32 = arith.constant 0 : i32
    %c0_i32_0 = arith.constant 0 : i32
    %c0_i32_1 = arith.constant 0 : i32
    return %c0_i32, %c0_i32_0 : i32, i32
  }
  func.func @transform_5(%arg0: i32) -> (i32, i32) {
    %c0_i32 = arith.constant 0 : i32
    %c0_i32_0 = arith.constant 0 : i32
    return %arg0, %c0_i32 : i32, i32
  }
}

module attributes {stable_mosaic.version = 14 : i64} {
  func.func @_tc_last_body(%arg0: i32, %arg1: memref<2x1000x128xf32, #tpu.memory_space<vmem>>, %arg2: memref<1000x128xf32, #tpu.memory_space<vmem>>, %arg3: memref<1000x1xf32, #tpu.memory_space<vmem>>, %arg4: memref<1x64xf32, #tpu.memory_space<vmem>>, %arg5: memref<1000x64xf32, #tpu.memory_space<vmem>>) attributes {dimension_semantics = [#tpu.dimension_semantics<arbitrary>], iteration_bounds = array<i64: 10>, scalar_prefetch = 0 : i64, scratch_operands = 0 : i64, tpu.core_type = #tpu.core_type<tc>, window_params = [{transform_indices = @transform_0, window_bounds = array<i64: 2, 1000, 128>}, {transform_indices = @transform_1, window_bounds = array<i64: 1000, 128>}, {transform_indices = @transform_2, window_bounds = array<i64: 1000, 1>}, {pipeline_mode = #tpu.pipeline_mode<synchronous>, transform_indices = @transform_3, window_bounds = array<i64: 1, 64>}, {transform_indices = @transform_4, window_bounds = array<i64: 1000, 64>}]} {
    %get3A = arith.constant 0 : index
    %get3A_0 = arith.constant 0 : index
    %get3A_1 = arith.constant 0 : index
    %get3A_2 = vector.load %arg1[%get3A, %get3A_0, %get3A_1] : memref<2x1000x128xf32, #tpu.memory_space<vmem>>, vector<1x1000x64xf32>
    %get3A_3 = vector.shape_cast %get3A_2 : vector<1x1000x64xf32> to vector<1000x64xf32>
    %get3A_4 = arith.constant 1 : index
    %get3A_5 = arith.constant 0 : index
    %get3A_6 = arith.constant 0 : index
    %get3A_7 = vector.load %arg1[%get3A_4, %get3A_5, %get3A_6] : memref<2x1000x128xf32, #tpu.memory_space<vmem>>, vector<1x1000x64xf32>
    %get3A_8 = vector.shape_cast %get3A_7 : vector<1x1000x64xf32> to vector<1000x64xf32>
    %add3A = arith.addf %get3A_3, %get3A_8 : vector<1000x64xf32>
    %get3A_9 = arith.constant 0 : index
    %get3A_10 = arith.constant 0 : index
    %get3A_11 = vector.load %arg2[%get3A_9, %get3A_10] : memref<1000x128xf32, #tpu.memory_space<vmem>>, vector<1000x64xf32>
    %add3A_12 = arith.addf %add3A, %get3A_11 : vector<1000x64xf32>
    %get3A_13 = arith.constant 0 : index
    %get3A_14 = arith.constant 0 : index
    %get3A_15 = vector.load %arg3[%get3A_13, %get3A_14] : memref<1000x1xf32, #tpu.memory_space<vmem>>, vector<1000x1xf32>
    %mul3A = vector.broadcast %get3A_15 : vector<1000x1xf32> to vector<1000x64xf32>
    %mul3A_16 = arith.mulf %add3A_12, %mul3A : vector<1000x64xf32>
    %get3A_17 = arith.constant 0 : index
    %get3A_18 = arith.constant 0 : index
    %get3A_19 = vector.load %arg4[%get3A_17, %get3A_18] : memref<1x64xf32, #tpu.memory_space<vmem>>, vector<1x64xf32>
    %add3A_20 = vector.broadcast %get3A_19 : vector<1x64xf32> to vector<1000x64xf32>
    %add3A_21 = arith.addf %mul3A_16, %add3A_20 : vector<1000x64xf32>
    %swap3A = arith.constant 0 : index
    %swap3A_22 = arith.constant 0 : index
    %swap3A_23 = vector.load %arg5[%swap3A, %swap3A_22] : memref<1000x64xf32, #tpu.memory_space<vmem>>, vector<1000x64xf32>
    tpu.vector_store %arg5[%swap3A, %swap3A_22], %add3A_21 {strides = array<i32>} : memref<1000x64xf32, #tpu.memory_space<vmem>>, vector<1000x64xf32>,
    return
  }
  func.func @transform_0(%arg0: i32) -> (i32, i32, i32) {
    %c0_i32 = arith.constant 0 : i32
    %c0_i32_0 = arith.constant 0 : i32
    %c0_i32_1 = arith.constant 0 : i32
    return %c0_i32, %arg0, %c0_i32_0 : i32, i32, i32
  }
  func.func @transform_1(%arg0: i32) -> (i32, i32) {
    %c0_i32 = arith.constant 0 : i32
    %c0_i32_0 = arith.constant 0 : i32
    return %arg0, %c0_i32 : i32, i32
  }
  func.func @transform_2(%arg0: i32) -> (i32, i32) {
    %c0_i32 = arith.constant 0 : i32
    %c0_i32_0 = arith.constant 0 : i32
    return %arg0, %c0_i32 : i32, i32
  }
  func.func @transform_3(%arg0: i32) -> (i32, i32) {
    %c0_i32 = arith.constant 0 : i32
    %c0_i32_0 = arith.constant 0 : i32
    %c0_i32_1 = arith.constant 0 : i32
    return %c0_i32, %c0_i32_0 : i32, i32
  }
  func.func @transform_4(%arg0: i32) -> (i32, i32) {
    %c0_i32 = arith.constant 0 : i32
    %c0_i32_0 = arith.constant 0 : i32
    return %arg0, %c0_i32 : i32, i32
  }
}

</mosaic_0001>

<sc_bundles>
// kernel: kernel.12.cloned.1.call-start
scs
__scs_entry_jumppad:
0x0: {  	(pc) =	sbr.rel $0x88, $3  }
0x1: {  	(tag) =	ssettag $0x0;
	lr =	simm.s32 $0x1  }
0x2: {  	[smem:$0x3F97] =	sst lr;
	_ =	strace $0xD0000000  }
0x3: {  	_ = 	snop  }
0x4: {  	_ = 	snop  }
0x5: {  	_ = 	snop  }
0x6: {  	_ = 	snop  }
0x7: {  	_ = 	snop  }
__scs_overlays_trampoline_lowered:
0x8: {  	[smem:$0x3FA6] =	sst s0  }
0x9: {  	[smem:$0x3FA7] =	sst s1  }
0xa: {  	[smem:$0x3FA8] =	sst s2  }
0xb: {  	[smem:$0x3FA9] =	sst s3  }
0xc: {  	[smem:$0x3FAA] =	sst s4  }
0xd: {  	[smem:$0x3FAB] =	sst s5  }
0xe: {  	[smem:$0x3FAC] =	sst s6  }
0xf: {  	[smem:$0x3FAD] =	sst s7  }
0x10: {  	[smem:$0x3FAE] =	sst s8  }
0x11: {  	[smem:$0x3FAF] =	sst s9;
	s0 =	simm.s32 @!p0 $0x0  }
0x12: {  	s1 =	sld [smem:$0x3F95];
	s0 =	simm.s32 @p0 $0x1  }
0x13: {  	[smem:$0x3FB0] =	sst s0;
	s0 =	simm.s32 @!p1 $0x0  }
0x14: {  	s2 =	sld [smem:$0x3F94];
	s0 =	simm.s32 @p1 $0x1  }
0x15: {  	[smem:$0x3FB1] =	sst s0;
	s0 =	simm.s32 @!p2 $0x0  }
0x16: {  	s3 =	sld [smem:$0x3FDB];
	s0 =	simm.s32 @p2 $0x1  }
0x17: {  	s4 =	simm.s32 $0x1BF5;
	[smem:$0x3FB3] =	sst s0  }
0x18: {  	s0 =	sld [smem:$0x3F96];
	_ =	swait.ge [sflag:s4], $0x0  }
0x19: {  	s7 =	sld [smem:$0x3F97]  }
0x1a: {  	s8 =	sadd.s32 $0xFFFFE003, lr  }
0x1b: {  	s9 =	sadd.s32 $0xFFFFFEF7, lr;
	s5 =	simm.s32 $0xFFFFFFFF;
	p2 =	slt.u32 s8, $0xFFFFF086  }
0x1c: {  	p1 =	slt.u32 s9, $0xF7A;
	s5 =	simm.s32 @!p2 $0x0  }
0x1d: {  	s5 =	simm.s32 @p1 $0x1;
	p0 =	seq.s32 s7, s2  }
0x1e: {  	s7 =	smul.u32 @!p0 $0xF7A, s2;
	p2 =	seq.s32 @!p0 s5, $0x0  }
0x1f: {  	s9 =	smul.u32 $0xF7A, s1;
	s8 =	simm.s32 @!p0 $0x1BF5;
	p2 =	por !p2, p0  }
0x20: {  	[sflag:s8] =	ssyncset.s32 @!p0 $0xFFFFF086;
	s6 =	sadd.s32 @!p0 s3, s7;
	s7 =	simm.s32 @!p0 $0x108  }
0x21: {  	s3 =	sadd.s32 s3, s9;
	s6 =	sadd.s32 @!p0 $0x88, s6;
	s7 =	simm.s32 @p2 $0x1082  }
0x22: {  	[simem:s7], [sflag:s8] =	dma.local @!p0 [hbm:s6], $0xF7A  }
0x23: {  	s9 =	sor.u32 $0xD0000000, s2;
	s6 =	simm.s32 $0x108;
	_ =	swait.ge @!p0 [sflag:s8], $0x0  }
0x24: {  	s3 =	sadd.s32 $0x88, s3;
	s6 =	simm.s32 @!p1 $0x1082;
	[sflag:s4] =	ssyncset.s32 $0xFFFFF086  }
0x25: {  	[simem:s6], [sflag:s4] =	dma.local [hbm:s3], $0xF7A  }
0x26: {  	[smem:$0x3F97] =	sst s1;
	(tag) =	ssettag s2;
	_ =	strace s9  }
0x27: {  	s1 =	sld [smem:$0x3FA7]  }
0x28: {  	s2 =	sld [smem:$0x3FA8]  }
0x29: {  	s4 =	sld [smem:$0x3FAA]  }
0x2a: {  	p0 =	seq.s32 s5, $0x0;
	s5 =	sld [smem:$0x3FAB]  }
0x2b: {  	s6 =	sld [smem:$0x3FAC]  }
0x2c: {  	s7 =	sld [smem:$0x3FAD]  }
0x2d: {  	s3 =	simm.s32 $0x108;
	s8 =	sld [smem:$0x3FAE]  }
0x2e: {  	s3 =	simm.s32 @!p0 $0x1082;
	s9 =	sld [smem:$0x3FAF]  }
0x2f: {  	lr =	sadd.s32 s0, s3;
	s0 =	sld [smem:$0x3FA6]  }
0x30: {  	s3 =	sld [smem:$0x3FA9]  }
0x31: {  	[smem:$0x3FB2] =	sst s10  }
0x32: {  	s10 =	sld [smem:$0x3FB0];
	_ =	sdelay $0x3  }
0x33: {  	p0 =	seq.s32 s10, $0x1;
	s10 =	sld [smem:$0x3FB2];
	_ =	sdelay $0x3  }
0x34: {  	[smem:$0x3FB2] =	sst s10  }
0x35: {  	s10 =	sld [smem:$0x3FB1];
	_ =	sdelay $0x3  }
0x36: {  	p1 =	seq.s32 s10, $0x1;
	s10 =	sld [smem:$0x3FB2];
	_ =	sdelay $0x3  }
0x37: {  	[smem:$0x3FB2] =	sst s10  }
0x38: {  	s10 =	sld [smem:$0x3FB3]  }
0x39: {  	_ = 	snop;
	(pc) =	sbr.ind lr, $3  }
0x3a: {  	_ = 	snop  }
0x3b: {  	_ = 	snop  }
0x3c: {  	p2 =	seq.s32 s10, $0x1;
	s10 =	sld [smem:$0x3FB2]  }
0x3d: {  	_ =	shalt  }
0x3e: {  	_ =	shalt  }
0x3f: {  	_ =	shalt  }
0x40: {  	_ =	shalt  }
0x41: {  	_ =	shalt  }
0x42: {  	_ =	shalt  }
0x43: {  	_ =	shalt  }
0x44: {  	_ =	shalt  }
0x45: {  	_ =	shalt  }
0x46: {  	_ =	shalt  }
0x47: {  	_ =	shalt  }
0x48: {  	_ =	shalt  }
0x49: {  	_ =	shalt  }
0x4a: {  	_ =	shalt  }
0x4b: {  	_ =	shalt  }
0x4c: {  	_ =	shalt  }
0x4d: {  	_ =	shalt  }
0x4e: {  	_ =	shalt  }
0x4f: {  	_ =	shalt  }
0x50: {  	_ =	shalt  }
0x51: {  	_ =	shalt  }
0x52: {  	_ =	shalt  }
0x53: {  	_ =	shalt  }
0x54: {  	_ =	shalt  }
0x55: {  	_ =	shalt  }
0x56: {  	_ =	shalt  }
0x57: {  	_ =	shalt  }
0x58: {  	_ =	shalt  }
0x59: {  	_ =	shalt  }
0x5a: {  	_ =	shalt  }
0x5b: {  	_ =	shalt  }
0x5c: {  	_ =	shalt  }
0x5d: {  	_ =	shalt  }
0x5e: {  	_ =	shalt  }
0x5f: {  	_ =	shalt  }
0x60: {  	_ =	shalt  }
0x61: {  	_ =	shalt  }
0x62: {  	_ =	shalt  }
0x63: {  	_ =	shalt  }
0x64: {  	_ =	shalt  }
0x65: {  	_ =	shalt  }
0x66: {  	_ =	shalt  }
0x67: {  	_ =	shalt  }
0x68: {  	_ =	shalt  }
0x69: {  	_ =	shalt  }
0x6a: {  	_ =	shalt  }
0x6b: {  	_ =	shalt  }
0x6c: {  	_ =	shalt  }
0x6d: {  	_ =	shalt  }
0x6e: {  	_ =	shalt  }
0x6f: {  	_ =	shalt  }
0x70: {  	_ =	shalt  }
0x71: {  	_ =	shalt  }
0x72: {  	_ =	shalt  }
0x73: {  	_ =	shalt  }
0x74: {  	_ =	shalt  }
0x75: {  	_ =	shalt  }
0x76: {  	_ =	shalt  }
0x77: {  	_ =	shalt  }
0x78: {  	_ =	shalt  }
0x79: {  	_ =	shalt  }
0x7a: {  	_ =	shalt  }
0x7b: {  	_ =	shalt  }
0x7c: {  	_ =	shalt  }
0x7d: {  	_ =	shalt  }
0x7e: {  	_ =	shalt  }
0x7f: {  	_ =	shalt  }
0x80: {  	_ =	shalt  }
0x81: {  	_ =	shalt  }
0x82: {  	_ =	shalt  }
0x83: {  	_ =	shalt  }
0x84: {  	_ =	shalt  }
0x85: {  	_ =	shalt  }
0x86: {  	_ =	shalt  }
0x87: {  	_ =	shalt  }
.Lfunc_end0:
.L_simem_size_0:
called_computation_lowered:
.L_overlay_start_0:
0x88: {  	s2 =	sld [smem:$0x3FD9]  }
0x89: {  	s3 =	sld [smem:$0x3FFE];
	_ =	sdelay $0x1  }
0x8a: {  	s1 =	srdreg.scid  }
0x8b: {  	s0 =	sand.u32 $0x1, s1  }
0x8c: {  	s17 =	sshll.u32 s0, $0xA;
	s2 =	sadd.s32 s3, s2  }
0x8d: {  	s2 =	sadd.s32 s2, s17  }
0x8e: {  	[smem:$0x3FBE] =	sst s2  }
0x8f: {  	_ = 	snop  }
0x90: {  	s2 =	sld [smem:$0x3FD0];
	(tm) =	ssettm $0x1  }
0x91: {  	s18 =	sld [smem:$0x3FFB];
	_ =	sdelay $0x3  }
0x92: {  	_ =	strace s18  }
0x93: {  	s3 =	sld [smem:$0x3FFC];
	_ =	sdelay $0x3  }
0x94: {  	_ =	strace s3  }
0x95: {  	s3 =	sld [smem:$0x3FFD];
	_ =	sdelay $0x3  }
0x96: {  	_ =	strace s3  }
0x97: {  	_ =	strace $0x8FFFFFFF  }
0x98: {  	s19 =	sld [smem:$0x3FDB];
	_ =	sdelay $0x1  }
0x99: {  	s4 =	simm.s32 $_scs_section_size  }
0x9a: {  	s5 =	simm.s32 $_size__tile_overlayer_lowered;
	s6 =	simm.s32 $_tile_overlayer_lowered  }
0x9b: {  	s22 =	simm.s32 $0x1BFF;
	s21 =	sshll.u32 s6, $0x1;
	s3 =	sadd.s32 s4, s19  }
0x9c: {  	s7 =	simm.s32 $0x0;
	s20 =	sshll.u32 s5, $0x1;
	s5 =	sadd.s32 s21, s3  }
0x9d: {  	[timem:s7], [sflag:s22] =	dma.local [hbm:s5], s20  }
0x9e: {  	_ =	swait.ge [sflag:s22], s20  }
0x9f: {  	s4 =	ssub.s32 $0x0, s20;
	[sflag:s22] =	ssyncset.done $0x0  }
0xa0: {  	[sflag:s22] =	ssyncadd.s32 s4;
	_ =	sdelay $0x1  }
0xa1: {  	s23 =	simm.s32 $0x1B8B  }
0xa2: {  	_ =	swait.ge [sflag:s23], $0x1  }
0xa3: {  	[sflag:s23] =	ssyncset.done $0x0  }
0xa4: {  	s25 =	simm.s32 $0x1B8E;
	s24 =	sld [smem:$0x3FFE];
	[sflag:s23] =	ssyncadd.s32 $0xFFFFFFFF  }
0xa5: {  	s26 =	simm.s32 $execute0_lowered;
	[smem:$0x3FD2] =	sst s25  }
0xa6: {  	s5 =	sshll.u32 s26, $0x1;
	_ =	strace $0x80000046;
	[dreg:$0x1] =	wrdreg $0xFFFFFFFF  }
0xa7: {  	s28 =	simm.s32 $_size_execute0_lowered;
	s3 =	sadd.s32 s3, s5;
	[dreg:$0x0] =	wrdreg $0x0  }
0xa8: {  	s5 =	sshll.u32 s28, $0x1;
	[dreg:$0x2] =	wrdreg s3  }
0xa9: {  	[dreg:$0x3] =	wrdreg s5  }
0xaa: {  	[dreg:$0x4] =	wrdreg $0xC0  }
0xab: {  	_ =	task [dreg:s7], $0x5FFFF  }
0xac: {  	[dreg:$0x1] =	wrdreg $0xFFFFFFFF  }
0xad: {  	[dreg:$0x0] =	wrdreg $0x60  }
0xae: {  	[dreg:$0x2] =	wrdreg s2  }
0xaf: {  	[dreg:$0x3] =	wrdreg s24  }
0xb0: {  	[dreg:$0x4] =	wrdreg $0x94000  }
0xb1: {  	[dreg:$0x5] =	wrdreg $0x9  }
0xb2: {  	_ =	task.clear_ibuf [dreg:s7], $0x6FFFF;
	_ =	strace $0x90000046  }
0xb3: {  	s29 =	simm.s32 $0x9;
	_ =	strace $0x80000048  }
0xb4: {  	_ =	swait.ge [sflag:s29], $0x1  }
0xb5: {  	[sflag:s29] =	ssyncadd.s32 $0xFFFFFFFF  }
0xb6: {  	_ =	strace $0x90000048  }
0xb7: {  	_ =	sfence  }
0xb8: {  	s30 =	sld [smem:$0x0];
	_ =	sdelay $0x2  }
0xb9: {  	s31 =	sshll.u32 s1, $0xD;
	s1 =	sshrl.u32 s1, $0x2  }
0xba: {  	s3 =	sand.u32 $0x4000, s31;
	s1 =	sadd.s32 s1, s30  }
0xbb: {  	s0 =	sor.u32 s3, s0;
	s1 =	sshll.u32 s1, $0x11  }
0xbc: {  	s0 =	sor.u32 s1, s0  }
0xbd: {  	s0 =	sadd.s32 $0x8F2B, s0  }
0xbe: {  	[sflag:s0] =	ssyncadd.remote.s32 $0x1  }
0xbf: {  	_ =	sfence.sel $0xFFFF  }
0xc0: {  	[dreg:$0x0] =	wrdreg $0xFFFFFFFF;
	(pc) =	sbr.abs _section_cstart, $3  }
0xc1: {  	[dreg:$0x1] =	wrdreg $0xFFFFFFFF  }
0xc2: {  	_ =	task.clear_ibuf [dreg:s7], $0x2FFFF;
	_ =	strace $0x9FFFFFFF  }
0xc3: {  	(tm) =	ssettm $0x7FFFFFFF  }
tec
execute0_lowered:
.L_overlay_start_1:
0x0: {  	(tag) =	ssettag $0x1  }
0x1: {  	s0 =	rddreg [dreg:$0x0]  }
0x2: {  	s3 =	rddreg [dreg:$0x1]  }
0x3: {  	s1 =	rddreg [dreg:$0x2]  }
0x4: {  	s2 =	simm.s32 $0x0;
	s4 =	srdreg.scid;
	s11 =	stileid.u32  }
0x5: {  	s12 =	simm.s32 $0x2;
	s13 =	simm.s32 $0x1;
	s14 =	simm.s32 $0x80  }
0x6: {  	s15 =	simm.s32 $0x4000;
	s28 =	simm.s32 $0x8D80;
	s29 =	simm.s32 $0x8E00  }
0x7: {  	s30 =	simm.s32 $0x8E80;
	s31 =	simm.s32 $0x8F00;
	s16 =	simm.s32 $0x9080  }
0x8: {  	s17 =	simm.s32 $0x9100;
	s18 =	simm.s32 $0x9180;
	s19 =	simm.s32 $0x9200  }
0x9: {  	s20 =	simm.s32 $0x9280;
	s21 =	simm.s32 $0x9300;
	s6 =	smul.u32 $0x50000, s11  }
0xa: {  	s22 =	simm.s32 $0x9380;
	s4 =	sand.u32 $0x1, s4;
	s26 =	smul.u32 $0x2800, s11  }
0xb: {  	s23 =	simm.s32 $0x0;
	[smem:$0x7FF] =	sst s2;
	s5 =	smul.u32 $0x28000, s4  }
0xc: {  	_ =	strace $0x80000047;
	s24 =	ssub.s32 $0x2, s4;
	s4 =	sshll.u32 s4, $0x4  }
0xd: {  	s7 =	sshrl.u32 s24, $0x1;
	s6 =	sshrl.u32 s6, $0x2;
	s8 =	sor.u32 s11, s4  }
0xe: {  	s11 =	simm.s32 $0x8000;
	s3 =	sadd.s32 s5, s3;
	s4 =	sadd.s32 s6, s1  }
0xf: {  	s10 =	ssub.s32 s24, s7;
	s9 =	smul.u32 $0x280, s8;
	s5 =	sadd.s32 $0x4000, s4  }
0x10: {  	s6 =	sadd.s32 $0x8000, s4;
	s7 =	sadd.s32 $0xC000, s4;
	s8 =	sadd.s32 $0x10000, s4  }
0x11: {  	s25 =	sadd.s32 $0x7C00, s3;
	s10 =	smax.u32 s10, $0x1;
	s3 =	simm.s32 $0x9000  }
0x12: {  	v0 =	vimm.f32 $0.0e+00;
	v1 =	vimm.f32 $1.000000000e+00;
	s9 =	sadd.s32 s0, s9;
	s24 =	sadd.s32 s26, s25;
	s0 =	simm.s32 $0x8F80  }
.LBB2_1:
0x13: {  	s25 =	simm.s32 $0x0;
	s26 =	simm.s32 $0x200  }
.LBB2_2:
0x14: {  	p0 =	sne.s32 s26, $0xFE00;
	[tilespmem:s25+$0x70] =	vst v0  }
0x15: {  	[tilespmem:s25+$0x0] =	vst v0  }
0x16: {  	[tilespmem:s25+$0x10] =	vst v0  }
.Ltmp0:
0x17: {  	[tilespmem:s25+$0x20] =	vst v0;
	(pc) =	sbr.rel @p0 .LBB2_2-.Ltmp0, $4  }
0x18: {  	[tilespmem:s25+$0x30] =	vst v0  }
0x19: {  	[tilespmem:s25+$0x40] =	vst v0  }
0x1a: {  	[tilespmem:s25+$0x50] =	vst v0  }
0x1b: {  	[tilespmem:s25+$0x60] =	vst v0;
	s25 =	sshra.s32 s26, $0x2;
	s26 =	sadd.s32 $0x200, s26  }
0x1c: {  	[tilespmem:s25+$0x70] =	vst v0  }
0x1d: {  	[tilespmem:s25+$0x0] =	vst v0  }
0x1e: {  	[tilespmem:s25+$0x10] =	vst v0  }
0x1f: {  	[tilespmem:s25+$0x20] =	vst v0  }
0x20: {  	[tilespmem:s25+$0x30] =	vst v0  }
0x21: {  	[tilespmem:s25+$0x40] =	vst v0  }
0x22: {  	[tilespmem:s25+$0x50] =	vst v0  }
0x23: {  	[tilespmem:s25+$0x60] =	vst v0;
	s25 =	simm.s32 $0x0;
	s26 =	simm.s32 $0x200  }
.LBB2_4:
0x24: {  	p0 =	sne.s32 s26, $0xFE00;
	[tilespmem:s25+$0x4070] =	vst v1  }
0x25: {  	[tilespmem:s25+$0x4000] =	vst v1  }
0x26: {  	[tilespmem:s25+$0x4010] =	vst v1  }
.Ltmp1:
0x27: {  	[tilespmem:s25+$0x4020] =	vst v1;
	(pc) =	sbr.rel @p0 .LBB2_4-.Ltmp1, $4  }
0x28: {  	[tilespmem:s25+$0x4030] =	vst v1  }
0x29: {  	[tilespmem:s25+$0x4040] =	vst v1  }
0x2a: {  	[tilespmem:s25+$0x4050] =	vst v1  }
0x2b: {  	[tilespmem:s25+$0x4060] =	vst v1;
	s25 =	sshra.s32 s26, $0x2;
	s26 =	sadd.s32 $0x200, s26  }
0x2c: {  	[tilespmem:s25+$0x4070] =	vst v1  }
0x2d: {  	[tilespmem:s25+$0x4000] =	vst v1  }
0x2e: {  	[tilespmem:s25+$0x4010] =	vst v1  }
0x2f: {  	[tilespmem:s25+$0x4020] =	vst v1  }
0x30: {  	[tilespmem:s25+$0x4030] =	vst v1  }
0x31: {  	[tilespmem:s25+$0x4040] =	vst v1  }
0x32: {  	[tilespmem:s25+$0x4050] =	vst v1  }
0x33: {  	[tilespmem:s25+$0x4060] =	vst v1  }
0x34: {  	[spmem:s4] =	stream.linear.scatter [tilespmem:s2], [sflag:$0x1], $0x4000, $0x38;
	[tilespmem:$0x1D400] =	vst v63  }
0x35: {  	_ = 	snop  }
0x36: {  	[spmem:s5] =	stream.linear.scatter [tilespmem:s2], [sflag:$0x1], $0x4000, $0x38;
	[tilespmem:$0x1D400] =	vst v63  }
0x37: {  	_ = 	snop  }
0x38: {  	[spmem:s6] =	stream.linear.scatter [tilespmem:s2], [sflag:$0x1], $0x4000, $0x38;
	[tilespmem:$0x1D400] =	vst v63  }
0x39: {  	_ = 	snop  }
0x3a: {  	[spmem:s7] =	stream.linear.scatter [tilespmem:s2], [sflag:$0x1], $0x4000, $0x38;
	[tilespmem:$0x1D400] =	vst v63  }
0x3b: {  	_ = 	snop  }
0x3c: {  	[spmem:s8] =	stream.linear.scatter [tilespmem:s2], [sflag:$0x1], $0x4000, $0x38;
	[tilespmem:$0x1D400] =	vst v63  }
0x3d: {  	_ = 	snop  }
0x3e: {  	[tilespmem:s11], [sflag:$0x2] =	stream.linear.gather [hbm4b:s9+s2], $0x1400, $0x38;
	[tilespmem:$0x1D400] =	vst v63  }
0x3f: {  	_ =	swait.ge [sflag:s12], $0x1400  }
0x40: {  	[sflag:s12] =	ssyncset.done $0x0  }
0x41: {  	[sflag:s12] =	ssyncadd.s32 $0xFFFFEC00  }
0x42: {  	_ =	swait.ge [sflag:s13], $0x4000  }
0x43: {  	[sflag:s13] =	ssyncset.done $0x0  }
0x44: {  	[sflag:s13] =	ssyncadd.s32 $0xFFFFC000  }
0x45: {  	_ =	swait.ge [sflag:s13], $0x4000  }
0x46: {  	[sflag:s13] =	ssyncset.done $0x0  }
0x47: {  	[sflag:s13] =	ssyncadd.s32 $0xFFFFC000  }
0x48: {  	_ =	swait.ge [sflag:s13], $0x4000  }
0x49: {  	[sflag:s13] =	ssyncset.done $0x0  }
0x4a: {  	[sflag:s13] =	ssyncadd.s32 $0xFFFFC000  }
0x4b: {  	_ =	swait.ge [sflag:s13], $0x4000  }
0x4c: {  	[sflag:s13] =	ssyncset.done $0x0  }
0x4d: {  	[sflag:s13] =	ssyncadd.s32 $0xFFFFC000  }
0x4e: {  	_ =	swait.ge [sflag:s13], $0x4000  }
0x4f: {  	[sflag:s13] =	ssyncset.done $0x0  }
0x50: {  	[sflag:s13] =	ssyncadd.s32 $0xFFFFC000  }
0x51: {  	[bflag:$0x0] =	sbarrier.arrive $0xFFFF  }
0x52: {  	[spmem:s1] =	stream.indirect.scatter.add.f32 [tilespmem:s15], [sflag:$0x1], $0x80, s11, s14, $0xb8;
	[tilespmem:$0x1D400] =	vst v63  }
0x53: {  	s26 =	simm.s32 $0x8080  }
0x54: {  	[spmem:s1] =	stream.indirect.scatter.add.f32 [tilespmem:s15], [sflag:$0x1], $0x80, s26, s14, $0xb8;
	[tilespmem:$0x1D400] =	vst v63  }
0x55: {  	s26 =	simm.s32 $0x8100  }
0x56: {  	[spmem:s1] =	stream.indirect.scatter.add.f32 [tilespmem:s15], [sflag:$0x1], $0x80, s26, s14, $0xb8;
	[tilespmem:$0x1D400] =	vst v63  }
0x57: {  	s26 =	simm.s32 $0x8180  }
0x58: {  	[spmem:s1] =	stream.indirect.scatter.add.f32 [tilespmem:s15], [sflag:$0x1], $0x80, s26, s14, $0xb8;
	[tilespmem:$0x1D400] =	vst v63  }
0x59: {  	s26 =	simm.s32 $0x8200  }
0x5a: {  	[spmem:s1] =	stream.indirect.scatter.add.f32 [tilespmem:s15], [sflag:$0x1], $0x80, s26, s14, $0xb8;
	[tilespmem:$0x1D400] =	vst v63  }
0x5b: {  	s26 =	simm.s32 $0x8280  }
0x5c: {  	[spmem:s1] =	stream.indirect.scatter.add.f32 [tilespmem:s15], [sflag:$0x1], $0x80, s26, s14, $0xb8;
	[tilespmem:$0x1D400] =	vst v63  }
0x5d: {  	s26 =	simm.s32 $0x8300  }
0x5e: {  	[spmem:s1] =	stream.indirect.scatter.add.f32 [tilespmem:s15], [sflag:$0x1], $0x80, s26, s14, $0xb8;
	[tilespmem:$0x1D400] =	vst v63  }
0x5f: {  	s26 =	simm.s32 $0x8380  }
0x60: {  	[spmem:s1] =	stream.indirect.scatter.add.f32 [tilespmem:s15], [sflag:$0x1], $0x80, s26, s14, $0xb8;
	[tilespmem:$0x1D400] =	vst v63  }
0x61: {  	s26 =	simm.s32 $0x8400  }
0x62: {  	[spmem:s1] =	stream.indirect.scatter.add.f32 [tilespmem:s15], [sflag:$0x1], $0x80, s26, s14, $0xb8;
	[tilespmem:$0x1D400] =	vst v63  }
0x63: {  	s26 =	simm.s32 $0x8480  }
0x64: {  	[spmem:s1] =	stream.indirect.scatter.add.f32 [tilespmem:s15], [sflag:$0x1], $0x80, s26, s14, $0xb8;
	[tilespmem:$0x1D400] =	vst v63  }
0x65: {  	s26 =	simm.s32 $0x8500  }
0x66: {  	[spmem:s1] =	stream.indirect.scatter.add.f32 [tilespmem:s15], [sflag:$0x1], $0x80, s26, s14, $0xb8;
	[tilespmem:$0x1D400] =	vst v63  }
0x67: {  	s26 =	simm.s32 $0x8580  }
0x68: {  	[spmem:s1] =	stream.indirect.scatter.add.f32 [tilespmem:s15], [sflag:$0x1], $0x80, s26, s14, $0xb8;
	[tilespmem:$0x1D400] =	vst v63  }
0x69: {  	s26 =	simm.s32 $0x8600  }
0x6a: {  	[spmem:s1] =	stream.indirect.scatter.add.f32 [tilespmem:s15], [sflag:$0x1], $0x80, s26, s14, $0xb8;
	[tilespmem:$0x1D400] =	vst v63  }
0x6b: {  	s26 =	simm.s32 $0x8680  }
0x6c: {  	[spmem:s1] =	stream.indirect.scatter.add.f32 [tilespmem:s15], [sflag:$0x1], $0x80, s26, s14, $0xb8;
	[tilespmem:$0x1D400] =	vst v63  }
0x6d: {  	s26 =	simm.s32 $0x8700  }
0x6e: {  	[spmem:s1] =	stream.indirect.scatter.add.f32 [tilespmem:s15], [sflag:$0x1], $0x80, s26, s14, $0xb8;
	[tilespmem:$0x1D400] =	vst v63  }
0x6f: {  	s26 =	simm.s32 $0x8780  }
0x70: {  	[spmem:s1] =	stream.indirect.scatter.add.f32 [tilespmem:s15], [sflag:$0x1], $0x80, s26, s14, $0xb8;
	[tilespmem:$0x1D400] =	vst v63  }
0x71: {  	s26 =	simm.s32 $0x8800  }
0x72: {  	[spmem:s1] =	stream.indirect.scatter.add.f32 [tilespmem:s15], [sflag:$0x1], $0x80, s26, s14, $0xb8;
	[tilespmem:$0x1D400] =	vst v63  }
0x73: {  	s26 =	simm.s32 $0x8880  }
0x74: {  	[spmem:s1] =	stream.indirect.scatter.add.f32 [tilespmem:s15], [sflag:$0x1], $0x80, s26, s14, $0xb8;
	[tilespmem:$0x1D400] =	vst v63  }
0x75: {  	s26 =	simm.s32 $0x8900  }
0x76: {  	[spmem:s1] =	stream.indirect.scatter.add.f32 [tilespmem:s15], [sflag:$0x1], $0x80, s26, s14, $0xb8;
	[tilespmem:$0x1D400] =	vst v63  }
0x77: {  	s26 =	simm.s32 $0x8980  }
0x78: {  	[spmem:s1] =	stream.indirect.scatter.add.f32 [tilespmem:s15], [sflag:$0x1], $0x80, s26, s14, $0xb8;
	[tilespmem:$0x1D400] =	vst v63  }
0x79: {  	s26 =	simm.s32 $0x8A00  }
0x7a: {  	[spmem:s1] =	stream.indirect.scatter.add.f32 [tilespmem:s15], [sflag:$0x1], $0x80, s26, s14, $0xb8;
	[tilespmem:$0x1D400] =	vst v63  }
0x7b: {  	s26 =	simm.s32 $0x8A80  }
0x7c: {  	[spmem:s1] =	stream.indirect.scatter.add.f32 [tilespmem:s15], [sflag:$0x1], $0x80, s26, s14, $0xb8;
	[tilespmem:$0x1D400] =	vst v63  }
0x7d: {  	s26 =	simm.s32 $0x8B00  }
0x7e: {  	[spmem:s1] =	stream.indirect.scatter.add.f32 [tilespmem:s15], [sflag:$0x1], $0x80, s26, s14, $0xb8;
	[tilespmem:$0x1D400] =	vst v63  }
0x7f: {  	s26 =	simm.s32 $0x8B80  }
0x80: {  	[spmem:s1] =	stream.indirect.scatter.add.f32 [tilespmem:s15], [sflag:$0x1], $0x80, s26, s14, $0xb8;
	[tilespmem:$0x1D400] =	vst v63  }
0x81: {  	s26 =	simm.s32 $0x8C00  }
0x82: {  	[spmem:s1] =	stream.indirect.scatter.add.f32 [tilespmem:s15], [sflag:$0x1], $0x80, s26, s14, $0xb8;
	[tilespmem:$0x1D400] =	vst v63  }
0x83: {  	s26 =	simm.s32 $0x8C80  }
0x84: {  	[spmem:s1] =	stream.indirect.scatter.add.f32 [tilespmem:s15], [sflag:$0x1], $0x80, s26, s14, $0xb8;
	[tilespmem:$0x1D400] =	vst v63  }
0x85: {  	s26 =	simm.s32 $0x8D00  }
0x86: {  	[spmem:s1] =	stream.indirect.scatter.add.f32 [tilespmem:s15], [sflag:$0x1], $0x80, s26, s14, $0xb8;
	[tilespmem:$0x1D400] =	vst v63  }
0x87: {  	_ = 	snop  }
0x88: {  	[spmem:s1] =	stream.indirect.scatter.add.f32 [tilespmem:s15], [sflag:$0x1], $0x80, s28, s14, $0xb8;
	[tilespmem:$0x1D400] =	vst v63  }
0x89: {  	_ = 	snop  }
0x8a: {  	[spmem:s1] =	stream.indirect.scatter.add.f32 [tilespmem:s15], [sflag:$0x1], $0x80, s29, s14, $0xb8;
	[tilespmem:$0x1D400] =	vst v63  }
0x8b: {  	_ = 	snop  }
0x8c: {  	[spmem:s1] =	stream.indirect.scatter.add.f32 [tilespmem:s15], [sflag:$0x1], $0x80, s30, s14, $0xb8;
	[tilespmem:$0x1D400] =	vst v63  }
0x8d: {  	_ = 	snop  }
0x8e: {  	[spmem:s1] =	stream.indirect.scatter.add.f32 [tilespmem:s15], [sflag:$0x1], $0x80, s31, s14, $0xb8;
	[tilespmem:$0x1D400] =	vst v63  }
0x8f: {  	_ = 	snop  }
0x90: {  	[spmem:s1] =	stream.indirect.scatter.add.f32 [tilespmem:s15], [sflag:$0x1], $0x80, s0, s14, $0xb8;
	[tilespmem:$0x1D400] =	vst v63  }
0x91: {  	_ = 	snop  }
0x92: {  	[spmem:s1] =	stream.indirect.scatter.add.f32 [tilespmem:s15], [sflag:$0x1], $0x80, s3, s14, $0xb8;
	[tilespmem:$0x1D400] =	vst v63  }
0x93: {  	_ = 	snop  }
0x94: {  	[spmem:s1] =	stream.indirect.scatter.add.f32 [tilespmem:s15], [sflag:$0x1], $0x80, s16, s14, $0xb8;
	[tilespmem:$0x1D400] =	vst v63  }
0x95: {  	_ = 	snop  }
0x96: {  	[spmem:s1] =	stream.indirect.scatter.add.f32 [tilespmem:s15], [sflag:$0x1], $0x80, s17, s14, $0xb8;
	[tilespmem:$0x1D400] =	vst v63  }
0x97: {  	_ = 	snop  }
0x98: {  	[spmem:s1] =	stream.indirect.scatter.add.f32 [tilespmem:s15], [sflag:$0x1], $0x80, s18, s14, $0xb8;
	[tilespmem:$0x1D400] =	vst v63  }
0x99: {  	_ = 	snop  }
0x9a: {  	[spmem:s1] =	stream.indirect.scatter.add.f32 [tilespmem:s15], [sflag:$0x1], $0x80, s19, s14, $0xb8;
	[tilespmem:$0x1D400] =	vst v63  }
0x9b: {  	_ = 	snop  }
0x9c: {  	[spmem:s1] =	stream.indirect.scatter.add.f32 [tilespmem:s15], [sflag:$0x1], $0x80, s20, s14, $0xb8;
	[tilespmem:$0x1D400] =	vst v63  }
0x9d: {  	_ = 	snop  }
0x9e: {  	[spmem:s1] =	stream.indirect.scatter.add.f32 [tilespmem:s15], [sflag:$0x1], $0x80, s21, s14, $0xb8;
	[tilespmem:$0x1D400] =	vst v63  }
0x9f: {  	_ = 	snop  }
0xa0: {  	[spmem:s1] =	stream.indirect.scatter.add.f32 [tilespmem:s15], [sflag:$0x1], $0x80, s22, s14, $0xb8;
	[tilespmem:$0x1D400] =	vst v63  }
0xa1: {  	_ =	swait.ge [sflag:s13], $0x4000  }
0xa2: {  	s25 =	simm.s32 $0x27;
	[sflag:s13] =	ssyncset.done $0x0  }
.LBB2_6:
0xa3: {  	p0 =	sne.s32 s25, $0x1;
	s25 =	sadd.s32 $0xFFFFFFFF, s25;
	[sflag:s13] =	ssyncadd.s32 $0xFFFFC000  }
.Ltmp2:
0xa4: {  	(pc) =	sbr.rel @p0 .LBB2_6-.Ltmp2, $3  }
0xa5: {  	_ =	sdelay $0x1  }
0xa6: {  	_ =	swait.ge [sflag:s13], $0x4000  }
0xa7: {  	[sflag:s13] =	ssyncset.done $0x0  }
0xa8: {  	[sflag:s13] =	ssyncadd.s32 $0xFFFFC000;
	s25 =	stileid.u32;
	s23 =	sadd.s32 $0x1, s23  }
0xa9: {  	s26 =	sshrl.u32 s4, $0x3;
	s25 =	sshll.u32 s25, $0x6;
	p0 =	sne.s32 s23, s10  }
.Ltmp3:
0xaa: {  	[bflag:$0x0] =	sbarrier.arrive $0xFFFF;
	s25 =	sor.u32 $0x1C02, s25;
	(pc) =	sbr.rel @p0 .LBB2_1-.Ltmp3, $4  }
0xab: {  	[hbm:s24], [sflag:s25] =	dma.local [spmem:s26], $0x2800  }
0xac: {  	_ =	swait.ge [sflag:s12], $0x2800  }
0xad: {  	[sflag:s12] =	ssyncset.done $0x0  }
0xae: {  	[sflag:s12] =	ssyncadd.s32 $0xFFFFD800  }
0xaf: {  	_ =	sfence.sel $0x180000  }
0xb0: {  	[bflag:$0x0] =	sbarrier.arrive $0xFFFF  }
0xb1: {  	_ =	strace $0x90000047  }
0xb2: {  	s0 =	stileid.u32;
	[bflag:$0x2] =	sbarrier.arrive $0xFFFF  }
0xb3: {  	p0 =	sne.s32 s0, $0x0;
	s0 =	rddreg [dreg:$0x3]  }
0xb4: {  	s0 =	sadd.s32 @!p0 $0x100000, s0  }
0xb5: {  	[sflag:s0] =	ssyncadd.tile.s32 @!p0 $0x1;
	_ =	shalt  }
.Lfunc_end2:
_tile_overlayer_lowered:
.L_overlay_start_2:
0xb6: {  	(tag) =	ssettag $0x2  }
0xb7: {  	s0 =	rddreg [dreg:$0x0];
	s2 =	stileid.u32  }
0xb8: {  	s1 =	rddreg [dreg:$0x1];
	p0 =	sne.s32 s2, $0x0  }
0xb9: {  	s3 =	rddreg [dreg:$0x2];
	[bflag:$0x3] =	sbarrier.arrive $0xFFFF;
	s2 =	simm.s32 @!p0 $0x1C02  }
0xba: {  	[timem:s3], [sflag:s2] =	dma.local @!p0 [hbm:s0], s1  }
0xbb: {  	s0 =	simm.s32 @!p0 $0x2  }
0xbc: {  	_ =	swait.ge @!p0 [sflag:s0], s1  }
0xbd: {  	s1 =	ssub.s32 @!p0 $0x0, s1;
	[sflag:s0] =	ssyncset.done @!p0 $0x0  }
0xbe: {  	[sflag:s0] =	ssyncadd.s32 @!p0 s1  }
0xbf: {  	[bflag:$0x3] =	sbarrier.arrive $0xFFFF  }
0xc0: {  	_ =	shalt  }

// kernel: kernel.15.cloned.1.call-start
scs
__scs_entry_jumppad:
0x0: {  	(pc) =	sbr.rel $0x88, $3  }
0x1: {  	(tag) =	ssettag $0x0;
	lr =	simm.s32 $0x1  }
0x2: {  	[smem:$0x3F97] =	sst lr;
	_ =	strace $0xD0000000  }
0x3: {  	_ = 	snop  }
0x4: {  	_ = 	snop  }
0x5: {  	_ = 	snop  }
0x6: {  	_ = 	snop  }
0x7: {  	_ = 	snop  }
__scs_overlays_trampoline_lowered:
0x8: {  	[smem:$0x3FA6] =	sst s0  }
0x9: {  	[smem:$0x3FA7] =	sst s1  }
0xa: {  	[smem:$0x3FA8] =	sst s2  }
0xb: {  	[smem:$0x3FA9] =	sst s3  }
0xc: {  	[smem:$0x3FAA] =	sst s4  }
0xd: {  	[smem:$0x3FAB] =	sst s5  }
0xe: {  	[smem:$0x3FAC] =	sst s6  }
0xf: {  	[smem:$0x3FAD] =	sst s7  }
0x10: {  	[smem:$0x3FAE] =	sst s8  }
0x11: {  	[smem:$0x3FAF] =	sst s9;
	s0 =	simm.s32 @!p0 $0x0  }
0x12: {  	s1 =	sld [smem:$0x3F95];
	s0 =	simm.s32 @p0 $0x1  }
0x13: {  	[smem:$0x3FB0] =	sst s0;
	s0 =	simm.s32 @!p1 $0x0  }
0x14: {  	s2 =	sld [smem:$0x3F94];
	s0 =	simm.s32 @p1 $0x1  }
0x15: {  	[smem:$0x3FB1] =	sst s0;
	s0 =	simm.s32 @!p2 $0x0  }
0x16: {  	s3 =	sld [smem:$0x3FDB];
	s0 =	simm.s32 @p2 $0x1  }
0x17: {  	s4 =	simm.s32 $0x1BF5;
	[smem:$0x3FB3] =	sst s0  }
0x18: {  	s0 =	sld [smem:$0x3F96];
	_ =	swait.ge [sflag:s4], $0x0  }
0x19: {  	s7 =	sld [smem:$0x3F97]  }
0x1a: {  	s8 =	sadd.s32 $0xFFFFE003, lr  }
0x1b: {  	s9 =	sadd.s32 $0xFFFFFEF7, lr;
	s5 =	simm.s32 $0xFFFFFFFF;
	p2 =	slt.u32 s8, $0xFFFFF086  }
0x1c: {  	p1 =	slt.u32 s9, $0xF7A;
	s5 =	simm.s32 @!p2 $0x0  }
0x1d: {  	s5 =	simm.s32 @p1 $0x1;
	p0 =	seq.s32 s7, s2  }
0x1e: {  	s7 =	smul.u32 @!p0 $0xF7A, s2;
	p2 =	seq.s32 @!p0 s5, $0x0  }
0x1f: {  	s9 =	smul.u32 $0xF7A, s1;
	s8 =	simm.s32 @!p0 $0x1BF5;
	p2 =	por !p2, p0  }
0x20: {  	[sflag:s8] =	ssyncset.s32 @!p0 $0xFFFFF086;
	s6 =	sadd.s32 @!p0 s3, s7;
	s7 =	simm.s32 @!p0 $0x108  }
0x21: {  	s3 =	sadd.s32 s3, s9;
	s6 =	sadd.s32 @!p0 $0x88, s6;
	s7 =	simm.s32 @p2 $0x1082  }
0x22: {  	[simem:s7], [sflag:s8] =	dma.local @!p0 [hbm:s6], $0xF7A  }
0x23: {  	s9 =	sor.u32 $0xD0000000, s2;
	s6 =	simm.s32 $0x108;
	_ =	swait.ge @!p0 [sflag:s8], $0x0  }
0x24: {  	s3 =	sadd.s32 $0x88, s3;
	s6 =	simm.s32 @!p1 $0x1082;
	[sflag:s4] =	ssyncset.s32 $0xFFFFF086  }
0x25: {  	[simem:s6], [sflag:s4] =	dma.local [hbm:s3], $0xF7A  }
0x26: {  	[smem:$0x3F97] =	sst s1;
	(tag) =	ssettag s2;
	_ =	strace s9  }
0x27: {  	s1 =	sld [smem:$0x3FA7]  }
0x28: {  	s2 =	sld [smem:$0x3FA8]  }
0x29: {  	s4 =	sld [smem:$0x3FAA]  }
0x2a: {  	p0 =	seq.s32 s5, $0x0;
	s5 =	sld [smem:$0x3FAB]  }
0x2b: {  	s6 =	sld [smem:$0x3FAC]  }
0x2c: {  	s7 =	sld [smem:$0x3FAD]  }
0x2d: {  	s3 =	simm.s32 $0x108;
	s8 =	sld [smem:$0x3FAE]  }
0x2e: {  	s3 =	simm.s32 @!p0 $0x1082;
	s9 =	sld [smem:$0x3FAF]  }
0x2f: {  	lr =	sadd.s32 s0, s3;
	s0 =	sld [smem:$0x3FA6]  }
0x30: {  	s3 =	sld [smem:$0x3FA9]  }
0x31: {  	[smem:$0x3FB2] =	sst s10  }
0x32: {  	s10 =	sld [smem:$0x3FB0];
	_ =	sdelay $0x3  }
0x33: {  	p0 =	seq.s32 s10, $0x1;
	s10 =	sld [smem:$0x3FB2];
	_ =	sdelay $0x3  }
0x34: {  	[smem:$0x3FB2] =	sst s10  }
0x35: {  	s10 =	sld [smem:$0x3FB1];
	_ =	sdelay $0x3  }
0x36: {  	p1 =	seq.s32 s10, $0x1;
	s10 =	sld [smem:$0x3FB2];
	_ =	sdelay $0x3  }
0x37: {  	[smem:$0x3FB2] =	sst s10  }
0x38: {  	s10 =	sld [smem:$0x3FB3]  }
0x39: {  	_ = 	snop;
	(pc) =	sbr.ind lr, $3  }
0x3a: {  	_ = 	snop  }
0x3b: {  	_ = 	snop  }
0x3c: {  	p2 =	seq.s32 s10, $0x1;
	s10 =	sld [smem:$0x3FB2]  }
0x3d: {  	_ =	shalt  }
0x3e: {  	_ =	shalt  }
0x3f: {  	_ =	shalt  }
0x40: {  	_ =	shalt  }
0x41: {  	_ =	shalt  }
0x42: {  	_ =	shalt  }
0x43: {  	_ =	shalt  }
0x44: {  	_ =	shalt  }
0x45: {  	_ =	shalt  }
0x46: {  	_ =	shalt  }
0x47: {  	_ =	shalt  }
0x48: {  	_ =	shalt  }
0x49: {  	_ =	shalt  }
0x4a: {  	_ =	shalt  }
0x4b: {  	_ =	shalt  }
0x4c: {  	_ =	shalt  }
0x4d: {  	_ =	shalt  }
0x4e: {  	_ =	shalt  }
0x4f: {  	_ =	shalt  }
0x50: {  	_ =	shalt  }
0x51: {  	_ =	shalt  }
0x52: {  	_ =	shalt  }
0x53: {  	_ =	shalt  }
0x54: {  	_ =	shalt  }
0x55: {  	_ =	shalt  }
0x56: {  	_ =	shalt  }
0x57: {  	_ =	shalt  }
0x58: {  	_ =	shalt  }
0x59: {  	_ =	shalt  }
0x5a: {  	_ =	shalt  }
0x5b: {  	_ =	shalt  }
0x5c: {  	_ =	shalt  }
0x5d: {  	_ =	shalt  }
0x5e: {  	_ =	shalt  }
0x5f: {  	_ =	shalt  }
0x60: {  	_ =	shalt  }
0x61: {  	_ =	shalt  }
0x62: {  	_ =	shalt  }
0x63: {  	_ =	shalt  }
0x64: {  	_ =	shalt  }
0x65: {  	_ =	shalt  }
0x66: {  	_ =	shalt  }
0x67: {  	_ =	shalt  }
0x68: {  	_ =	shalt  }
0x69: {  	_ =	shalt  }
0x6a: {  	_ =	shalt  }
0x6b: {  	_ =	shalt  }
0x6c: {  	_ =	shalt  }
0x6d: {  	_ =	shalt  }
0x6e: {  	_ =	shalt  }
0x6f: {  	_ =	shalt  }
0x70: {  	_ =	shalt  }
0x71: {  	_ =	shalt  }
0x72: {  	_ =	shalt  }
0x73: {  	_ =	shalt  }
0x74: {  	_ =	shalt  }
0x75: {  	_ =	shalt  }
0x76: {  	_ =	shalt  }
0x77: {  	_ =	shalt  }
0x78: {  	_ =	shalt  }
0x79: {  	_ =	shalt  }
0x7a: {  	_ =	shalt  }
0x7b: {  	_ =	shalt  }
0x7c: {  	_ =	shalt  }
0x7d: {  	_ =	shalt  }
0x7e: {  	_ =	shalt  }
0x7f: {  	_ =	shalt  }
0x80: {  	_ =	shalt  }
0x81: {  	_ =	shalt  }
0x82: {  	_ =	shalt  }
0x83: {  	_ =	shalt  }
0x84: {  	_ =	shalt  }
0x85: {  	_ =	shalt  }
0x86: {  	_ =	shalt  }
0x87: {  	_ =	shalt  }
.Lfunc_end0:
.L_simem_size_0:
called_computation.1_lowered:
.L_overlay_start_0:
0x88: {  	s2 =	sld [smem:$0x3FD9]  }
0x89: {  	s3 =	sld [smem:$0x3FFE];
	_ =	sdelay $0x1  }
0x8a: {  	s1 =	srdreg.scid  }
0x8b: {  	s0 =	sand.u32 $0x1, s1  }
0x8c: {  	s17 =	sshll.u32 s0, $0xA;
	s2 =	sadd.s32 s3, s2  }
0x8d: {  	s2 =	sadd.s32 s2, s17  }
0x8e: {  	[smem:$0x3FBE] =	sst s2  }
0x8f: {  	_ = 	snop  }
0x90: {  	s2 =	sld [smem:$0x3FD0];
	(tm) =	ssettm $0x1  }
0x91: {  	s18 =	sld [smem:$0x3FFB];
	_ =	sdelay $0x3  }
0x92: {  	_ =	strace s18  }
0x93: {  	s3 =	sld [smem:$0x3FFC];
	_ =	sdelay $0x3  }
0x94: {  	_ =	strace s3  }
0x95: {  	s3 =	sld [smem:$0x3FFD];
	_ =	sdelay $0x3  }
0x96: {  	_ =	strace s3  }
0x97: {  	_ =	strace $0x8FFFFFFF  }
0x98: {  	s19 =	sld [smem:$0x3FDB];
	_ =	sdelay $0x1  }
0x99: {  	s4 =	simm.s32 $_scs_section_size  }
0x9a: {  	s5 =	simm.s32 $_size__tile_overlayer_lowered;
	s6 =	simm.s32 $_tile_overlayer_lowered  }
0x9b: {  	s22 =	simm.s32 $0x1BFF;
	s21 =	sshll.u32 s6, $0x1;
	s3 =	sadd.s32 s4, s19  }
0x9c: {  	s7 =	simm.s32 $0x0;
	s20 =	sshll.u32 s5, $0x1;
	s5 =	sadd.s32 s21, s3  }
0x9d: {  	[timem:s7], [sflag:s22] =	dma.local [hbm:s5], s20  }
0x9e: {  	_ =	swait.ge [sflag:s22], s20  }
0x9f: {  	s4 =	ssub.s32 $0x0, s20;
	[sflag:s22] =	ssyncset.done $0x0  }
0xa0: {  	[sflag:s22] =	ssyncadd.s32 s4;
	_ =	sdelay $0x1  }
0xa1: {  	s23 =	simm.s32 $0x1B8B  }
0xa2: {  	_ =	swait.ge [sflag:s23], $0x1  }
0xa3: {  	[sflag:s23] =	ssyncset.done $0x0  }
0xa4: {  	s25 =	simm.s32 $0x1B8E;
	s24 =	sld [smem:$0x3FFE];
	[sflag:s23] =	ssyncadd.s32 $0xFFFFFFFF  }
0xa5: {  	s26 =	simm.s32 $execute0_lowered;
	[smem:$0x3FD2] =	sst s25  }
0xa6: {  	s5 =	sshll.u32 s26, $0x1;
	_ =	strace $0x80000049;
	[dreg:$0x1] =	wrdreg $0xFFFFFFFF  }
0xa7: {  	s28 =	simm.s32 $_size_execute0_lowered;
	s3 =	sadd.s32 s3, s5;
	[dreg:$0x0] =	wrdreg $0x0  }
0xa8: {  	s5 =	sshll.u32 s28, $0x1;
	[dreg:$0x2] =	wrdreg s3  }
0xa9: {  	[dreg:$0x3] =	wrdreg s5  }
0xaa: {  	[dreg:$0x4] =	wrdreg $0xC0  }
0xab: {  	_ =	task [dreg:s7], $0x5FFFF  }
0xac: {  	[dreg:$0x1] =	wrdreg $0xFFFFFFFF  }
0xad: {  	[dreg:$0x0] =	wrdreg $0x60  }
0xae: {  	[dreg:$0x2] =	wrdreg s24  }
0xaf: {  	[dreg:$0x3] =	wrdreg s2  }
0xb0: {  	[dreg:$0x4] =	wrdreg $0xA8000  }
0xb1: {  	[dreg:$0x5] =	wrdreg $0x9  }
0xb2: {  	_ =	task.clear_ibuf [dreg:s7], $0x6FFFF;
	_ =	strace $0x90000049  }
0xb3: {  	s29 =	simm.s32 $0x9;
	_ =	strace $0x8000004B  }
0xb4: {  	_ =	swait.ge [sflag:s29], $0x1  }
0xb5: {  	[sflag:s29] =	ssyncadd.s32 $0xFFFFFFFF  }
0xb6: {  	_ =	strace $0x9000004B  }
0xb7: {  	_ =	sfence  }
0xb8: {  	s30 =	sld [smem:$0x0];
	_ =	sdelay $0x2  }
0xb9: {  	s31 =	sshll.u32 s1, $0xD;
	s1 =	sshrl.u32 s1, $0x2  }
0xba: {  	s3 =	sand.u32 $0x4000, s31;
	s1 =	sadd.s32 s1, s30  }
0xbb: {  	s0 =	sor.u32 s3, s0;
	s1 =	sshll.u32 s1, $0x11  }
0xbc: {  	s0 =	sor.u32 s1, s0  }
0xbd: {  	s0 =	sadd.s32 $0x8F2B, s0  }
0xbe: {  	[sflag:s0] =	ssyncadd.remote.s32 $0x1  }
0xbf: {  	_ =	sfence.sel $0xFFFF  }
0xc0: {  	[dreg:$0x0] =	wrdreg $0xFFFFFFFF;
	(pc) =	sbr.abs _section_cstart, $3  }
0xc1: {  	[dreg:$0x1] =	wrdreg $0xFFFFFFFF  }
0xc2: {  	_ =	task.clear_ibuf [dreg:s7], $0x2FFFF;
	_ =	strace $0x9FFFFFFF  }
0xc3: {  	(tm) =	ssettm $0x7FFFFFFF  }
tec
execute0_lowered:
.L_overlay_start_1:
0x0: {  	(tag) =	ssettag $0x1  }
0x1: {  	s4 =	rddreg [dreg:$0x0]  }
0x2: {  	s13 =	rddreg [dreg:$0x1];
	s0 =	srdreg.scid  }
0x3: {  	s1 =	rddreg [dreg:$0x2];
	s3 =	simm.s32 $0x0;
	s2 =	stileid.u32  }
0x4: {  	s17 =	simm.s32 $0x3;
	s18 =	simm.s32 $0x9400;
	s19 =	simm.s32 $0x80  }
0x5: {  	s20 =	simm.s32 $0x8080;
	s21 =	simm.s32 $0x4000;
	s8 =	smul.u32 $0x50000, s2  }
0x6: {  	s22 =	simm.s32 $0x2;
	s23 =	simm.s32 $0xA700;
	s24 =	smul.u32 $0x2800, s2  }
0x7: {  	s5 =	sand.u32 $0x1, s0;
	s0 =	rddreg [dreg:$0x3];
	s10 =	smul.u32 $0x500, s2  }
0x8: {  	s26 =	simm.s32 $0x0;
	[smem:$0x7FF] =	sst s3;
	s6 =	smul.u32 $0x27100, s5  }
0x9: {  	s12 =	sadd.s32 $0x2C00, s4;
	s7 =	smul.u32 $0x28000, s5;
	s5 =	ssub.s32 $0x2, s5  }
0xa: {  	_ =	strace $0x8000004A;
	s30 =	sshrl.u32 s8, $0x2;
	s31 =	sshrl.u32 s5, $0x1  }
0xb: {  	s16 =	sshrl.u32 s24, $0x3;
	s9 =	sadd.s32 s12, s10;
	s10 =	sadd.s32 s13, s10  }
0xc: {  	s11 =	sadd.s32 s6, s4;
	s14 =	sadd.s32 s7, s4;
	s4 =	sadd.s32 s30, s1  }
0xd: {  	s15 =	ssub.s32 s5, s31;
	s16 =	sadd.s32 $0x280, s16;
	s5 =	sadd.s32 $0x4000, s4  }
0xe: {  	s6 =	sadd.s32 $0x8000, s4;
	s7 =	sadd.s32 $0xC000, s4;
	s8 =	sadd.s32 $0x10000, s4  }
0xf: {  	s11 =	sadd.s32 $0x7C00, s11;
	s12 =	sadd.s32 s12, s16;
	s13 =	sadd.s32 s13, s16  }
0x10: {  	s25 =	sadd.s32 $0x55E00, s14;
	s14 =	smax.u32 s15, $0x1;
	s15 =	simm.s32 $0x1  }
0x11: {  	v0 =	vimm.f32 $0.0e+00;
	s16 =	simm.s32 $0x8000;
	s24 =	sadd.s32 s24, s25;
	s25 =	simm.s32 $0xA780  }
.LBB2_1:
0x12: {  	s28 =	simm.s32 $0x0;
	s29 =	simm.s32 $0x200  }
.LBB2_2:
0x13: {  	p0 =	sne.s32 s29, $0xFE00;
	[tilespmem:s28+$0x70] =	vst v0  }
0x14: {  	[tilespmem:s28+$0x0] =	vst v0  }
0x15: {  	[tilespmem:s28+$0x10] =	vst v0  }
.Ltmp0:
0x16: {  	[tilespmem:s28+$0x20] =	vst v0;
	(pc) =	sbr.rel @p0 .LBB2_2-.Ltmp0, $4  }
0x17: {  	[tilespmem:s28+$0x30] =	vst v0  }
0x18: {  	[tilespmem:s28+$0x40] =	vst v0  }
0x19: {  	[tilespmem:s28+$0x50] =	vst v0  }
0x1a: {  	[tilespmem:s28+$0x60] =	vst v0;
	s28 =	sshra.s32 s29, $0x2;
	s29 =	sadd.s32 $0x200, s29  }
0x1b: {  	[tilespmem:s28+$0x70] =	vst v0  }
0x1c: {  	[tilespmem:s28+$0x0] =	vst v0  }
0x1d: {  	[tilespmem:s28+$0x10] =	vst v0  }
0x1e: {  	[tilespmem:s28+$0x20] =	vst v0  }
0x1f: {  	[tilespmem:s28+$0x30] =	vst v0  }
0x20: {  	[tilespmem:s28+$0x40] =	vst v0  }
0x21: {  	[tilespmem:s28+$0x50] =	vst v0  }
0x22: {  	[tilespmem:s28+$0x60] =	vst v0;
	s28 =	simm.s32 $0x0  }
0x23: {  	[spmem:s4] =	stream.linear.scatter [tilespmem:s28], [sflag:$0x1], $0x4000, $0x38;
	[tilespmem:$0x1E800] =	vst v63  }
0x24: {  	_ = 	snop  }
0x25: {  	[spmem:s5] =	stream.linear.scatter [tilespmem:s28], [sflag:$0x1], $0x4000, $0x38;
	[tilespmem:$0x1E800] =	vst v63  }
0x26: {  	_ = 	snop  }
0x27: {  	[spmem:s6] =	stream.linear.scatter [tilespmem:s28], [sflag:$0x1], $0x4000, $0x38;
	[tilespmem:$0x1E800] =	vst v63  }
0x28: {  	_ = 	snop  }
0x29: {  	[spmem:s7] =	stream.linear.scatter [tilespmem:s28], [sflag:$0x1], $0x4000, $0x38;
	[tilespmem:$0x1E800] =	vst v63  }
0x2a: {  	_ = 	snop  }
0x2b: {  	[spmem:s8] =	stream.linear.scatter [tilespmem:s28], [sflag:$0x1], $0x4000, $0x38;
	[tilespmem:$0x1E800] =	vst v63  }
0x2c: {  	_ =	swait.ge [sflag:s15], $0x4000  }
0x2d: {  	[sflag:s15] =	ssyncset.done $0x0  }
0x2e: {  	[sflag:s15] =	ssyncadd.s32 $0xFFFFC000  }
0x2f: {  	_ =	swait.ge [sflag:s15], $0x4000  }
0x30: {  	[sflag:s15] =	ssyncset.done $0x0  }
0x31: {  	[sflag:s15] =	ssyncadd.s32 $0xFFFFC000  }
0x32: {  	_ =	swait.ge [sflag:s15], $0x4000  }
0x33: {  	[sflag:s15] =	ssyncset.done $0x0  }
0x34: {  	[sflag:s15] =	ssyncadd.s32 $0xFFFFC000  }
0x35: {  	_ =	swait.ge [sflag:s15], $0x4000  }
0x36: {  	[sflag:s15] =	ssyncset.done $0x0  }
0x37: {  	[sflag:s15] =	ssyncadd.s32 $0xFFFFC000  }
0x38: {  	_ =	swait.ge [sflag:s15], $0x4000  }
0x39: {  	[sflag:s15] =	ssyncset.done $0x0  }
0x3a: {  	[sflag:s15] =	ssyncadd.s32 $0xFFFFC000  }
0x3b: {  	[bflag:$0x0] =	sbarrier.arrive $0xFFFF  }
0x3c: {  	[tilespmem:s16], [sflag:$0x3] =	stream.linear.gather [hbm4b:s9+s28], $0x1400, $0x38;
	[tilespmem:$0x1E800] =	vst v63  }
0x3d: {  	_ =	swait.ge [sflag:s17], $0x1400  }
0x3e: {  	[sflag:s17] =	ssyncset.done $0x0  }
0x3f: {  	[sflag:s17] =	ssyncadd.s32 $0xFFFFEC00  }
0x40: {  	[tilespmem:s18], [sflag:$0x3] =	stream.linear.gather [hbm4b:s10+s28], $0x1400, $0x38;
	[tilespmem:$0x1E800] =	vst v63  }
0x41: {  	_ =	swait.ge [sflag:s17], $0x1400  }
0x42: {  	[sflag:s17] =	ssyncset.done $0x0  }
0x43: {  	[sflag:s17] =	ssyncadd.s32 $0xFFFFEC00  }
0x44: {  	[tilespmem:s28], [sflag:$0x1] =	stream.indirect.gather [hbm4b:s11+s19], $0x80, s16, s19, $0xb8;
	[tilespmem:$0x1E800] =	vst v63  }
0x45: {  	_ = 	snop  }
0x46: {  	[tilespmem:s21], [sflag:$0x2] =	stream.indirect.gather [hbm4b:s11+s19], $0x80, s20, s19, $0xb8;
	[tilespmem:$0x1E800] =	vst v63  }
0x47: {  	_ =	swait.ge [sflag:s15], $0x4000  }
0x48: {  	[sflag:s15] =	ssyncset.done $0x0  }
0x49: {  	s28 =	simm.s32 $0x9400;
	[sflag:s15] =	ssyncadd.s32 $0xFFFFC000  }
0x4a: {  	[spmem:s1] =	stream.indirect.scatter.add.f32 [tilespmem:s3], [sflag:$0x3], $0x80, s28, s19, $0xb8;
	[tilespmem:$0x1E800] =	vst v63  }
0x4b: {  	_ =	swait.ge [sflag:s17], $0x4000  }
0x4c: {  	[sflag:s17] =	ssyncset.done $0x0  }
0x4d: {  	s28 =	simm.s32 $0x8100;
	[sflag:s17] =	ssyncadd.s32 $0xFFFFC000  }
0x4e: {  	[tilespmem:s3], [sflag:$0x1] =	stream.indirect.gather [hbm4b:s11+s19], $0x80, s28, s19, $0xb8;
	[tilespmem:$0x1E800] =	vst v63  }
0x4f: {  	_ =	swait.ge [sflag:s22], $0x4000  }
0x50: {  	[sflag:s22] =	ssyncset.done $0x0  }
0x51: {  	s28 =	simm.s32 $0x9480;
	[sflag:s22] =	ssyncadd.s32 $0xFFFFC000  }
0x52: {  	[spmem:s1] =	stream.indirect.scatter.add.f32 [tilespmem:s21], [sflag:$0x3], $0x80, s28, s19, $0xb8;
	[tilespmem:$0x1E800] =	vst v63  }
0x53: {  	_ =	swait.ge [sflag:s17], $0x4000  }
0x54: {  	[sflag:s17] =	ssyncset.done $0x0  }
0x55: {  	s29 =	simm.s32 $0x8180;
	s28 =	simm.s32 $0x400;
	[sflag:s17] =	ssyncadd.s32 $0xFFFFC000  }
.LBB2_4:
0x56: {  	[tilespmem:s21], [sflag:$0x2] =	stream.indirect.gather [hbm4b:s11+s19], $0x80, s29, s19, $0xb8;
	[tilespmem:$0x1E800] =	vst v63  }
0x57: {  	s29 =	smov.u32 s28  }
0x58: {  	p0 =	sne.s32 s28, $0x4800;
	s28 =	sadd.s32 $0x400, s28;
	_ =	swait.ge [sflag:s15], $0x4000  }
0x59: {  	s29 =	sshra.s32 s29, $0x2;
	[sflag:s15] =	ssyncset.done $0x0  }
0x5a: {  	s30 =	sadd.s32 $0x9400, s29;
	[sflag:s15] =	ssyncadd.s32 $0xFFFFC000  }
0x5b: {  	[spmem:s1] =	stream.indirect.scatter.add.f32 [tilespmem:s3], [sflag:$0x3], $0x80, s30, s19, $0xb8;
	[tilespmem:$0x1E800] =	vst v63  }
0x5c: {  	_ =	swait.ge [sflag:s17], $0x4000  }
0x5d: {  	[sflag:s17] =	ssyncset.done $0x0  }
0x5e: {  	s30 =	sadd.s32 $0x8100, s29;
	[sflag:s17] =	ssyncadd.s32 $0xFFFFC000  }
0x5f: {  	[tilespmem:s3], [sflag:$0x1] =	stream.indirect.gather [hbm4b:s11+s19], $0x80, s30, s19, $0xb8;
	[tilespmem:$0x1E800] =	vst v63  }
0x60: {  	_ =	swait.ge [sflag:s22], $0x4000  }
0x61: {  	[sflag:s22] =	ssyncset.done $0x0  }
.Ltmp1:
0x62: {  	s30 =	sadd.s32 $0x9480, s29;
	[sflag:s22] =	ssyncadd.s32 $0xFFFFC000;
	(pc) =	sbr.rel @p0 .LBB2_4-.Ltmp1, $4  }
0x63: {  	[spmem:s1] =	stream.indirect.scatter.add.f32 [tilespmem:s21], [sflag:$0x3], $0x80, s30, s19, $0xb8;
	[tilespmem:$0x1E800] =	vst v63  }
0x64: {  	_ =	swait.ge [sflag:s17], $0x4000  }
0x65: {  	[sflag:s17] =	ssyncset.done $0x0  }
0x66: {  	s29 =	sadd.s32 $0x8180, s29;
	[sflag:s17] =	ssyncadd.s32 $0xFFFFC000  }
0x67: {  	[tilespmem:s21], [sflag:$0x2] =	stream.indirect.gather [hbm4b:s11+s19], $0x80, s29, s19, $0xb8;
	[tilespmem:$0x1E800] =	vst v63  }
0x68: {  	_ =	swait.ge [sflag:s15], $0x4000  }
0x69: {  	[sflag:s15] =	ssyncset.done $0x0  }
0x6a: {  	s28 =	simm.s32 $0x0;
	[sflag:s15] =	ssyncadd.s32 $0xFFFFC000  }
0x6b: {  	[spmem:s1] =	stream.indirect.scatter.add.f32 [tilespmem:s28], [sflag:$0x3], $0x80, s23, s19, $0xb8;
	[tilespmem:$0x1E800] =	vst v63  }
0x6c: {  	_ =	swait.ge [sflag:s17], $0x4000  }
0x6d: {  	[sflag:s17] =	ssyncset.done $0x0  }
0x6e: {  	[sflag:s17] =	ssyncadd.s32 $0xFFFFC000  }
0x6f: {  	_ =	swait.ge [sflag:s22], $0x4000  }
0x70: {  	[sflag:s22] =	ssyncset.done $0x0  }
0x71: {  	[sflag:s22] =	ssyncadd.s32 $0xFFFFC000  }
0x72: {  	[spmem:s1] =	stream.indirect.scatter.add.f32 [tilespmem:s21], [sflag:$0x3], $0x80, s25, s19, $0xb8;
	[tilespmem:$0x1E800] =	vst v63  }
0x73: {  	_ =	swait.ge [sflag:s17], $0x4000  }
0x74: {  	[sflag:s17] =	ssyncset.done $0x0  }
0x75: {  	[sflag:s17] =	ssyncadd.s32 $0xFFFFC000  }
0x76: {  	[tilespmem:s16], [sflag:$0x3] =	stream.linear.gather [hbm4b:s12+s28], $0x1400, $0x38;
	[tilespmem:$0x1E800] =	vst v63  }
0x77: {  	_ =	swait.ge [sflag:s17], $0x1400  }
0x78: {  	[sflag:s17] =	ssyncset.done $0x0  }
0x79: {  	[sflag:s17] =	ssyncadd.s32 $0xFFFFEC00  }
0x7a: {  	[tilespmem:s18], [sflag:$0x3] =	stream.linear.gather [hbm4b:s13+s28], $0x1400, $0x38;
	[tilespmem:$0x1E800] =	vst v63  }
0x7b: {  	_ =	swait.ge [sflag:s17], $0x1400  }
0x7c: {  	[sflag:s17] =	ssyncset.done $0x0  }
0x7d: {  	[sflag:s17] =	ssyncadd.s32 $0xFFFFEC00  }
0x7e: {  	[tilespmem:s28], [sflag:$0x1] =	stream.indirect.gather [hbm4b:s11+s19], $0x80, s16, s19, $0xb8;
	[tilespmem:$0x1E800] =	vst v63  }
0x7f: {  	_ = 	snop  }
0x80: {  	[tilespmem:s21], [sflag:$0x2] =	stream.indirect.gather [hbm4b:s11+s19], $0x80, s20, s19, $0xb8;
	[tilespmem:$0x1E800] =	vst v63  }
0x81: {  	_ =	swait.ge [sflag:s15], $0x4000  }
0x82: {  	[sflag:s15] =	ssyncset.done $0x0  }
0x83: {  	s28 =	simm.s32 $0x9400;
	[sflag:s15] =	ssyncadd.s32 $0xFFFFC000  }
0x84: {  	[spmem:s1] =	stream.indirect.scatter.add.f32 [tilespmem:s3], [sflag:$0x3], $0x80, s28, s19, $0xb8;
	[tilespmem:$0x1E800] =	vst v63  }
0x85: {  	_ =	swait.ge [sflag:s17], $0x4000  }
0x86: {  	[sflag:s17] =	ssyncset.done $0x0  }
0x87: {  	s28 =	simm.s32 $0x8100;
	[sflag:s17] =	ssyncadd.s32 $0xFFFFC000  }
0x88: {  	[tilespmem:s3], [sflag:$0x1] =	stream.indirect.gather [hbm4b:s11+s19], $0x80, s28, s19, $0xb8;
	[tilespmem:$0x1E800] =	vst v63  }
0x89: {  	_ =	swait.ge [sflag:s22], $0x4000  }
0x8a: {  	[sflag:s22] =	ssyncset.done $0x0  }
0x8b: {  	s28 =	simm.s32 $0x9480;
	[sflag:s22] =	ssyncadd.s32 $0xFFFFC000  }
0x8c: {  	[spmem:s1] =	stream.indirect.scatter.add.f32 [tilespmem:s21], [sflag:$0x3], $0x80, s28, s19, $0xb8;
	[tilespmem:$0x1E800] =	vst v63  }
0x8d: {  	_ =	swait.ge [sflag:s17], $0x4000  }
0x8e: {  	[sflag:s17] =	ssyncset.done $0x0  }
0x8f: {  	s29 =	simm.s32 $0x8180;
	s28 =	simm.s32 $0x400;
	[sflag:s17] =	ssyncadd.s32 $0xFFFFC000  }
.LBB2_6:
0x90: {  	[tilespmem:s21], [sflag:$0x2] =	stream.indirect.gather [hbm4b:s11+s19], $0x80, s29, s19, $0xb8;
	[tilespmem:$0x1E800] =	vst v63  }
0x91: {  	s29 =	smov.u32 s28  }
0x92: {  	p0 =	sne.s32 s28, $0x4800;
	s28 =	sadd.s32 $0x400, s28;
	_ =	swait.ge [sflag:s15], $0x4000  }
0x93: {  	s29 =	sshra.s32 s29, $0x2;
	[sflag:s15] =	ssyncset.done $0x0  }
0x94: {  	s30 =	sadd.s32 $0x9400, s29;
	[sflag:s15] =	ssyncadd.s32 $0xFFFFC000  }
0x95: {  	[spmem:s1] =	stream.indirect.scatter.add.f32 [tilespmem:s3], [sflag:$0x3], $0x80, s30, s19, $0xb8;
	[tilespmem:$0x1E800] =	vst v63  }
0x96: {  	_ =	swait.ge [sflag:s17], $0x4000  }
0x97: {  	[sflag:s17] =	ssyncset.done $0x0  }
0x98: {  	s30 =	sadd.s32 $0x8100, s29;
	[sflag:s17] =	ssyncadd.s32 $0xFFFFC000  }
0x99: {  	[tilespmem:s3], [sflag:$0x1] =	stream.indirect.gather [hbm4b:s11+s19], $0x80, s30, s19, $0xb8;
	[tilespmem:$0x1E800] =	vst v63  }
0x9a: {  	_ =	swait.ge [sflag:s22], $0x4000  }
0x9b: {  	[sflag:s22] =	ssyncset.done $0x0  }
.Ltmp2:
0x9c: {  	s30 =	sadd.s32 $0x9480, s29;
	[sflag:s22] =	ssyncadd.s32 $0xFFFFC000;
	(pc) =	sbr.rel @p0 .LBB2_6-.Ltmp2, $4  }
0x9d: {  	[spmem:s1] =	stream.indirect.scatter.add.f32 [tilespmem:s21], [sflag:$0x3], $0x80, s30, s19, $0xb8;
	[tilespmem:$0x1E800] =	vst v63  }
0x9e: {  	_ =	swait.ge [sflag:s17], $0x4000  }
0x9f: {  	[sflag:s17] =	ssyncset.done $0x0  }
0xa0: {  	s29 =	sadd.s32 $0x8180, s29;
	[sflag:s17] =	ssyncadd.s32 $0xFFFFC000  }
0xa1: {  	[tilespmem:s21], [sflag:$0x2] =	stream.indirect.gather [hbm4b:s11+s19], $0x80, s29, s19, $0xb8;
	[tilespmem:$0x1E800] =	vst v63  }
0xa2: {  	_ =	swait.ge [sflag:s15], $0x4000  }
0xa3: {  	[sflag:s15] =	ssyncset.done $0x0  }
0xa4: {  	[sflag:s15] =	ssyncadd.s32 $0xFFFFC000  }
0xa5: {  	[spmem:s1] =	stream.indirect.scatter.add.f32 [tilespmem:s3], [sflag:$0x3], $0x80, s23, s19, $0xb8;
	[tilespmem:$0x1E800] =	vst v63  }
0xa6: {  	_ =	swait.ge [sflag:s17], $0x4000  }
0xa7: {  	[sflag:s17] =	ssyncset.done $0x0  }
0xa8: {  	[sflag:s17] =	ssyncadd.s32 $0xFFFFC000  }
0xa9: {  	_ =	swait.ge [sflag:s22], $0x4000  }
0xaa: {  	[sflag:s22] =	ssyncset.done $0x0  }
0xab: {  	[sflag:s22] =	ssyncadd.s32 $0xFFFFC000  }
0xac: {  	[spmem:s1] =	stream.indirect.scatter.add.f32 [tilespmem:s21], [sflag:$0x3], $0x80, s25, s19, $0xb8;
	[tilespmem:$0x1E800] =	vst v63  }
0xad: {  	_ =	swait.ge [sflag:s17], $0x4000  }
0xae: {  	s28 =	sshll.u32 s2, $0x6;
	s26 =	sadd.s32 $0x1, s26;
	[sflag:s17] =	ssyncset.done $0x0  }
0xaf: {  	s31 =	sshrl.u32 s4, $0x3;
	p0 =	sne.s32 s26, s14;
	[sflag:s17] =	ssyncadd.s32 $0xFFFFC000  }
.Ltmp3:
0xb0: {  	s28 =	sor.u32 $0x1C03, s28;
	[bflag:$0x0] =	sbarrier.arrive $0xFFFF;
	(pc) =	sbr.rel @p0 .LBB2_1-.Ltmp3, $4  }
0xb1: {  	[hbm:s24], [sflag:s28] =	dma.local [spmem:s31], $0x2800  }
0xb2: {  	_ =	swait.ge [sflag:s17], $0x2800  }
0xb3: {  	[sflag:s17] =	ssyncset.done $0x0  }
0xb4: {  	[sflag:s17] =	ssyncadd.s32 $0xFFFFD800  }
0xb5: {  	_ =	sfence.sel $0x180000  }
0xb6: {  	[bflag:$0x0] =	sbarrier.arrive $0xFFFF  }
0xb7: {  	p0 =	sne.s32 s2, $0x0;
	_ =	strace $0x9000004A  }
0xb8: {  	s0 =	sadd.s32 @!p0 $0x100000, s0;
	[bflag:$0x2] =	sbarrier.arrive $0xFFFF  }
0xb9: {  	[sflag:s0] =	ssyncadd.tile.s32 @!p0 $0x1;
	_ =	shalt  }
.Lfunc_end2:
_tile_overlayer_lowered:
.L_overlay_start_2:
0xba: {  	(tag) =	ssettag $0x2  }
0xbb: {  	s0 =	rddreg [dreg:$0x0];
	s2 =	stileid.u32  }
0xbc: {  	s1 =	rddreg [dreg:$0x1];
	p0 =	sne.s32 s2, $0x0  }
0xbd: {  	s3 =	rddreg [dreg:$0x2];
	[bflag:$0x3] =	sbarrier.arrive $0xFFFF;
	s2 =	simm.s32 @!p0 $0x1C03  }
0xbe: {  	[timem:s3], [sflag:s2] =	dma.local @!p0 [hbm:s0], s1  }
0xbf: {  	s0 =	simm.s32 @!p0 $0x3  }
0xc0: {  	_ =	swait.ge @!p0 [sflag:s0], s1  }
0xc1: {  	s1 =	ssub.s32 @!p0 $0x0, s1;
	[sflag:s0] =	ssyncset.done @!p0 $0x0  }
0xc2: {  	[sflag:s0] =	ssyncadd.s32 @!p0 s1  }
0xc3: {  	[bflag:$0x3] =	sbarrier.arrive $0xFFFF  }
0xc4: {  	_ =	shalt  }

// kernel: kernel.18.cloned.1.call-start
scs
__scs_entry_jumppad:
0x0: {  	(pc) =	sbr.rel $0x88, $3  }
0x1: {  	(tag) =	ssettag $0x0;
	lr =	simm.s32 $0x1  }
0x2: {  	[smem:$0x3F97] =	sst lr;
	_ =	strace $0xD0000000  }
0x3: {  	_ = 	snop  }
0x4: {  	_ = 	snop  }
0x5: {  	_ = 	snop  }
0x6: {  	_ = 	snop  }
0x7: {  	_ = 	snop  }
__scs_overlays_trampoline_lowered:
0x8: {  	[smem:$0x3FA6] =	sst s0  }
0x9: {  	[smem:$0x3FA7] =	sst s1  }
0xa: {  	[smem:$0x3FA8] =	sst s2  }
0xb: {  	[smem:$0x3FA9] =	sst s3  }
0xc: {  	[smem:$0x3FAA] =	sst s4  }
0xd: {  	[smem:$0x3FAB] =	sst s5  }
0xe: {  	[smem:$0x3FAC] =	sst s6  }
0xf: {  	[smem:$0x3FAD] =	sst s7  }
0x10: {  	[smem:$0x3FAE] =	sst s8  }
0x11: {  	[smem:$0x3FAF] =	sst s9;
	s0 =	simm.s32 @!p0 $0x0  }
0x12: {  	s1 =	sld [smem:$0x3F95];
	s0 =	simm.s32 @p0 $0x1  }
0x13: {  	[smem:$0x3FB0] =	sst s0;
	s0 =	simm.s32 @!p1 $0x0  }
0x14: {  	s2 =	sld [smem:$0x3F94];
	s0 =	simm.s32 @p1 $0x1  }
0x15: {  	[smem:$0x3FB1] =	sst s0;
	s0 =	simm.s32 @!p2 $0x0  }
0x16: {  	s3 =	sld [smem:$0x3FDB];
	s0 =	simm.s32 @p2 $0x1  }
0x17: {  	s4 =	simm.s32 $0x1BF5;
	[smem:$0x3FB3] =	sst s0  }
0x18: {  	s0 =	sld [smem:$0x3F96];
	_ =	swait.ge [sflag:s4], $0x0  }
0x19: {  	s7 =	sld [smem:$0x3F97]  }
0x1a: {  	s8 =	sadd.s32 $0xFFFFE003, lr  }
0x1b: {  	s9 =	sadd.s32 $0xFFFFFEF7, lr;
	s5 =	simm.s32 $0xFFFFFFFF;
	p2 =	slt.u32 s8, $0xFFFFF086  }
0x1c: {  	p1 =	slt.u32 s9, $0xF7A;
	s5 =	simm.s32 @!p2 $0x0  }
0x1d: {  	s5 =	simm.s32 @p1 $0x1;
	p0 =	seq.s32 s7, s2  }
0x1e: {  	s7 =	smul.u32 @!p0 $0xF7A, s2;
	p2 =	seq.s32 @!p0 s5, $0x0  }
0x1f: {  	s9 =	smul.u32 $0xF7A, s1;
	s8 =	simm.s32 @!p0 $0x1BF5;
	p2 =	por !p2, p0  }
0x20: {  	[sflag:s8] =	ssyncset.s32 @!p0 $0xFFFFF086;
	s6 =	sadd.s32 @!p0 s3, s7;
	s7 =	simm.s32 @!p0 $0x108  }
0x21: {  	s3 =	sadd.s32 s3, s9;
	s6 =	sadd.s32 @!p0 $0x88, s6;
	s7 =	simm.s32 @p2 $0x1082  }
0x22: {  	[simem:s7], [sflag:s8] =	dma.local @!p0 [hbm:s6], $0xF7A  }
0x23: {  	s9 =	sor.u32 $0xD0000000, s2;
	s6 =	simm.s32 $0x108;
	_ =	swait.ge @!p0 [sflag:s8], $0x0  }
0x24: {  	s3 =	sadd.s32 $0x88, s3;
	s6 =	simm.s32 @!p1 $0x1082;
	[sflag:s4] =	ssyncset.s32 $0xFFFFF086  }
0x25: {  	[simem:s6], [sflag:s4] =	dma.local [hbm:s3], $0xF7A  }
0x26: {  	[smem:$0x3F97] =	sst s1;
	(tag) =	ssettag s2;
	_ =	strace s9  }
0x27: {  	s1 =	sld [smem:$0x3FA7]  }
0x28: {  	s2 =	sld [smem:$0x3FA8]  }
0x29: {  	s4 =	sld [smem:$0x3FAA]  }
0x2a: {  	p0 =	seq.s32 s5, $0x0;
	s5 =	sld [smem:$0x3FAB]  }
0x2b: {  	s6 =	sld [smem:$0x3FAC]  }
0x2c: {  	s7 =	sld [smem:$0x3FAD]  }
0x2d: {  	s3 =	simm.s32 $0x108;
	s8 =	sld [smem:$0x3FAE]  }
0x2e: {  	s3 =	simm.s32 @!p0 $0x1082;
	s9 =	sld [smem:$0x3FAF]  }
0x2f: {  	lr =	sadd.s32 s0, s3;
	s0 =	sld [smem:$0x3FA6]  }
0x30: {  	s3 =	sld [smem:$0x3FA9]  }
0x31: {  	[smem:$0x3FB2] =	sst s10  }
0x32: {  	s10 =	sld [smem:$0x3FB0];
	_ =	sdelay $0x3  }
0x33: {  	p0 =	seq.s32 s10, $0x1;
	s10 =	sld [smem:$0x3FB2];
	_ =	sdelay $0x3  }
0x34: {  	[smem:$0x3FB2] =	sst s10  }
0x35: {  	s10 =	sld [smem:$0x3FB1];
	_ =	sdelay $0x3  }
0x36: {  	p1 =	seq.s32 s10, $0x1;
	s10 =	sld [smem:$0x3FB2];
	_ =	sdelay $0x3  }
0x37: {  	[smem:$0x3FB2] =	sst s10  }
0x38: {  	s10 =	sld [smem:$0x3FB3]  }
0x39: {  	_ = 	snop;
	(pc) =	sbr.ind lr, $3  }
0x3a: {  	_ = 	snop  }
0x3b: {  	_ = 	snop  }
0x3c: {  	p2 =	seq.s32 s10, $0x1;
	s10 =	sld [smem:$0x3FB2]  }
0x3d: {  	_ =	shalt  }
0x3e: {  	_ =	shalt  }
0x3f: {  	_ =	shalt  }
0x40: {  	_ =	shalt  }
0x41: {  	_ =	shalt  }
0x42: {  	_ =	shalt  }
0x43: {  	_ =	shalt  }
0x44: {  	_ =	shalt  }
0x45: {  	_ =	shalt  }
0x46: {  	_ =	shalt  }
0x47: {  	_ =	shalt  }
0x48: {  	_ =	shalt  }
0x49: {  	_ =	shalt  }
0x4a: {  	_ =	shalt  }
0x4b: {  	_ =	shalt  }
0x4c: {  	_ =	shalt  }
0x4d: {  	_ =	shalt  }
0x4e: {  	_ =	shalt  }
0x4f: {  	_ =	shalt  }
0x50: {  	_ =	shalt  }
0x51: {  	_ =	shalt  }
0x52: {  	_ =	shalt  }
0x53: {  	_ =	shalt  }
0x54: {  	_ =	shalt  }
0x55: {  	_ =	shalt  }
0x56: {  	_ =	shalt  }
0x57: {  	_ =	shalt  }
0x58: {  	_ =	shalt  }
0x59: {  	_ =	shalt  }
0x5a: {  	_ =	shalt  }
0x5b: {  	_ =	shalt  }
0x5c: {  	_ =	shalt  }
0x5d: {  	_ =	shalt  }
0x5e: {  	_ =	shalt  }
0x5f: {  	_ =	shalt  }
0x60: {  	_ =	shalt  }
0x61: {  	_ =	shalt  }
0x62: {  	_ =	shalt  }
0x63: {  	_ =	shalt  }
0x64: {  	_ =	shalt  }
0x65: {  	_ =	shalt  }
0x66: {  	_ =	shalt  }
0x67: {  	_ =	shalt  }
0x68: {  	_ =	shalt  }
0x69: {  	_ =	shalt  }
0x6a: {  	_ =	shalt  }
0x6b: {  	_ =	shalt  }
0x6c: {  	_ =	shalt  }
0x6d: {  	_ =	shalt  }
0x6e: {  	_ =	shalt  }
0x6f: {  	_ =	shalt  }
0x70: {  	_ =	shalt  }
0x71: {  	_ =	shalt  }
0x72: {  	_ =	shalt  }
0x73: {  	_ =	shalt  }
0x74: {  	_ =	shalt  }
0x75: {  	_ =	shalt  }
0x76: {  	_ =	shalt  }
0x77: {  	_ =	shalt  }
0x78: {  	_ =	shalt  }
0x79: {  	_ =	shalt  }
0x7a: {  	_ =	shalt  }
0x7b: {  	_ =	shalt  }
0x7c: {  	_ =	shalt  }
0x7d: {  	_ =	shalt  }
0x7e: {  	_ =	shalt  }
0x7f: {  	_ =	shalt  }
0x80: {  	_ =	shalt  }
0x81: {  	_ =	shalt  }
0x82: {  	_ =	shalt  }
0x83: {  	_ =	shalt  }
0x84: {  	_ =	shalt  }
0x85: {  	_ =	shalt  }
0x86: {  	_ =	shalt  }
0x87: {  	_ =	shalt  }
.Lfunc_end0:
.L_simem_size_0:
called_computation.2_lowered:
.L_overlay_start_0:
0x88: {  	s2 =	sld [smem:$0x3FD9]  }
0x89: {  	s3 =	sld [smem:$0x3FFE];
	_ =	sdelay $0x1  }
0x8a: {  	s1 =	srdreg.scid  }
0x8b: {  	s0 =	sand.u32 $0x1, s1  }
0x8c: {  	s17 =	sshll.u32 s0, $0xA;
	s2 =	sadd.s32 s3, s2  }
0x8d: {  	s2 =	sadd.s32 s2, s17  }
0x8e: {  	[smem:$0x3FBE] =	sst s2  }
0x8f: {  	_ = 	snop  }
0x90: {  	s2 =	sld [smem:$0x3FD0];
	(tm) =	ssettm $0x1  }
0x91: {  	s18 =	sld [smem:$0x3FFB];
	_ =	sdelay $0x3  }
0x92: {  	_ =	strace s18  }
0x93: {  	s3 =	sld [smem:$0x3FFC];
	_ =	sdelay $0x3  }
0x94: {  	_ =	strace s3  }
0x95: {  	s3 =	sld [smem:$0x3FFD];
	_ =	sdelay $0x3  }
0x96: {  	_ =	strace s3  }
0x97: {  	_ =	strace $0x8FFFFFFF  }
0x98: {  	s19 =	sld [smem:$0x3FDB];
	_ =	sdelay $0x1  }
0x99: {  	s4 =	simm.s32 $_scs_section_size  }
0x9a: {  	s5 =	simm.s32 $_size__tile_overlayer_lowered;
	s6 =	simm.s32 $_tile_overlayer_lowered  }
0x9b: {  	s22 =	simm.s32 $0x1BFF;
	s21 =	sshll.u32 s6, $0x1;
	s3 =	sadd.s32 s4, s19  }
0x9c: {  	s7 =	simm.s32 $0x0;
	s20 =	sshll.u32 s5, $0x1;
	s5 =	sadd.s32 s21, s3  }
0x9d: {  	[timem:s7], [sflag:s22] =	dma.local [hbm:s5], s20  }
0x9e: {  	_ =	swait.ge [sflag:s22], s20  }
0x9f: {  	s4 =	ssub.s32 $0x0, s20;
	[sflag:s22] =	ssyncset.done $0x0  }
0xa0: {  	[sflag:s22] =	ssyncadd.s32 s4;
	_ =	sdelay $0x1  }
0xa1: {  	s23 =	simm.s32 $0x1B8B  }
0xa2: {  	_ =	swait.ge [sflag:s23], $0x1  }
0xa3: {  	[sflag:s23] =	ssyncset.done $0x0  }
0xa4: {  	s25 =	simm.s32 $0x1B8E;
	s24 =	sld [smem:$0x3FFE];
	[sflag:s23] =	ssyncadd.s32 $0xFFFFFFFF  }
0xa5: {  	s26 =	simm.s32 $execute0_lowered;
	[smem:$0x3FD2] =	sst s25  }
0xa6: {  	s5 =	sshll.u32 s26, $0x1;
	_ =	strace $0x8000004C;
	[dreg:$0x1] =	wrdreg $0xFFFFFFFF  }
0xa7: {  	s28 =	simm.s32 $_size_execute0_lowered;
	s3 =	sadd.s32 s3, s5;
	[dreg:$0x0] =	wrdreg $0x0  }
0xa8: {  	s5 =	sshll.u32 s28, $0x1;
	[dreg:$0x2] =	wrdreg s3  }
0xa9: {  	[dreg:$0x3] =	wrdreg s5  }
0xaa: {  	[dreg:$0x4] =	wrdreg $0xC0  }
0xab: {  	_ =	task [dreg:s7], $0x5FFFF  }
0xac: {  	[dreg:$0x1] =	wrdreg $0xFFFFFFFF  }
0xad: {  	[dreg:$0x0] =	wrdreg $0x60  }
0xae: {  	[dreg:$0x2] =	wrdreg s24  }
0xaf: {  	[dreg:$0x3] =	wrdreg s2  }
0xb0: {  	[dreg:$0x4] =	wrdreg $0xA8000  }
0xb1: {  	[dreg:$0x5] =	wrdreg $0x9  }
0xb2: {  	_ =	task.clear_ibuf [dreg:s7], $0x6FFFF;
	_ =	strace $0x9000004C  }
0xb3: {  	s29 =	simm.s32 $0x9;
	_ =	strace $0x8000004E  }
0xb4: {  	_ =	swait.ge [sflag:s29], $0x1  }
0xb5: {  	[sflag:s29] =	ssyncadd.s32 $0xFFFFFFFF  }
0xb6: {  	_ =	strace $0x9000004E  }
0xb7: {  	_ =	sfence  }
0xb8: {  	s30 =	sld [smem:$0x0];
	_ =	sdelay $0x2  }
0xb9: {  	s31 =	sshll.u32 s1, $0xD;
	s1 =	sshrl.u32 s1, $0x2  }
0xba: {  	s3 =	sand.u32 $0x4000, s31;
	s1 =	sadd.s32 s1, s30  }
0xbb: {  	s0 =	sor.u32 s3, s0;
	s1 =	sshll.u32 s1, $0x11  }
0xbc: {  	s0 =	sor.u32 s1, s0  }
0xbd: {  	s0 =	sadd.s32 $0x8F2B, s0  }
0xbe: {  	[sflag:s0] =	ssyncadd.remote.s32 $0x1  }
0xbf: {  	_ =	sfence.sel $0xFFFF  }
0xc0: {  	[dreg:$0x0] =	wrdreg $0xFFFFFFFF;
	(pc) =	sbr.abs _section_cstart, $3  }
0xc1: {  	[dreg:$0x1] =	wrdreg $0xFFFFFFFF  }
0xc2: {  	_ =	task.clear_ibuf [dreg:s7], $0x2FFFF;
	_ =	strace $0x9FFFFFFF  }
0xc3: {  	(tm) =	ssettm $0x7FFFFFFF  }
tec
execute0_lowered:
.L_overlay_start_1:
0x0: {  	(tag) =	ssettag $0x1  }
0x1: {  	s4 =	rddreg [dreg:$0x0]  }
0x2: {  	s13 =	rddreg [dreg:$0x1];
	s0 =	srdreg.scid  }
0x3: {  	s1 =	rddreg [dreg:$0x2];
	s3 =	simm.s32 $0x0;
	s2 =	stileid.u32  }
0x4: {  	s17 =	simm.s32 $0x3;
	s18 =	simm.s32 $0x9400;
	s19 =	simm.s32 $0x80  }
0x5: {  	s20 =	simm.s32 $0x8080;
	s21 =	simm.s32 $0x4000;
	s8 =	smul.u32 $0x50000, s2  }
0x6: {  	s22 =	simm.s32 $0x2;
	s23 =	simm.s32 $0xA700;
	s24 =	smul.u32 $0x2800, s2  }
0x7: {  	s5 =	sand.u32 $0x1, s0;
	s0 =	rddreg [dreg:$0x3];
	s10 =	smul.u32 $0x500, s2  }
0x8: {  	s26 =	simm.s32 $0x0;
	[smem:$0x7FF] =	sst s3;
	s6 =	smul.u32 $0x27100, s5  }
0x9: {  	s12 =	sadd.s32 $0x2C00, s4;
	s7 =	smul.u32 $0x28000, s5;
	s5 =	ssub.s32 $0x2, s5  }
0xa: {  	_ =	strace $0x8000004D;
	s30 =	sshrl.u32 s8, $0x2;
	s31 =	sshrl.u32 s5, $0x1  }
0xb: {  	s16 =	sshrl.u32 s24, $0x3;
	s9 =	sadd.s32 s12, s10;
	s10 =	sadd.s32 s13, s10  }
0xc: {  	s11 =	sadd.s32 s6, s4;
	s14 =	sadd.s32 s7, s4;
	s4 =	sadd.s32 s30, s1  }
0xd: {  	s15 =	ssub.s32 s5, s31;
	s16 =	sadd.s32 $0x280, s16;
	s5 =	sadd.s32 $0x4000, s4  }
0xe: {  	s6 =	sadd.s32 $0x8000, s4;
	s7 =	sadd.s32 $0xC000, s4;
	s8 =	sadd.s32 $0x10000, s4  }
0xf: {  	s11 =	sadd.s32 $0x7C00, s11;
	s12 =	sadd.s32 s12, s16;
	s13 =	sadd.s32 s13, s16  }
0x10: {  	s25 =	sadd.s32 $0x55E00, s14;
	s14 =	smax.u32 s15, $0x1;
	s15 =	simm.s32 $0x1  }
0x11: {  	v0 =	vimm.f32 $0.0e+00;
	s16 =	simm.s32 $0x8000;
	s24 =	sadd.s32 s24, s25;
	s25 =	simm.s32 $0xA780  }
.LBB2_1:
0x12: {  	s28 =	simm.s32 $0x0;
	s29 =	simm.s32 $0x200  }
.LBB2_2:
0x13: {  	p0 =	sne.s32 s29, $0xFE00;
	[tilespmem:s28+$0x70] =	vst v0  }
0x14: {  	[tilespmem:s28+$0x0] =	vst v0  }
0x15: {  	[tilespmem:s28+$0x10] =	vst v0  }
.Ltmp0:
0x16: {  	[tilespmem:s28+$0x20] =	vst v0;
	(pc) =	sbr.rel @p0 .LBB2_2-.Ltmp0, $4  }
0x17: {  	[tilespmem:s28+$0x30] =	vst v0  }
0x18: {  	[tilespmem:s28+$0x40] =	vst v0  }
0x19: {  	[tilespmem:s28+$0x50] =	vst v0  }
0x1a: {  	[tilespmem:s28+$0x60] =	vst v0;
	s28 =	sshra.s32 s29, $0x2;
	s29 =	sadd.s32 $0x200, s29  }
0x1b: {  	[tilespmem:s28+$0x70] =	vst v0  }
0x1c: {  	[tilespmem:s28+$0x0] =	vst v0  }
0x1d: {  	[tilespmem:s28+$0x10] =	vst v0  }
0x1e: {  	[tilespmem:s28+$0x20] =	vst v0  }
0x1f: {  	[tilespmem:s28+$0x30] =	vst v0  }
0x20: {  	[tilespmem:s28+$0x40] =	vst v0  }
0x21: {  	[tilespmem:s28+$0x50] =	vst v0  }
0x22: {  	[tilespmem:s28+$0x60] =	vst v0;
	s28 =	simm.s32 $0x0  }
0x23: {  	[spmem:s4] =	stream.linear.scatter [tilespmem:s28], [sflag:$0x1], $0x4000, $0x38;
	[tilespmem:$0x1E800] =	vst v63  }
0x24: {  	_ = 	snop  }
0x25: {  	[spmem:s5] =	stream.linear.scatter [tilespmem:s28], [sflag:$0x1], $0x4000, $0x38;
	[tilespmem:$0x1E800] =	vst v63  }
0x26: {  	_ = 	snop  }
0x27: {  	[spmem:s6] =	stream.linear.scatter [tilespmem:s28], [sflag:$0x1], $0x4000, $0x38;
	[tilespmem:$0x1E800] =	vst v63  }
0x28: {  	_ = 	snop  }
0x29: {  	[spmem:s7] =	stream.linear.scatter [tilespmem:s28], [sflag:$0x1], $0x4000, $0x38;
	[tilespmem:$0x1E800] =	vst v63  }
0x2a: {  	_ = 	snop  }
0x2b: {  	[spmem:s8] =	stream.linear.scatter [tilespmem:s28], [sflag:$0x1], $0x4000, $0x38;
	[tilespmem:$0x1E800] =	vst v63  }
0x2c: {  	_ =	swait.ge [sflag:s15], $0x4000  }
0x2d: {  	[sflag:s15] =	ssyncset.done $0x0  }
0x2e: {  	[sflag:s15] =	ssyncadd.s32 $0xFFFFC000  }
0x2f: {  	_ =	swait.ge [sflag:s15], $0x4000  }
0x30: {  	[sflag:s15] =	ssyncset.done $0x0  }
0x31: {  	[sflag:s15] =	ssyncadd.s32 $0xFFFFC000  }
0x32: {  	_ =	swait.ge [sflag:s15], $0x4000  }
0x33: {  	[sflag:s15] =	ssyncset.done $0x0  }
0x34: {  	[sflag:s15] =	ssyncadd.s32 $0xFFFFC000  }
0x35: {  	_ =	swait.ge [sflag:s15], $0x4000  }
0x36: {  	[sflag:s15] =	ssyncset.done $0x0  }
0x37: {  	[sflag:s15] =	ssyncadd.s32 $0xFFFFC000  }
0x38: {  	_ =	swait.ge [sflag:s15], $0x4000  }
0x39: {  	[sflag:s15] =	ssyncset.done $0x0  }
0x3a: {  	[sflag:s15] =	ssyncadd.s32 $0xFFFFC000  }
0x3b: {  	[bflag:$0x0] =	sbarrier.arrive $0xFFFF  }
0x3c: {  	[tilespmem:s16], [sflag:$0x3] =	stream.linear.gather [hbm4b:s9+s28], $0x1400, $0x38;
	[tilespmem:$0x1E800] =	vst v63  }
0x3d: {  	_ =	swait.ge [sflag:s17], $0x1400  }
0x3e: {  	[sflag:s17] =	ssyncset.done $0x0  }
0x3f: {  	[sflag:s17] =	ssyncadd.s32 $0xFFFFEC00  }
0x40: {  	[tilespmem:s18], [sflag:$0x3] =	stream.linear.gather [hbm4b:s10+s28], $0x1400, $0x38;
	[tilespmem:$0x1E800] =	vst v63  }
0x41: {  	_ =	swait.ge [sflag:s17], $0x1400  }
0x42: {  	[sflag:s17] =	ssyncset.done $0x0  }
0x43: {  	[sflag:s17] =	ssyncadd.s32 $0xFFFFEC00  }
0x44: {  	[tilespmem:s28], [sflag:$0x1] =	stream.indirect.gather [hbm4b:s11+s19], $0x80, s16, s19, $0xb8;
	[tilespmem:$0x1E800] =	vst v63  }
0x45: {  	_ = 	snop  }
0x46: {  	[tilespmem:s21], [sflag:$0x2] =	stream.indirect.gather [hbm4b:s11+s19], $0x80, s20, s19, $0xb8;
	[tilespmem:$0x1E800] =	vst v63  }
0x47: {  	_ =	swait.ge [sflag:s15], $0x4000  }
0x48: {  	[sflag:s15] =	ssyncset.done $0x0  }
0x49: {  	s28 =	simm.s32 $0x9400;
	[sflag:s15] =	ssyncadd.s32 $0xFFFFC000  }
0x4a: {  	[spmem:s1] =	stream.indirect.scatter.add.f32 [tilespmem:s3], [sflag:$0x3], $0x80, s28, s19, $0xb8;
	[tilespmem:$0x1E800] =	vst v63  }
0x4b: {  	_ =	swait.ge [sflag:s17], $0x4000  }
0x4c: {  	[sflag:s17] =	ssyncset.done $0x0  }
0x4d: {  	s28 =	simm.s32 $0x8100;
	[sflag:s17] =	ssyncadd.s32 $0xFFFFC000  }
0x4e: {  	[tilespmem:s3], [sflag:$0x1] =	stream.indirect.gather [hbm4b:s11+s19], $0x80, s28, s19, $0xb8;
	[tilespmem:$0x1E800] =	vst v63  }
0x4f: {  	_ =	swait.ge [sflag:s22], $0x4000  }
0x50: {  	[sflag:s22] =	ssyncset.done $0x0  }
0x51: {  	s28 =	simm.s32 $0x9480;
	[sflag:s22] =	ssyncadd.s32 $0xFFFFC000  }
0x52: {  	[spmem:s1] =	stream.indirect.scatter.add.f32 [tilespmem:s21], [sflag:$0x3], $0x80, s28, s19, $0xb8;
	[tilespmem:$0x1E800] =	vst v63  }
0x53: {  	_ =	swait.ge [sflag:s17], $0x4000  }
0x54: {  	[sflag:s17] =	ssyncset.done $0x0  }
0x55: {  	s29 =	simm.s32 $0x8180;
	s28 =	simm.s32 $0x400;
	[sflag:s17] =	ssyncadd.s32 $0xFFFFC000  }
.LBB2_4:
0x56: {  	[tilespmem:s21], [sflag:$0x2] =	stream.indirect.gather [hbm4b:s11+s19], $0x80, s29, s19, $0xb8;
	[tilespmem:$0x1E800] =	vst v63  }
0x57: {  	s29 =	smov.u32 s28  }
0x58: {  	p0 =	sne.s32 s28, $0x4800;
	s28 =	sadd.s32 $0x400, s28;
	_ =	swait.ge [sflag:s15], $0x4000  }
0x59: {  	s29 =	sshra.s32 s29, $0x2;
	[sflag:s15] =	ssyncset.done $0x0  }
0x5a: {  	s30 =	sadd.s32 $0x9400, s29;
	[sflag:s15] =	ssyncadd.s32 $0xFFFFC000  }
0x5b: {  	[spmem:s1] =	stream.indirect.scatter.add.f32 [tilespmem:s3], [sflag:$0x3], $0x80, s30, s19, $0xb8;
	[tilespmem:$0x1E800] =	vst v63  }
0x5c: {  	_ =	swait.ge [sflag:s17], $0x4000  }
0x5d: {  	[sflag:s17] =	ssyncset.done $0x0  }
0x5e: {  	s30 =	sadd.s32 $0x8100, s29;
	[sflag:s17] =	ssyncadd.s32 $0xFFFFC000  }
0x5f: {  	[tilespmem:s3], [sflag:$0x1] =	stream.indirect.gather [hbm4b:s11+s19], $0x80, s30, s19, $0xb8;
	[tilespmem:$0x1E800] =	vst v63  }
0x60: {  	_ =	swait.ge [sflag:s22], $0x4000  }
0x61: {  	[sflag:s22] =	ssyncset.done $0x0  }
.Ltmp1:
0x62: {  	s30 =	sadd.s32 $0x9480, s29;
	[sflag:s22] =	ssyncadd.s32 $0xFFFFC000;
	(pc) =	sbr.rel @p0 .LBB2_4-.Ltmp1, $4  }
0x63: {  	[spmem:s1] =	stream.indirect.scatter.add.f32 [tilespmem:s21], [sflag:$0x3], $0x80, s30, s19, $0xb8;
	[tilespmem:$0x1E800] =	vst v63  }
0x64: {  	_ =	swait.ge [sflag:s17], $0x4000  }
0x65: {  	[sflag:s17] =	ssyncset.done $0x0  }
0x66: {  	s29 =	sadd.s32 $0x8180, s29;
	[sflag:s17] =	ssyncadd.s32 $0xFFFFC000  }
0x67: {  	[tilespmem:s21], [sflag:$0x2] =	stream.indirect.gather [hbm4b:s11+s19], $0x80, s29, s19, $0xb8;
	[tilespmem:$0x1E800] =	vst v63  }
0x68: {  	_ =	swait.ge [sflag:s15], $0x4000  }
0x69: {  	[sflag:s15] =	ssyncset.done $0x0  }
0x6a: {  	s28 =	simm.s32 $0x0;
	[sflag:s15] =	ssyncadd.s32 $0xFFFFC000  }
0x6b: {  	[spmem:s1] =	stream.indirect.scatter.add.f32 [tilespmem:s28], [sflag:$0x3], $0x80, s23, s19, $0xb8;
	[tilespmem:$0x1E800] =	vst v63  }
0x6c: {  	_ =	swait.ge [sflag:s17], $0x4000  }
0x6d: {  	[sflag:s17] =	ssyncset.done $0x0  }
0x6e: {  	[sflag:s17] =	ssyncadd.s32 $0xFFFFC000  }
0x6f: {  	_ =	swait.ge [sflag:s22], $0x4000  }
0x70: {  	[sflag:s22] =	ssyncset.done $0x0  }
0x71: {  	[sflag:s22] =	ssyncadd.s32 $0xFFFFC000  }
0x72: {  	[spmem:s1] =	stream.indirect.scatter.add.f32 [tilespmem:s21], [sflag:$0x3], $0x80, s25, s19, $0xb8;
	[tilespmem:$0x1E800] =	vst v63  }
0x73: {  	_ =	swait.ge [sflag:s17], $0x4000  }
0x74: {  	[sflag:s17] =	ssyncset.done $0x0  }
0x75: {  	[sflag:s17] =	ssyncadd.s32 $0xFFFFC000  }
0x76: {  	[tilespmem:s16], [sflag:$0x3] =	stream.linear.gather [hbm4b:s12+s28], $0x1400, $0x38;
	[tilespmem:$0x1E800] =	vst v63  }
0x77: {  	_ =	swait.ge [sflag:s17], $0x1400  }
0x78: {  	[sflag:s17] =	ssyncset.done $0x0  }
0x79: {  	[sflag:s17] =	ssyncadd.s32 $0xFFFFEC00  }
0x7a: {  	[tilespmem:s18], [sflag:$0x3] =	stream.linear.gather [hbm4b:s13+s28], $0x1400, $0x38;
	[tilespmem:$0x1E800] =	vst v63  }
0x7b: {  	_ =	swait.ge [sflag:s17], $0x1400  }
0x7c: {  	[sflag:s17] =	ssyncset.done $0x0  }
0x7d: {  	[sflag:s17] =	ssyncadd.s32 $0xFFFFEC00  }
0x7e: {  	[tilespmem:s28], [sflag:$0x1] =	stream.indirect.gather [hbm4b:s11+s19], $0x80, s16, s19, $0xb8;
	[tilespmem:$0x1E800] =	vst v63  }
0x7f: {  	_ = 	snop  }
0x80: {  	[tilespmem:s21], [sflag:$0x2] =	stream.indirect.gather [hbm4b:s11+s19], $0x80, s20, s19, $0xb8;
	[tilespmem:$0x1E800] =	vst v63  }
0x81: {  	_ =	swait.ge [sflag:s15], $0x4000  }
0x82: {  	[sflag:s15] =	ssyncset.done $0x0  }
0x83: {  	s28 =	simm.s32 $0x9400;
	[sflag:s15] =	ssyncadd.s32 $0xFFFFC000  }
0x84: {  	[spmem:s1] =	stream.indirect.scatter.add.f32 [tilespmem:s3], [sflag:$0x3], $0x80, s28, s19, $0xb8;
	[tilespmem:$0x1E800] =	vst v63  }
0x85: {  	_ =	swait.ge [sflag:s17], $0x4000  }
0x86: {  	[sflag:s17] =	ssyncset.done $0x0  }
0x87: {  	s28 =	simm.s32 $0x8100;
	[sflag:s17] =	ssyncadd.s32 $0xFFFFC000  }
0x88: {  	[tilespmem:s3], [sflag:$0x1] =	stream.indirect.gather [hbm4b:s11+s19], $0x80, s28, s19, $0xb8;
	[tilespmem:$0x1E800] =	vst v63  }
0x89: {  	_ =	swait.ge [sflag:s22], $0x4000  }
0x8a: {  	[sflag:s22] =	ssyncset.done $0x0  }
0x8b: {  	s28 =	simm.s32 $0x9480;
	[sflag:s22] =	ssyncadd.s32 $0xFFFFC000  }
0x8c: {  	[spmem:s1] =	stream.indirect.scatter.add.f32 [tilespmem:s21], [sflag:$0x3], $0x80, s28, s19, $0xb8;
	[tilespmem:$0x1E800] =	vst v63  }
0x8d: {  	_ =	swait.ge [sflag:s17], $0x4000  }
0x8e: {  	[sflag:s17] =	ssyncset.done $0x0  }
0x8f: {  	s29 =	simm.s32 $0x8180;
	s28 =	simm.s32 $0x400;
	[sflag:s17] =	ssyncadd.s32 $0xFFFFC000  }
.LBB2_6:
0x90: {  	[tilespmem:s21], [sflag:$0x2] =	stream.indirect.gather [hbm4b:s11+s19], $0x80, s29, s19, $0xb8;
	[tilespmem:$0x1E800] =	vst v63  }
0x91: {  	s29 =	smov.u32 s28  }
0x92: {  	p0 =	sne.s32 s28, $0x4800;
	s28 =	sadd.s32 $0x400, s28;
	_ =	swait.ge [sflag:s15], $0x4000  }
0x93: {  	s29 =	sshra.s32 s29, $0x2;
	[sflag:s15] =	ssyncset.done $0x0  }
0x94: {  	s30 =	sadd.s32 $0x9400, s29;
	[sflag:s15] =	ssyncadd.s32 $0xFFFFC000  }
0x95: {  	[spmem:s1] =	stream.indirect.scatter.add.f32 [tilespmem:s3], [sflag:$0x3], $0x80, s30, s19, $0xb8;
	[tilespmem:$0x1E800] =	vst v63  }
0x96: {  	_ =	swait.ge [sflag:s17], $0x4000  }
0x97: {  	[sflag:s17] =	ssyncset.done $0x0  }
0x98: {  	s30 =	sadd.s32 $0x8100, s29;
	[sflag:s17] =	ssyncadd.s32 $0xFFFFC000  }
0x99: {  	[tilespmem:s3], [sflag:$0x1] =	stream.indirect.gather [hbm4b:s11+s19], $0x80, s30, s19, $0xb8;
	[tilespmem:$0x1E800] =	vst v63  }
0x9a: {  	_ =	swait.ge [sflag:s22], $0x4000  }
0x9b: {  	[sflag:s22] =	ssyncset.done $0x0  }
.Ltmp2:
0x9c: {  	s30 =	sadd.s32 $0x9480, s29;
	[sflag:s22] =	ssyncadd.s32 $0xFFFFC000;
	(pc) =	sbr.rel @p0 .LBB2_6-.Ltmp2, $4  }
0x9d: {  	[spmem:s1] =	stream.indirect.scatter.add.f32 [tilespmem:s21], [sflag:$0x3], $0x80, s30, s19, $0xb8;
	[tilespmem:$0x1E800] =	vst v63  }
0x9e: {  	_ =	swait.ge [sflag:s17], $0x4000  }
0x9f: {  	[sflag:s17] =	ssyncset.done $0x0  }
0xa0: {  	s29 =	sadd.s32 $0x8180, s29;
	[sflag:s17] =	ssyncadd.s32 $0xFFFFC000  }
0xa1: {  	[tilespmem:s21], [sflag:$0x2] =	stream.indirect.gather [hbm4b:s11+s19], $0x80, s29, s19, $0xb8;
	[tilespmem:$0x1E800] =	vst v63  }
0xa2: {  	_ =	swait.ge [sflag:s15], $0x4000  }
0xa3: {  	[sflag:s15] =	ssyncset.done $0x0  }
0xa4: {  	[sflag:s15] =	ssyncadd.s32 $0xFFFFC000  }
0xa5: {  	[spmem:s1] =	stream.indirect.scatter.add.f32 [tilespmem:s3], [sflag:$0x3], $0x80, s23, s19, $0xb8;
	[tilespmem:$0x1E800] =	vst v63  }
0xa6: {  	_ =	swait.ge [sflag:s17], $0x4000  }
0xa7: {  	[sflag:s17] =	ssyncset.done $0x0  }
0xa8: {  	[sflag:s17] =	ssyncadd.s32 $0xFFFFC000  }
0xa9: {  	_ =	swait.ge [sflag:s22], $0x4000  }
0xaa: {  	[sflag:s22] =	ssyncset.done $0x0  }
0xab: {  	[sflag:s22] =	ssyncadd.s32 $0xFFFFC000  }
0xac: {  	[spmem:s1] =	stream.indirect.scatter.add.f32 [tilespmem:s21], [sflag:$0x3], $0x80, s25, s19, $0xb8;
	[tilespmem:$0x1E800] =	vst v63  }
0xad: {  	_ =	swait.ge [sflag:s17], $0x4000  }
0xae: {  	s28 =	sshll.u32 s2, $0x6;
	s26 =	sadd.s32 $0x1, s26;
	[sflag:s17] =	ssyncset.done $0x0  }
0xaf: {  	s31 =	sshrl.u32 s4, $0x3;
	p0 =	sne.s32 s26, s14;
	[sflag:s17] =	ssyncadd.s32 $0xFFFFC000  }
.Ltmp3:
0xb0: {  	s28 =	sor.u32 $0x1C03, s28;
	[bflag:$0x0] =	sbarrier.arrive $0xFFFF;
	(pc) =	sbr.rel @p0 .LBB2_1-.Ltmp3, $4  }
0xb1: {  	[hbm:s24], [sflag:s28] =	dma.local [spmem:s31], $0x2800  }
0xb2: {  	_ =	swait.ge [sflag:s17], $0x2800  }
0xb3: {  	[sflag:s17] =	ssyncset.done $0x0  }
0xb4: {  	[sflag:s17] =	ssyncadd.s32 $0xFFFFD800  }
0xb5: {  	_ =	sfence.sel $0x180000  }
0xb6: {  	[bflag:$0x0] =	sbarrier.arrive $0xFFFF  }
0xb7: {  	p0 =	sne.s32 s2, $0x0;
	_ =	strace $0x9000004D  }
0xb8: {  	s0 =	sadd.s32 @!p0 $0x100000, s0;
	[bflag:$0x2] =	sbarrier.arrive $0xFFFF  }
0xb9: {  	[sflag:s0] =	ssyncadd.tile.s32 @!p0 $0x1;
	_ =	shalt  }
.Lfunc_end2:
_tile_overlayer_lowered:
.L_overlay_start_2:
0xba: {  	(tag) =	ssettag $0x2  }
0xbb: {  	s0 =	rddreg [dreg:$0x0];
	s2 =	stileid.u32  }
0xbc: {  	s1 =	rddreg [dreg:$0x1];
	p0 =	sne.s32 s2, $0x0  }
0xbd: {  	s3 =	rddreg [dreg:$0x2];
	[bflag:$0x3] =	sbarrier.arrive $0xFFFF;
	s2 =	simm.s32 @!p0 $0x1C03  }
0xbe: {  	[timem:s3], [sflag:s2] =	dma.local @!p0 [hbm:s0], s1  }
0xbf: {  	s0 =	simm.s32 @!p0 $0x3  }
0xc0: {  	_ =	swait.ge @!p0 [sflag:s0], s1  }
0xc1: {  	s1 =	ssub.s32 @!p0 $0x0, s1;
	[sflag:s0] =	ssyncset.done @!p0 $0x0  }
0xc2: {  	[sflag:s0] =	ssyncadd.s32 @!p0 s1  }
0xc3: {  	[bflag:$0x3] =	sbarrier.arrive $0xFFFF  }
0xc4: {  	_ =	shalt  }

// kernel: kernel.21.cloned.1.call-start
scs
__scs_entry_jumppad:
0x0: {  	(pc) =	sbr.rel $0x88, $3  }
0x1: {  	(tag) =	ssettag $0x0;
	lr =	simm.s32 $0x1  }
0x2: {  	[smem:$0x3F97] =	sst lr;
	_ =	strace $0xD0000000  }
0x3: {  	_ = 	snop  }
0x4: {  	_ = 	snop  }
0x5: {  	_ = 	snop  }
0x6: {  	_ = 	snop  }
0x7: {  	_ = 	snop  }
__scs_overlays_trampoline_lowered:
0x8: {  	[smem:$0x3FA6] =	sst s0  }
0x9: {  	[smem:$0x3FA7] =	sst s1  }
0xa: {  	[smem:$0x3FA8] =	sst s2  }
0xb: {  	[smem:$0x3FA9] =	sst s3  }
0xc: {  	[smem:$0x3FAA] =	sst s4  }
0xd: {  	[smem:$0x3FAB] =	sst s5  }
0xe: {  	[smem:$0x3FAC] =	sst s6  }
0xf: {  	[smem:$0x3FAD] =	sst s7  }
0x10: {  	[smem:$0x3FAE] =	sst s8  }
0x11: {  	[smem:$0x3FAF] =	sst s9;
	s0 =	simm.s32 @!p0 $0x0  }
0x12: {  	s1 =	sld [smem:$0x3F95];
	s0 =	simm.s32 @p0 $0x1  }
0x13: {  	[smem:$0x3FB0] =	sst s0;
	s0 =	simm.s32 @!p1 $0x0  }
0x14: {  	s2 =	sld [smem:$0x3F94];
	s0 =	simm.s32 @p1 $0x1  }
0x15: {  	[smem:$0x3FB1] =	sst s0;
	s0 =	simm.s32 @!p2 $0x0  }
0x16: {  	s3 =	sld [smem:$0x3FDB];
	s0 =	simm.s32 @p2 $0x1  }
0x17: {  	s4 =	simm.s32 $0x1BF5;
	[smem:$0x3FB3] =	sst s0  }
0x18: {  	s0 =	sld [smem:$0x3F96];
	_ =	swait.ge [sflag:s4], $0x0  }
0x19: {  	s7 =	sld [smem:$0x3F97]  }
0x1a: {  	s8 =	sadd.s32 $0xFFFFE003, lr  }
0x1b: {  	s9 =	sadd.s32 $0xFFFFFEF7, lr;
	s5 =	simm.s32 $0xFFFFFFFF;
	p2 =	slt.u32 s8, $0xFFFFF086  }
0x1c: {  	p1 =	slt.u32 s9, $0xF7A;
	s5 =	simm.s32 @!p2 $0x0  }
0x1d: {  	s5 =	simm.s32 @p1 $0x1;
	p0 =	seq.s32 s7, s2  }
0x1e: {  	s7 =	smul.u32 @!p0 $0xF7A, s2;
	p2 =	seq.s32 @!p0 s5, $0x0  }
0x1f: {  	s9 =	smul.u32 $0xF7A, s1;
	s8 =	simm.s32 @!p0 $0x1BF5;
	p2 =	por !p2, p0  }
0x20: {  	[sflag:s8] =	ssyncset.s32 @!p0 $0xFFFFF086;
	s6 =	sadd.s32 @!p0 s3, s7;
	s7 =	simm.s32 @!p0 $0x108  }
0x21: {  	s3 =	sadd.s32 s3, s9;
	s6 =	sadd.s32 @!p0 $0x88, s6;
	s7 =	simm.s32 @p2 $0x1082  }
0x22: {  	[simem:s7], [sflag:s8] =	dma.local @!p0 [hbm:s6], $0xF7A  }
0x23: {  	s9 =	sor.u32 $0xD0000000, s2;
	s6 =	simm.s32 $0x108;
	_ =	swait.ge @!p0 [sflag:s8], $0x0  }
0x24: {  	s3 =	sadd.s32 $0x88, s3;
	s6 =	simm.s32 @!p1 $0x1082;
	[sflag:s4] =	ssyncset.s32 $0xFFFFF086  }
0x25: {  	[simem:s6], [sflag:s4] =	dma.local [hbm:s3], $0xF7A  }
0x26: {  	[smem:$0x3F97] =	sst s1;
	(tag) =	ssettag s2;
	_ =	strace s9  }
0x27: {  	s1 =	sld [smem:$0x3FA7]  }
0x28: {  	s2 =	sld [smem:$0x3FA8]  }
0x29: {  	s4 =	sld [smem:$0x3FAA]  }
0x2a: {  	p0 =	seq.s32 s5, $0x0;
	s5 =	sld [smem:$0x3FAB]  }
0x2b: {  	s6 =	sld [smem:$0x3FAC]  }
0x2c: {  	s7 =	sld [smem:$0x3FAD]  }
0x2d: {  	s3 =	simm.s32 $0x108;
	s8 =	sld [smem:$0x3FAE]  }
0x2e: {  	s3 =	simm.s32 @!p0 $0x1082;
	s9 =	sld [smem:$0x3FAF]  }
0x2f: {  	lr =	sadd.s32 s0, s3;
	s0 =	sld [smem:$0x3FA6]  }
0x30: {  	s3 =	sld [smem:$0x3FA9]  }
0x31: {  	[smem:$0x3FB2] =	sst s10  }
0x32: {  	s10 =	sld [smem:$0x3FB0];
	_ =	sdelay $0x3  }
0x33: {  	p0 =	seq.s32 s10, $0x1;
	s10 =	sld [smem:$0x3FB2];
	_ =	sdelay $0x3  }
0x34: {  	[smem:$0x3FB2] =	sst s10  }
0x35: {  	s10 =	sld [smem:$0x3FB1];
	_ =	sdelay $0x3  }
0x36: {  	p1 =	seq.s32 s10, $0x1;
	s10 =	sld [smem:$0x3FB2];
	_ =	sdelay $0x3  }
0x37: {  	[smem:$0x3FB2] =	sst s10  }
0x38: {  	s10 =	sld [smem:$0x3FB3]  }
0x39: {  	_ = 	snop;
	(pc) =	sbr.ind lr, $3  }
0x3a: {  	_ = 	snop  }
0x3b: {  	_ = 	snop  }
0x3c: {  	p2 =	seq.s32 s10, $0x1;
	s10 =	sld [smem:$0x3FB2]  }
0x3d: {  	_ =	shalt  }
0x3e: {  	_ =	shalt  }
0x3f: {  	_ =	shalt  }
0x40: {  	_ =	shalt  }
0x41: {  	_ =	shalt  }
0x42: {  	_ =	shalt  }
0x43: {  	_ =	shalt  }
0x44: {  	_ =	shalt  }
0x45: {  	_ =	shalt  }
0x46: {  	_ =	shalt  }
0x47: {  	_ =	shalt  }
0x48: {  	_ =	shalt  }
0x49: {  	_ =	shalt  }
0x4a: {  	_ =	shalt  }
0x4b: {  	_ =	shalt  }
0x4c: {  	_ =	shalt  }
0x4d: {  	_ =	shalt  }
0x4e: {  	_ =	shalt  }
0x4f: {  	_ =	shalt  }
0x50: {  	_ =	shalt  }
0x51: {  	_ =	shalt  }
0x52: {  	_ =	shalt  }
0x53: {  	_ =	shalt  }
0x54: {  	_ =	shalt  }
0x55: {  	_ =	shalt  }
0x56: {  	_ =	shalt  }
0x57: {  	_ =	shalt  }
0x58: {  	_ =	shalt  }
0x59: {  	_ =	shalt  }
0x5a: {  	_ =	shalt  }
0x5b: {  	_ =	shalt  }
0x5c: {  	_ =	shalt  }
0x5d: {  	_ =	shalt  }
0x5e: {  	_ =	shalt  }
0x5f: {  	_ =	shalt  }
0x60: {  	_ =	shalt  }
0x61: {  	_ =	shalt  }
0x62: {  	_ =	shalt  }
0x63: {  	_ =	shalt  }
0x64: {  	_ =	shalt  }
0x65: {  	_ =	shalt  }
0x66: {  	_ =	shalt  }
0x67: {  	_ =	shalt  }
0x68: {  	_ =	shalt  }
0x69: {  	_ =	shalt  }
0x6a: {  	_ =	shalt  }
0x6b: {  	_ =	shalt  }
0x6c: {  	_ =	shalt  }
0x6d: {  	_ =	shalt  }
0x6e: {  	_ =	shalt  }
0x6f: {  	_ =	shalt  }
0x70: {  	_ =	shalt  }
0x71: {  	_ =	shalt  }
0x72: {  	_ =	shalt  }
0x73: {  	_ =	shalt  }
0x74: {  	_ =	shalt  }
0x75: {  	_ =	shalt  }
0x76: {  	_ =	shalt  }
0x77: {  	_ =	shalt  }
0x78: {  	_ =	shalt  }
0x79: {  	_ =	shalt  }
0x7a: {  	_ =	shalt  }
0x7b: {  	_ =	shalt  }
0x7c: {  	_ =	shalt  }
0x7d: {  	_ =	shalt  }
0x7e: {  	_ =	shalt  }
0x7f: {  	_ =	shalt  }
0x80: {  	_ =	shalt  }
0x81: {  	_ =	shalt  }
0x82: {  	_ =	shalt  }
0x83: {  	_ =	shalt  }
0x84: {  	_ =	shalt  }
0x85: {  	_ =	shalt  }
0x86: {  	_ =	shalt  }
0x87: {  	_ =	shalt  }
.Lfunc_end0:
.L_simem_size_0:
called_computation.3_lowered:
.L_overlay_start_0:
0x88: {  	s2 =	sld [smem:$0x3FD9]  }
0x89: {  	s3 =	sld [smem:$0x3FFE];
	_ =	sdelay $0x1  }
0x8a: {  	s1 =	srdreg.scid  }
0x8b: {  	s0 =	sand.u32 $0x1, s1  }
0x8c: {  	s17 =	sshll.u32 s0, $0xA;
	s2 =	sadd.s32 s3, s2  }
0x8d: {  	s2 =	sadd.s32 s2, s17  }
0x8e: {  	[smem:$0x3FBE] =	sst s2  }
0x8f: {  	_ = 	snop  }
0x90: {  	s2 =	sld [smem:$0x3FD0];
	(tm) =	ssettm $0x1  }
0x91: {  	s18 =	sld [smem:$0x3FFB];
	_ =	sdelay $0x3  }
0x92: {  	_ =	strace s18  }
0x93: {  	s3 =	sld [smem:$0x3FFC];
	_ =	sdelay $0x3  }
0x94: {  	_ =	strace s3  }
0x95: {  	s3 =	sld [smem:$0x3FFD];
	_ =	sdelay $0x3  }
0x96: {  	_ =	strace s3  }
0x97: {  	_ =	strace $0x8FFFFFFF  }
0x98: {  	s19 =	sld [smem:$0x3FDB];
	_ =	sdelay $0x1  }
0x99: {  	s4 =	simm.s32 $_scs_section_size  }
0x9a: {  	s5 =	simm.s32 $_size__tile_overlayer_lowered;
	s6 =	simm.s32 $_tile_overlayer_lowered  }
0x9b: {  	s22 =	simm.s32 $0x1BFF;
	s21 =	sshll.u32 s6, $0x1;
	s3 =	sadd.s32 s4, s19  }
0x9c: {  	s7 =	simm.s32 $0x0;
	s20 =	sshll.u32 s5, $0x1;
	s5 =	sadd.s32 s21, s3  }
0x9d: {  	[timem:s7], [sflag:s22] =	dma.local [hbm:s5], s20  }
0x9e: {  	_ =	swait.ge [sflag:s22], s20  }
0x9f: {  	s4 =	ssub.s32 $0x0, s20;
	[sflag:s22] =	ssyncset.done $0x0  }
0xa0: {  	[sflag:s22] =	ssyncadd.s32 s4;
	_ =	sdelay $0x1  }
0xa1: {  	s23 =	simm.s32 $0x1B8B  }
0xa2: {  	_ =	swait.ge [sflag:s23], $0x1  }
0xa3: {  	[sflag:s23] =	ssyncset.done $0x0  }
0xa4: {  	s25 =	simm.s32 $0x1B8E;
	s24 =	sld [smem:$0x3FFE];
	[sflag:s23] =	ssyncadd.s32 $0xFFFFFFFF  }
0xa5: {  	s26 =	simm.s32 $execute0_lowered;
	[smem:$0x3FD2] =	sst s25  }
0xa6: {  	s5 =	sshll.u32 s26, $0x1;
	_ =	strace $0x8000004F;
	[dreg:$0x1] =	wrdreg $0xFFFFFFFF  }
0xa7: {  	s28 =	simm.s32 $_size_execute0_lowered;
	s3 =	sadd.s32 s3, s5;
	[dreg:$0x0] =	wrdreg $0x0  }
0xa8: {  	s5 =	sshll.u32 s28, $0x1;
	[dreg:$0x2] =	wrdreg s3  }
0xa9: {  	[dreg:$0x3] =	wrdreg s5  }
0xaa: {  	[dreg:$0x4] =	wrdreg $0xC0  }
0xab: {  	_ =	task [dreg:s7], $0x5FFFF  }
0xac: {  	[dreg:$0x1] =	wrdreg $0xFFFFFFFF  }
0xad: {  	[dreg:$0x0] =	wrdreg $0x60  }
0xae: {  	[dreg:$0x2] =	wrdreg s24  }
0xaf: {  	[dreg:$0x3] =	wrdreg s2  }
0xb0: {  	[dreg:$0x4] =	wrdreg $0xA8000  }
0xb1: {  	[dreg:$0x5] =	wrdreg $0x9  }
0xb2: {  	_ =	task.clear_ibuf [dreg:s7], $0x6FFFF;
	_ =	strace $0x9000004F  }
0xb3: {  	s29 =	simm.s32 $0x9;
	_ =	strace $0x80000051  }
0xb4: {  	_ =	swait.ge [sflag:s29], $0x1  }
0xb5: {  	[sflag:s29] =	ssyncadd.s32 $0xFFFFFFFF  }
0xb6: {  	_ =	strace $0x90000051  }
0xb7: {  	_ =	sfence  }
0xb8: {  	s30 =	sld [smem:$0x0];
	_ =	sdelay $0x2  }
0xb9: {  	s31 =	sshll.u32 s1, $0xD;
	s1 =	sshrl.u32 s1, $0x2  }
0xba: {  	s3 =	sand.u32 $0x4000, s31;
	s1 =	sadd.s32 s1, s30  }
0xbb: {  	s0 =	sor.u32 s3, s0;
	s1 =	sshll.u32 s1, $0x11  }
0xbc: {  	s0 =	sor.u32 s1, s0  }
0xbd: {  	s0 =	sadd.s32 $0x8F2B, s0  }
0xbe: {  	[sflag:s0] =	ssyncadd.remote.s32 $0x1  }
0xbf: {  	_ =	sfence.sel $0xFFFF  }
0xc0: {  	[dreg:$0x0] =	wrdreg $0xFFFFFFFF;
	(pc) =	sbr.abs _section_cstart, $3  }
0xc1: {  	[dreg:$0x1] =	wrdreg $0xFFFFFFFF  }
0xc2: {  	_ =	task.clear_ibuf [dreg:s7], $0x2FFFF;
	_ =	strace $0x9FFFFFFF  }
0xc3: {  	(tm) =	ssettm $0x7FFFFFFF  }
tec
execute0_lowered:
.L_overlay_start_1:
0x0: {  	(tag) =	ssettag $0x1  }
0x1: {  	s4 =	rddreg [dreg:$0x0]  }
0x2: {  	s13 =	rddreg [dreg:$0x1];
	s0 =	srdreg.scid  }
0x3: {  	s1 =	rddreg [dreg:$0x2];
	s3 =	simm.s32 $0x0;
	s2 =	stileid.u32  }
0x4: {  	s17 =	simm.s32 $0x3;
	s18 =	simm.s32 $0x9400;
	s19 =	simm.s32 $0x80  }
0x5: {  	s20 =	simm.s32 $0x8080;
	s21 =	simm.s32 $0x4000;
	s8 =	smul.u32 $0x50000, s2  }
0x6: {  	s22 =	simm.s32 $0x2;
	s23 =	simm.s32 $0xA700;
	s24 =	smul.u32 $0x2800, s2  }
0x7: {  	s5 =	sand.u32 $0x1, s0;
	s0 =	rddreg [dreg:$0x3];
	s10 =	smul.u32 $0x500, s2  }
0x8: {  	s26 =	simm.s32 $0x0;
	[smem:$0x7FF] =	sst s3;
	s6 =	smul.u32 $0x27100, s5  }
0x9: {  	s12 =	sadd.s32 $0x2C00, s4;
	s7 =	smul.u32 $0x28000, s5;
	s5 =	ssub.s32 $0x2, s5  }
0xa: {  	_ =	strace $0x80000050;
	s30 =	sshrl.u32 s8, $0x2;
	s31 =	sshrl.u32 s5, $0x1  }
0xb: {  	s16 =	sshrl.u32 s24, $0x3;
	s9 =	sadd.s32 s12, s10;
	s10 =	sadd.s32 s13, s10  }
0xc: {  	s11 =	sadd.s32 s6, s4;
	s14 =	sadd.s32 s7, s4;
	s4 =	sadd.s32 s30, s1  }
0xd: {  	s15 =	ssub.s32 s5, s31;
	s16 =	sadd.s32 $0x280, s16;
	s5 =	sadd.s32 $0x4000, s4  }
0xe: {  	s6 =	sadd.s32 $0x8000, s4;
	s7 =	sadd.s32 $0xC000, s4;
	s8 =	sadd.s32 $0x10000, s4  }
0xf: {  	s11 =	sadd.s32 $0x7C00, s11;
	s12 =	sadd.s32 s12, s16;
	s13 =	sadd.s32 s13, s16  }
0x10: {  	s25 =	sadd.s32 $0x55E00, s14;
	s14 =	smax.u32 s15, $0x1;
	s15 =	simm.s32 $0x1  }
0x11: {  	v0 =	vimm.f32 $0.0e+00;
	s16 =	simm.s32 $0x8000;
	s24 =	sadd.s32 s24, s25;
	s25 =	simm.s32 $0xA780  }
.LBB2_1:
0x12: {  	s28 =	simm.s32 $0x0;
	s29 =	simm.s32 $0x200  }
.LBB2_2:
0x13: {  	p0 =	sne.s32 s29, $0xFE00;
	[tilespmem:s28+$0x70] =	vst v0  }
0x14: {  	[tilespmem:s28+$0x0] =	vst v0  }
0x15: {  	[tilespmem:s28+$0x10] =	vst v0  }
.Ltmp0:
0x16: {  	[tilespmem:s28+$0x20] =	vst v0;
	(pc) =	sbr.rel @p0 .LBB2_2-.Ltmp0, $4  }
0x17: {  	[tilespmem:s28+$0x30] =	vst v0  }
0x18: {  	[tilespmem:s28+$0x40] =	vst v0  }
0x19: {  	[tilespmem:s28+$0x50] =	vst v0  }
0x1a: {  	[tilespmem:s28+$0x60] =	vst v0;
	s28 =	sshra.s32 s29, $0x2;
	s29 =	sadd.s32 $0x200, s29  }
0x1b: {  	[tilespmem:s28+$0x70] =	vst v0  }
0x1c: {  	[tilespmem:s28+$0x0] =	vst v0  }
0x1d: {  	[tilespmem:s28+$0x10] =	vst v0  }
0x1e: {  	[tilespmem:s28+$0x20] =	vst v0  }
0x1f: {  	[tilespmem:s28+$0x30] =	vst v0  }
0x20: {  	[tilespmem:s28+$0x40] =	vst v0  }
0x21: {  	[tilespmem:s28+$0x50] =	vst v0  }
0x22: {  	[tilespmem:s28+$0x60] =	vst v0;
	s28 =	simm.s32 $0x0  }
0x23: {  	[spmem:s4] =	stream.linear.scatter [tilespmem:s28], [sflag:$0x1], $0x4000, $0x38;
	[tilespmem:$0x1E800] =	vst v63  }
0x24: {  	_ = 	snop  }
0x25: {  	[spmem:s5] =	stream.linear.scatter [tilespmem:s28], [sflag:$0x1], $0x4000, $0x38;
	[tilespmem:$0x1E800] =	vst v63  }
0x26: {  	_ = 	snop  }
0x27: {  	[spmem:s6] =	stream.linear.scatter [tilespmem:s28], [sflag:$0x1], $0x4000, $0x38;
	[tilespmem:$0x1E800] =	vst v63  }
0x28: {  	_ = 	snop  }
0x29: {  	[spmem:s7] =	stream.linear.scatter [tilespmem:s28], [sflag:$0x1], $0x4000, $0x38;
	[tilespmem:$0x1E800] =	vst v63  }
0x2a: {  	_ = 	snop  }
0x2b: {  	[spmem:s8] =	stream.linear.scatter [tilespmem:s28], [sflag:$0x1], $0x4000, $0x38;
	[tilespmem:$0x1E800] =	vst v63  }
0x2c: {  	_ =	swait.ge [sflag:s15], $0x4000  }
0x2d: {  	[sflag:s15] =	ssyncset.done $0x0  }
0x2e: {  	[sflag:s15] =	ssyncadd.s32 $0xFFFFC000  }
0x2f: {  	_ =	swait.ge [sflag:s15], $0x4000  }
0x30: {  	[sflag:s15] =	ssyncset.done $0x0  }
0x31: {  	[sflag:s15] =	ssyncadd.s32 $0xFFFFC000  }
0x32: {  	_ =	swait.ge [sflag:s15], $0x4000  }
0x33: {  	[sflag:s15] =	ssyncset.done $0x0  }
0x34: {  	[sflag:s15] =	ssyncadd.s32 $0xFFFFC000  }
0x35: {  	_ =	swait.ge [sflag:s15], $0x4000  }
0x36: {  	[sflag:s15] =	ssyncset.done $0x0  }
0x37: {  	[sflag:s15] =	ssyncadd.s32 $0xFFFFC000  }
0x38: {  	_ =	swait.ge [sflag:s15], $0x4000  }
0x39: {  	[sflag:s15] =	ssyncset.done $0x0  }
0x3a: {  	[sflag:s15] =	ssyncadd.s32 $0xFFFFC000  }
0x3b: {  	[bflag:$0x0] =	sbarrier.arrive $0xFFFF  }
0x3c: {  	[tilespmem:s16], [sflag:$0x3] =	stream.linear.gather [hbm4b:s9+s28], $0x1400, $0x38;
	[tilespmem:$0x1E800] =	vst v63  }
0x3d: {  	_ =	swait.ge [sflag:s17], $0x1400  }
0x3e: {  	[sflag:s17] =	ssyncset.done $0x0  }
0x3f: {  	[sflag:s17] =	ssyncadd.s32 $0xFFFFEC00  }
0x40: {  	[tilespmem:s18], [sflag:$0x3] =	stream.linear.gather [hbm4b:s10+s28], $0x1400, $0x38;
	[tilespmem:$0x1E800] =	vst v63  }
0x41: {  	_ =	swait.ge [sflag:s17], $0x1400  }
0x42: {  	[sflag:s17] =	ssyncset.done $0x0  }
0x43: {  	[sflag:s17] =	ssyncadd.s32 $0xFFFFEC00  }
0x44: {  	[tilespmem:s28], [sflag:$0x1] =	stream.indirect.gather [hbm4b:s11+s19], $0x80, s16, s19, $0xb8;
	[tilespmem:$0x1E800] =	vst v63  }
0x45: {  	_ = 	snop  }
0x46: {  	[tilespmem:s21], [sflag:$0x2] =	stream.indirect.gather [hbm4b:s11+s19], $0x80, s20, s19, $0xb8;
	[tilespmem:$0x1E800] =	vst v63  }
0x47: {  	_ =	swait.ge [sflag:s15], $0x4000  }
0x48: {  	[sflag:s15] =	ssyncset.done $0x0  }
0x49: {  	s28 =	simm.s32 $0x9400;
	[sflag:s15] =	ssyncadd.s32 $0xFFFFC000  }
0x4a: {  	[spmem:s1] =	stream.indirect.scatter.add.f32 [tilespmem:s3], [sflag:$0x3], $0x80, s28, s19, $0xb8;
	[tilespmem:$0x1E800] =	vst v63  }
0x4b: {  	_ =	swait.ge [sflag:s17], $0x4000  }
0x4c: {  	[sflag:s17] =	ssyncset.done $0x0  }
0x4d: {  	s28 =	simm.s32 $0x8100;
	[sflag:s17] =	ssyncadd.s32 $0xFFFFC000  }
0x4e: {  	[tilespmem:s3], [sflag:$0x1] =	stream.indirect.gather [hbm4b:s11+s19], $0x80, s28, s19, $0xb8;
	[tilespmem:$0x1E800] =	vst v63  }
0x4f: {  	_ =	swait.ge [sflag:s22], $0x4000  }
0x50: {  	[sflag:s22] =	ssyncset.done $0x0  }
0x51: {  	s28 =	simm.s32 $0x9480;
	[sflag:s22] =	ssyncadd.s32 $0xFFFFC000  }
0x52: {  	[spmem:s1] =	stream.indirect.scatter.add.f32 [tilespmem:s21], [sflag:$0x3], $0x80, s28, s19, $0xb8;
	[tilespmem:$0x1E800] =	vst v63  }
0x53: {  	_ =	swait.ge [sflag:s17], $0x4000  }
0x54: {  	[sflag:s17] =	ssyncset.done $0x0  }
0x55: {  	s29 =	simm.s32 $0x8180;
	s28 =	simm.s32 $0x400;
	[sflag:s17] =	ssyncadd.s32 $0xFFFFC000  }
.LBB2_4:
0x56: {  	[tilespmem:s21], [sflag:$0x2] =	stream.indirect.gather [hbm4b:s11+s19], $0x80, s29, s19, $0xb8;
	[tilespmem:$0x1E800] =	vst v63  }
0x57: {  	s29 =	smov.u32 s28  }
0x58: {  	p0 =	sne.s32 s28, $0x4800;
	s28 =	sadd.s32 $0x400, s28;
	_ =	swait.ge [sflag:s15], $0x4000  }
0x59: {  	s29 =	sshra.s32 s29, $0x2;
	[sflag:s15] =	ssyncset.done $0x0  }
0x5a: {  	s30 =	sadd.s32 $0x9400, s29;
	[sflag:s15] =	ssyncadd.s32 $0xFFFFC000  }
0x5b: {  	[spmem:s1] =	stream.indirect.scatter.add.f32 [tilespmem:s3], [sflag:$0x3], $0x80, s30, s19, $0xb8;
	[tilespmem:$0x1E800] =	vst v63  }
0x5c: {  	_ =	swait.ge [sflag:s17], $0x4000  }
0x5d: {  	[sflag:s17] =	ssyncset.done $0x0  }
0x5e: {  	s30 =	sadd.s32 $0x8100, s29;
	[sflag:s17] =	ssyncadd.s32 $0xFFFFC000  }
0x5f: {  	[tilespmem:s3], [sflag:$0x1] =	stream.indirect.gather [hbm4b:s11+s19], $0x80, s30, s19, $0xb8;
	[tilespmem:$0x1E800] =	vst v63  }
0x60: {  	_ =	swait.ge [sflag:s22], $0x4000  }
0x61: {  	[sflag:s22] =	ssyncset.done $0x0  }
.Ltmp1:
0x62: {  	s30 =	sadd.s32 $0x9480, s29;
	[sflag:s22] =	ssyncadd.s32 $0xFFFFC000;
	(pc) =	sbr.rel @p0 .LBB2_4-.Ltmp1, $4  }
0x63: {  	[spmem:s1] =	stream.indirect.scatter.add.f32 [tilespmem:s21], [sflag:$0x3], $0x80, s30, s19, $0xb8;
	[tilespmem:$0x1E800] =	vst v63  }
0x64: {  	_ =	swait.ge [sflag:s17], $0x4000  }
0x65: {  	[sflag:s17] =	ssyncset.done $0x0  }
0x66: {  	s29 =	sadd.s32 $0x8180, s29;
	[sflag:s17] =	ssyncadd.s32 $0xFFFFC000  }
0x67: {  	[tilespmem:s21], [sflag:$0x2] =	stream.indirect.gather [hbm4b:s11+s19], $0x80, s29, s19, $0xb8;
	[tilespmem:$0x1E800] =	vst v63  }
0x68: {  	_ =	swait.ge [sflag:s15], $0x4000  }
0x69: {  	[sflag:s15] =	ssyncset.done $0x0  }
0x6a: {  	s28 =	simm.s32 $0x0;
	[sflag:s15] =	ssyncadd.s32 $0xFFFFC000  }
0x6b: {  	[spmem:s1] =	stream.indirect.scatter.add.f32 [tilespmem:s28], [sflag:$0x3], $0x80, s23, s19, $0xb8;
	[tilespmem:$0x1E800] =	vst v63  }
0x6c: {  	_ =	swait.ge [sflag:s17], $0x4000  }
0x6d: {  	[sflag:s17] =	ssyncset.done $0x0  }
0x6e: {  	[sflag:s17] =	ssyncadd.s32 $0xFFFFC000  }
0x6f: {  	_ =	swait.ge [sflag:s22], $0x4000  }
0x70: {  	[sflag:s22] =	ssyncset.done $0x0  }
0x71: {  	[sflag:s22] =	ssyncadd.s32 $0xFFFFC000  }
0x72: {  	[spmem:s1] =	stream.indirect.scatter.add.f32 [tilespmem:s21], [sflag:$0x3], $0x80, s25, s19, $0xb8;
	[tilespmem:$0x1E800] =	vst v63  }
0x73: {  	_ =	swait.ge [sflag:s17], $0x4000  }
0x74: {  	[sflag:s17] =	ssyncset.done $0x0  }
0x75: {  	[sflag:s17] =	ssyncadd.s32 $0xFFFFC000  }
0x76: {  	[tilespmem:s16], [sflag:$0x3] =	stream.linear.gather [hbm4b:s12+s28], $0x1400, $0x38;
	[tilespmem:$0x1E800] =	vst v63  }
0x77: {  	_ =	swait.ge [sflag:s17], $0x1400  }
0x78: {  	[sflag:s17] =	ssyncset.done $0x0  }
0x79: {  	[sflag:s17] =	ssyncadd.s32 $0xFFFFEC00  }
0x7a: {  	[tilespmem:s18], [sflag:$0x3] =	stream.linear.gather [hbm4b:s13+s28], $0x1400, $0x38;
	[tilespmem:$0x1E800] =	vst v63  }
0x7b: {  	_ =	swait.ge [sflag:s17], $0x1400  }
0x7c: {  	[sflag:s17] =	ssyncset.done $0x0  }
0x7d: {  	[sflag:s17] =	ssyncadd.s32 $0xFFFFEC00  }
0x7e: {  	[tilespmem:s28], [sflag:$0x1] =	stream.indirect.gather [hbm4b:s11+s19], $0x80, s16, s19, $0xb8;
	[tilespmem:$0x1E800] =	vst v63  }
0x7f: {  	_ = 	snop  }
0x80: {  	[tilespmem:s21], [sflag:$0x2] =	stream.indirect.gather [hbm4b:s11+s19], $0x80, s20, s19, $0xb8;
	[tilespmem:$0x1E800] =	vst v63  }
0x81: {  	_ =	swait.ge [sflag:s15], $0x4000  }
0x82: {  	[sflag:s15] =	ssyncset.done $0x0  }
0x83: {  	s28 =	simm.s32 $0x9400;
	[sflag:s15] =	ssyncadd.s32 $0xFFFFC000  }
0x84: {  	[spmem:s1] =	stream.indirect.scatter.add.f32 [tilespmem:s3], [sflag:$0x3], $0x80, s28, s19, $0xb8;
	[tilespmem:$0x1E800] =	vst v63  }
0x85: {  	_ =	swait.ge [sflag:s17], $0x4000  }
0x86: {  	[sflag:s17] =	ssyncset.done $0x0  }
0x87: {  	s28 =	simm.s32 $0x8100;
	[sflag:s17] =	ssyncadd.s32 $0xFFFFC000  }
0x88: {  	[tilespmem:s3], [sflag:$0x1] =	stream.indirect.gather [hbm4b:s11+s19], $0x80, s28, s19, $0xb8;
	[tilespmem:$0x1E800] =	vst v63  }
0x89: {  	_ =	swait.ge [sflag:s22], $0x4000  }
0x8a: {  	[sflag:s22] =	ssyncset.done $0x0  }
0x8b: {  	s28 =	simm.s32 $0x9480;
	[sflag:s22] =	ssyncadd.s32 $0xFFFFC000  }
0x8c: {  	[spmem:s1] =	stream.indirect.scatter.add.f32 [tilespmem:s21], [sflag:$0x3], $0x80, s28, s19, $0xb8;
	[tilespmem:$0x1E800] =	vst v63  }
0x8d: {  	_ =	swait.ge [sflag:s17], $0x4000  }
0x8e: {  	[sflag:s17] =	ssyncset.done $0x0  }
0x8f: {  	s29 =	simm.s32 $0x8180;
	s28 =	simm.s32 $0x400;
	[sflag:s17] =	ssyncadd.s32 $0xFFFFC000  }
.LBB2_6:
0x90: {  	[tilespmem:s21], [sflag:$0x2] =	stream.indirect.gather [hbm4b:s11+s19], $0x80, s29, s19, $0xb8;
	[tilespmem:$0x1E800] =	vst v63  }
0x91: {  	s29 =	smov.u32 s28  }
0x92: {  	p0 =	sne.s32 s28, $0x4800;
	s28 =	sadd.s32 $0x400, s28;
	_ =	swait.ge [sflag:s15], $0x4000  }
0x93: {  	s29 =	sshra.s32 s29, $0x2;
	[sflag:s15] =	ssyncset.done $0x0  }
0x94: {  	s30 =	sadd.s32 $0x9400, s29;
	[sflag:s15] =	ssyncadd.s32 $0xFFFFC000  }
0x95: {  	[spmem:s1] =	stream.indirect.scatter.add.f32 [tilespmem:s3], [sflag:$0x3], $0x80, s30, s19, $0xb8;
	[tilespmem:$0x1E800] =	vst v63  }
0x96: {  	_ =	swait.ge [sflag:s17], $0x4000  }
0x97: {  	[sflag:s17] =	ssyncset.done $0x0  }
0x98: {  	s30 =	sadd.s32 $0x8100, s29;
	[sflag:s17] =	ssyncadd.s32 $0xFFFFC000  }
0x99: {  	[tilespmem:s3], [sflag:$0x1] =	stream.indirect.gather [hbm4b:s11+s19], $0x80, s30, s19, $0xb8;
	[tilespmem:$0x1E800] =	vst v63  }
0x9a: {  	_ =	swait.ge [sflag:s22], $0x4000  }
0x9b: {  	[sflag:s22] =	ssyncset.done $0x0  }
.Ltmp2:
0x9c: {  	s30 =	sadd.s32 $0x9480, s29;
	[sflag:s22] =	ssyncadd.s32 $0xFFFFC000;
	(pc) =	sbr.rel @p0 .LBB2_6-.Ltmp2, $4  }
0x9d: {  	[spmem:s1] =	stream.indirect.scatter.add.f32 [tilespmem:s21], [sflag:$0x3], $0x80, s30, s19, $0xb8;
	[tilespmem:$0x1E800] =	vst v63  }
0x9e: {  	_ =	swait.ge [sflag:s17], $0x4000  }
0x9f: {  	[sflag:s17] =	ssyncset.done $0x0  }
0xa0: {  	s29 =	sadd.s32 $0x8180, s29;
	[sflag:s17] =	ssyncadd.s32 $0xFFFFC000  }
0xa1: {  	[tilespmem:s21], [sflag:$0x2] =	stream.indirect.gather [hbm4b:s11+s19], $0x80, s29, s19, $0xb8;
	[tilespmem:$0x1E800] =	vst v63  }
0xa2: {  	_ =	swait.ge [sflag:s15], $0x4000  }
0xa3: {  	[sflag:s15] =	ssyncset.done $0x0  }
0xa4: {  	[sflag:s15] =	ssyncadd.s32 $0xFFFFC000  }
0xa5: {  	[spmem:s1] =	stream.indirect.scatter.add.f32 [tilespmem:s3], [sflag:$0x3], $0x80, s23, s19, $0xb8;
	[tilespmem:$0x1E800] =	vst v63  }
0xa6: {  	_ =	swait.ge [sflag:s17], $0x4000  }
0xa7: {  	[sflag:s17] =	ssyncset.done $0x0  }
0xa8: {  	[sflag:s17] =	ssyncadd.s32 $0xFFFFC000  }
0xa9: {  	_ =	swait.ge [sflag:s22], $0x4000  }
0xaa: {  	[sflag:s22] =	ssyncset.done $0x0  }
0xab: {  	[sflag:s22] =	ssyncadd.s32 $0xFFFFC000  }
0xac: {  	[spmem:s1] =	stream.indirect.scatter.add.f32 [tilespmem:s21], [sflag:$0x3], $0x80, s25, s19, $0xb8;
	[tilespmem:$0x1E800] =	vst v63  }
0xad: {  	_ =	swait.ge [sflag:s17], $0x4000  }
0xae: {  	s28 =	sshll.u32 s2, $0x6;
	s26 =	sadd.s32 $0x1, s26;
	[sflag:s17] =	ssyncset.done $0x0  }
0xaf: {  	s31 =	sshrl.u32 s4, $0x3;
	p0 =	sne.s32 s26, s14;
	[sflag:s17] =	ssyncadd.s32 $0xFFFFC000  }
.Ltmp3:
0xb0: {  	s28 =	sor.u32 $0x1C03, s28;
	[bflag:$0x0] =	sbarrier.arrive $0xFFFF;
	(pc) =	sbr.rel @p0 .LBB2_1-.Ltmp3, $4  }
0xb1: {  	[hbm:s24], [sflag:s28] =	dma.local [spmem:s31], $0x2800  }
0xb2: {  	_ =	swait.ge [sflag:s17], $0x2800  }
0xb3: {  	[sflag:s17] =	ssyncset.done $0x0  }
0xb4: {  	[sflag:s17] =	ssyncadd.s32 $0xFFFFD800  }
0xb5: {  	_ =	sfence.sel $0x180000  }
0xb6: {  	[bflag:$0x0] =	sbarrier.arrive $0xFFFF  }
0xb7: {  	p0 =	sne.s32 s2, $0x0;
	_ =	strace $0x90000050  }
0xb8: {  	s0 =	sadd.s32 @!p0 $0x100000, s0;
	[bflag:$0x2] =	sbarrier.arrive $0xFFFF  }
0xb9: {  	[sflag:s0] =	ssyncadd.tile.s32 @!p0 $0x1;
	_ =	shalt  }
.Lfunc_end2:
_tile_overlayer_lowered:
.L_overlay_start_2:
0xba: {  	(tag) =	ssettag $0x2  }
0xbb: {  	s0 =	rddreg [dreg:$0x0];
	s2 =	stileid.u32  }
0xbc: {  	s1 =	rddreg [dreg:$0x1];
	p0 =	sne.s32 s2, $0x0  }
0xbd: {  	s3 =	rddreg [dreg:$0x2];
	[bflag:$0x3] =	sbarrier.arrive $0xFFFF;
	s2 =	simm.s32 @!p0 $0x1C03  }
0xbe: {  	[timem:s3], [sflag:s2] =	dma.local @!p0 [hbm:s0], s1  }
0xbf: {  	s0 =	simm.s32 @!p0 $0x3  }
0xc0: {  	_ =	swait.ge @!p0 [sflag:s0], s1  }
0xc1: {  	s1 =	ssub.s32 @!p0 $0x0, s1;
	[sflag:s0] =	ssyncset.done @!p0 $0x0  }
0xc2: {  	[sflag:s0] =	ssyncadd.s32 @!p0 s1  }
0xc3: {  	[bflag:$0x3] =	sbarrier.arrive $0xFFFF  }
0xc4: {  	_ =	shalt  }

// kernel: kernel.24.cloned.1.call-start
scs
__scs_entry_jumppad:
0x0: {  	(pc) =	sbr.rel $0x88, $3  }
0x1: {  	(tag) =	ssettag $0x0;
	lr =	simm.s32 $0x1  }
0x2: {  	[smem:$0x3F97] =	sst lr;
	_ =	strace $0xD0000000  }
0x3: {  	_ = 	snop  }
0x4: {  	_ = 	snop  }
0x5: {  	_ = 	snop  }
0x6: {  	_ = 	snop  }
0x7: {  	_ = 	snop  }
__scs_overlays_trampoline_lowered:
0x8: {  	[smem:$0x3FA6] =	sst s0  }
0x9: {  	[smem:$0x3FA7] =	sst s1  }
0xa: {  	[smem:$0x3FA8] =	sst s2  }
0xb: {  	[smem:$0x3FA9] =	sst s3  }
0xc: {  	[smem:$0x3FAA] =	sst s4  }
0xd: {  	[smem:$0x3FAB] =	sst s5  }
0xe: {  	[smem:$0x3FAC] =	sst s6  }
0xf: {  	[smem:$0x3FAD] =	sst s7  }
0x10: {  	[smem:$0x3FAE] =	sst s8  }
0x11: {  	[smem:$0x3FAF] =	sst s9;
	s0 =	simm.s32 @!p0 $0x0  }
0x12: {  	s1 =	sld [smem:$0x3F95];
	s0 =	simm.s32 @p0 $0x1  }
0x13: {  	[smem:$0x3FB0] =	sst s0;
	s0 =	simm.s32 @!p1 $0x0  }
0x14: {  	s2 =	sld [smem:$0x3F94];
	s0 =	simm.s32 @p1 $0x1  }
0x15: {  	[smem:$0x3FB1] =	sst s0;
	s0 =	simm.s32 @!p2 $0x0  }
0x16: {  	s3 =	sld [smem:$0x3FDB];
	s0 =	simm.s32 @p2 $0x1  }
0x17: {  	s4 =	simm.s32 $0x1BF5;
	[smem:$0x3FB3] =	sst s0  }
0x18: {  	s0 =	sld [smem:$0x3F96];
	_ =	swait.ge [sflag:s4], $0x0  }
0x19: {  	s7 =	sld [smem:$0x3F97]  }
0x1a: {  	s8 =	sadd.s32 $0xFFFFE003, lr  }
0x1b: {  	s9 =	sadd.s32 $0xFFFFFEF7, lr;
	s5 =	simm.s32 $0xFFFFFFFF;
	p2 =	slt.u32 s8, $0xFFFFF086  }
0x1c: {  	p1 =	slt.u32 s9, $0xF7A;
	s5 =	simm.s32 @!p2 $0x0  }
0x1d: {  	s5 =	simm.s32 @p1 $0x1;
	p0 =	seq.s32 s7, s2  }
0x1e: {  	s7 =	smul.u32 @!p0 $0xF7A, s2;
	p2 =	seq.s32 @!p0 s5, $0x0  }
0x1f: {  	s9 =	smul.u32 $0xF7A, s1;
	s8 =	simm.s32 @!p0 $0x1BF5;
	p2 =	por !p2, p0  }
0x20: {  	[sflag:s8] =	ssyncset.s32 @!p0 $0xFFFFF086;
	s6 =	sadd.s32 @!p0 s3, s7;
	s7 =	simm.s32 @!p0 $0x108  }
0x21: {  	s3 =	sadd.s32 s3, s9;
	s6 =	sadd.s32 @!p0 $0x88, s6;
	s7 =	simm.s32 @p2 $0x1082  }
0x22: {  	[simem:s7], [sflag:s8] =	dma.local @!p0 [hbm:s6], $0xF7A  }
0x23: {  	s9 =	sor.u32 $0xD0000000, s2;
	s6 =	simm.s32 $0x108;
	_ =	swait.ge @!p0 [sflag:s8], $0x0  }
0x24: {  	s3 =	sadd.s32 $0x88, s3;
	s6 =	simm.s32 @!p1 $0x1082;
	[sflag:s4] =	ssyncset.s32 $0xFFFFF086  }
0x25: {  	[simem:s6], [sflag:s4] =	dma.local [hbm:s3], $0xF7A  }
0x26: {  	[smem:$0x3F97] =	sst s1;
	(tag) =	ssettag s2;
	_ =	strace s9  }
0x27: {  	s1 =	sld [smem:$0x3FA7]  }
0x28: {  	s2 =	sld [smem:$0x3FA8]  }
0x29: {  	s4 =	sld [smem:$0x3FAA]  }
0x2a: {  	p0 =	seq.s32 s5, $0x0;
	s5 =	sld [smem:$0x3FAB]  }
0x2b: {  	s6 =	sld [smem:$0x3FAC]  }
0x2c: {  	s7 =	sld [smem:$0x3FAD]  }
0x2d: {  	s3 =	simm.s32 $0x108;
	s8 =	sld [smem:$0x3FAE]  }
0x2e: {  	s3 =	simm.s32 @!p0 $0x1082;
	s9 =	sld [smem:$0x3FAF]  }
0x2f: {  	lr =	sadd.s32 s0, s3;
	s0 =	sld [smem:$0x3FA6]  }
0x30: {  	s3 =	sld [smem:$0x3FA9]  }
0x31: {  	[smem:$0x3FB2] =	sst s10  }
0x32: {  	s10 =	sld [smem:$0x3FB0];
	_ =	sdelay $0x3  }
0x33: {  	p0 =	seq.s32 s10, $0x1;
	s10 =	sld [smem:$0x3FB2];
	_ =	sdelay $0x3  }
0x34: {  	[smem:$0x3FB2] =	sst s10  }
0x35: {  	s10 =	sld [smem:$0x3FB1];
	_ =	sdelay $0x3  }
0x36: {  	p1 =	seq.s32 s10, $0x1;
	s10 =	sld [smem:$0x3FB2];
	_ =	sdelay $0x3  }
0x37: {  	[smem:$0x3FB2] =	sst s10  }
0x38: {  	s10 =	sld [smem:$0x3FB3]  }
0x39: {  	_ = 	snop;
	(pc) =	sbr.ind lr, $3  }
0x3a: {  	_ = 	snop  }
0x3b: {  	_ = 	snop  }
0x3c: {  	p2 =	seq.s32 s10, $0x1;
	s10 =	sld [smem:$0x3FB2]  }
0x3d: {  	_ =	shalt  }
0x3e: {  	_ =	shalt  }
0x3f: {  	_ =	shalt  }
0x40: {  	_ =	shalt  }
0x41: {  	_ =	shalt  }
0x42: {  	_ =	shalt  }
0x43: {  	_ =	shalt  }
0x44: {  	_ =	shalt  }
0x45: {  	_ =	shalt  }
0x46: {  	_ =	shalt  }
0x47: {  	_ =	shalt  }
0x48: {  	_ =	shalt  }
0x49: {  	_ =	shalt  }
0x4a: {  	_ =	shalt  }
0x4b: {  	_ =	shalt  }
0x4c: {  	_ =	shalt  }
0x4d: {  	_ =	shalt  }
0x4e: {  	_ =	shalt  }
0x4f: {  	_ =	shalt  }
0x50: {  	_ =	shalt  }
0x51: {  	_ =	shalt  }
0x52: {  	_ =	shalt  }
0x53: {  	_ =	shalt  }
0x54: {  	_ =	shalt  }
0x55: {  	_ =	shalt  }
0x56: {  	_ =	shalt  }
0x57: {  	_ =	shalt  }
0x58: {  	_ =	shalt  }
0x59: {  	_ =	shalt  }
0x5a: {  	_ =	shalt  }
0x5b: {  	_ =	shalt  }
0x5c: {  	_ =	shalt  }
0x5d: {  	_ =	shalt  }
0x5e: {  	_ =	shalt  }
0x5f: {  	_ =	shalt  }
0x60: {  	_ =	shalt  }
0x61: {  	_ =	shalt  }
0x62: {  	_ =	shalt  }
0x63: {  	_ =	shalt  }
0x64: {  	_ =	shalt  }
0x65: {  	_ =	shalt  }
0x66: {  	_ =	shalt  }
0x67: {  	_ =	shalt  }
0x68: {  	_ =	shalt  }
0x69: {  	_ =	shalt  }
0x6a: {  	_ =	shalt  }
0x6b: {  	_ =	shalt  }
0x6c: {  	_ =	shalt  }
0x6d: {  	_ =	shalt  }
0x6e: {  	_ =	shalt  }
0x6f: {  	_ =	shalt  }
0x70: {  	_ =	shalt  }
0x71: {  	_ =	shalt  }
0x72: {  	_ =	shalt  }
0x73: {  	_ =	shalt  }
0x74: {  	_ =	shalt  }
0x75: {  	_ =	shalt  }
0x76: {  	_ =	shalt  }
0x77: {  	_ =	shalt  }
0x78: {  	_ =	shalt  }
0x79: {  	_ =	shalt  }
0x7a: {  	_ =	shalt  }
0x7b: {  	_ =	shalt  }
0x7c: {  	_ =	shalt  }
0x7d: {  	_ =	shalt  }
0x7e: {  	_ =	shalt  }
0x7f: {  	_ =	shalt  }
0x80: {  	_ =	shalt  }
0x81: {  	_ =	shalt  }
0x82: {  	_ =	shalt  }
0x83: {  	_ =	shalt  }
0x84: {  	_ =	shalt  }
0x85: {  	_ =	shalt  }
0x86: {  	_ =	shalt  }
0x87: {  	_ =	shalt  }
.Lfunc_end0:
.L_simem_size_0:
called_computation.4_lowered:
.L_overlay_start_0:
0x88: {  	s2 =	sld [smem:$0x3FD9]  }
0x89: {  	s3 =	sld [smem:$0x3FFE];
	_ =	sdelay $0x1  }
0x8a: {  	s1 =	srdreg.scid  }
0x8b: {  	s0 =	sand.u32 $0x1, s1  }
0x8c: {  	s17 =	sshll.u32 s0, $0xA;
	s2 =	sadd.s32 s3, s2  }
0x8d: {  	s2 =	sadd.s32 s2, s17  }
0x8e: {  	[smem:$0x3FBE] =	sst s2  }
0x8f: {  	_ = 	snop  }
0x90: {  	s2 =	sld [smem:$0x3FD0];
	(tm) =	ssettm $0x1  }
0x91: {  	s18 =	sld [smem:$0x3FFB];
	_ =	sdelay $0x3  }
0x92: {  	_ =	strace s18  }
0x93: {  	s3 =	sld [smem:$0x3FFC];
	_ =	sdelay $0x3  }
0x94: {  	_ =	strace s3  }
0x95: {  	s3 =	sld [smem:$0x3FFD];
	_ =	sdelay $0x3  }
0x96: {  	_ =	strace s3  }
0x97: {  	_ =	strace $0x8FFFFFFF  }
0x98: {  	s19 =	sld [smem:$0x3FDB];
	_ =	sdelay $0x1  }
0x99: {  	s4 =	simm.s32 $_scs_section_size  }
0x9a: {  	s5 =	simm.s32 $_size__tile_overlayer_lowered;
	s6 =	simm.s32 $_tile_overlayer_lowered  }
0x9b: {  	s22 =	simm.s32 $0x1BFF;
	s21 =	sshll.u32 s6, $0x1;
	s3 =	sadd.s32 s4, s19  }
0x9c: {  	s7 =	simm.s32 $0x0;
	s20 =	sshll.u32 s5, $0x1;
	s5 =	sadd.s32 s21, s3  }
0x9d: {  	[timem:s7], [sflag:s22] =	dma.local [hbm:s5], s20  }
0x9e: {  	_ =	swait.ge [sflag:s22], s20  }
0x9f: {  	s4 =	ssub.s32 $0x0, s20;
	[sflag:s22] =	ssyncset.done $0x0  }
0xa0: {  	[sflag:s22] =	ssyncadd.s32 s4;
	_ =	sdelay $0x1  }
0xa1: {  	s23 =	simm.s32 $0x1B8B  }
0xa2: {  	_ =	swait.ge [sflag:s23], $0x1  }
0xa3: {  	[sflag:s23] =	ssyncset.done $0x0  }
0xa4: {  	s25 =	simm.s32 $0x1B8E;
	s24 =	sld [smem:$0x3FFE];
	[sflag:s23] =	ssyncadd.s32 $0xFFFFFFFF  }
0xa5: {  	s26 =	simm.s32 $execute0_lowered;
	[smem:$0x3FD2] =	sst s25  }
0xa6: {  	s5 =	sshll.u32 s26, $0x1;
	_ =	strace $0x80000052;
	[dreg:$0x1] =	wrdreg $0xFFFFFFFF  }
0xa7: {  	s28 =	simm.s32 $_size_execute0_lowered;
	s3 =	sadd.s32 s3, s5;
	[dreg:$0x0] =	wrdreg $0x0  }
0xa8: {  	s5 =	sshll.u32 s28, $0x1;
	[dreg:$0x2] =	wrdreg s3  }
0xa9: {  	[dreg:$0x3] =	wrdreg s5  }
0xaa: {  	[dreg:$0x4] =	wrdreg $0xC0  }
0xab: {  	_ =	task [dreg:s7], $0x5FFFF  }
0xac: {  	[dreg:$0x1] =	wrdreg $0xFFFFFFFF  }
0xad: {  	[dreg:$0x0] =	wrdreg $0x60  }
0xae: {  	[dreg:$0x2] =	wrdreg s24  }
0xaf: {  	[dreg:$0x3] =	wrdreg s2  }
0xb0: {  	[dreg:$0x4] =	wrdreg $0xA8000  }
0xb1: {  	[dreg:$0x5] =	wrdreg $0x9  }
0xb2: {  	_ =	task.clear_ibuf [dreg:s7], $0x6FFFF;
	_ =	strace $0x90000052  }
0xb3: {  	s29 =	simm.s32 $0x9;
	_ =	strace $0x80000054  }
0xb4: {  	_ =	swait.ge [sflag:s29], $0x1  }
0xb5: {  	[sflag:s29] =	ssyncadd.s32 $0xFFFFFFFF  }
0xb6: {  	_ =	strace $0x90000054  }
0xb7: {  	_ =	sfence  }
0xb8: {  	s30 =	sld [smem:$0x0];
	_ =	sdelay $0x2  }
0xb9: {  	s31 =	sshll.u32 s1, $0xD;
	s1 =	sshrl.u32 s1, $0x2  }
0xba: {  	s3 =	sand.u32 $0x4000, s31;
	s1 =	sadd.s32 s1, s30  }
0xbb: {  	s0 =	sor.u32 s3, s0;
	s1 =	sshll.u32 s1, $0x11  }
0xbc: {  	s0 =	sor.u32 s1, s0  }
0xbd: {  	s0 =	sadd.s32 $0x8F2B, s0  }
0xbe: {  	[sflag:s0] =	ssyncadd.remote.s32 $0x1  }
0xbf: {  	_ =	sfence.sel $0xFFFF  }
0xc0: {  	[dreg:$0x0] =	wrdreg $0xFFFFFFFF;
	(pc) =	sbr.abs _section_cstart, $3  }
0xc1: {  	[dreg:$0x1] =	wrdreg $0xFFFFFFFF  }
0xc2: {  	_ =	task.clear_ibuf [dreg:s7], $0x2FFFF;
	_ =	strace $0x9FFFFFFF  }
0xc3: {  	(tm) =	ssettm $0x7FFFFFFF  }
tec
execute0_lowered:
.L_overlay_start_1:
0x0: {  	(tag) =	ssettag $0x1  }
0x1: {  	s5 =	rddreg [dreg:$0x0]  }
0x2: {  	s0 =	srdreg.scid;
	s11 =	rddreg [dreg:$0x1]  }
0x3: {  	s2 =	rddreg [dreg:$0x2];
	s1 =	stileid.u32  }
0x4: {  	s3 =	simm.s32 $0x0;
	s15 =	simm.s32 $0x3;
	s16 =	simm.s32 $0x9400  }
0x5: {  	s17 =	simm.s32 $0x80;
	s18 =	simm.s32 $0x8080;
	s19 =	simm.s32 $0x4000  }
0x6: {  	s20 =	simm.s32 $0x2;
	s21 =	simm.s32 $0xA700;
	s22 =	simm.s32 $0xA780  }
0x7: {  	s6 =	sand.u32 $0x1, s0;
	s0 =	rddreg [dreg:$0x3];
	s7 =	smul.u32 $0x50000, s1  }
0x8: {  	[smem:$0x7FF] =	sst s3;
	s24 =	smul.u32 $0x2800, s1;
	s4 =	sshll.u32 s6, $0x4  }
0x9: {  	_ =	strace $0x80000053;
	s8 =	smul.u32 $0x28000, s6;
	s6 =	ssub.s32 $0x2, s6  }
0xa: {  	s4 =	sor.u32 s1, s4;
	s9 =	sshrl.u32 s6, $0x1;
	s7 =	sshrl.u32 s7, $0x2  }
0xb: {  	s12 =	smul.u32 $0x280, s4;
	s4 =	sadd.s32 $0x7C00, s5;
	s13 =	sadd.s32 s8, s5  }
0xc: {  	s14 =	ssub.s32 s6, s9;
	s23 =	sadd.s32 $0x2EE00, s13;
	s13 =	simm.s32 $0x1  }
0xd: {  	s10 =	sadd.s32 s12, s5;
	s5 =	sadd.s32 s7, s2;
	s11 =	sadd.s32 s11, s12  }
0xe: {  	s12 =	smax.u32 s14, $0x1;
	s14 =	simm.s32 $0x8000;
	s23 =	sadd.s32 s24, s23  }
0xf: {  	s24 =	simm.s32 $0x0;
	s6 =	sadd.s32 $0x4000, s5;
	s7 =	sadd.s32 $0x8000, s5  }
0x10: {  	v0 =	vimm.f32 $0.0e+00;
	s8 =	sadd.s32 $0xC000, s5;
	s9 =	sadd.s32 $0x10000, s5;
	s10 =	sadd.s32 $0x2C00, s10  }
.LBB2_1:
0x11: {  	s25 =	simm.s32 $0x0;
	s26 =	simm.s32 $0x200  }
.LBB2_2:
0x12: {  	p0 =	sne.s32 s26, $0xFE00;
	[tilespmem:s25+$0x70] =	vst v0  }
0x13: {  	[tilespmem:s25+$0x0] =	vst v0  }
0x14: {  	[tilespmem:s25+$0x10] =	vst v0  }
.Ltmp0:
0x15: {  	[tilespmem:s25+$0x20] =	vst v0;
	(pc) =	sbr.rel @p0 .LBB2_2-.Ltmp0, $4  }
0x16: {  	[tilespmem:s25+$0x30] =	vst v0  }
0x17: {  	[tilespmem:s25+$0x40] =	vst v0  }
0x18: {  	[tilespmem:s25+$0x50] =	vst v0  }
0x19: {  	[tilespmem:s25+$0x60] =	vst v0;
	s25 =	sshra.s32 s26, $0x2;
	s26 =	sadd.s32 $0x200, s26  }
0x1a: {  	[tilespmem:s25+$0x70] =	vst v0  }
0x1b: {  	[tilespmem:s25+$0x0] =	vst v0  }
0x1c: {  	[tilespmem:s25+$0x10] =	vst v0  }
0x1d: {  	[tilespmem:s25+$0x20] =	vst v0  }
0x1e: {  	[tilespmem:s25+$0x30] =	vst v0  }
0x1f: {  	[tilespmem:s25+$0x40] =	vst v0  }
0x20: {  	[tilespmem:s25+$0x50] =	vst v0  }
0x21: {  	[tilespmem:s25+$0x60] =	vst v0;
	s28 =	simm.s32 $0x0  }
0x22: {  	[spmem:s5] =	stream.linear.scatter [tilespmem:s28], [sflag:$0x1], $0x4000, $0x38;
	[tilespmem:$0x1E800] =	vst v63  }
0x23: {  	_ = 	snop  }
0x24: {  	[spmem:s6] =	stream.linear.scatter [tilespmem:s28], [sflag:$0x1], $0x4000, $0x38;
	[tilespmem:$0x1E800] =	vst v63  }
0x25: {  	_ = 	snop  }
0x26: {  	[spmem:s7] =	stream.linear.scatter [tilespmem:s28], [sflag:$0x1], $0x4000, $0x38;
	[tilespmem:$0x1E800] =	vst v63  }
0x27: {  	_ = 	snop  }
0x28: {  	[spmem:s8] =	stream.linear.scatter [tilespmem:s28], [sflag:$0x1], $0x4000, $0x38;
	[tilespmem:$0x1E800] =	vst v63  }
0x29: {  	_ = 	snop  }
0x2a: {  	[spmem:s9] =	stream.linear.scatter [tilespmem:s28], [sflag:$0x1], $0x4000, $0x38;
	[tilespmem:$0x1E800] =	vst v63  }
0x2b: {  	_ =	swait.ge [sflag:s13], $0x4000  }
0x2c: {  	[sflag:s13] =	ssyncset.done $0x0  }
0x2d: {  	[sflag:s13] =	ssyncadd.s32 $0xFFFFC000  }
0x2e: {  	_ =	swait.ge [sflag:s13], $0x4000  }
0x2f: {  	[sflag:s13] =	ssyncset.done $0x0  }
0x30: {  	[sflag:s13] =	ssyncadd.s32 $0xFFFFC000  }
0x31: {  	_ =	swait.ge [sflag:s13], $0x4000  }
0x32: {  	[sflag:s13] =	ssyncset.done $0x0  }
0x33: {  	[sflag:s13] =	ssyncadd.s32 $0xFFFFC000  }
0x34: {  	_ =	swait.ge [sflag:s13], $0x4000  }
0x35: {  	[sflag:s13] =	ssyncset.done $0x0  }
0x36: {  	[sflag:s13] =	ssyncadd.s32 $0xFFFFC000  }
0x37: {  	_ =	swait.ge [sflag:s13], $0x4000  }
0x38: {  	[sflag:s13] =	ssyncset.done $0x0  }
0x39: {  	[sflag:s13] =	ssyncadd.s32 $0xFFFFC000  }
0x3a: {  	[bflag:$0x0] =	sbarrier.arrive $0xFFFF  }
0x3b: {  	[tilespmem:s14], [sflag:$0x3] =	stream.linear.gather [hbm4b:s10+s28], $0x1400, $0x38;
	[tilespmem:$0x1E800] =	vst v63  }
0x3c: {  	_ =	swait.ge [sflag:s15], $0x1400  }
0x3d: {  	[sflag:s15] =	ssyncset.done $0x0  }
0x3e: {  	[sflag:s15] =	ssyncadd.s32 $0xFFFFEC00  }
0x3f: {  	[tilespmem:s16], [sflag:$0x3] =	stream.linear.gather [hbm4b:s11+s28], $0x1400, $0x38;
	[tilespmem:$0x1E800] =	vst v63  }
0x40: {  	_ =	swait.ge [sflag:s15], $0x1400  }
0x41: {  	[sflag:s15] =	ssyncset.done $0x0  }
0x42: {  	[sflag:s15] =	ssyncadd.s32 $0xFFFFEC00  }
0x43: {  	[tilespmem:s28], [sflag:$0x1] =	stream.indirect.gather [hbm4b:s4+s17], $0x80, s14, s17, $0xb8;
	[tilespmem:$0x1E800] =	vst v63  }
0x44: {  	_ = 	snop  }
0x45: {  	[tilespmem:s19], [sflag:$0x2] =	stream.indirect.gather [hbm4b:s4+s17], $0x80, s18, s17, $0xb8;
	[tilespmem:$0x1E800] =	vst v63  }
0x46: {  	_ =	swait.ge [sflag:s13], $0x4000  }
0x47: {  	[sflag:s13] =	ssyncset.done $0x0  }
0x48: {  	s29 =	simm.s32 $0x9400;
	[sflag:s13] =	ssyncadd.s32 $0xFFFFC000  }
0x49: {  	[spmem:s2] =	stream.indirect.scatter.add.f32 [tilespmem:s3], [sflag:$0x3], $0x80, s29, s17, $0xb8;
	[tilespmem:$0x1E800] =	vst v63  }
0x4a: {  	_ =	swait.ge [sflag:s15], $0x4000  }
0x4b: {  	[sflag:s15] =	ssyncset.done $0x0  }
0x4c: {  	s30 =	simm.s32 $0x8100;
	[sflag:s15] =	ssyncadd.s32 $0xFFFFC000  }
0x4d: {  	[tilespmem:s3], [sflag:$0x1] =	stream.indirect.gather [hbm4b:s4+s17], $0x80, s30, s17, $0xb8;
	[tilespmem:$0x1E800] =	vst v63  }
0x4e: {  	_ =	swait.ge [sflag:s20], $0x4000  }
0x4f: {  	[sflag:s20] =	ssyncset.done $0x0  }
0x50: {  	s31 =	simm.s32 $0x9480;
	[sflag:s20] =	ssyncadd.s32 $0xFFFFC000  }
0x51: {  	[spmem:s2] =	stream.indirect.scatter.add.f32 [tilespmem:s19], [sflag:$0x3], $0x80, s31, s17, $0xb8;
	[tilespmem:$0x1E800] =	vst v63  }
0x52: {  	_ =	swait.ge [sflag:s15], $0x4000  }
0x53: {  	[sflag:s15] =	ssyncset.done $0x0  }
0x54: {  	s25 =	simm.s32 $0x400;
	s26 =	simm.s32 $0x8180;
	[sflag:s15] =	ssyncadd.s32 $0xFFFFC000  }
.LBB2_4:
0x55: {  	[tilespmem:s19], [sflag:$0x2] =	stream.indirect.gather [hbm4b:s4+s17], $0x80, s26, s17, $0xb8;
	[tilespmem:$0x1E800] =	vst v63  }
0x56: {  	s26 =	smov.u32 s25  }
0x57: {  	p0 =	sne.s32 s25, $0x4800;
	s25 =	sadd.s32 $0x400, s25;
	_ =	swait.ge [sflag:s13], $0x4000  }
0x58: {  	s26 =	sshra.s32 s26, $0x2;
	[sflag:s13] =	ssyncset.done $0x0  }
0x59: {  	s28 =	sadd.s32 $0x9400, s26;
	[sflag:s13] =	ssyncadd.s32 $0xFFFFC000  }
0x5a: {  	[spmem:s2] =	stream.indirect.scatter.add.f32 [tilespmem:s3], [sflag:$0x3], $0x80, s28, s17, $0xb8;
	[tilespmem:$0x1E800] =	vst v63  }
0x5b: {  	_ =	swait.ge [sflag:s15], $0x4000  }
0x5c: {  	[sflag:s15] =	ssyncset.done $0x0  }
0x5d: {  	s28 =	sadd.s32 $0x8100, s26;
	[sflag:s15] =	ssyncadd.s32 $0xFFFFC000  }
0x5e: {  	[tilespmem:s3], [sflag:$0x1] =	stream.indirect.gather [hbm4b:s4+s17], $0x80, s28, s17, $0xb8;
	[tilespmem:$0x1E800] =	vst v63  }
0x5f: {  	_ =	swait.ge [sflag:s20], $0x4000  }
0x60: {  	[sflag:s20] =	ssyncset.done $0x0  }
.Ltmp1:
0x61: {  	s28 =	sadd.s32 $0x9480, s26;
	[sflag:s20] =	ssyncadd.s32 $0xFFFFC000;
	(pc) =	sbr.rel @p0 .LBB2_4-.Ltmp1, $4  }
0x62: {  	[spmem:s2] =	stream.indirect.scatter.add.f32 [tilespmem:s19], [sflag:$0x3], $0x80, s28, s17, $0xb8;
	[tilespmem:$0x1E800] =	vst v63  }
0x63: {  	_ =	swait.ge [sflag:s15], $0x4000  }
0x64: {  	[sflag:s15] =	ssyncset.done $0x0  }
0x65: {  	s26 =	sadd.s32 $0x8180, s26;
	[sflag:s15] =	ssyncadd.s32 $0xFFFFC000  }
0x66: {  	[tilespmem:s19], [sflag:$0x2] =	stream.indirect.gather [hbm4b:s4+s17], $0x80, s26, s17, $0xb8;
	[tilespmem:$0x1E800] =	vst v63  }
0x67: {  	_ =	swait.ge [sflag:s13], $0x4000  }
0x68: {  	[sflag:s13] =	ssyncset.done $0x0  }
0x69: {  	[sflag:s13] =	ssyncadd.s32 $0xFFFFC000  }
0x6a: {  	[spmem:s2] =	stream.indirect.scatter.add.f32 [tilespmem:s3], [sflag:$0x3], $0x80, s21, s17, $0xb8;
	[tilespmem:$0x1E800] =	vst v63  }
0x6b: {  	_ =	swait.ge [sflag:s15], $0x4000  }
0x6c: {  	[sflag:s15] =	ssyncset.done $0x0  }
0x6d: {  	[sflag:s15] =	ssyncadd.s32 $0xFFFFC000  }
0x6e: {  	_ =	swait.ge [sflag:s20], $0x4000  }
0x6f: {  	[sflag:s20] =	ssyncset.done $0x0  }
0x70: {  	[sflag:s20] =	ssyncadd.s32 $0xFFFFC000  }
0x71: {  	[spmem:s2] =	stream.indirect.scatter.add.f32 [tilespmem:s19], [sflag:$0x3], $0x80, s22, s17, $0xb8;
	[tilespmem:$0x1E800] =	vst v63  }
0x72: {  	_ =	swait.ge [sflag:s15], $0x4000  }
0x73: {  	s25 =	sshll.u32 s1, $0x6;
	s24 =	sadd.s32 $0x1, s24;
	[sflag:s15] =	ssyncset.done $0x0  }
0x74: {  	s31 =	sshrl.u32 s5, $0x3;
	p0 =	sne.s32 s24, s12;
	[sflag:s15] =	ssyncadd.s32 $0xFFFFC000  }
.Ltmp2:
0x75: {  	s25 =	sor.u32 $0x1C03, s25;
	[bflag:$0x0] =	sbarrier.arrive $0xFFFF;
	(pc) =	sbr.rel @p0 .LBB2_1-.Ltmp2, $4  }
0x76: {  	[hbm:s23], [sflag:s25] =	dma.local [spmem:s31], $0x2800  }
0x77: {  	_ =	swait.ge [sflag:s15], $0x2800  }
0x78: {  	[sflag:s15] =	ssyncset.done $0x0  }
0x79: {  	[sflag:s15] =	ssyncadd.s32 $0xFFFFD800  }
0x7a: {  	_ =	sfence.sel $0x180000  }
0x7b: {  	[bflag:$0x0] =	sbarrier.arrive $0xFFFF  }
0x7c: {  	p0 =	sne.s32 s1, $0x0;
	_ =	strace $0x90000053  }
0x7d: {  	s0 =	sadd.s32 @!p0 $0x100000, s0;
	[bflag:$0x2] =	sbarrier.arrive $0xFFFF  }
0x7e: {  	[sflag:s0] =	ssyncadd.tile.s32 @!p0 $0x1;
	_ =	shalt  }
.Lfunc_end2:
_tile_overlayer_lowered:
.L_overlay_start_2:
0x7f: {  	(tag) =	ssettag $0x2  }
0x80: {  	s0 =	rddreg [dreg:$0x0];
	s2 =	stileid.u32  }
0x81: {  	s1 =	rddreg [dreg:$0x1];
	p0 =	sne.s32 s2, $0x0  }
0x82: {  	s3 =	rddreg [dreg:$0x2];
	[bflag:$0x3] =	sbarrier.arrive $0xFFFF;
	s2 =	simm.s32 @!p0 $0x1C03  }
0x83: {  	[timem:s3], [sflag:s2] =	dma.local @!p0 [hbm:s0], s1  }
0x84: {  	s0 =	simm.s32 @!p0 $0x3  }
0x85: {  	_ =	swait.ge @!p0 [sflag:s0], s1  }
0x86: {  	s1 =	ssub.s32 @!p0 $0x0, s1;
	[sflag:s0] =	ssyncset.done @!p0 $0x0  }
0x87: {  	[sflag:s0] =	ssyncadd.s32 @!p0 s1  }
0x88: {  	[bflag:$0x3] =	sbarrier.arrive $0xFFFF  }
0x89: {  	_ =	shalt  }

</sc_bundles>
